<compile_context>
chip_gen: v7x
topology: tpu7x:2x2x1
jax: 0.10.2.dev20260603
libtpu: 0.0.44.dev20260713+nightly
codegen_flags: <defaults>
</compile_context>

<pallas_src>
import functools

import jax
import jax.numpy as jnp
from jax import lax
from jax.experimental import pallas as pl
from jax.experimental.pallas import tpu as pltpu
from jax.experimental.pallas import tpu_sc as plsc

NN = 10000
EE = 320000
D = 128
NC = 2
NS = 16
NW = NC * NS
K = 128
CH = 80
EP = NW * CH * K
NP = 10112
RPT = NP // NS

_MESH = plsc.VectorSubcoreMesh(core_axis_name="c", subcore_axis_name="s",
                               num_cores=NC, num_subcores=NS)


def _deg_body(dst_hbm, z_hbm, onew_hbm, deg_out, dst_v, one_v, degS, sem):
    c = lax.axis_index("c")
    s = lax.axis_index("s")
    wid = c * NS + s
    pltpu.sync_copy(dst_hbm.at[wid], dst_v)
    pltpu.sync_copy(onew_hbm, one_v)
    pltpu.sync_copy(z_hbm.at[pl.ds(s * RPT, RPT)], degS.at[pl.ds(s * RPT, RPT)])
    plsc.subcore_barrier()

    def body(j, carry):
        pltpu.sync_copy(one_v, degS.at[dst_v.at[j]], add=True)
        return carry

    lax.fori_loop(0, CH, body, 0)
    plsc.subcore_barrier()
    pltpu.sync_copy(degS.at[pl.ds(s * RPT, RPT)],
                    deg_out.at[c, pl.ds(s * RPT, RPT)])


_deg_call = pl.kernel(
    _deg_body,
    out_type=jax.ShapeDtypeStruct((NC, NP, D), jnp.float32),
    mesh=_MESH,
    scratch_types=[
        pltpu.VMEM((CH, K), jnp.int32),
        pltpu.VMEM((K, D), jnp.float32),
        pltpu.VMEM_SHARED((NP, D), jnp.float32),
        pltpu.SemaphoreType.DMA,
    ],
)


KA = 64
NBUF = 4
TCHUNKS = EP // KA
FC = 0
FCHUNKS = 256
SCHUNKS = 64
FBASE = NS * FCHUNKS
CHQ = 64
NQF = FCHUNKS // CHQ


def _agg_body(g_hbm, src_hbm, dst_hbm, z_hbm, s_out, src_v, dst_v, rows0,
              rows1, rows2, rows3, S, sem0, sem1, sem2, sem3):
    c = lax.axis_index("c")
    s = lax.axis_index("s")
    rows = (rows0, rows1, rows2, rows3)
    sems = (sem0, sem1, sem2, sem3)
    fast = c == FC
    nq = jnp.where(fast, NQF, 1)
    base = jnp.where(fast, s * FCHUNKS, FBASE + s * SCHUNKS)
    pltpu.sync_copy(z_hbm.at[pl.ds(s * RPT, RPT)], S.at[pl.ds(s * RPT, RPT)])
    plsc.subcore_barrier()

    for q in range(NQF):

        @pl.when(q < nq)
        def _():
            pltpu.sync_copy(src_hbm.at[pl.ds(base + q * CHQ, CHQ)], src_v)
            pltpu.sync_copy(dst_hbm.at[pl.ds(base + q * CHQ, CHQ)], dst_v)
            for b in range(NBUF):
                pltpu.async_copy(g_hbm.at[src_v.at[b]], rows[b], sems[b])

            def body(t, carry):
                j0 = NBUF * t
                for b in range(NBUF):
                    j = j0 + b
                    pltpu.make_async_copy(g_hbm.at[src_v.at[j]], rows[b],
                                          sems[b]).wait()
                    pltpu.sync_copy(rows[b], S.at[dst_v.at[j]], add=True)

                    @pl.when(j + NBUF < CHQ)
                    def _():
                        pltpu.async_copy(g_hbm.at[src_v.at[j + NBUF]],
                                         rows[b], sems[b])

                return carry

            lax.fori_loop(0, CHQ // NBUF, body, 0)

    plsc.subcore_barrier()
    pltpu.sync_copy(S.at[pl.ds(s * RPT, RPT)],
                    s_out.at[c, pl.ds(s * RPT, RPT)])


_agg_call = pl.kernel(
    _agg_body,
    out_type=jax.ShapeDtypeStruct((NC, NP, D), jnp.float32),
    mesh=_MESH,
    scratch_types=[
        pltpu.VMEM((CHQ, KA), jnp.int32),
        pltpu.VMEM((CHQ, KA), jnp.int32),
        pltpu.VMEM((KA, D), jnp.float32),
        pltpu.VMEM((KA, D), jnp.float32),
        pltpu.VMEM((KA, D), jnp.float32),
        pltpu.VMEM((KA, D), jnp.float32),
        pltpu.VMEM_SHARED((NP, D), jnp.float32),
        pltpu.SemaphoreType.DMA,
        pltpu.SemaphoreType.DMA,
        pltpu.SemaphoreType.DMA,
        pltpu.SemaphoreType.DMA,
    ],
)



def _dinv_of(deg_ref):
    return lax.rsqrt(deg_ref[0, :NN, 0:1] + deg_ref[1, :NN, 0:1] + 1.0)


def _tcmm_body(x_ref, w1_ref, h_ref):
    h_ref[...] = jnp.dot(x_ref[...], w1_ref[...],
                         preferred_element_type=jnp.float32)


_tcmm_call = pl.pallas_call(
    _tcmm_body,
    out_shape=jax.ShapeDtypeStruct((NN, D), jnp.float32),
)


def _tcg_body(h_ref, deg_ref, g1_ref):
    g1_ref[...] = h_ref[...] * _dinv_of(deg_ref)


_tcg_call = pl.pallas_call(
    _tcg_body,
    out_shape=jax.ShapeDtypeStruct((NN, D), jnp.float32),
)


def _tc2_body(s_ref, g1_ref, deg_ref, b1_ref, ga_ref, be_ref, w2_ref, g2_ref):
    dinv = _dinv_of(deg_ref)
    a = dinv * (s_ref[0, :NN, :] + s_ref[1, :NN, :] + g1_ref[...]) + b1_ref[...]
    mu = jnp.mean(a, axis=0, keepdims=True)
    var = jnp.mean((a - mu) ** 2, axis=0, keepdims=True)
    h = (a - mu) * lax.rsqrt(var + 1e-5) * ga_ref[...] + be_ref[...]
    h = jnp.maximum(h, 0.0)
    h2 = jnp.dot(h, w2_ref[...], preferred_element_type=jnp.float32)
    g2_ref[...] = h2 * dinv


_tc2_call = pl.pallas_call(
    _tc2_body,
    out_shape=jax.ShapeDtypeStruct((NN, D), jnp.float32),
)


def _tc3_body(s_ref, g2_ref, deg_ref, b2_ref, o_ref):
    dinv = _dinv_of(deg_ref)
    o_ref[...] = dinv * (s_ref[0, :NN, :] + s_ref[1, :NN, :] + g2_ref[...]) \
        + b2_ref[...]


_tc3_call = pl.pallas_call(
    _tc3_body,
    out_shape=jax.ShapeDtypeStruct((NN, D), jnp.float32),
)


def kernel(x, edge_index, W1, b1, gamma1, beta1, W2, b2):
    x2 = x.reshape(NN, D)
    src = edge_index[0]
    dst = edge_index[1]
    pad = EP - EE
    srcf = jnp.concatenate([src, jnp.zeros((pad,), jnp.int32)])
    trash = NN + jnp.arange(pad, dtype=jnp.int32) % (NP - NN)
    dstf = jnp.concatenate([dst, trash])
    srcp = srcf.reshape(TCHUNKS, KA)
    dstp = dstf.reshape(TCHUNKS, KA)
    dstp_deg = dstf.reshape(NW, CH, K)
    z128 = jnp.zeros((NP, D), jnp.float32)
    onew = jnp.ones((K, D), jnp.float32)

    degA = _deg_call(dstp_deg, z128, onew)
    h1 = _tcmm_call(x2, W1)
    g1 = _tcg_call(h1, degA)
    S1 = _agg_call(g1, srcp, dstp, z128)
    g2 = _tc2_call(S1, g1, degA, b1.reshape(1, D), gamma1.reshape(1, D),
                   beta1.reshape(1, D), W2)
    S2 = _agg_call(g2, srcp, dstp, z128)
    out = _tc3_call(S2, g2, degA, b2.reshape(1, D))
    return out.reshape(1, NN, D)

# --- scband reference (transcript-rebuilt; emitter-appended) ---
"""Pipeline reference for scband-gcn-40827959116202 (READ-ONLY COPY).

The authoritative reference and input builder live on the scoring server;
editing this copy changes nothing except your own understanding.
"""

import jax, jax.numpy as jnp
import numpy as np

N = 10000
E = 320000
D_IN = 128
D_H = 128
D_OUT = 128


def _glorot(key, shape):
    limit = float(np.sqrt(6.0 / (shape[0] + shape[1])))
    return jax.random.uniform(key, shape, dtype=jnp.float32, minval=-limit, maxval=limit)


def setup_inputs(seed: int = 0) -> dict:
    key = jax.random.key(seed)
    ks = jax.random.split(key, 6)
    x = jax.random.normal(ks[0], (1, N, D_IN), dtype=jnp.float32)
    edge_index = jax.random.randint(ks[1], (2, E), 0, N, dtype=jnp.int32)
    W1 = _glorot(ks[2], (D_IN, D_H))
    b1 = jnp.zeros((D_H,), dtype=jnp.float32)
    gamma1 = jnp.ones((D_H,), dtype=jnp.float32)
    beta1 = jnp.zeros((D_H,), dtype=jnp.float32)
    W2 = _glorot(ks[3], (D_H, D_OUT))
    b2 = jnp.zeros((D_OUT,), dtype=jnp.float32)
    return {"x": x, "edge_index": edge_index, "W1": W1, "b1": b1,
            "gamma1": gamma1, "beta1": beta1, "W2": W2, "b2": b2}


def gcn_conv(x, edge_index, W, b):
    # PyG GCNConv: linear transform, add self-loops, symmetric normalization, scatter-add aggregate
    x = x @ W
    src = edge_index[0]
    dst = edge_index[1]
    loop = jnp.arange(N, dtype=src.dtype)
    src = jnp.concatenate([src, loop])
    dst = jnp.concatenate([dst, loop])
    ones = jnp.ones((src.shape[0],), dtype=x.dtype)
    deg = jax.ops.segment_sum(ones, dst, num_segments=N)
    dinv = jnp.where(deg > 0, 1.0 / jnp.sqrt(deg), 0.0)
    norm = dinv[src] * dinv[dst]
    msg = x[src] * norm[:, None]
    out = jax.ops.segment_sum(msg, dst, num_segments=N)
    return out + b


def batch_norm(h, gamma, beta, eps=1e-5):
    mu = jnp.mean(h, axis=0)
    var = jnp.var(h, axis=0)
    return (h - mu) / jnp.sqrt(var + eps) * gamma + beta


def reference(x, edge_index, W1, b1, gamma1, beta1, W2, b2):
    B, S, C = x.shape
    h = x.reshape(B * S, C)
    h = gcn_conv(h, edge_index, W1, b1)
    h = batch_norm(h, gamma1, beta1)
    h = jax.nn.relu(h)
    # dropout is identity in eval mode
    h = gcn_conv(h, edge_index, W2, b2)
    return h.reshape(B, S, -1)

if __name__ == "__main__":
    import jax
    _d = setup_inputs()
    print(jax.jit(kernel)(*tuple(_d.values())))

</pallas_src>

<mosaic_0001>
#map = affine_map<(d0, d1) -> (0, 0, 0)>
#map1 = affine_map<(d0, d1) -> (0, 0)>
module attributes {stable_mosaic.version = 14 : i64} {
  func.func @_deg_body(%arg0: i32, %arg1: i32, %arg2: memref<32x80x128xi32, #tpu.memory_space<hbm>>, %arg3: memref<10112x128xf32, #tpu.memory_space<hbm>>, %arg4: memref<128x128xf32, #tpu.memory_space<hbm>>, %arg5: memref<2x10112x128xf32, #tpu.memory_space<hbm>>, %arg6: memref<80x128xi32, #tpu.memory_space<vmem>>, %arg7: memref<128x128xf32, #tpu.memory_space<vmem>>, %arg8: memref<10112x128xf32, #tpu.memory_space<vmem_shared>>, %arg9: memref<!tpu.dma_semaphore, #tpu.memory_space<semaphore_mem>>) attributes {dimension_semantics = [#tpu.dimension_semantics<core_parallel>, #tpu.dimension_semantics<subcore_parallel>], iteration_bounds = array<i64: 2, 16>, scalar_prefetch = 0 : i64, scratch_operands = 4 : i64, tpu.core_type = #tpu.core_type<sc_vector_subcore>, window_params = [{transform_indices = #map}, {transform_indices = #map1}, {transform_indices = #map1}, {transform_indices = #map}]} {
    %mul3A = arith.constant 16 : i32
    %mul3A_0 = arith.muli %arg0, %mul3A : i32
    %add3A = arith.addi %mul3A_0, %arg1 : i32
    "tpu.region"() ({
      %run_scoped3A = tpu.sem_alloc : memref<!tpu.dma_semaphore, #tpu.memory_space<semaphore_mem>>
      %dma_start3A = arith.constant 0 : i32
      %dma_start3A_15 = arith.constant 0 : i32
      %dma_start3A_16 = tpu.memref_slice %arg2[%add3A, %dma_start3A, %dma_start3A_15] : memref<32x80x128xi32, #tpu.memory_space<hbm>> -> memref<1x80x128xi32, #tpu.memory_space<hbm>>
      %dma_start3A_17 = tpu.memref_squeeze %dma_start3A_16 : memref<1x80x128xi32, #tpu.memory_space<hbm>> -> memref<80x128xi32, #tpu.memory_space<hbm>>
      %dma_start3A_18 = arith.constant 0 : i32
      %dma_start3A_19 = arith.constant 0 : i32
      %dma_start3A_20 = tpu.memref_slice %arg2[%add3A, %dma_start3A_18, %dma_start3A_19] : memref<32x80x128xi32, #tpu.memory_space<hbm>> -> memref<1x80x128xi32, #tpu.memory_space<hbm>>
      %dma_start3A_21 = tpu.memref_squeeze %dma_start3A_20 : memref<1x80x128xi32, #tpu.memory_space<hbm>> -> memref<80x128xi32, #tpu.memory_space<hbm>>
      tpu.enqueue_dma source(%dma_start3A_21 : memref<80x128xi32, #tpu.memory_space<hbm>>) target(%arg6 : memref<80x128xi32, #tpu.memory_space<vmem>>) target_semaphore(%run_scoped3A : memref<!tpu.dma_semaphore, #tpu.memory_space<semaphore_mem>>)
      %dma_wait3A = arith.constant 0 : i32
      %dma_wait3A_22 = arith.constant 0 : i32
      %dma_wait3A_23 = tpu.memref_slice %arg2[%add3A, %dma_wait3A, %dma_wait3A_22] : memref<32x80x128xi32, #tpu.memory_space<hbm>> -> memref<1x80x128xi32, #tpu.memory_space<hbm>>
      %dma_wait3A_24 = tpu.memref_squeeze %dma_wait3A_23 : memref<1x80x128xi32, #tpu.memory_space<hbm>> -> memref<80x128xi32, #tpu.memory_space<hbm>>
      %dma_wait3A_25 = arith.constant 0 : i32
      %dma_wait3A_26 = arith.constant 0 : i32
      %dma_wait3A_27 = tpu.memref_slice %arg2[%add3A, %dma_wait3A_25, %dma_wait3A_26] : memref<32x80x128xi32, #tpu.memory_space<hbm>> -> memref<1x80x128xi32, #tpu.memory_space<hbm>>
      %dma_wait3A_28 = tpu.memref_squeeze %dma_wait3A_27 : memref<1x80x128xi32, #tpu.memory_space<hbm>> -> memref<80x128xi32, #tpu.memory_space<hbm>>
      tpu.wait_dma2 semaphore(%run_scoped3A : memref<!tpu.dma_semaphore, #tpu.memory_space<semaphore_mem>>) src(%dma_wait3A_28 : memref<80x128xi32, #tpu.memory_space<hbm>>) dst(%arg6 : memref<80x128xi32, #tpu.memory_space<vmem>>)
      tpu.yield
    }) : () -> ()
    "tpu.region"() ({
      %run_scoped3A = tpu.sem_alloc : memref<!tpu.dma_semaphore, #tpu.memory_space<semaphore_mem>>
      tpu.enqueue_dma source(%arg4 : memref<128x128xf32, #tpu.memory_space<hbm>>) target(%arg7 : memref<128x128xf32, #tpu.memory_space<vmem>>) target_semaphore(%run_scoped3A : memref<!tpu.dma_semaphore, #tpu.memory_space<semaphore_mem>>)
      tpu.wait_dma2 semaphore(%run_scoped3A : memref<!tpu.dma_semaphore, #tpu.memory_space<semaphore_mem>>) src(%arg4 : memref<128x128xf32, #tpu.memory_space<hbm>>) dst(%arg7 : memref<128x128xf32, #tpu.memory_space<vmem>>)
      tpu.yield
    }) : () -> ()
    %mul3A_1 = arith.constant 632 : i32
    %mul3A_2 = arith.muli %arg1, %mul3A_1 : i32
    %mul3A_3 = arith.constant 632 : i32
    %mul3A_4 = arith.muli %arg1, %mul3A_3 : i32
    "tpu.region"() ({
      %run_scoped3A = tpu.sem_alloc : memref<!tpu.dma_semaphore, #tpu.memory_space<semaphore_mem>>
      %dma_start3A = arith.constant 0 : i32
      %dma_start3A_15 = tpu.memref_slice %arg8[%mul3A_4, %dma_start3A] : memref<10112x128xf32, #tpu.memory_space<vmem_shared>> -> memref<632x128xf32, #tpu.memory_space<vmem_shared>>
      %dma_start3A_16 = arith.constant 0 : i32
      %dma_start3A_17 = tpu.memref_slice %arg3[%mul3A_2, %dma_start3A_16] : memref<10112x128xf32, #tpu.memory_space<hbm>> -> memref<632x128xf32, #tpu.memory_space<hbm>>
      tpu.enqueue_dma source(%dma_start3A_17 : memref<632x128xf32, #tpu.memory_space<hbm>>) target(%dma_start3A_15 : memref<632x128xf32, #tpu.memory_space<vmem_shared>>) target_semaphore(%run_scoped3A : memref<!tpu.dma_semaphore, #tpu.memory_space<semaphore_mem>>)
      %dma_wait3A = arith.constant 0 : i32
      %dma_wait3A_18 = tpu.memref_slice %arg8[%mul3A_4, %dma_wait3A] : memref<10112x128xf32, #tpu.memory_space<vmem_shared>> -> memref<632x128xf32, #tpu.memory_space<vmem_shared>>
      %dma_wait3A_19 = arith.constant 0 : i32
      %dma_wait3A_20 = tpu.memref_slice %arg3[%mul3A_2, %dma_wait3A_19] : memref<10112x128xf32, #tpu.memory_space<hbm>> -> memref<632x128xf32, #tpu.memory_space<hbm>>
      tpu.wait_dma2 semaphore(%run_scoped3A : memref<!tpu.dma_semaphore, #tpu.memory_space<semaphore_mem>>) src(%dma_wait3A_20 : memref<632x128xf32, #tpu.memory_space<hbm>>) dst(%dma_wait3A_18 : memref<632x128xf32, #tpu.memory_space<vmem_shared>>)
      tpu.yield
    }) : () -> ()
    %barrier3A = arith.constant 0 : index
    tpu.barrier barrier_id(%barrier3A)
    %scan3A = arith.constant 0 : i32
    %scan3A_5 = arith.constant 0 : i32
    %scan3A_6 = arith.constant 80 : i32
    %scan3A_7 = arith.addi %scan3A_5, %scan3A_6 : i32
    %scan3A_8 = arith.constant 1 : i32
    scf.for %scan3A_15 = %scan3A_5 to %scan3A_7 step %scan3A_8  : i32 {
      "tpu.region"() ({
        %run_scoped3A = tpu.sem_alloc : memref<!tpu.dma_semaphore, #tpu.memory_space<semaphore_mem>>
        %dma_start3A = arith.constant 0 : i32
        %dma_start3A_16 = tpu.memref_slice %arg6[%scan3A_15, %dma_start3A] : memref<80x128xi32, #tpu.memory_space<vmem>> -> memref<1x128xi32, #tpu.memory_space<vmem>>
        %dma_start3A_17 = tpu.memref_squeeze %dma_start3A_16 : memref<1x128xi32, #tpu.memory_space<vmem>> -> memref<128xi32, #tpu.memory_space<vmem>>
        %dma_start3A_18 = arith.constant 0 : i32
        %dma_start3A_19 = arith.constant 0 : i32
        %dma_start3A_20 = tpu.memref_slice %arg8[%dma_start3A_18, %dma_start3A_19] : memref<10112x128xf32, #tpu.memory_space<vmem_shared>> -> memref<10112x128xf32, #tpu.memory_space<vmem_shared>>
        tpu.enqueue_indirect_dma source(%arg7 : memref<128x128xf32, #tpu.memory_space<vmem>>) target(%dma_start3A_20 : memref<10112x128xf32, #tpu.memory_space<vmem_shared>>) offsets(%dma_start3A_17 : memref<128xi32, #tpu.memory_space<vmem>>) semaphore(%run_scoped3A : memref<!tpu.dma_semaphore, #tpu.memory_space<semaphore_mem>>) {add = true}
        %dma_wait3A = arith.constant 0 : i32
        %dma_wait3A_21 = tpu.memref_slice %arg6[%scan3A_15, %dma_wait3A] : memref<80x128xi32, #tpu.memory_space<vmem>> -> memref<1x128xi32, #tpu.memory_space<vmem>>
        %dma_wait3A_22 = tpu.memref_squeeze %dma_wait3A_21 : memref<1x128xi32, #tpu.memory_space<vmem>> -> memref<128xi32, #tpu.memory_space<vmem>>
        %dma_wait3A_23 = arith.constant 0 : i32
        %dma_wait3A_24 = arith.constant 0 : i32
        %dma_wait3A_25 = tpu.memref_slice %arg8[%dma_wait3A_23, %dma_wait3A_24] : memref<10112x128xf32, #tpu.memory_space<vmem_shared>> -> memref<10112x128xf32, #tpu.memory_space<vmem_shared>>
        tpu.wait_indirect_dma semaphore(%run_scoped3A : memref<!tpu.dma_semaphore, #tpu.memory_space<semaphore_mem>>) src(%arg7 : memref<128x128xf32, #tpu.memory_space<vmem>>) dst(%dma_wait3A_25 : memref<10112x128xf32, #tpu.memory_space<vmem_shared>>)
        tpu.yield
      }) : () -> ()
    }
    %scan3A_9 = arith.constant 80 : i32
    %barrier3A_10 = arith.constant 0 : index
    tpu.barrier barrier_id(%barrier3A_10)
    %mul3A_11 = arith.constant 632 : i32
    %mul3A_12 = arith.muli %arg1, %mul3A_11 : i32
    %mul3A_13 = arith.constant 632 : i32
    %mul3A_14 = arith.muli %arg1, %mul3A_13 : i32
    "tpu.region"() ({
      %run_scoped3A = tpu.sem_alloc : memref<!tpu.dma_semaphore, #tpu.memory_space<semaphore_mem>>
      %dma_start3A = arith.constant 0 : i32
      %dma_start3A_15 = tpu.memref_slice %arg5[%arg0, %mul3A_14, %dma_start3A] : memref<2x10112x128xf32, #tpu.memory_space<hbm>> -> memref<1x632x128xf32, #tpu.memory_space<hbm>>
      %dma_start3A_16 = tpu.memref_squeeze %dma_start3A_15 : memref<1x632x128xf32, #tpu.memory_space<hbm>> -> memref<632x128xf32, #tpu.memory_space<hbm>>
      %dma_start3A_17 = arith.constant 0 : i32
      %dma_start3A_18 = tpu.memref_slice %arg8[%mul3A_12, %dma_start3A_17] : memref<10112x128xf32, #tpu.memory_space<vmem_shared>> -> memref<632x128xf32, #tpu.memory_space<vmem_shared>>
      tpu.enqueue_dma source(%dma_start3A_18 : memref<632x128xf32, #tpu.memory_space<vmem_shared>>) target(%dma_start3A_16 : memref<632x128xf32, #tpu.memory_space<hbm>>) target_semaphore(%run_scoped3A : memref<!tpu.dma_semaphore, #tpu.memory_space<semaphore_mem>>)
      %dma_wait3A = arith.constant 0 : i32
      %dma_wait3A_19 = tpu.memref_slice %arg5[%arg0, %mul3A_14, %dma_wait3A] : memref<2x10112x128xf32, #tpu.memory_space<hbm>> -> memref<1x632x128xf32, #tpu.memory_space<hbm>>
      %dma_wait3A_20 = tpu.memref_squeeze %dma_wait3A_19 : memref<1x632x128xf32, #tpu.memory_space<hbm>> -> memref<632x128xf32, #tpu.memory_space<hbm>>
      %dma_wait3A_21 = arith.constant 0 : i32
      %dma_wait3A_22 = tpu.memref_slice %arg8[%mul3A_12, %dma_wait3A_21] : memref<10112x128xf32, #tpu.memory_space<vmem_shared>> -> memref<632x128xf32, #tpu.memory_space<vmem_shared>>
      tpu.wait_dma2 semaphore(%run_scoped3A : memref<!tpu.dma_semaphore, #tpu.memory_space<semaphore_mem>>) src(%dma_wait3A_22 : memref<632x128xf32, #tpu.memory_space<vmem_shared>>) dst(%dma_wait3A_20 : memref<632x128xf32, #tpu.memory_space<hbm>>)
      tpu.yield
    }) : () -> ()
    return
  }
}

#map = affine_map<(d0, d1) -> (0, 0)>
#map1 = affine_map<(d0, d1) -> (0, 0, 0)>
module attributes {stable_mosaic.version = 14 : i64} {
  func.func @_agg_body(%arg0: i32, %arg1: i32, %arg2: memref<10000x128xf32, #tpu.memory_space<hbm>>, %arg3: memref<5120x64xi32, #tpu.memory_space<hbm>>, %arg4: memref<5120x64xi32, #tpu.memory_space<hbm>>, %arg5: memref<10112x128xf32, #tpu.memory_space<hbm>>, %arg6: memref<2x10112x128xf32, #tpu.memory_space<hbm>>, %arg7: memref<64x64xi32, #tpu.memory_space<vmem>>, %arg8: memref<64x64xi32, #tpu.memory_space<vmem>>, %arg9: memref<64x128xf32, #tpu.memory_space<vmem>>, %arg10: memref<64x128xf32, #tpu.memory_space<vmem>>, %arg11: memref<64x128xf32, #tpu.memory_space<vmem>>, %arg12: memref<64x128xf32, #tpu.memory_space<vmem>>, %arg13: memref<10112x128xf32, #tpu.memory_space<vmem_shared>>, %arg14: memref<!tpu.dma_semaphore, #tpu.memory_space<semaphore_mem>>, %arg15: memref<!tpu.dma_semaphore, #tpu.memory_space<semaphore_mem>>, %arg16: memref<!tpu.dma_semaphore, #tpu.memory_space<semaphore_mem>>, %arg17: memref<!tpu.dma_semaphore, #tpu.memory_space<semaphore_mem>>) attributes {dimension_semantics = [#tpu.dimension_semantics<core_parallel>, #tpu.dimension_semantics<subcore_parallel>], iteration_bounds = array<i64: 2, 16>, scalar_prefetch = 0 : i64, scratch_operands = 11 : i64, tpu.core_type = #tpu.core_type<sc_vector_subcore>, window_params = [{transform_indices = #map}, {transform_indices = #map}, {transform_indices = #map}, {transform_indices = #map}, {transform_indices = #map1}]} {
    %eq3A = arith.constant 0 : i32
    %eq3A_0 = arith.cmpi eq, %arg0, %eq3A : i32
    %jit3A = arith.constant 4 : i32
    %jit3A_1 = arith.constant 1 : i32
    %select_n3A = arith.select %eq3A_0, %jit3A, %jit3A_1 : i32
    %mul3A = arith.constant 256 : i32
    %mul3A_2 = arith.muli %arg1, %mul3A : i32
    %mul3A_3 = arith.constant 64 : i32
    %mul3A_4 = arith.muli %arg1, %mul3A_3 : i32
    %add3A = arith.constant 4096 : i32
    %add3A_5 = arith.addi %add3A, %mul3A_4 : i32
    %select_n3A_6 = arith.select %eq3A_0, %mul3A_2, %add3A_5 : i32
    %mul3A_7 = arith.constant 632 : i32
    %mul3A_8 = arith.muli %arg1, %mul3A_7 : i32
    %mul3A_9 = arith.constant 632 : i32
    %mul3A_10 = arith.muli %arg1, %mul3A_9 : i32
    "tpu.region"() ({
      %run_scoped3A = tpu.sem_alloc : memref<!tpu.dma_semaphore, #tpu.memory_space<semaphore_mem>>
      %dma_start3A = arith.constant 0 : i32
      %dma_start3A_33 = tpu.memref_slice %arg13[%mul3A_10, %dma_start3A] : memref<10112x128xf32, #tpu.memory_space<vmem_shared>> -> memref<632x128xf32, #tpu.memory_space<vmem_shared>>
      %dma_start3A_34 = arith.constant 0 : i32
      %dma_start3A_35 = tpu.memref_slice %arg5[%mul3A_8, %dma_start3A_34] : memref<10112x128xf32, #tpu.memory_space<hbm>> -> memref<632x128xf32, #tpu.memory_space<hbm>>
      tpu.enqueue_dma source(%dma_start3A_35 : memref<632x128xf32, #tpu.memory_space<hbm>>) target(%dma_start3A_33 : memref<632x128xf32, #tpu.memory_space<vmem_shared>>) target_semaphore(%run_scoped3A : memref<!tpu.dma_semaphore, #tpu.memory_space<semaphore_mem>>)
      %dma_wait3A = arith.constant 0 : i32
      %dma_wait3A_36 = tpu.memref_slice %arg13[%mul3A_10, %dma_wait3A] : memref<10112x128xf32, #tpu.memory_space<vmem_shared>> -> memref<632x128xf32, #tpu.memory_space<vmem_shared>>
      %dma_wait3A_37 = arith.constant 0 : i32
      %dma_wait3A_38 = tpu.memref_slice %arg5[%mul3A_8, %dma_wait3A_37] : memref<10112x128xf32, #tpu.memory_space<hbm>> -> memref<632x128xf32, #tpu.memory_space<hbm>>
      tpu.wait_dma2 semaphore(%run_scoped3A : memref<!tpu.dma_semaphore, #tpu.memory_space<semaphore_mem>>) src(%dma_wait3A_38 : memref<632x128xf32, #tpu.memory_space<hbm>>) dst(%dma_wait3A_36 : memref<632x128xf32, #tpu.memory_space<vmem_shared>>)
      tpu.yield
    }) : () -> ()
    %barrier3A = arith.constant 0 : index
    tpu.barrier barrier_id(%barrier3A)
    %gt3A = arith.constant 0 : i32
    %gt3A_11 = arith.cmpi sgt, %select_n3A, %gt3A : i32
    %convert_element_type3A = arith.extui %gt3A_11 : i1 to i32
    %cond3A = arith.constant 0 : i32
    %cond3A_12 = arith.cmpi ne, %convert_element_type3A, %cond3A : i32
    scf.if %cond3A_12 {
      %add3A_33 = arith.constant 0 : i32
      %add3A_34 = arith.addi %select_n3A_6, %add3A_33 : i32
      "tpu.region"() ({
        %run_scoped3A = tpu.sem_alloc : memref<!tpu.dma_semaphore, #tpu.memory_space<semaphore_mem>>
        %dma_start3A_69 = arith.constant 0 : i32
        %dma_start3A_70 = tpu.memref_slice %arg3[%add3A_34, %dma_start3A_69] : memref<5120x64xi32, #tpu.memory_space<hbm>> -> memref<64x64xi32, #tpu.memory_space<hbm>>
        %dma_start3A_71 = arith.constant 0 : i32
        %dma_start3A_72 = tpu.memref_slice %arg3[%add3A_34, %dma_start3A_71] : memref<5120x64xi32, #tpu.memory_space<hbm>> -> memref<64x64xi32, #tpu.memory_space<hbm>>
        tpu.enqueue_dma source(%dma_start3A_72 : memref<64x64xi32, #tpu.memory_space<hbm>>) target(%arg7 : memref<64x64xi32, #tpu.memory_space<vmem>>) target_semaphore(%run_scoped3A : memref<!tpu.dma_semaphore, #tpu.memory_space<semaphore_mem>>)
        %dma_wait3A = arith.constant 0 : i32
        %dma_wait3A_73 = tpu.memref_slice %arg3[%add3A_34, %dma_wait3A] : memref<5120x64xi32, #tpu.memory_space<hbm>> -> memref<64x64xi32, #tpu.memory_space<hbm>>
        %dma_wait3A_74 = arith.constant 0 : i32
        %dma_wait3A_75 = tpu.memref_slice %arg3[%add3A_34, %dma_wait3A_74] : memref<5120x64xi32, #tpu.memory_space<hbm>> -> memref<64x64xi32, #tpu.memory_space<hbm>>
        tpu.wait_dma2 semaphore(%run_scoped3A : memref<!tpu.dma_semaphore, #tpu.memory_space<semaphore_mem>>) src(%dma_wait3A_75 : memref<64x64xi32, #tpu.memory_space<hbm>>) dst(%arg7 : memref<64x64xi32, #tpu.memory_space<vmem>>)
        tpu.yield
      }) : () -> ()
      %add3A_35 = arith.constant 0 : i32
      %add3A_36 = arith.addi %select_n3A_6, %add3A_35 : i32
      "tpu.region"() ({
        %run_scoped3A = tpu.sem_alloc : memref<!tpu.dma_semaphore, #tpu.memory_space<semaphore_mem>>
        %dma_start3A_69 = arith.constant 0 : i32
        %dma_start3A_70 = tpu.memref_slice %arg4[%add3A_36, %dma_start3A_69] : memref<5120x64xi32, #tpu.memory_space<hbm>> -> memref<64x64xi32, #tpu.memory_space<hbm>>
        %dma_start3A_71 = arith.constant 0 : i32
        %dma_start3A_72 = tpu.memref_slice %arg4[%add3A_36, %dma_start3A_71] : memref<5120x64xi32, #tpu.memory_space<hbm>> -> memref<64x64xi32, #tpu.memory_space<hbm>>
        tpu.enqueue_dma source(%dma_start3A_72 : memref<64x64xi32, #tpu.memory_space<hbm>>) target(%arg8 : memref<64x64xi32, #tpu.memory_space<vmem>>) target_semaphore(%run_scoped3A : memref<!tpu.dma_semaphore, #tpu.memory_space<semaphore_mem>>)
        %dma_wait3A = arith.constant 0 : i32
        %dma_wait3A_73 = tpu.memref_slice %arg4[%add3A_36, %dma_wait3A] : memref<5120x64xi32, #tpu.memory_space<hbm>> -> memref<64x64xi32, #tpu.memory_space<hbm>>
        %dma_wait3A_74 = arith.constant 0 : i32
        %dma_wait3A_75 = tpu.memref_slice %arg4[%add3A_36, %dma_wait3A_74] : memref<5120x64xi32, #tpu.memory_space<hbm>> -> memref<64x64xi32, #tpu.memory_space<hbm>>
        tpu.wait_dma2 semaphore(%run_scoped3A : memref<!tpu.dma_semaphore, #tpu.memory_space<semaphore_mem>>) src(%dma_wait3A_75 : memref<64x64xi32, #tpu.memory_space<hbm>>) dst(%arg8 : memref<64x64xi32, #tpu.memory_space<vmem>>)
        tpu.yield
      }) : () -> ()
      %dma_start3A = arith.constant 0 : i32
      %dma_start3A_37 = arith.constant 0 : i32
      %dma_start3A_38 = tpu.memref_slice %arg7[%dma_start3A, %dma_start3A_37] : memref<64x64xi32, #tpu.memory_space<vmem>> -> memref<1x64xi32, #tpu.memory_space<vmem>>
      %dma_start3A_39 = tpu.memref_squeeze %dma_start3A_38 : memref<1x64xi32, #tpu.memory_space<vmem>> -> memref<64xi32, #tpu.memory_space<vmem>>
      %dma_start3A_40 = arith.constant 0 : i32
      %dma_start3A_41 = arith.constant 0 : i32
      %dma_start3A_42 = tpu.memref_slice %arg2[%dma_start3A_40, %dma_start3A_41] : memref<10000x128xf32, #tpu.memory_space<hbm>> -> memref<10000x128xf32, #tpu.memory_space<hbm>>
      tpu.enqueue_indirect_dma source(%dma_start3A_42 : memref<10000x128xf32, #tpu.memory_space<hbm>>) target(%arg9 : memref<64x128xf32, #tpu.memory_space<vmem>>) offsets(%dma_start3A_39 : memref<64xi32, #tpu.memory_space<vmem>>) semaphore(%arg14 : memref<!tpu.dma_semaphore, #tpu.memory_space<semaphore_mem>>)
      %dma_start3A_43 = arith.constant 1 : i32
      %dma_start3A_44 = arith.constant 0 : i32
      %dma_start3A_45 = tpu.memref_slice %arg7[%dma_start3A_43, %dma_start3A_44] : memref<64x64xi32, #tpu.memory_space<vmem>> -> memref<1x64xi32, #tpu.memory_space<vmem>>
      %dma_start3A_46 = tpu.memref_squeeze %dma_start3A_45 : memref<1x64xi32, #tpu.memory_space<vmem>> -> memref<64xi32, #tpu.memory_space<vmem>>
      %dma_start3A_47 = arith.constant 0 : i32
      %dma_start3A_48 = arith.constant 0 : i32
      %dma_start3A_49 = tpu.memref_slice %arg2[%dma_start3A_47, %dma_start3A_48] : memref<10000x128xf32, #tpu.memory_space<hbm>> -> memref<10000x128xf32, #tpu.memory_space<hbm>>
      tpu.enqueue_indirect_dma source(%dma_start3A_49 : memref<10000x128xf32, #tpu.memory_space<hbm>>) target(%arg10 : memref<64x128xf32, #tpu.memory_space<vmem>>) offsets(%dma_start3A_46 : memref<64xi32, #tpu.memory_space<vmem>>) semaphore(%arg15 : memref<!tpu.dma_semaphore, #tpu.memory_space<semaphore_mem>>)
      %dma_start3A_50 = arith.constant 2 : i32
      %dma_start3A_51 = arith.constant 0 : i32
      %dma_start3A_52 = tpu.memref_slice %arg7[%dma_start3A_50, %dma_start3A_51] : memref<64x64xi32, #tpu.memory_space<vmem>> -> memref<1x64xi32, #tpu.memory_space<vmem>>
      %dma_start3A_53 = tpu.memref_squeeze %dma_start3A_52 : memref<1x64xi32, #tpu.memory_space<vmem>> -> memref<64xi32, #tpu.memory_space<vmem>>
      %dma_start3A_54 = arith.constant 0 : i32
      %dma_start3A_55 = arith.constant 0 : i32
      %dma_start3A_56 = tpu.memref_slice %arg2[%dma_start3A_54, %dma_start3A_55] : memref<10000x128xf32, #tpu.memory_space<hbm>> -> memref<10000x128xf32, #tpu.memory_space<hbm>>
      tpu.enqueue_indirect_dma source(%dma_start3A_56 : memref<10000x128xf32, #tpu.memory_space<hbm>>) target(%arg11 : memref<64x128xf32, #tpu.memory_space<vmem>>) offsets(%dma_start3A_53 : memref<64xi32, #tpu.memory_space<vmem>>) semaphore(%arg16 : memref<!tpu.dma_semaphore, #tpu.memory_space<semaphore_mem>>)
      %dma_start3A_57 = arith.constant 3 : i32
      %dma_start3A_58 = arith.constant 0 : i32
      %dma_start3A_59 = tpu.memref_slice %arg7[%dma_start3A_57, %dma_start3A_58] : memref<64x64xi32, #tpu.memory_space<vmem>> -> memref<1x64xi32, #tpu.memory_space<vmem>>
      %dma_start3A_60 = tpu.memref_squeeze %dma_start3A_59 : memref<1x64xi32, #tpu.memory_space<vmem>> -> memref<64xi32, #tpu.memory_space<vmem>>
      %dma_start3A_61 = arith.constant 0 : i32
      %dma_start3A_62 = arith.constant 0 : i32
      %dma_start3A_63 = tpu.memref_slice %arg2[%dma_start3A_61, %dma_start3A_62] : memref<10000x128xf32, #tpu.memory_space<hbm>> -> memref<10000x128xf32, #tpu.memory_space<hbm>>
      tpu.enqueue_indirect_dma source(%dma_start3A_63 : memref<10000x128xf32, #tpu.memory_space<hbm>>) target(%arg12 : memref<64x128xf32, #tpu.memory_space<vmem>>) offsets(%dma_start3A_60 : memref<64xi32, #tpu.memory_space<vmem>>) semaphore(%arg17 : memref<!tpu.dma_semaphore, #tpu.memory_space<semaphore_mem>>)
      %scan3A = arith.constant 0 : i32
      %scan3A_64 = arith.constant 0 : i32
      %scan3A_65 = arith.constant 16 : i32
      %scan3A_66 = arith.addi %scan3A_64, %scan3A_65 : i32
      %scan3A_67 = arith.constant 1 : i32
      scf.for %scan3A_69 = %scan3A_64 to %scan3A_66 step %scan3A_67  : i32 {
        %mul3A_70 = arith.constant 4 : i32
        %mul3A_71 = arith.muli %mul3A_70, %scan3A_69 : i32
        %add3A_72 = arith.constant 0 : i32
        %add3A_73 = arith.addi %mul3A_71, %add3A_72 : i32
        %dma_wait3A = arith.constant 0 : i32
        %dma_wait3A_74 = tpu.memref_slice %arg7[%add3A_73, %dma_wait3A] : memref<64x64xi32, #tpu.memory_space<vmem>> -> memref<1x64xi32, #tpu.memory_space<vmem>>
        %dma_wait3A_75 = tpu.memref_squeeze %dma_wait3A_74 : memref<1x64xi32, #tpu.memory_space<vmem>> -> memref<64xi32, #tpu.memory_space<vmem>>
        %dma_wait3A_76 = arith.constant 0 : i32
        %dma_wait3A_77 = arith.constant 0 : i32
        %dma_wait3A_78 = tpu.memref_slice %arg2[%dma_wait3A_76, %dma_wait3A_77] : memref<10000x128xf32, #tpu.memory_space<hbm>> -> memref<10000x128xf32, #tpu.memory_space<hbm>>
        tpu.wait_indirect_dma semaphore(%arg14 : memref<!tpu.dma_semaphore, #tpu.memory_space<semaphore_mem>>) src(%dma_wait3A_78 : memref<10000x128xf32, #tpu.memory_space<hbm>>) dst(%arg9 : memref<64x128xf32, #tpu.memory_space<vmem>>)
        "tpu.region"() ({
          %run_scoped3A = tpu.sem_alloc : memref<!tpu.dma_semaphore, #tpu.memory_space<semaphore_mem>>
          %dma_start3A_130 = arith.constant 0 : i32
          %dma_start3A_131 = tpu.memref_slice %arg8[%add3A_73, %dma_start3A_130] : memref<64x64xi32, #tpu.memory_space<vmem>> -> memref<1x64xi32, #tpu.memory_space<vmem>>
          %dma_start3A_132 = tpu.memref_squeeze %dma_start3A_131 : memref<1x64xi32, #tpu.memory_space<vmem>> -> memref<64xi32, #tpu.memory_space<vmem>>
          %dma_start3A_133 = arith.constant 0 : i32
          %dma_start3A_134 = arith.constant 0 : i32
          %dma_start3A_135 = tpu.memref_slice %arg13[%dma_start3A_133, %dma_start3A_134] : memref<10112x128xf32, #tpu.memory_space<vmem_shared>> -> memref<10112x128xf32, #tpu.memory_space<vmem_shared>>
          tpu.enqueue_indirect_dma source(%arg9 : memref<64x128xf32, #tpu.memory_space<vmem>>) target(%dma_start3A_135 : memref<10112x128xf32, #tpu.memory_space<vmem_shared>>) offsets(%dma_start3A_132 : memref<64xi32, #tpu.memory_space<vmem>>) semaphore(%run_scoped3A : memref<!tpu.dma_semaphore, #tpu.memory_space<semaphore_mem>>) {add = true}
          %dma_wait3A_136 = arith.constant 0 : i32
          %dma_wait3A_137 = tpu.memref_slice %arg8[%add3A_73, %dma_wait3A_136] : memref<64x64xi32, #tpu.memory_space<vmem>> -> memref<1x64xi32, #tpu.memory_space<vmem>>
          %dma_wait3A_138 = tpu.memref_squeeze %dma_wait3A_137 : memref<1x64xi32, #tpu.memory_space<vmem>> -> memref<64xi32, #tpu.memory_space<vmem>>
          %dma_wait3A_139 = arith.constant 0 : i32
          %dma_wait3A_140 = arith.constant 0 : i32
          %dma_wait3A_141 = tpu.memref_slice %arg13[%dma_wait3A_139, %dma_wait3A_140] : memref<10112x128xf32, #tpu.memory_space<vmem_shared>> -> memref<10112x128xf32, #tpu.memory_space<vmem_shared>>
          tpu.wait_indirect_dma semaphore(%run_scoped3A : memref<!tpu.dma_semaphore, #tpu.memory_space<semaphore_mem>>) src(%arg9 : memref<64x128xf32, #tpu.memory_space<vmem>>) dst(%dma_wait3A_141 : memref<10112x128xf32, #tpu.memory_space<vmem_shared>>)
          tpu.yield
        }) : () -> ()
        %add3A_79 = arith.constant 4 : i32
        %add3A_80 = arith.addi %add3A_73, %add3A_79 : i32
        %lt3A = arith.constant 64 : i32
        %lt3A_81 = arith.cmpi slt, %add3A_80, %lt3A : i32
        %convert_element_type3A_82 = arith.extui %lt3A_81 : i1 to i32
        %cond3A_83 = arith.constant 0 : i32
        %cond3A_84 = arith.cmpi ne, %convert_element_type3A_82, %cond3A_83 : i32
        scf.if %cond3A_84 {
          %add3A_130 = arith.constant 4 : i32
          %add3A_131 = arith.addi %add3A_73, %add3A_130 : i32
          %dma_start3A_132 = arith.constant 0 : i32
          %dma_start3A_133 = tpu.memref_slice %arg7[%add3A_131, %dma_start3A_132] : memref<64x64xi32, #tpu.memory_space<vmem>> -> memref<1x64xi32, #tpu.memory_space<vmem>>
          %dma_start3A_134 = tpu.memref_squeeze %dma_start3A_133 : memref<1x64xi32, #tpu.memory_space<vmem>> -> memref<64xi32, #tpu.memory_space<vmem>>
          %dma_start3A_135 = arith.constant 0 : i32
          %dma_start3A_136 = arith.constant 0 : i32
          %dma_start3A_137 = tpu.memref_slice %arg2[%dma_start3A_135, %dma_start3A_136] : memref<10000x128xf32, #tpu.memory_space<hbm>> -> memref<10000x128xf32, #tpu.memory_space<hbm>>
          tpu.enqueue_indirect_dma source(%dma_start3A_137 : memref<10000x128xf32, #tpu.memory_space<hbm>>) target(%arg9 : memref<64x128xf32, #tpu.memory_space<vmem>>) offsets(%dma_start3A_134 : memref<64xi32, #tpu.memory_space<vmem>>) semaphore(%arg14 : memref<!tpu.dma_semaphore, #tpu.memory_space<semaphore_mem>>)
        } else {
        }
        %add3A_85 = arith.constant 1 : i32
        %add3A_86 = arith.addi %mul3A_71, %add3A_85 : i32
        %dma_wait3A_87 = arith.constant 0 : i32
        %dma_wait3A_88 = tpu.memref_slice %arg7[%add3A_86, %dma_wait3A_87] : memref<64x64xi32, #tpu.memory_space<vmem>> -> memref<1x64xi32, #tpu.memory_space<vmem>>
        %dma_wait3A_89 = tpu.memref_squeeze %dma_wait3A_88 : memref<1x64xi32, #tpu.memory_space<vmem>> -> memref<64xi32, #tpu.memory_space<vmem>>
        %dma_wait3A_90 = arith.constant 0 : i32
        %dma_wait3A_91 = arith.constant 0 : i32
        %dma_wait3A_92 = tpu.memref_slice %arg2[%dma_wait3A_90, %dma_wait3A_91] : memref<10000x128xf32, #tpu.memory_space<hbm>> -> memref<10000x128xf32, #tpu.memory_space<hbm>>
        tpu.wait_indirect_dma semaphore(%arg15 : memref<!tpu.dma_semaphore, #tpu.memory_space<semaphore_mem>>) src(%dma_wait3A_92 : memref<10000x128xf32, #tpu.memory_space<hbm>>) dst(%arg10 : memref<64x128xf32, #tpu.memory_space<vmem>>)
        "tpu.region"() ({
          %run_scoped3A = tpu.sem_alloc : memref<!tpu.dma_semaphore, #tpu.memory_space<semaphore_mem>>
          %dma_start3A_130 = arith.constant 0 : i32
          %dma_start3A_131 = tpu.memref_slice %arg8[%add3A_86, %dma_start3A_130] : memref<64x64xi32, #tpu.memory_space<vmem>> -> memref<1x64xi32, #tpu.memory_space<vmem>>
          %dma_start3A_132 = tpu.memref_squeeze %dma_start3A_131 : memref<1x64xi32, #tpu.memory_space<vmem>> -> memref<64xi32, #tpu.memory_space<vmem>>
          %dma_start3A_133 = arith.constant 0 : i32
          %dma_start3A_134 = arith.constant 0 : i32
          %dma_start3A_135 = tpu.memref_slice %arg13[%dma_start3A_133, %dma_start3A_134] : memref<10112x128xf32, #tpu.memory_space<vmem_shared>> -> memref<10112x128xf32, #tpu.memory_space<vmem_shared>>
          tpu.enqueue_indirect_dma source(%arg10 : memref<64x128xf32, #tpu.memory_space<vmem>>) target(%dma_start3A_135 : memref<10112x128xf32, #tpu.memory_space<vmem_shared>>) offsets(%dma_start3A_132 : memref<64xi32, #tpu.memory_space<vmem>>) semaphore(%run_scoped3A : memref<!tpu.dma_semaphore, #tpu.memory_space<semaphore_mem>>) {add = true}
          %dma_wait3A_136 = arith.constant 0 : i32
          %dma_wait3A_137 = tpu.memref_slice %arg8[%add3A_86, %dma_wait3A_136] : memref<64x64xi32, #tpu.memory_space<vmem>> -> memref<1x64xi32, #tpu.memory_space<vmem>>
          %dma_wait3A_138 = tpu.memref_squeeze %dma_wait3A_137 : memref<1x64xi32, #tpu.memory_space<vmem>> -> memref<64xi32, #tpu.memory_space<vmem>>
          %dma_wait3A_139 = arith.constant 0 : i32
          %dma_wait3A_140 = arith.constant 0 : i32
          %dma_wait3A_141 = tpu.memref_slice %arg13[%dma_wait3A_139, %dma_wait3A_140] : memref<10112x128xf32, #tpu.memory_space<vmem_shared>> -> memref<10112x128xf32, #tpu.memory_space<vmem_shared>>
          tpu.wait_indirect_dma semaphore(%run_scoped3A : memref<!tpu.dma_semaphore, #tpu.memory_space<semaphore_mem>>) src(%arg10 : memref<64x128xf32, #tpu.memory_space<vmem>>) dst(%dma_wait3A_141 : memref<10112x128xf32, #tpu.memory_space<vmem_shared>>)
          tpu.yield
        }) : () -> ()
        %add3A_93 = arith.constant 4 : i32
        %add3A_94 = arith.addi %add3A_86, %add3A_93 : i32
        %lt3A_95 = arith.constant 64 : i32
        %lt3A_96 = arith.cmpi slt, %add3A_94, %lt3A_95 : i32
        %convert_element_type3A_97 = arith.extui %lt3A_96 : i1 to i32
        %cond3A_98 = arith.constant 0 : i32
        %cond3A_99 = arith.cmpi ne, %convert_element_type3A_97, %cond3A_98 : i32
        scf.if %cond3A_99 {
          %add3A_130 = arith.constant 4 : i32
          %add3A_131 = arith.addi %add3A_86, %add3A_130 : i32
          %dma_start3A_132 = arith.constant 0 : i32
          %dma_start3A_133 = tpu.memref_slice %arg7[%add3A_131, %dma_start3A_132] : memref<64x64xi32, #tpu.memory_space<vmem>> -> memref<1x64xi32, #tpu.memory_space<vmem>>
          %dma_start3A_134 = tpu.memref_squeeze %dma_start3A_133 : memref<1x64xi32, #tpu.memory_space<vmem>> -> memref<64xi32, #tpu.memory_space<vmem>>
          %dma_start3A_135 = arith.constant 0 : i32
          %dma_start3A_136 = arith.constant 0 : i32
          %dma_start3A_137 = tpu.memref_slice %arg2[%dma_start3A_135, %dma_start3A_136] : memref<10000x128xf32, #tpu.memory_space<hbm>> -> memref<10000x128xf32, #tpu.memory_space<hbm>>
          tpu.enqueue_indirect_dma source(%dma_start3A_137 : memref<10000x128xf32, #tpu.memory_space<hbm>>) target(%arg10 : memref<64x128xf32, #tpu.memory_space<vmem>>) offsets(%dma_start3A_134 : memref<64xi32, #tpu.memory_space<vmem>>) semaphore(%arg15 : memref<!tpu.dma_semaphore, #tpu.memory_space<semaphore_mem>>)
        } else {
        }
        %add3A_100 = arith.constant 2 : i32
        %add3A_101 = arith.addi %mul3A_71, %add3A_100 : i32
        %dma_wait3A_102 = arith.constant 0 : i32
        %dma_wait3A_103 = tpu.memref_slice %arg7[%add3A_101, %dma_wait3A_102] : memref<64x64xi32, #tpu.memory_space<vmem>> -> memref<1x64xi32, #tpu.memory_space<vmem>>
        %dma_wait3A_104 = tpu.memref_squeeze %dma_wait3A_103 : memref<1x64xi32, #tpu.memory_space<vmem>> -> memref<64xi32, #tpu.memory_space<vmem>>
        %dma_wait3A_105 = arith.constant 0 : i32
        %dma_wait3A_106 = arith.constant 0 : i32
        %dma_wait3A_107 = tpu.memref_slice %arg2[%dma_wait3A_105, %dma_wait3A_106] : memref<10000x128xf32, #tpu.memory_space<hbm>> -> memref<10000x128xf32, #tpu.memory_space<hbm>>
        tpu.wait_indirect_dma semaphore(%arg16 : memref<!tpu.dma_semaphore, #tpu.memory_space<semaphore_mem>>) src(%dma_wait3A_107 : memref<10000x128xf32, #tpu.memory_space<hbm>>) dst(%arg11 : memref<64x128xf32, #tpu.memory_space<vmem>>)
        "tpu.region"() ({
          %run_scoped3A = tpu.sem_alloc : memref<!tpu.dma_semaphore, #tpu.memory_space<semaphore_mem>>
          %dma_start3A_130 = arith.constant 0 : i32
          %dma_start3A_131 = tpu.memref_slice %arg8[%add3A_101, %dma_start3A_130] : memref<64x64xi32, #tpu.memory_space<vmem>> -> memref<1x64xi32, #tpu.memory_space<vmem>>
          %dma_start3A_132 = tpu.memref_squeeze %dma_start3A_131 : memref<1x64xi32, #tpu.memory_space<vmem>> -> memref<64xi32, #tpu.memory_space<vmem>>
          %dma_start3A_133 = arith.constant 0 : i32
          %dma_start3A_134 = arith.constant 0 : i32
          %dma_start3A_135 = tpu.memref_slice %arg13[%dma_start3A_133, %dma_start3A_134] : memref<10112x128xf32, #tpu.memory_space<vmem_shared>> -> memref<10112x128xf32, #tpu.memory_space<vmem_shared>>
          tpu.enqueue_indirect_dma source(%arg11 : memref<64x128xf32, #tpu.memory_space<vmem>>) target(%dma_start3A_135 : memref<10112x128xf32, #tpu.memory_space<vmem_shared>>) offsets(%dma_start3A_132 : memref<64xi32, #tpu.memory_space<vmem>>) semaphore(%run_scoped3A : memref<!tpu.dma_semaphore, #tpu.memory_space<semaphore_mem>>) {add = true}
          %dma_wait3A_136 = arith.constant 0 : i32
          %dma_wait3A_137 = tpu.memref_slice %arg8[%add3A_101, %dma_wait3A_136] : memref<64x64xi32, #tpu.memory_space<vmem>> -> memref<1x64xi32, #tpu.memory_space<vmem>>
          %dma_wait3A_138 = tpu.memref_squeeze %dma_wait3A_137 : memref<1x64xi32, #tpu.memory_space<vmem>> -> memref<64xi32, #tpu.memory_space<vmem>>
          %dma_wait3A_139 = arith.constant 0 : i32
          %dma_wait3A_140 = arith.constant 0 : i32
          %dma_wait3A_141 = tpu.memref_slice %arg13[%dma_wait3A_139, %dma_wait3A_140] : memref<10112x128xf32, #tpu.memory_space<vmem_shared>> -> memref<10112x128xf32, #tpu.memory_space<vmem_shared>>
          tpu.wait_indirect_dma semaphore(%run_scoped3A : memref<!tpu.dma_semaphore, #tpu.memory_space<semaphore_mem>>) src(%arg11 : memref<64x128xf32, #tpu.memory_space<vmem>>) dst(%dma_wait3A_141 : memref<10112x128xf32, #tpu.memory_space<vmem_shared>>)
          tpu.yield
        }) : () -> ()
        %add3A_108 = arith.constant 4 : i32
        %add3A_109 = arith.addi %add3A_101, %add3A_108 : i32
        %lt3A_110 = arith.constant 64 : i32
        %lt3A_111 = arith.cmpi slt, %add3A_109, %lt3A_110 : i32
        %convert_element_type3A_112 = arith.extui %lt3A_111 : i1 to i32
        %cond3A_113 = arith.constant 0 : i32
        %cond3A_114 = arith.cmpi ne, %convert_element_type3A_112, %cond3A_113 : i32
        scf.if %cond3A_114 {
          %add3A_130 = arith.constant 4 : i32
          %add3A_131 = arith.addi %add3A_101, %add3A_130 : i32
          %dma_start3A_132 = arith.constant 0 : i32
          %dma_start3A_133 = tpu.memref_slice %arg7[%add3A_131, %dma_start3A_132] : memref<64x64xi32, #tpu.memory_space<vmem>> -> memref<1x64xi32, #tpu.memory_space<vmem>>
          %dma_start3A_134 = tpu.memref_squeeze %dma_start3A_133 : memref<1x64xi32, #tpu.memory_space<vmem>> -> memref<64xi32, #tpu.memory_space<vmem>>
          %dma_start3A_135 = arith.constant 0 : i32
          %dma_start3A_136 = arith.constant 0 : i32
          %dma_start3A_137 = tpu.memref_slice %arg2[%dma_start3A_135, %dma_start3A_136] : memref<10000x128xf32, #tpu.memory_space<hbm>> -> memref<10000x128xf32, #tpu.memory_space<hbm>>
          tpu.enqueue_indirect_dma source(%dma_start3A_137 : memref<10000x128xf32, #tpu.memory_space<hbm>>) target(%arg11 : memref<64x128xf32, #tpu.memory_space<vmem>>) offsets(%dma_start3A_134 : memref<64xi32, #tpu.memory_space<vmem>>) semaphore(%arg16 : memref<!tpu.dma_semaphore, #tpu.memory_space<semaphore_mem>>)
        } else {
        }
        %add3A_115 = arith.constant 3 : i32
        %add3A_116 = arith.addi %mul3A_71, %add3A_115 : i32
        %dma_wait3A_117 = arith.constant 0 : i32
        %dma_wait3A_118 = tpu.memref_slice %arg7[%add3A_116, %dma_wait3A_117] : memref<64x64xi32, #tpu.memory_space<vmem>> -> memref<1x64xi32, #tpu.memory_space<vmem>>
        %dma_wait3A_119 = tpu.memref_squeeze %dma_wait3A_118 : memref<1x64xi32, #tpu.memory_space<vmem>> -> memref<64xi32, #tpu.memory_space<vmem>>
        %dma_wait3A_120 = arith.constant 0 : i32
        %dma_wait3A_121 = arith.constant 0 : i32
        %dma_wait3A_122 = tpu.memref_slice %arg2[%dma_wait3A_120, %dma_wait3A_121] : memref<10000x128xf32, #tpu.memory_space<hbm>> -> memref<10000x128xf32, #tpu.memory_space<hbm>>
        tpu.wait_indirect_dma semaphore(%arg17 : memref<!tpu.dma_semaphore, #tpu.memory_space<semaphore_mem>>) src(%dma_wait3A_122 : memref<10000x128xf32, #tpu.memory_space<hbm>>) dst(%arg12 : memref<64x128xf32, #tpu.memory_space<vmem>>)
        "tpu.region"() ({
          %run_scoped3A = tpu.sem_alloc : memref<!tpu.dma_semaphore, #tpu.memory_space<semaphore_mem>>
          %dma_start3A_130 = arith.constant 0 : i32
          %dma_start3A_131 = tpu.memref_slice %arg8[%add3A_116, %dma_start3A_130] : memref<64x64xi32, #tpu.memory_space<vmem>> -> memref<1x64xi32, #tpu.memory_space<vmem>>
          %dma_start3A_132 = tpu.memref_squeeze %dma_start3A_131 : memref<1x64xi32, #tpu.memory_space<vmem>> -> memref<64xi32, #tpu.memory_space<vmem>>
          %dma_start3A_133 = arith.constant 0 : i32
          %dma_start3A_134 = arith.constant 0 : i32
          %dma_start3A_135 = tpu.memref_slice %arg13[%dma_start3A_133, %dma_start3A_134] : memref<10112x128xf32, #tpu.memory_space<vmem_shared>> -> memref<10112x128xf32, #tpu.memory_space<vmem_shared>>
          tpu.enqueue_indirect_dma source(%arg12 : memref<64x128xf32, #tpu.memory_space<vmem>>) target(%dma_start3A_135 : memref<10112x128xf32, #tpu.memory_space<vmem_shared>>) offsets(%dma_start3A_132 : memref<64xi32, #tpu.memory_space<vmem>>) semaphore(%run_scoped3A : memref<!tpu.dma_semaphore, #tpu.memory_space<semaphore_mem>>) {add = true}
          %dma_wait3A_136 = arith.constant 0 : i32
          %dma_wait3A_137 = tpu.memref_slice %arg8[%add3A_116, %dma_wait3A_136] : memref<64x64xi32, #tpu.memory_space<vmem>> -> memref<1x64xi32, #tpu.memory_space<vmem>>
          %dma_wait3A_138 = tpu.memref_squeeze %dma_wait3A_137 : memref<1x64xi32, #tpu.memory_space<vmem>> -> memref<64xi32, #tpu.memory_space<vmem>>
          %dma_wait3A_139 = arith.constant 0 : i32
          %dma_wait3A_140 = arith.constant 0 : i32
          %dma_wait3A_141 = tpu.memref_slice %arg13[%dma_wait3A_139, %dma_wait3A_140] : memref<10112x128xf32, #tpu.memory_space<vmem_shared>> -> memref<10112x128xf32, #tpu.memory_space<vmem_shared>>
          tpu.wait_indirect_dma semaphore(%run_scoped3A : memref<!tpu.dma_semaphore, #tpu.memory_space<semaphore_mem>>) src(%arg12 : memref<64x128xf32, #tpu.memory_space<vmem>>) dst(%dma_wait3A_141 : memref<10112x128xf32, #tpu.memory_space<vmem_shared>>)
          tpu.yield
        }) : () -> ()
        %add3A_123 = arith.constant 4 : i32
        %add3A_124 = arith.addi %add3A_116, %add3A_123 : i32
        %lt3A_125 = arith.constant 64 : i32
        %lt3A_126 = arith.cmpi slt, %add3A_124, %lt3A_125 : i32
        %convert_element_type3A_127 = arith.extui %lt3A_126 : i1 to i32
        %cond3A_128 = arith.constant 0 : i32
        %cond3A_129 = arith.cmpi ne, %convert_element_type3A_127, %cond3A_128 : i32
        scf.if %cond3A_129 {
          %add3A_130 = arith.constant 4 : i32
          %add3A_131 = arith.addi %add3A_116, %add3A_130 : i32
          %dma_start3A_132 = arith.constant 0 : i32
          %dma_start3A_133 = tpu.memref_slice %arg7[%add3A_131, %dma_start3A_132] : memref<64x64xi32, #tpu.memory_space<vmem>> -> memref<1x64xi32, #tpu.memory_space<vmem>>
          %dma_start3A_134 = tpu.memref_squeeze %dma_start3A_133 : memref<1x64xi32, #tpu.memory_space<vmem>> -> memref<64xi32, #tpu.memory_space<vmem>>
          %dma_start3A_135 = arith.constant 0 : i32
          %dma_start3A_136 = arith.constant 0 : i32
          %dma_start3A_137 = tpu.memref_slice %arg2[%dma_start3A_135, %dma_start3A_136] : memref<10000x128xf32, #tpu.memory_space<hbm>> -> memref<10000x128xf32, #tpu.memory_space<hbm>>
          tpu.enqueue_indirect_dma source(%dma_start3A_137 : memref<10000x128xf32, #tpu.memory_space<hbm>>) target(%arg12 : memref<64x128xf32, #tpu.memory_space<vmem>>) offsets(%dma_start3A_134 : memref<64xi32, #tpu.memory_space<vmem>>) semaphore(%arg17 : memref<!tpu.dma_semaphore, #tpu.memory_space<semaphore_mem>>)
        } else {
        }
      }
      %scan3A_68 = arith.constant 16 : i32
    } else {
    }
    %gt3A_13 = arith.constant 1 : i32
    %gt3A_14 = arith.cmpi sgt, %select_n3A, %gt3A_13 : i32
    %convert_element_type3A_15 = arith.extui %gt3A_14 : i1 to i32
    %cond3A_16 = arith.constant 0 : i32
    %cond3A_17 = arith.cmpi ne, %convert_element_type3A_15, %cond3A_16 : i32
    scf.if %cond3A_17 {
      %add3A_33 = arith.constant 64 : i32
      %add3A_34 = arith.addi %select_n3A_6, %add3A_33 : i32
      "tpu.region"() ({
        %run_scoped3A = tpu.sem_alloc : memref<!tpu.dma_semaphore, #tpu.memory_space<semaphore_mem>>
        %dma_start3A_69 = arith.constant 0 : i32
        %dma_start3A_70 = tpu.memref_slice %arg3[%add3A_34, %dma_start3A_69] : memref<5120x64xi32, #tpu.memory_space<hbm>> -> memref<64x64xi32, #tpu.memory_space<hbm>>
        %dma_start3A_71 = arith.constant 0 : i32
        %dma_start3A_72 = tpu.memref_slice %arg3[%add3A_34, %dma_start3A_71] : memref<5120x64xi32, #tpu.memory_space<hbm>> -> memref<64x64xi32, #tpu.memory_space<hbm>>
        tpu.enqueue_dma source(%dma_start3A_72 : memref<64x64xi32, #tpu.memory_space<hbm>>) target(%arg7 : memref<64x64xi32, #tpu.memory_space<vmem>>) target_semaphore(%run_scoped3A : memref<!tpu.dma_semaphore, #tpu.memory_space<semaphore_mem>>)
        %dma_wait3A = arith.constant 0 : i32
        %dma_wait3A_73 = tpu.memref_slice %arg3[%add3A_34, %dma_wait3A] : memref<5120x64xi32, #tpu.memory_space<hbm>> -> memref<64x64xi32, #tpu.memory_space<hbm>>
        %dma_wait3A_74 = arith.constant 0 : i32
        %dma_wait3A_75 = tpu.memref_slice %arg3[%add3A_34, %dma_wait3A_74] : memref<5120x64xi32, #tpu.memory_space<hbm>> -> memref<64x64xi32, #tpu.memory_space<hbm>>
        tpu.wait_dma2 semaphore(%run_scoped3A : memref<!tpu.dma_semaphore, #tpu.memory_space<semaphore_mem>>) src(%dma_wait3A_75 : memref<64x64xi32, #tpu.memory_space<hbm>>) dst(%arg7 : memref<64x64xi32, #tpu.memory_space<vmem>>)
        tpu.yield
      }) : () -> ()
      %add3A_35 = arith.constant 64 : i32
      %add3A_36 = arith.addi %select_n3A_6, %add3A_35 : i32
      "tpu.region"() ({
        %run_scoped3A = tpu.sem_alloc : memref<!tpu.dma_semaphore, #tpu.memory_space<semaphore_mem>>
        %dma_start3A_69 = arith.constant 0 : i32
        %dma_start3A_70 = tpu.memref_slice %arg4[%add3A_36, %dma_start3A_69] : memref<5120x64xi32, #tpu.memory_space<hbm>> -> memref<64x64xi32, #tpu.memory_space<hbm>>
        %dma_start3A_71 = arith.constant 0 : i32
        %dma_start3A_72 = tpu.memref_slice %arg4[%add3A_36, %dma_start3A_71] : memref<5120x64xi32, #tpu.memory_space<hbm>> -> memref<64x64xi32, #tpu.memory_space<hbm>>
        tpu.enqueue_dma source(%dma_start3A_72 : memref<64x64xi32, #tpu.memory_space<hbm>>) target(%arg8 : memref<64x64xi32, #tpu.memory_space<vmem>>) target_semaphore(%run_scoped3A : memref<!tpu.dma_semaphore, #tpu.memory_space<semaphore_mem>>)
        %dma_wait3A = arith.constant 0 : i32
        %dma_wait3A_73 = tpu.memref_slice %arg4[%add3A_36, %dma_wait3A] : memref<5120x64xi32, #tpu.memory_space<hbm>> -> memref<64x64xi32, #tpu.memory_space<hbm>>
        %dma_wait3A_74 = arith.constant 0 : i32
        %dma_wait3A_75 = tpu.memref_slice %arg4[%add3A_36, %dma_wait3A_74] : memref<5120x64xi32, #tpu.memory_space<hbm>> -> memref<64x64xi32, #tpu.memory_space<hbm>>
        tpu.wait_dma2 semaphore(%run_scoped3A : memref<!tpu.dma_semaphore, #tpu.memory_space<semaphore_mem>>) src(%dma_wait3A_75 : memref<64x64xi32, #tpu.memory_space<hbm>>) dst(%arg8 : memref<64x64xi32, #tpu.memory_space<vmem>>)
        tpu.yield
      }) : () -> ()
      %dma_start3A = arith.constant 0 : i32
      %dma_start3A_37 = arith.constant 0 : i32
      %dma_start3A_38 = tpu.memref_slice %arg7[%dma_start3A, %dma_start3A_37] : memref<64x64xi32, #tpu.memory_space<vmem>> -> memref<1x64xi32, #tpu.memory_space<vmem>>
      %dma_start3A_39 = tpu.memref_squeeze %dma_start3A_38 : memref<1x64xi32, #tpu.memory_space<vmem>> -> memref<64xi32, #tpu.memory_space<vmem>>
      %dma_start3A_40 = arith.constant 0 : i32
      %dma_start3A_41 = arith.constant 0 : i32
      %dma_start3A_42 = tpu.memref_slice %arg2[%dma_start3A_40, %dma_start3A_41] : memref<10000x128xf32, #tpu.memory_space<hbm>> -> memref<10000x128xf32, #tpu.memory_space<hbm>>
      tpu.enqueue_indirect_dma source(%dma_start3A_42 : memref<10000x128xf32, #tpu.memory_space<hbm>>) target(%arg9 : memref<64x128xf32, #tpu.memory_space<vmem>>) offsets(%dma_start3A_39 : memref<64xi32, #tpu.memory_space<vmem>>) semaphore(%arg14 : memref<!tpu.dma_semaphore, #tpu.memory_space<semaphore_mem>>)
      %dma_start3A_43 = arith.constant 1 : i32
      %dma_start3A_44 = arith.constant 0 : i32
      %dma_start3A_45 = tpu.memref_slice %arg7[%dma_start3A_43, %dma_start3A_44] : memref<64x64xi32, #tpu.memory_space<vmem>> -> memref<1x64xi32, #tpu.memory_space<vmem>>
      %dma_start3A_46 = tpu.memref_squeeze %dma_start3A_45 : memref<1x64xi32, #tpu.memory_space<vmem>> -> memref<64xi32, #tpu.memory_space<vmem>>
      %dma_start3A_47 = arith.constant 0 : i32
      %dma_start3A_48 = arith.constant 0 : i32
      %dma_start3A_49 = tpu.memref_slice %arg2[%dma_start3A_47, %dma_start3A_48] : memref<10000x128xf32, #tpu.memory_space<hbm>> -> memref<10000x128xf32, #tpu.memory_space<hbm>>
      tpu.enqueue_indirect_dma source(%dma_start3A_49 : memref<10000x128xf32, #tpu.memory_space<hbm>>) target(%arg10 : memref<64x128xf32, #tpu.memory_space<vmem>>) offsets(%dma_start3A_46 : memref<64xi32, #tpu.memory_space<vmem>>) semaphore(%arg15 : memref<!tpu.dma_semaphore, #tpu.memory_space<semaphore_mem>>)
      %dma_start3A_50 = arith.constant 2 : i32
      %dma_start3A_51 = arith.constant 0 : i32
      %dma_start3A_52 = tpu.memref_slice %arg7[%dma_start3A_50, %dma_start3A_51] : memref<64x64xi32, #tpu.memory_space<vmem>> -> memref<1x64xi32, #tpu.memory_space<vmem>>
      %dma_start3A_53 = tpu.memref_squeeze %dma_start3A_52 : memref<1x64xi32, #tpu.memory_space<vmem>> -> memref<64xi32, #tpu.memory_space<vmem>>
      %dma_start3A_54 = arith.constant 0 : i32
      %dma_start3A_55 = arith.constant 0 : i32
      %dma_start3A_56 = tpu.memref_slice %arg2[%dma_start3A_54, %dma_start3A_55] : memref<10000x128xf32, #tpu.memory_space<hbm>> -> memref<10000x128xf32, #tpu.memory_space<hbm>>
      tpu.enqueue_indirect_dma source(%dma_start3A_56 : memref<10000x128xf32, #tpu.memory_space<hbm>>) target(%arg11 : memref<64x128xf32, #tpu.memory_space<vmem>>) offsets(%dma_start3A_53 : memref<64xi32, #tpu.memory_space<vmem>>) semaphore(%arg16 : memref<!tpu.dma_semaphore, #tpu.memory_space<semaphore_mem>>)
      %dma_start3A_57 = arith.constant 3 : i32
      %dma_start3A_58 = arith.constant 0 : i32
      %dma_start3A_59 = tpu.memref_slice %arg7[%dma_start3A_57, %dma_start3A_58] : memref<64x64xi32, #tpu.memory_space<vmem>> -> memref<1x64xi32, #tpu.memory_space<vmem>>
      %dma_start3A_60 = tpu.memref_squeeze %dma_start3A_59 : memref<1x64xi32, #tpu.memory_space<vmem>> -> memref<64xi32, #tpu.memory_space<vmem>>
      %dma_start3A_61 = arith.constant 0 : i32
      %dma_start3A_62 = arith.constant 0 : i32
      %dma_start3A_63 = tpu.memref_slice %arg2[%dma_start3A_61, %dma_start3A_62] : memref<10000x128xf32, #tpu.memory_space<hbm>> -> memref<10000x128xf32, #tpu.memory_space<hbm>>
      tpu.enqueue_indirect_dma source(%dma_start3A_63 : memref<10000x128xf32, #tpu.memory_space<hbm>>) target(%arg12 : memref<64x128xf32, #tpu.memory_space<vmem>>) offsets(%dma_start3A_60 : memref<64xi32, #tpu.memory_space<vmem>>) semaphore(%arg17 : memref<!tpu.dma_semaphore, #tpu.memory_space<semaphore_mem>>)
      %scan3A = arith.constant 0 : i32
      %scan3A_64 = arith.constant 0 : i32
      %scan3A_65 = arith.constant 16 : i32
      %scan3A_66 = arith.addi %scan3A_64, %scan3A_65 : i32
      %scan3A_67 = arith.constant 1 : i32
      scf.for %scan3A_69 = %scan3A_64 to %scan3A_66 step %scan3A_67  : i32 {
        %mul3A_70 = arith.constant 4 : i32
        %mul3A_71 = arith.muli %mul3A_70, %scan3A_69 : i32
        %add3A_72 = arith.constant 0 : i32
        %add3A_73 = arith.addi %mul3A_71, %add3A_72 : i32
        %dma_wait3A = arith.constant 0 : i32
        %dma_wait3A_74 = tpu.memref_slice %arg7[%add3A_73, %dma_wait3A] : memref<64x64xi32, #tpu.memory_space<vmem>> -> memref<1x64xi32, #tpu.memory_space<vmem>>
        %dma_wait3A_75 = tpu.memref_squeeze %dma_wait3A_74 : memref<1x64xi32, #tpu.memory_space<vmem>> -> memref<64xi32, #tpu.memory_space<vmem>>
        %dma_wait3A_76 = arith.constant 0 : i32
        %dma_wait3A_77 = arith.constant 0 : i32
        %dma_wait3A_78 = tpu.memref_slice %arg2[%dma_wait3A_76, %dma_wait3A_77] : memref<10000x128xf32, #tpu.memory_space<hbm>> -> memref<10000x128xf32, #tpu.memory_space<hbm>>
        tpu.wait_indirect_dma semaphore(%arg14 : memref<!tpu.dma_semaphore, #tpu.memory_space<semaphore_mem>>) src(%dma_wait3A_78 : memref<10000x128xf32, #tpu.memory_space<hbm>>) dst(%arg9 : memref<64x128xf32, #tpu.memory_space<vmem>>)
        "tpu.region"() ({
          %run_scoped3A = tpu.sem_alloc : memref<!tpu.dma_semaphore, #tpu.memory_space<semaphore_mem>>
          %dma_start3A_130 = arith.constant 0 : i32
          %dma_start3A_131 = tpu.memref_slice %arg8[%add3A_73, %dma_start3A_130] : memref<64x64xi32, #tpu.memory_space<vmem>> -> memref<1x64xi32, #tpu.memory_space<vmem>>
          %dma_start3A_132 = tpu.memref_squeeze %dma_start3A_131 : memref<1x64xi32, #tpu.memory_space<vmem>> -> memref<64xi32, #tpu.memory_space<vmem>>
          %dma_start3A_133 = arith.constant 0 : i32
          %dma_start3A_134 = arith.constant 0 : i32
          %dma_start3A_135 = tpu.memref_slice %arg13[%dma_start3A_133, %dma_start3A_134] : memref<10112x128xf32, #tpu.memory_space<vmem_shared>> -> memref<10112x128xf32, #tpu.memory_space<vmem_shared>>
          tpu.enqueue_indirect_dma source(%arg9 : memref<64x128xf32, #tpu.memory_space<vmem>>) target(%dma_start3A_135 : memref<10112x128xf32, #tpu.memory_space<vmem_shared>>) offsets(%dma_start3A_132 : memref<64xi32, #tpu.memory_space<vmem>>) semaphore(%run_scoped3A : memref<!tpu.dma_semaphore, #tpu.memory_space<semaphore_mem>>) {add = true}
          %dma_wait3A_136 = arith.constant 0 : i32
          %dma_wait3A_137 = tpu.memref_slice %arg8[%add3A_73, %dma_wait3A_136] : memref<64x64xi32, #tpu.memory_space<vmem>> -> memref<1x64xi32, #tpu.memory_space<vmem>>
          %dma_wait3A_138 = tpu.memref_squeeze %dma_wait3A_137 : memref<1x64xi32, #tpu.memory_space<vmem>> -> memref<64xi32, #tpu.memory_space<vmem>>
          %dma_wait3A_139 = arith.constant 0 : i32
          %dma_wait3A_140 = arith.constant 0 : i32
          %dma_wait3A_141 = tpu.memref_slice %arg13[%dma_wait3A_139, %dma_wait3A_140] : memref<10112x128xf32, #tpu.memory_space<vmem_shared>> -> memref<10112x128xf32, #tpu.memory_space<vmem_shared>>
          tpu.wait_indirect_dma semaphore(%run_scoped3A : memref<!tpu.dma_semaphore, #tpu.memory_space<semaphore_mem>>) src(%arg9 : memref<64x128xf32, #tpu.memory_space<vmem>>) dst(%dma_wait3A_141 : memref<10112x128xf32, #tpu.memory_space<vmem_shared>>)
          tpu.yield
        }) : () -> ()
        %add3A_79 = arith.constant 4 : i32
        %add3A_80 = arith.addi %add3A_73, %add3A_79 : i32
        %lt3A = arith.constant 64 : i32
        %lt3A_81 = arith.cmpi slt, %add3A_80, %lt3A : i32
        %convert_element_type3A_82 = arith.extui %lt3A_81 : i1 to i32
        %cond3A_83 = arith.constant 0 : i32
        %cond3A_84 = arith.cmpi ne, %convert_element_type3A_82, %cond3A_83 : i32
        scf.if %cond3A_84 {
          %add3A_130 = arith.constant 4 : i32
          %add3A_131 = arith.addi %add3A_73, %add3A_130 : i32
          %dma_start3A_132 = arith.constant 0 : i32
          %dma_start3A_133 = tpu.memref_slice %arg7[%add3A_131, %dma_start3A_132] : memref<64x64xi32, #tpu.memory_space<vmem>> -> memref<1x64xi32, #tpu.memory_space<vmem>>
          %dma_start3A_134 = tpu.memref_squeeze %dma_start3A_133 : memref<1x64xi32, #tpu.memory_space<vmem>> -> memref<64xi32, #tpu.memory_space<vmem>>
          %dma_start3A_135 = arith.constant 0 : i32
          %dma_start3A_136 = arith.constant 0 : i32
          %dma_start3A_137 = tpu.memref_slice %arg2[%dma_start3A_135, %dma_start3A_136] : memref<10000x128xf32, #tpu.memory_space<hbm>> -> memref<10000x128xf32, #tpu.memory_space<hbm>>
          tpu.enqueue_indirect_dma source(%dma_start3A_137 : memref<10000x128xf32, #tpu.memory_space<hbm>>) target(%arg9 : memref<64x128xf32, #tpu.memory_space<vmem>>) offsets(%dma_start3A_134 : memref<64xi32, #tpu.memory_space<vmem>>) semaphore(%arg14 : memref<!tpu.dma_semaphore, #tpu.memory_space<semaphore_mem>>)
        } else {
        }
        %add3A_85 = arith.constant 1 : i32
        %add3A_86 = arith.addi %mul3A_71, %add3A_85 : i32
        %dma_wait3A_87 = arith.constant 0 : i32
        %dma_wait3A_88 = tpu.memref_slice %arg7[%add3A_86, %dma_wait3A_87] : memref<64x64xi32, #tpu.memory_space<vmem>> -> memref<1x64xi32, #tpu.memory_space<vmem>>
        %dma_wait3A_89 = tpu.memref_squeeze %dma_wait3A_88 : memref<1x64xi32, #tpu.memory_space<vmem>> -> memref<64xi32, #tpu.memory_space<vmem>>
        %dma_wait3A_90 = arith.constant 0 : i32
        %dma_wait3A_91 = arith.constant 0 : i32
        %dma_wait3A_92 = tpu.memref_slice %arg2[%dma_wait3A_90, %dma_wait3A_91] : memref<10000x128xf32, #tpu.memory_space<hbm>> -> memref<10000x128xf32, #tpu.memory_space<hbm>>
        tpu.wait_indirect_dma semaphore(%arg15 : memref<!tpu.dma_semaphore, #tpu.memory_space<semaphore_mem>>) src(%dma_wait3A_92 : memref<10000x128xf32, #tpu.memory_space<hbm>>) dst(%arg10 : memref<64x128xf32, #tpu.memory_space<vmem>>)
        "tpu.region"() ({
          %run_scoped3A = tpu.sem_alloc : memref<!tpu.dma_semaphore, #tpu.memory_space<semaphore_mem>>
          %dma_start3A_130 = arith.constant 0 : i32
          %dma_start3A_131 = tpu.memref_slice %arg8[%add3A_86, %dma_start3A_130] : memref<64x64xi32, #tpu.memory_space<vmem>> -> memref<1x64xi32, #tpu.memory_space<vmem>>
          %dma_start3A_132 = tpu.memref_squeeze %dma_start3A_131 : memref<1x64xi32, #tpu.memory_space<vmem>> -> memref<64xi32, #tpu.memory_space<vmem>>
          %dma_start3A_133 = arith.constant 0 : i32
          %dma_start3A_134 = arith.constant 0 : i32
          %dma_start3A_135 = tpu.memref_slice %arg13[%dma_start3A_133, %dma_start3A_134] : memref<10112x128xf32, #tpu.memory_space<vmem_shared>> -> memref<10112x128xf32, #tpu.memory_space<vmem_shared>>
          tpu.enqueue_indirect_dma source(%arg10 : memref<64x128xf32, #tpu.memory_space<vmem>>) target(%dma_start3A_135 : memref<10112x128xf32, #tpu.memory_space<vmem_shared>>) offsets(%dma_start3A_132 : memref<64xi32, #tpu.memory_space<vmem>>) semaphore(%run_scoped3A : memref<!tpu.dma_semaphore, #tpu.memory_space<semaphore_mem>>) {add = true}
          %dma_wait3A_136 = arith.constant 0 : i32
          %dma_wait3A_137 = tpu.memref_slice %arg8[%add3A_86, %dma_wait3A_136] : memref<64x64xi32, #tpu.memory_space<vmem>> -> memref<1x64xi32, #tpu.memory_space<vmem>>
          %dma_wait3A_138 = tpu.memref_squeeze %dma_wait3A_137 : memref<1x64xi32, #tpu.memory_space<vmem>> -> memref<64xi32, #tpu.memory_space<vmem>>
          %dma_wait3A_139 = arith.constant 0 : i32
          %dma_wait3A_140 = arith.constant 0 : i32
          %dma_wait3A_141 = tpu.memref_slice %arg13[%dma_wait3A_139, %dma_wait3A_140] : memref<10112x128xf32, #tpu.memory_space<vmem_shared>> -> memref<10112x128xf32, #tpu.memory_space<vmem_shared>>
          tpu.wait_indirect_dma semaphore(%run_scoped3A : memref<!tpu.dma_semaphore, #tpu.memory_space<semaphore_mem>>) src(%arg10 : memref<64x128xf32, #tpu.memory_space<vmem>>) dst(%dma_wait3A_141 : memref<10112x128xf32, #tpu.memory_space<vmem_shared>>)
          tpu.yield
        }) : () -> ()
        %add3A_93 = arith.constant 4 : i32
        %add3A_94 = arith.addi %add3A_86, %add3A_93 : i32
        %lt3A_95 = arith.constant 64 : i32
        %lt3A_96 = arith.cmpi slt, %add3A_94, %lt3A_95 : i32
        %convert_element_type3A_97 = arith.extui %lt3A_96 : i1 to i32
        %cond3A_98 = arith.constant 0 : i32
        %cond3A_99 = arith.cmpi ne, %convert_element_type3A_97, %cond3A_98 : i32
        scf.if %cond3A_99 {
          %add3A_130 = arith.constant 4 : i32
          %add3A_131 = arith.addi %add3A_86, %add3A_130 : i32
          %dma_start3A_132 = arith.constant 0 : i32
          %dma_start3A_133 = tpu.memref_slice %arg7[%add3A_131, %dma_start3A_132] : memref<64x64xi32, #tpu.memory_space<vmem>> -> memref<1x64xi32, #tpu.memory_space<vmem>>
          %dma_start3A_134 = tpu.memref_squeeze %dma_start3A_133 : memref<1x64xi32, #tpu.memory_space<vmem>> -> memref<64xi32, #tpu.memory_space<vmem>>
          %dma_start3A_135 = arith.constant 0 : i32
          %dma_start3A_136 = arith.constant 0 : i32
          %dma_start3A_137 = tpu.memref_slice %arg2[%dma_start3A_135, %dma_start3A_136] : memref<10000x128xf32, #tpu.memory_space<hbm>> -> memref<10000x128xf32, #tpu.memory_space<hbm>>
          tpu.enqueue_indirect_dma source(%dma_start3A_137 : memref<10000x128xf32, #tpu.memory_space<hbm>>) target(%arg10 : memref<64x128xf32, #tpu.memory_space<vmem>>) offsets(%dma_start3A_134 : memref<64xi32, #tpu.memory_space<vmem>>) semaphore(%arg15 : memref<!tpu.dma_semaphore, #tpu.memory_space<semaphore_mem>>)
        } else {
        }
        %add3A_100 = arith.constant 2 : i32
        %add3A_101 = arith.addi %mul3A_71, %add3A_100 : i32
        %dma_wait3A_102 = arith.constant 0 : i32
        %dma_wait3A_103 = tpu.memref_slice %arg7[%add3A_101, %dma_wait3A_102] : memref<64x64xi32, #tpu.memory_space<vmem>> -> memref<1x64xi32, #tpu.memory_space<vmem>>
        %dma_wait3A_104 = tpu.memref_squeeze %dma_wait3A_103 : memref<1x64xi32, #tpu.memory_space<vmem>> -> memref<64xi32, #tpu.memory_space<vmem>>
        %dma_wait3A_105 = arith.constant 0 : i32
        %dma_wait3A_106 = arith.constant 0 : i32
        %dma_wait3A_107 = tpu.memref_slice %arg2[%dma_wait3A_105, %dma_wait3A_106] : memref<10000x128xf32, #tpu.memory_space<hbm>> -> memref<10000x128xf32, #tpu.memory_space<hbm>>
        tpu.wait_indirect_dma semaphore(%arg16 : memref<!tpu.dma_semaphore, #tpu.memory_space<semaphore_mem>>) src(%dma_wait3A_107 : memref<10000x128xf32, #tpu.memory_space<hbm>>) dst(%arg11 : memref<64x128xf32, #tpu.memory_space<vmem>>)
        "tpu.region"() ({
          %run_scoped3A = tpu.sem_alloc : memref<!tpu.dma_semaphore, #tpu.memory_space<semaphore_mem>>
          %dma_start3A_130 = arith.constant 0 : i32
          %dma_start3A_131 = tpu.memref_slice %arg8[%add3A_101, %dma_start3A_130] : memref<64x64xi32, #tpu.memory_space<vmem>> -> memref<1x64xi32, #tpu.memory_space<vmem>>
          %dma_start3A_132 = tpu.memref_squeeze %dma_start3A_131 : memref<1x64xi32, #tpu.memory_space<vmem>> -> memref<64xi32, #tpu.memory_space<vmem>>
          %dma_start3A_133 = arith.constant 0 : i32
          %dma_start3A_134 = arith.constant 0 : i32
          %dma_start3A_135 = tpu.memref_slice %arg13[%dma_start3A_133, %dma_start3A_134] : memref<10112x128xf32, #tpu.memory_space<vmem_shared>> -> memref<10112x128xf32, #tpu.memory_space<vmem_shared>>
          tpu.enqueue_indirect_dma source(%arg11 : memref<64x128xf32, #tpu.memory_space<vmem>>) target(%dma_start3A_135 : memref<10112x128xf32, #tpu.memory_space<vmem_shared>>) offsets(%dma_start3A_132 : memref<64xi32, #tpu.memory_space<vmem>>) semaphore(%run_scoped3A : memref<!tpu.dma_semaphore, #tpu.memory_space<semaphore_mem>>) {add = true}
          %dma_wait3A_136 = arith.constant 0 : i32
          %dma_wait3A_137 = tpu.memref_slice %arg8[%add3A_101, %dma_wait3A_136] : memref<64x64xi32, #tpu.memory_space<vmem>> -> memref<1x64xi32, #tpu.memory_space<vmem>>
          %dma_wait3A_138 = tpu.memref_squeeze %dma_wait3A_137 : memref<1x64xi32, #tpu.memory_space<vmem>> -> memref<64xi32, #tpu.memory_space<vmem>>
          %dma_wait3A_139 = arith.constant 0 : i32
          %dma_wait3A_140 = arith.constant 0 : i32
          %dma_wait3A_141 = tpu.memref_slice %arg13[%dma_wait3A_139, %dma_wait3A_140] : memref<10112x128xf32, #tpu.memory_space<vmem_shared>> -> memref<10112x128xf32, #tpu.memory_space<vmem_shared>>
          tpu.wait_indirect_dma semaphore(%run_scoped3A : memref<!tpu.dma_semaphore, #tpu.memory_space<semaphore_mem>>) src(%arg11 : memref<64x128xf32, #tpu.memory_space<vmem>>) dst(%dma_wait3A_141 : memref<10112x128xf32, #tpu.memory_space<vmem_shared>>)
          tpu.yield
        }) : () -> ()
        %add3A_108 = arith.constant 4 : i32
        %add3A_109 = arith.addi %add3A_101, %add3A_108 : i32
        %lt3A_110 = arith.constant 64 : i32
        %lt3A_111 = arith.cmpi slt, %add3A_109, %lt3A_110 : i32
        %convert_element_type3A_112 = arith.extui %lt3A_111 : i1 to i32
        %cond3A_113 = arith.constant 0 : i32
        %cond3A_114 = arith.cmpi ne, %convert_element_type3A_112, %cond3A_113 : i32
        scf.if %cond3A_114 {
          %add3A_130 = arith.constant 4 : i32
          %add3A_131 = arith.addi %add3A_101, %add3A_130 : i32
          %dma_start3A_132 = arith.constant 0 : i32
          %dma_start3A_133 = tpu.memref_slice %arg7[%add3A_131, %dma_start3A_132] : memref<64x64xi32, #tpu.memory_space<vmem>> -> memref<1x64xi32, #tpu.memory_space<vmem>>
          %dma_start3A_134 = tpu.memref_squeeze %dma_start3A_133 : memref<1x64xi32, #tpu.memory_space<vmem>> -> memref<64xi32, #tpu.memory_space<vmem>>
          %dma_start3A_135 = arith.constant 0 : i32
          %dma_start3A_136 = arith.constant 0 : i32
          %dma_start3A_137 = tpu.memref_slice %arg2[%dma_start3A_135, %dma_start3A_136] : memref<10000x128xf32, #tpu.memory_space<hbm>> -> memref<10000x128xf32, #tpu.memory_space<hbm>>
          tpu.enqueue_indirect_dma source(%dma_start3A_137 : memref<10000x128xf32, #tpu.memory_space<hbm>>) target(%arg11 : memref<64x128xf32, #tpu.memory_space<vmem>>) offsets(%dma_start3A_134 : memref<64xi32, #tpu.memory_space<vmem>>) semaphore(%arg16 : memref<!tpu.dma_semaphore, #tpu.memory_space<semaphore_mem>>)
        } else {
        }
        %add3A_115 = arith.constant 3 : i32
        %add3A_116 = arith.addi %mul3A_71, %add3A_115 : i32
        %dma_wait3A_117 = arith.constant 0 : i32
        %dma_wait3A_118 = tpu.memref_slice %arg7[%add3A_116, %dma_wait3A_117] : memref<64x64xi32, #tpu.memory_space<vmem>> -> memref<1x64xi32, #tpu.memory_space<vmem>>
        %dma_wait3A_119 = tpu.memref_squeeze %dma_wait3A_118 : memref<1x64xi32, #tpu.memory_space<vmem>> -> memref<64xi32, #tpu.memory_space<vmem>>
        %dma_wait3A_120 = arith.constant 0 : i32
        %dma_wait3A_121 = arith.constant 0 : i32
        %dma_wait3A_122 = tpu.memref_slice %arg2[%dma_wait3A_120, %dma_wait3A_121] : memref<10000x128xf32, #tpu.memory_space<hbm>> -> memref<10000x128xf32, #tpu.memory_space<hbm>>
        tpu.wait_indirect_dma semaphore(%arg17 : memref<!tpu.dma_semaphore, #tpu.memory_space<semaphore_mem>>) src(%dma_wait3A_122 : memref<10000x128xf32, #tpu.memory_space<hbm>>) dst(%arg12 : memref<64x128xf32, #tpu.memory_space<vmem>>)
        "tpu.region"() ({
          %run_scoped3A = tpu.sem_alloc : memref<!tpu.dma_semaphore, #tpu.memory_space<semaphore_mem>>
          %dma_start3A_130 = arith.constant 0 : i32
          %dma_start3A_131 = tpu.memref_slice %arg8[%add3A_116, %dma_start3A_130] : memref<64x64xi32, #tpu.memory_space<vmem>> -> memref<1x64xi32, #tpu.memory_space<vmem>>
          %dma_start3A_132 = tpu.memref_squeeze %dma_start3A_131 : memref<1x64xi32, #tpu.memory_space<vmem>> -> memref<64xi32, #tpu.memory_space<vmem>>
          %dma_start3A_133 = arith.constant 0 : i32
          %dma_start3A_134 = arith.constant 0 : i32
          %dma_start3A_135 = tpu.memref_slice %arg13[%dma_start3A_133, %dma_start3A_134] : memref<10112x128xf32, #tpu.memory_space<vmem_shared>> -> memref<10112x128xf32, #tpu.memory_space<vmem_shared>>
          tpu.enqueue_indirect_dma source(%arg12 : memref<64x128xf32, #tpu.memory_space<vmem>>) target(%dma_start3A_135 : memref<10112x128xf32, #tpu.memory_space<vmem_shared>>) offsets(%dma_start3A_132 : memref<64xi32, #tpu.memory_space<vmem>>) semaphore(%run_scoped3A : memref<!tpu.dma_semaphore, #tpu.memory_space<semaphore_mem>>) {add = true}
          %dma_wait3A_136 = arith.constant 0 : i32
          %dma_wait3A_137 = tpu.memref_slice %arg8[%add3A_116, %dma_wait3A_136] : memref<64x64xi32, #tpu.memory_space<vmem>> -> memref<1x64xi32, #tpu.memory_space<vmem>>
          %dma_wait3A_138 = tpu.memref_squeeze %dma_wait3A_137 : memref<1x64xi32, #tpu.memory_space<vmem>> -> memref<64xi32, #tpu.memory_space<vmem>>
          %dma_wait3A_139 = arith.constant 0 : i32
          %dma_wait3A_140 = arith.constant 0 : i32
          %dma_wait3A_141 = tpu.memref_slice %arg13[%dma_wait3A_139, %dma_wait3A_140] : memref<10112x128xf32, #tpu.memory_space<vmem_shared>> -> memref<10112x128xf32, #tpu.memory_space<vmem_shared>>
          tpu.wait_indirect_dma semaphore(%run_scoped3A : memref<!tpu.dma_semaphore, #tpu.memory_space<semaphore_mem>>) src(%arg12 : memref<64x128xf32, #tpu.memory_space<vmem>>) dst(%dma_wait3A_141 : memref<10112x128xf32, #tpu.memory_space<vmem_shared>>)
          tpu.yield
        }) : () -> ()
        %add3A_123 = arith.constant 4 : i32
        %add3A_124 = arith.addi %add3A_116, %add3A_123 : i32
        %lt3A_125 = arith.constant 64 : i32
        %lt3A_126 = arith.cmpi slt, %add3A_124, %lt3A_125 : i32
        %convert_element_type3A_127 = arith.extui %lt3A_126 : i1 to i32
        %cond3A_128 = arith.constant 0 : i32
        %cond3A_129 = arith.cmpi ne, %convert_element_type3A_127, %cond3A_128 : i32
        scf.if %cond3A_129 {
          %add3A_130 = arith.constant 4 : i32
          %add3A_131 = arith.addi %add3A_116, %add3A_130 : i32
          %dma_start3A_132 = arith.constant 0 : i32
          %dma_start3A_133 = tpu.memref_slice %arg7[%add3A_131, %dma_start3A_132] : memref<64x64xi32, #tpu.memory_space<vmem>> -> memref<1x64xi32, #tpu.memory_space<vmem>>
          %dma_start3A_134 = tpu.memref_squeeze %dma_start3A_133 : memref<1x64xi32, #tpu.memory_space<vmem>> -> memref<64xi32, #tpu.memory_space<vmem>>
          %dma_start3A_135 = arith.constant 0 : i32
          %dma_start3A_136 = arith.constant 0 : i32
          %dma_start3A_137 = tpu.memref_slice %arg2[%dma_start3A_135, %dma_start3A_136] : memref<10000x128xf32, #tpu.memory_space<hbm>> -> memref<10000x128xf32, #tpu.memory_space<hbm>>
          tpu.enqueue_indirect_dma source(%dma_start3A_137 : memref<10000x128xf32, #tpu.memory_space<hbm>>) target(%arg12 : memref<64x128xf32, #tpu.memory_space<vmem>>) offsets(%dma_start3A_134 : memref<64xi32, #tpu.memory_space<vmem>>) semaphore(%arg17 : memref<!tpu.dma_semaphore, #tpu.memory_space<semaphore_mem>>)
        } else {
        }
      }
      %scan3A_68 = arith.constant 16 : i32
    } else {
    }
    %gt3A_18 = arith.constant 2 : i32
    %gt3A_19 = arith.cmpi sgt, %select_n3A, %gt3A_18 : i32
    %convert_element_type3A_20 = arith.extui %gt3A_19 : i1 to i32
    %cond3A_21 = arith.constant 0 : i32
    %cond3A_22 = arith.cmpi ne, %convert_element_type3A_20, %cond3A_21 : i32
    scf.if %cond3A_22 {
      %add3A_33 = arith.constant 128 : i32
      %add3A_34 = arith.addi %select_n3A_6, %add3A_33 : i32
      "tpu.region"() ({
        %run_scoped3A = tpu.sem_alloc : memref<!tpu.dma_semaphore, #tpu.memory_space<semaphore_mem>>
        %dma_start3A_69 = arith.constant 0 : i32
        %dma_start3A_70 = tpu.memref_slice %arg3[%add3A_34, %dma_start3A_69] : memref<5120x64xi32, #tpu.memory_space<hbm>> -> memref<64x64xi32, #tpu.memory_space<hbm>>
        %dma_start3A_71 = arith.constant 0 : i32
        %dma_start3A_72 = tpu.memref_slice %arg3[%add3A_34, %dma_start3A_71] : memref<5120x64xi32, #tpu.memory_space<hbm>> -> memref<64x64xi32, #tpu.memory_space<hbm>>
        tpu.enqueue_dma source(%dma_start3A_72 : memref<64x64xi32, #tpu.memory_space<hbm>>) target(%arg7 : memref<64x64xi32, #tpu.memory_space<vmem>>) target_semaphore(%run_scoped3A : memref<!tpu.dma_semaphore, #tpu.memory_space<semaphore_mem>>)
        %dma_wait3A = arith.constant 0 : i32
        %dma_wait3A_73 = tpu.memref_slice %arg3[%add3A_34, %dma_wait3A] : memref<5120x64xi32, #tpu.memory_space<hbm>> -> memref<64x64xi32, #tpu.memory_space<hbm>>
        %dma_wait3A_74 = arith.constant 0 : i32
        %dma_wait3A_75 = tpu.memref_slice %arg3[%add3A_34, %dma_wait3A_74] : memref<5120x64xi32, #tpu.memory_space<hbm>> -> memref<64x64xi32, #tpu.memory_space<hbm>>
        tpu.wait_dma2 semaphore(%run_scoped3A : memref<!tpu.dma_semaphore, #tpu.memory_space<semaphore_mem>>) src(%dma_wait3A_75 : memref<64x64xi32, #tpu.memory_space<hbm>>) dst(%arg7 : memref<64x64xi32, #tpu.memory_space<vmem>>)
        tpu.yield
      }) : () -> ()
      %add3A_35 = arith.constant 128 : i32
      %add3A_36 = arith.addi %select_n3A_6, %add3A_35 : i32
      "tpu.region"() ({
        %run_scoped3A = tpu.sem_alloc : memref<!tpu.dma_semaphore, #tpu.memory_space<semaphore_mem>>
        %dma_start3A_69 = arith.constant 0 : i32
        %dma_start3A_70 = tpu.memref_slice %arg4[%add3A_36, %dma_start3A_69] : memref<5120x64xi32, #tpu.memory_space<hbm>> -> memref<64x64xi32, #tpu.memory_space<hbm>>
        %dma_start3A_71 = arith.constant 0 : i32
        %dma_start3A_72 = tpu.memref_slice %arg4[%add3A_36, %dma_start3A_71] : memref<5120x64xi32, #tpu.memory_space<hbm>> -> memref<64x64xi32, #tpu.memory_space<hbm>>
        tpu.enqueue_dma source(%dma_start3A_72 : memref<64x64xi32, #tpu.memory_space<hbm>>) target(%arg8 : memref<64x64xi32, #tpu.memory_space<vmem>>) target_semaphore(%run_scoped3A : memref<!tpu.dma_semaphore, #tpu.memory_space<semaphore_mem>>)
        %dma_wait3A = arith.constant 0 : i32
        %dma_wait3A_73 = tpu.memref_slice %arg4[%add3A_36, %dma_wait3A] : memref<5120x64xi32, #tpu.memory_space<hbm>> -> memref<64x64xi32, #tpu.memory_space<hbm>>
        %dma_wait3A_74 = arith.constant 0 : i32
        %dma_wait3A_75 = tpu.memref_slice %arg4[%add3A_36, %dma_wait3A_74] : memref<5120x64xi32, #tpu.memory_space<hbm>> -> memref<64x64xi32, #tpu.memory_space<hbm>>
        tpu.wait_dma2 semaphore(%run_scoped3A : memref<!tpu.dma_semaphore, #tpu.memory_space<semaphore_mem>>) src(%dma_wait3A_75 : memref<64x64xi32, #tpu.memory_space<hbm>>) dst(%arg8 : memref<64x64xi32, #tpu.memory_space<vmem>>)
        tpu.yield
      }) : () -> ()
      %dma_start3A = arith.constant 0 : i32
      %dma_start3A_37 = arith.constant 0 : i32
      %dma_start3A_38 = tpu.memref_slice %arg7[%dma_start3A, %dma_start3A_37] : memref<64x64xi32, #tpu.memory_space<vmem>> -> memref<1x64xi32, #tpu.memory_space<vmem>>
      %dma_start3A_39 = tpu.memref_squeeze %dma_start3A_38 : memref<1x64xi32, #tpu.memory_space<vmem>> -> memref<64xi32, #tpu.memory_space<vmem>>
      %dma_start3A_40 = arith.constant 0 : i32
      %dma_start3A_41 = arith.constant 0 : i32
      %dma_start3A_42 = tpu.memref_slice %arg2[%dma_start3A_40, %dma_start3A_41] : memref<10000x128xf32, #tpu.memory_space<hbm>> -> memref<10000x128xf32, #tpu.memory_space<hbm>>
      tpu.enqueue_indirect_dma source(%dma_start3A_42 : memref<10000x128xf32, #tpu.memory_space<hbm>>) target(%arg9 : memref<64x128xf32, #tpu.memory_space<vmem>>) offsets(%dma_start3A_39 : memref<64xi32, #tpu.memory_space<vmem>>) semaphore(%arg14 : memref<!tpu.dma_semaphore, #tpu.memory_space<semaphore_mem>>)
      %dma_start3A_43 = arith.constant 1 : i32
      %dma_start3A_44 = arith.constant 0 : i32
      %dma_start3A_45 = tpu.memref_slice %arg7[%dma_start3A_43, %dma_start3A_44] : memref<64x64xi32, #tpu.memory_space<vmem>> -> memref<1x64xi32, #tpu.memory_space<vmem>>
      %dma_start3A_46 = tpu.memref_squeeze %dma_start3A_45 : memref<1x64xi32, #tpu.memory_space<vmem>> -> memref<64xi32, #tpu.memory_space<vmem>>
      %dma_start3A_47 = arith.constant 0 : i32
      %dma_start3A_48 = arith.constant 0 : i32
      %dma_start3A_49 = tpu.memref_slice %arg2[%dma_start3A_47, %dma_start3A_48] : memref<10000x128xf32, #tpu.memory_space<hbm>> -> memref<10000x128xf32, #tpu.memory_space<hbm>>
      tpu.enqueue_indirect_dma source(%dma_start3A_49 : memref<10000x128xf32, #tpu.memory_space<hbm>>) target(%arg10 : memref<64x128xf32, #tpu.memory_space<vmem>>) offsets(%dma_start3A_46 : memref<64xi32, #tpu.memory_space<vmem>>) semaphore(%arg15 : memref<!tpu.dma_semaphore, #tpu.memory_space<semaphore_mem>>)
      %dma_start3A_50 = arith.constant 2 : i32
      %dma_start3A_51 = arith.constant 0 : i32
      %dma_start3A_52 = tpu.memref_slice %arg7[%dma_start3A_50, %dma_start3A_51] : memref<64x64xi32, #tpu.memory_space<vmem>> -> memref<1x64xi32, #tpu.memory_space<vmem>>
      %dma_start3A_53 = tpu.memref_squeeze %dma_start3A_52 : memref<1x64xi32, #tpu.memory_space<vmem>> -> memref<64xi32, #tpu.memory_space<vmem>>
      %dma_start3A_54 = arith.constant 0 : i32
      %dma_start3A_55 = arith.constant 0 : i32
      %dma_start3A_56 = tpu.memref_slice %arg2[%dma_start3A_54, %dma_start3A_55] : memref<10000x128xf32, #tpu.memory_space<hbm>> -> memref<10000x128xf32, #tpu.memory_space<hbm>>
      tpu.enqueue_indirect_dma source(%dma_start3A_56 : memref<10000x128xf32, #tpu.memory_space<hbm>>) target(%arg11 : memref<64x128xf32, #tpu.memory_space<vmem>>) offsets(%dma_start3A_53 : memref<64xi32, #tpu.memory_space<vmem>>) semaphore(%arg16 : memref<!tpu.dma_semaphore, #tpu.memory_space<semaphore_mem>>)
      %dma_start3A_57 = arith.constant 3 : i32
      %dma_start3A_58 = arith.constant 0 : i32
      %dma_start3A_59 = tpu.memref_slice %arg7[%dma_start3A_57, %dma_start3A_58] : memref<64x64xi32, #tpu.memory_space<vmem>> -> memref<1x64xi32, #tpu.memory_space<vmem>>
      %dma_start3A_60 = tpu.memref_squeeze %dma_start3A_59 : memref<1x64xi32, #tpu.memory_space<vmem>> -> memref<64xi32, #tpu.memory_space<vmem>>
      %dma_start3A_61 = arith.constant 0 : i32
      %dma_start3A_62 = arith.constant 0 : i32
      %dma_start3A_63 = tpu.memref_slice %arg2[%dma_start3A_61, %dma_start3A_62] : memref<10000x128xf32, #tpu.memory_space<hbm>> -> memref<10000x128xf32, #tpu.memory_space<hbm>>
      tpu.enqueue_indirect_dma source(%dma_start3A_63 : memref<10000x128xf32, #tpu.memory_space<hbm>>) target(%arg12 : memref<64x128xf32, #tpu.memory_space<vmem>>) offsets(%dma_start3A_60 : memref<64xi32, #tpu.memory_space<vmem>>) semaphore(%arg17 : memref<!tpu.dma_semaphore, #tpu.memory_space<semaphore_mem>>)
      %scan3A = arith.constant 0 : i32
      %scan3A_64 = arith.constant 0 : i32
      %scan3A_65 = arith.constant 16 : i32
      %scan3A_66 = arith.addi %scan3A_64, %scan3A_65 : i32
      %scan3A_67 = arith.constant 1 : i32
      scf.for %scan3A_69 = %scan3A_64 to %scan3A_66 step %scan3A_67  : i32 {
        %mul3A_70 = arith.constant 4 : i32
        %mul3A_71 = arith.muli %mul3A_70, %scan3A_69 : i32
        %add3A_72 = arith.constant 0 : i32
        %add3A_73 = arith.addi %mul3A_71, %add3A_72 : i32
        %dma_wait3A = arith.constant 0 : i32
        %dma_wait3A_74 = tpu.memref_slice %arg7[%add3A_73, %dma_wait3A] : memref<64x64xi32, #tpu.memory_space<vmem>> -> memref<1x64xi32, #tpu.memory_space<vmem>>
        %dma_wait3A_75 = tpu.memref_squeeze %dma_wait3A_74 : memref<1x64xi32, #tpu.memory_space<vmem>> -> memref<64xi32, #tpu.memory_space<vmem>>
        %dma_wait3A_76 = arith.constant 0 : i32
        %dma_wait3A_77 = arith.constant 0 : i32
        %dma_wait3A_78 = tpu.memref_slice %arg2[%dma_wait3A_76, %dma_wait3A_77] : memref<10000x128xf32, #tpu.memory_space<hbm>> -> memref<10000x128xf32, #tpu.memory_space<hbm>>
        tpu.wait_indirect_dma semaphore(%arg14 : memref<!tpu.dma_semaphore, #tpu.memory_space<semaphore_mem>>) src(%dma_wait3A_78 : memref<10000x128xf32, #tpu.memory_space<hbm>>) dst(%arg9 : memref<64x128xf32, #tpu.memory_space<vmem>>)
        "tpu.region"() ({
          %run_scoped3A = tpu.sem_alloc : memref<!tpu.dma_semaphore, #tpu.memory_space<semaphore_mem>>
          %dma_start3A_130 = arith.constant 0 : i32
          %dma_start3A_131 = tpu.memref_slice %arg8[%add3A_73, %dma_start3A_130] : memref<64x64xi32, #tpu.memory_space<vmem>> -> memref<1x64xi32, #tpu.memory_space<vmem>>
          %dma_start3A_132 = tpu.memref_squeeze %dma_start3A_131 : memref<1x64xi32, #tpu.memory_space<vmem>> -> memref<64xi32, #tpu.memory_space<vmem>>
          %dma_start3A_133 = arith.constant 0 : i32
          %dma_start3A_134 = arith.constant 0 : i32
          %dma_start3A_135 = tpu.memref_slice %arg13[%dma_start3A_133, %dma_start3A_134] : memref<10112x128xf32, #tpu.memory_space<vmem_shared>> -> memref<10112x128xf32, #tpu.memory_space<vmem_shared>>
          tpu.enqueue_indirect_dma source(%arg9 : memref<64x128xf32, #tpu.memory_space<vmem>>) target(%dma_start3A_135 : memref<10112x128xf32, #tpu.memory_space<vmem_shared>>) offsets(%dma_start3A_132 : memref<64xi32, #tpu.memory_space<vmem>>) semaphore(%run_scoped3A : memref<!tpu.dma_semaphore, #tpu.memory_space<semaphore_mem>>) {add = true}
          %dma_wait3A_136 = arith.constant 0 : i32
          %dma_wait3A_137 = tpu.memref_slice %arg8[%add3A_73, %dma_wait3A_136] : memref<64x64xi32, #tpu.memory_space<vmem>> -> memref<1x64xi32, #tpu.memory_space<vmem>>
          %dma_wait3A_138 = tpu.memref_squeeze %dma_wait3A_137 : memref<1x64xi32, #tpu.memory_space<vmem>> -> memref<64xi32, #tpu.memory_space<vmem>>
          %dma_wait3A_139 = arith.constant 0 : i32
          %dma_wait3A_140 = arith.constant 0 : i32
          %dma_wait3A_141 = tpu.memref_slice %arg13[%dma_wait3A_139, %dma_wait3A_140] : memref<10112x128xf32, #tpu.memory_space<vmem_shared>> -> memref<10112x128xf32, #tpu.memory_space<vmem_shared>>
          tpu.wait_indirect_dma semaphore(%run_scoped3A : memref<!tpu.dma_semaphore, #tpu.memory_space<semaphore_mem>>) src(%arg9 : memref<64x128xf32, #tpu.memory_space<vmem>>) dst(%dma_wait3A_141 : memref<10112x128xf32, #tpu.memory_space<vmem_shared>>)
          tpu.yield
        }) : () -> ()
        %add3A_79 = arith.constant 4 : i32
        %add3A_80 = arith.addi %add3A_73, %add3A_79 : i32
        %lt3A = arith.constant 64 : i32
        %lt3A_81 = arith.cmpi slt, %add3A_80, %lt3A : i32
        %convert_element_type3A_82 = arith.extui %lt3A_81 : i1 to i32
        %cond3A_83 = arith.constant 0 : i32
        %cond3A_84 = arith.cmpi ne, %convert_element_type3A_82, %cond3A_83 : i32
        scf.if %cond3A_84 {
          %add3A_130 = arith.constant 4 : i32
          %add3A_131 = arith.addi %add3A_73, %add3A_130 : i32
          %dma_start3A_132 = arith.constant 0 : i32
          %dma_start3A_133 = tpu.memref_slice %arg7[%add3A_131, %dma_start3A_132] : memref<64x64xi32, #tpu.memory_space<vmem>> -> memref<1x64xi32, #tpu.memory_space<vmem>>
          %dma_start3A_134 = tpu.memref_squeeze %dma_start3A_133 : memref<1x64xi32, #tpu.memory_space<vmem>> -> memref<64xi32, #tpu.memory_space<vmem>>
          %dma_start3A_135 = arith.constant 0 : i32
          %dma_start3A_136 = arith.constant 0 : i32
          %dma_start3A_137 = tpu.memref_slice %arg2[%dma_start3A_135, %dma_start3A_136] : memref<10000x128xf32, #tpu.memory_space<hbm>> -> memref<10000x128xf32, #tpu.memory_space<hbm>>
          tpu.enqueue_indirect_dma source(%dma_start3A_137 : memref<10000x128xf32, #tpu.memory_space<hbm>>) target(%arg9 : memref<64x128xf32, #tpu.memory_space<vmem>>) offsets(%dma_start3A_134 : memref<64xi32, #tpu.memory_space<vmem>>) semaphore(%arg14 : memref<!tpu.dma_semaphore, #tpu.memory_space<semaphore_mem>>)
        } else {
        }
        %add3A_85 = arith.constant 1 : i32
        %add3A_86 = arith.addi %mul3A_71, %add3A_85 : i32
        %dma_wait3A_87 = arith.constant 0 : i32
        %dma_wait3A_88 = tpu.memref_slice %arg7[%add3A_86, %dma_wait3A_87] : memref<64x64xi32, #tpu.memory_space<vmem>> -> memref<1x64xi32, #tpu.memory_space<vmem>>
        %dma_wait3A_89 = tpu.memref_squeeze %dma_wait3A_88 : memref<1x64xi32, #tpu.memory_space<vmem>> -> memref<64xi32, #tpu.memory_space<vmem>>
        %dma_wait3A_90 = arith.constant 0 : i32
        %dma_wait3A_91 = arith.constant 0 : i32
        %dma_wait3A_92 = tpu.memref_slice %arg2[%dma_wait3A_90, %dma_wait3A_91] : memref<10000x128xf32, #tpu.memory_space<hbm>> -> memref<10000x128xf32, #tpu.memory_space<hbm>>
        tpu.wait_indirect_dma semaphore(%arg15 : memref<!tpu.dma_semaphore, #tpu.memory_space<semaphore_mem>>) src(%dma_wait3A_92 : memref<10000x128xf32, #tpu.memory_space<hbm>>) dst(%arg10 : memref<64x128xf32, #tpu.memory_space<vmem>>)
        "tpu.region"() ({
          %run_scoped3A = tpu.sem_alloc : memref<!tpu.dma_semaphore, #tpu.memory_space<semaphore_mem>>
          %dma_start3A_130 = arith.constant 0 : i32
          %dma_start3A_131 = tpu.memref_slice %arg8[%add3A_86, %dma_start3A_130] : memref<64x64xi32, #tpu.memory_space<vmem>> -> memref<1x64xi32, #tpu.memory_space<vmem>>
          %dma_start3A_132 = tpu.memref_squeeze %dma_start3A_131 : memref<1x64xi32, #tpu.memory_space<vmem>> -> memref<64xi32, #tpu.memory_space<vmem>>
          %dma_start3A_133 = arith.constant 0 : i32
          %dma_start3A_134 = arith.constant 0 : i32
          %dma_start3A_135 = tpu.memref_slice %arg13[%dma_start3A_133, %dma_start3A_134] : memref<10112x128xf32, #tpu.memory_space<vmem_shared>> -> memref<10112x128xf32, #tpu.memory_space<vmem_shared>>
          tpu.enqueue_indirect_dma source(%arg10 : memref<64x128xf32, #tpu.memory_space<vmem>>) target(%dma_start3A_135 : memref<10112x128xf32, #tpu.memory_space<vmem_shared>>) offsets(%dma_start3A_132 : memref<64xi32, #tpu.memory_space<vmem>>) semaphore(%run_scoped3A : memref<!tpu.dma_semaphore, #tpu.memory_space<semaphore_mem>>) {add = true}
          %dma_wait3A_136 = arith.constant 0 : i32
          %dma_wait3A_137 = tpu.memref_slice %arg8[%add3A_86, %dma_wait3A_136] : memref<64x64xi32, #tpu.memory_space<vmem>> -> memref<1x64xi32, #tpu.memory_space<vmem>>
          %dma_wait3A_138 = tpu.memref_squeeze %dma_wait3A_137 : memref<1x64xi32, #tpu.memory_space<vmem>> -> memref<64xi32, #tpu.memory_space<vmem>>
          %dma_wait3A_139 = arith.constant 0 : i32
          %dma_wait3A_140 = arith.constant 0 : i32
          %dma_wait3A_141 = tpu.memref_slice %arg13[%dma_wait3A_139, %dma_wait3A_140] : memref<10112x128xf32, #tpu.memory_space<vmem_shared>> -> memref<10112x128xf32, #tpu.memory_space<vmem_shared>>
          tpu.wait_indirect_dma semaphore(%run_scoped3A : memref<!tpu.dma_semaphore, #tpu.memory_space<semaphore_mem>>) src(%arg10 : memref<64x128xf32, #tpu.memory_space<vmem>>) dst(%dma_wait3A_141 : memref<10112x128xf32, #tpu.memory_space<vmem_shared>>)
          tpu.yield
        }) : () -> ()
        %add3A_93 = arith.constant 4 : i32
        %add3A_94 = arith.addi %add3A_86, %add3A_93 : i32
        %lt3A_95 = arith.constant 64 : i32
        %lt3A_96 = arith.cmpi slt, %add3A_94, %lt3A_95 : i32
        %convert_element_type3A_97 = arith.extui %lt3A_96 : i1 to i32
        %cond3A_98 = arith.constant 0 : i32
        %cond3A_99 = arith.cmpi ne, %convert_element_type3A_97, %cond3A_98 : i32
        scf.if %cond3A_99 {
          %add3A_130 = arith.constant 4 : i32
          %add3A_131 = arith.addi %add3A_86, %add3A_130 : i32
          %dma_start3A_132 = arith.constant 0 : i32
          %dma_start3A_133 = tpu.memref_slice %arg7[%add3A_131, %dma_start3A_132] : memref<64x64xi32, #tpu.memory_space<vmem>> -> memref<1x64xi32, #tpu.memory_space<vmem>>
          %dma_start3A_134 = tpu.memref_squeeze %dma_start3A_133 : memref<1x64xi32, #tpu.memory_space<vmem>> -> memref<64xi32, #tpu.memory_space<vmem>>
          %dma_start3A_135 = arith.constant 0 : i32
          %dma_start3A_136 = arith.constant 0 : i32
          %dma_start3A_137 = tpu.memref_slice %arg2[%dma_start3A_135, %dma_start3A_136] : memref<10000x128xf32, #tpu.memory_space<hbm>> -> memref<10000x128xf32, #tpu.memory_space<hbm>>
          tpu.enqueue_indirect_dma source(%dma_start3A_137 : memref<10000x128xf32, #tpu.memory_space<hbm>>) target(%arg10 : memref<64x128xf32, #tpu.memory_space<vmem>>) offsets(%dma_start3A_134 : memref<64xi32, #tpu.memory_space<vmem>>) semaphore(%arg15 : memref<!tpu.dma_semaphore, #tpu.memory_space<semaphore_mem>>)
        } else {
        }
        %add3A_100 = arith.constant 2 : i32
        %add3A_101 = arith.addi %mul3A_71, %add3A_100 : i32
        %dma_wait3A_102 = arith.constant 0 : i32
        %dma_wait3A_103 = tpu.memref_slice %arg7[%add3A_101, %dma_wait3A_102] : memref<64x64xi32, #tpu.memory_space<vmem>> -> memref<1x64xi32, #tpu.memory_space<vmem>>
        %dma_wait3A_104 = tpu.memref_squeeze %dma_wait3A_103 : memref<1x64xi32, #tpu.memory_space<vmem>> -> memref<64xi32, #tpu.memory_space<vmem>>
        %dma_wait3A_105 = arith.constant 0 : i32
        %dma_wait3A_106 = arith.constant 0 : i32
        %dma_wait3A_107 = tpu.memref_slice %arg2[%dma_wait3A_105, %dma_wait3A_106] : memref<10000x128xf32, #tpu.memory_space<hbm>> -> memref<10000x128xf32, #tpu.memory_space<hbm>>
        tpu.wait_indirect_dma semaphore(%arg16 : memref<!tpu.dma_semaphore, #tpu.memory_space<semaphore_mem>>) src(%dma_wait3A_107 : memref<10000x128xf32, #tpu.memory_space<hbm>>) dst(%arg11 : memref<64x128xf32, #tpu.memory_space<vmem>>)
        "tpu.region"() ({
          %run_scoped3A = tpu.sem_alloc : memref<!tpu.dma_semaphore, #tpu.memory_space<semaphore_mem>>
          %dma_start3A_130 = arith.constant 0 : i32
          %dma_start3A_131 = tpu.memref_slice %arg8[%add3A_101, %dma_start3A_130] : memref<64x64xi32, #tpu.memory_space<vmem>> -> memref<1x64xi32, #tpu.memory_space<vmem>>
          %dma_start3A_132 = tpu.memref_squeeze %dma_start3A_131 : memref<1x64xi32, #tpu.memory_space<vmem>> -> memref<64xi32, #tpu.memory_space<vmem>>
          %dma_start3A_133 = arith.constant 0 : i32
          %dma_start3A_134 = arith.constant 0 : i32
          %dma_start3A_135 = tpu.memref_slice %arg13[%dma_start3A_133, %dma_start3A_134] : memref<10112x128xf32, #tpu.memory_space<vmem_shared>> -> memref<10112x128xf32, #tpu.memory_space<vmem_shared>>
          tpu.enqueue_indirect_dma source(%arg11 : memref<64x128xf32, #tpu.memory_space<vmem>>) target(%dma_start3A_135 : memref<10112x128xf32, #tpu.memory_space<vmem_shared>>) offsets(%dma_start3A_132 : memref<64xi32, #tpu.memory_space<vmem>>) semaphore(%run_scoped3A : memref<!tpu.dma_semaphore, #tpu.memory_space<semaphore_mem>>) {add = true}
          %dma_wait3A_136 = arith.constant 0 : i32
          %dma_wait3A_137 = tpu.memref_slice %arg8[%add3A_101, %dma_wait3A_136] : memref<64x64xi32, #tpu.memory_space<vmem>> -> memref<1x64xi32, #tpu.memory_space<vmem>>
          %dma_wait3A_138 = tpu.memref_squeeze %dma_wait3A_137 : memref<1x64xi32, #tpu.memory_space<vmem>> -> memref<64xi32, #tpu.memory_space<vmem>>
          %dma_wait3A_139 = arith.constant 0 : i32
          %dma_wait3A_140 = arith.constant 0 : i32
          %dma_wait3A_141 = tpu.memref_slice %arg13[%dma_wait3A_139, %dma_wait3A_140] : memref<10112x128xf32, #tpu.memory_space<vmem_shared>> -> memref<10112x128xf32, #tpu.memory_space<vmem_shared>>
          tpu.wait_indirect_dma semaphore(%run_scoped3A : memref<!tpu.dma_semaphore, #tpu.memory_space<semaphore_mem>>) src(%arg11 : memref<64x128xf32, #tpu.memory_space<vmem>>) dst(%dma_wait3A_141 : memref<10112x128xf32, #tpu.memory_space<vmem_shared>>)
          tpu.yield
        }) : () -> ()
        %add3A_108 = arith.constant 4 : i32
        %add3A_109 = arith.addi %add3A_101, %add3A_108 : i32
        %lt3A_110 = arith.constant 64 : i32
        %lt3A_111 = arith.cmpi slt, %add3A_109, %lt3A_110 : i32
        %convert_element_type3A_112 = arith.extui %lt3A_111 : i1 to i32
        %cond3A_113 = arith.constant 0 : i32
        %cond3A_114 = arith.cmpi ne, %convert_element_type3A_112, %cond3A_113 : i32
        scf.if %cond3A_114 {
          %add3A_130 = arith.constant 4 : i32
          %add3A_131 = arith.addi %add3A_101, %add3A_130 : i32
          %dma_start3A_132 = arith.constant 0 : i32
          %dma_start3A_133 = tpu.memref_slice %arg7[%add3A_131, %dma_start3A_132] : memref<64x64xi32, #tpu.memory_space<vmem>> -> memref<1x64xi32, #tpu.memory_space<vmem>>
          %dma_start3A_134 = tpu.memref_squeeze %dma_start3A_133 : memref<1x64xi32, #tpu.memory_space<vmem>> -> memref<64xi32, #tpu.memory_space<vmem>>
          %dma_start3A_135 = arith.constant 0 : i32
          %dma_start3A_136 = arith.constant 0 : i32
          %dma_start3A_137 = tpu.memref_slice %arg2[%dma_start3A_135, %dma_start3A_136] : memref<10000x128xf32, #tpu.memory_space<hbm>> -> memref<10000x128xf32, #tpu.memory_space<hbm>>
          tpu.enqueue_indirect_dma source(%dma_start3A_137 : memref<10000x128xf32, #tpu.memory_space<hbm>>) target(%arg11 : memref<64x128xf32, #tpu.memory_space<vmem>>) offsets(%dma_start3A_134 : memref<64xi32, #tpu.memory_space<vmem>>) semaphore(%arg16 : memref<!tpu.dma_semaphore, #tpu.memory_space<semaphore_mem>>)
        } else {
        }
        %add3A_115 = arith.constant 3 : i32
        %add3A_116 = arith.addi %mul3A_71, %add3A_115 : i32
        %dma_wait3A_117 = arith.constant 0 : i32
        %dma_wait3A_118 = tpu.memref_slice %arg7[%add3A_116, %dma_wait3A_117] : memref<64x64xi32, #tpu.memory_space<vmem>> -> memref<1x64xi32, #tpu.memory_space<vmem>>
        %dma_wait3A_119 = tpu.memref_squeeze %dma_wait3A_118 : memref<1x64xi32, #tpu.memory_space<vmem>> -> memref<64xi32, #tpu.memory_space<vmem>>
        %dma_wait3A_120 = arith.constant 0 : i32
        %dma_wait3A_121 = arith.constant 0 : i32
        %dma_wait3A_122 = tpu.memref_slice %arg2[%dma_wait3A_120, %dma_wait3A_121] : memref<10000x128xf32, #tpu.memory_space<hbm>> -> memref<10000x128xf32, #tpu.memory_space<hbm>>
        tpu.wait_indirect_dma semaphore(%arg17 : memref<!tpu.dma_semaphore, #tpu.memory_space<semaphore_mem>>) src(%dma_wait3A_122 : memref<10000x128xf32, #tpu.memory_space<hbm>>) dst(%arg12 : memref<64x128xf32, #tpu.memory_space<vmem>>)
        "tpu.region"() ({
          %run_scoped3A = tpu.sem_alloc : memref<!tpu.dma_semaphore, #tpu.memory_space<semaphore_mem>>
          %dma_start3A_130 = arith.constant 0 : i32
          %dma_start3A_131 = tpu.memref_slice %arg8[%add3A_116, %dma_start3A_130] : memref<64x64xi32, #tpu.memory_space<vmem>> -> memref<1x64xi32, #tpu.memory_space<vmem>>
          %dma_start3A_132 = tpu.memref_squeeze %dma_start3A_131 : memref<1x64xi32, #tpu.memory_space<vmem>> -> memref<64xi32, #tpu.memory_space<vmem>>
          %dma_start3A_133 = arith.constant 0 : i32
          %dma_start3A_134 = arith.constant 0 : i32
          %dma_start3A_135 = tpu.memref_slice %arg13[%dma_start3A_133, %dma_start3A_134] : memref<10112x128xf32, #tpu.memory_space<vmem_shared>> -> memref<10112x128xf32, #tpu.memory_space<vmem_shared>>
          tpu.enqueue_indirect_dma source(%arg12 : memref<64x128xf32, #tpu.memory_space<vmem>>) target(%dma_start3A_135 : memref<10112x128xf32, #tpu.memory_space<vmem_shared>>) offsets(%dma_start3A_132 : memref<64xi32, #tpu.memory_space<vmem>>) semaphore(%run_scoped3A : memref<!tpu.dma_semaphore, #tpu.memory_space<semaphore_mem>>) {add = true}
          %dma_wait3A_136 = arith.constant 0 : i32
          %dma_wait3A_137 = tpu.memref_slice %arg8[%add3A_116, %dma_wait3A_136] : memref<64x64xi32, #tpu.memory_space<vmem>> -> memref<1x64xi32, #tpu.memory_space<vmem>>
          %dma_wait3A_138 = tpu.memref_squeeze %dma_wait3A_137 : memref<1x64xi32, #tpu.memory_space<vmem>> -> memref<64xi32, #tpu.memory_space<vmem>>
          %dma_wait3A_139 = arith.constant 0 : i32
          %dma_wait3A_140 = arith.constant 0 : i32
          %dma_wait3A_141 = tpu.memref_slice %arg13[%dma_wait3A_139, %dma_wait3A_140] : memref<10112x128xf32, #tpu.memory_space<vmem_shared>> -> memref<10112x128xf32, #tpu.memory_space<vmem_shared>>
          tpu.wait_indirect_dma semaphore(%run_scoped3A : memref<!tpu.dma_semaphore, #tpu.memory_space<semaphore_mem>>) src(%arg12 : memref<64x128xf32, #tpu.memory_space<vmem>>) dst(%dma_wait3A_141 : memref<10112x128xf32, #tpu.memory_space<vmem_shared>>)
          tpu.yield
        }) : () -> ()
        %add3A_123 = arith.constant 4 : i32
        %add3A_124 = arith.addi %add3A_116, %add3A_123 : i32
        %lt3A_125 = arith.constant 64 : i32
        %lt3A_126 = arith.cmpi slt, %add3A_124, %lt3A_125 : i32
        %convert_element_type3A_127 = arith.extui %lt3A_126 : i1 to i32
        %cond3A_128 = arith.constant 0 : i32
        %cond3A_129 = arith.cmpi ne, %convert_element_type3A_127, %cond3A_128 : i32
        scf.if %cond3A_129 {
          %add3A_130 = arith.constant 4 : i32
          %add3A_131 = arith.addi %add3A_116, %add3A_130 : i32
          %dma_start3A_132 = arith.constant 0 : i32
          %dma_start3A_133 = tpu.memref_slice %arg7[%add3A_131, %dma_start3A_132] : memref<64x64xi32, #tpu.memory_space<vmem>> -> memref<1x64xi32, #tpu.memory_space<vmem>>
          %dma_start3A_134 = tpu.memref_squeeze %dma_start3A_133 : memref<1x64xi32, #tpu.memory_space<vmem>> -> memref<64xi32, #tpu.memory_space<vmem>>
          %dma_start3A_135 = arith.constant 0 : i32
          %dma_start3A_136 = arith.constant 0 : i32
          %dma_start3A_137 = tpu.memref_slice %arg2[%dma_start3A_135, %dma_start3A_136] : memref<10000x128xf32, #tpu.memory_space<hbm>> -> memref<10000x128xf32, #tpu.memory_space<hbm>>
          tpu.enqueue_indirect_dma source(%dma_start3A_137 : memref<10000x128xf32, #tpu.memory_space<hbm>>) target(%arg12 : memref<64x128xf32, #tpu.memory_space<vmem>>) offsets(%dma_start3A_134 : memref<64xi32, #tpu.memory_space<vmem>>) semaphore(%arg17 : memref<!tpu.dma_semaphore, #tpu.memory_space<semaphore_mem>>)
        } else {
        }
      }
      %scan3A_68 = arith.constant 16 : i32
    } else {
    }
    %gt3A_23 = arith.constant 3 : i32
    %gt3A_24 = arith.cmpi sgt, %select_n3A, %gt3A_23 : i32
    %convert_element_type3A_25 = arith.extui %gt3A_24 : i1 to i32
    %cond3A_26 = arith.constant 0 : i32
    %cond3A_27 = arith.cmpi ne, %convert_element_type3A_25, %cond3A_26 : i32
    scf.if %cond3A_27 {
      %add3A_33 = arith.constant 192 : i32
      %add3A_34 = arith.addi %select_n3A_6, %add3A_33 : i32
      "tpu.region"() ({
        %run_scoped3A = tpu.sem_alloc : memref<!tpu.dma_semaphore, #tpu.memory_space<semaphore_mem>>
        %dma_start3A_69 = arith.constant 0 : i32
        %dma_start3A_70 = tpu.memref_slice %arg3[%add3A_34, %dma_start3A_69] : memref<5120x64xi32, #tpu.memory_space<hbm>> -> memref<64x64xi32, #tpu.memory_space<hbm>>
        %dma_start3A_71 = arith.constant 0 : i32
        %dma_start3A_72 = tpu.memref_slice %arg3[%add3A_34, %dma_start3A_71] : memref<5120x64xi32, #tpu.memory_space<hbm>> -> memref<64x64xi32, #tpu.memory_space<hbm>>
        tpu.enqueue_dma source(%dma_start3A_72 : memref<64x64xi32, #tpu.memory_space<hbm>>) target(%arg7 : memref<64x64xi32, #tpu.memory_space<vmem>>) target_semaphore(%run_scoped3A : memref<!tpu.dma_semaphore, #tpu.memory_space<semaphore_mem>>)
        %dma_wait3A = arith.constant 0 : i32
        %dma_wait3A_73 = tpu.memref_slice %arg3[%add3A_34, %dma_wait3A] : memref<5120x64xi32, #tpu.memory_space<hbm>> -> memref<64x64xi32, #tpu.memory_space<hbm>>
        %dma_wait3A_74 = arith.constant 0 : i32
        %dma_wait3A_75 = tpu.memref_slice %arg3[%add3A_34, %dma_wait3A_74] : memref<5120x64xi32, #tpu.memory_space<hbm>> -> memref<64x64xi32, #tpu.memory_space<hbm>>
        tpu.wait_dma2 semaphore(%run_scoped3A : memref<!tpu.dma_semaphore, #tpu.memory_space<semaphore_mem>>) src(%dma_wait3A_75 : memref<64x64xi32, #tpu.memory_space<hbm>>) dst(%arg7 : memref<64x64xi32, #tpu.memory_space<vmem>>)
        tpu.yield
      }) : () -> ()
      %add3A_35 = arith.constant 192 : i32
      %add3A_36 = arith.addi %select_n3A_6, %add3A_35 : i32
      "tpu.region"() ({
        %run_scoped3A = tpu.sem_alloc : memref<!tpu.dma_semaphore, #tpu.memory_space<semaphore_mem>>
        %dma_start3A_69 = arith.constant 0 : i32
        %dma_start3A_70 = tpu.memref_slice %arg4[%add3A_36, %dma_start3A_69] : memref<5120x64xi32, #tpu.memory_space<hbm>> -> memref<64x64xi32, #tpu.memory_space<hbm>>
        %dma_start3A_71 = arith.constant 0 : i32
        %dma_start3A_72 = tpu.memref_slice %arg4[%add3A_36, %dma_start3A_71] : memref<5120x64xi32, #tpu.memory_space<hbm>> -> memref<64x64xi32, #tpu.memory_space<hbm>>
        tpu.enqueue_dma source(%dma_start3A_72 : memref<64x64xi32, #tpu.memory_space<hbm>>) target(%arg8 : memref<64x64xi32, #tpu.memory_space<vmem>>) target_semaphore(%run_scoped3A : memref<!tpu.dma_semaphore, #tpu.memory_space<semaphore_mem>>)
        %dma_wait3A = arith.constant 0 : i32
        %dma_wait3A_73 = tpu.memref_slice %arg4[%add3A_36, %dma_wait3A] : memref<5120x64xi32, #tpu.memory_space<hbm>> -> memref<64x64xi32, #tpu.memory_space<hbm>>
        %dma_wait3A_74 = arith.constant 0 : i32
        %dma_wait3A_75 = tpu.memref_slice %arg4[%add3A_36, %dma_wait3A_74] : memref<5120x64xi32, #tpu.memory_space<hbm>> -> memref<64x64xi32, #tpu.memory_space<hbm>>
        tpu.wait_dma2 semaphore(%run_scoped3A : memref<!tpu.dma_semaphore, #tpu.memory_space<semaphore_mem>>) src(%dma_wait3A_75 : memref<64x64xi32, #tpu.memory_space<hbm>>) dst(%arg8 : memref<64x64xi32, #tpu.memory_space<vmem>>)
        tpu.yield
      }) : () -> ()
      %dma_start3A = arith.constant 0 : i32
      %dma_start3A_37 = arith.constant 0 : i32
      %dma_start3A_38 = tpu.memref_slice %arg7[%dma_start3A, %dma_start3A_37] : memref<64x64xi32, #tpu.memory_space<vmem>> -> memref<1x64xi32, #tpu.memory_space<vmem>>
      %dma_start3A_39 = tpu.memref_squeeze %dma_start3A_38 : memref<1x64xi32, #tpu.memory_space<vmem>> -> memref<64xi32, #tpu.memory_space<vmem>>
      %dma_start3A_40 = arith.constant 0 : i32
      %dma_start3A_41 = arith.constant 0 : i32
      %dma_start3A_42 = tpu.memref_slice %arg2[%dma_start3A_40, %dma_start3A_41] : memref<10000x128xf32, #tpu.memory_space<hbm>> -> memref<10000x128xf32, #tpu.memory_space<hbm>>
      tpu.enqueue_indirect_dma source(%dma_start3A_42 : memref<10000x128xf32, #tpu.memory_space<hbm>>) target(%arg9 : memref<64x128xf32, #tpu.memory_space<vmem>>) offsets(%dma_start3A_39 : memref<64xi32, #tpu.memory_space<vmem>>) semaphore(%arg14 : memref<!tpu.dma_semaphore, #tpu.memory_space<semaphore_mem>>)
      %dma_start3A_43 = arith.constant 1 : i32
      %dma_start3A_44 = arith.constant 0 : i32
      %dma_start3A_45 = tpu.memref_slice %arg7[%dma_start3A_43, %dma_start3A_44] : memref<64x64xi32, #tpu.memory_space<vmem>> -> memref<1x64xi32, #tpu.memory_space<vmem>>
      %dma_start3A_46 = tpu.memref_squeeze %dma_start3A_45 : memref<1x64xi32, #tpu.memory_space<vmem>> -> memref<64xi32, #tpu.memory_space<vmem>>
      %dma_start3A_47 = arith.constant 0 : i32
      %dma_start3A_48 = arith.constant 0 : i32
      %dma_start3A_49 = tpu.memref_slice %arg2[%dma_start3A_47, %dma_start3A_48] : memref<10000x128xf32, #tpu.memory_space<hbm>> -> memref<10000x128xf32, #tpu.memory_space<hbm>>
      tpu.enqueue_indirect_dma source(%dma_start3A_49 : memref<10000x128xf32, #tpu.memory_space<hbm>>) target(%arg10 : memref<64x128xf32, #tpu.memory_space<vmem>>) offsets(%dma_start3A_46 : memref<64xi32, #tpu.memory_space<vmem>>) semaphore(%arg15 : memref<!tpu.dma_semaphore, #tpu.memory_space<semaphore_mem>>)
      %dma_start3A_50 = arith.constant 2 : i32
      %dma_start3A_51 = arith.constant 0 : i32
      %dma_start3A_52 = tpu.memref_slice %arg7[%dma_start3A_50, %dma_start3A_51] : memref<64x64xi32, #tpu.memory_space<vmem>> -> memref<1x64xi32, #tpu.memory_space<vmem>>
      %dma_start3A_53 = tpu.memref_squeeze %dma_start3A_52 : memref<1x64xi32, #tpu.memory_space<vmem>> -> memref<64xi32, #tpu.memory_space<vmem>>
      %dma_start3A_54 = arith.constant 0 : i32
      %dma_start3A_55 = arith.constant 0 : i32
      %dma_start3A_56 = tpu.memref_slice %arg2[%dma_start3A_54, %dma_start3A_55] : memref<10000x128xf32, #tpu.memory_space<hbm>> -> memref<10000x128xf32, #tpu.memory_space<hbm>>
      tpu.enqueue_indirect_dma source(%dma_start3A_56 : memref<10000x128xf32, #tpu.memory_space<hbm>>) target(%arg11 : memref<64x128xf32, #tpu.memory_space<vmem>>) offsets(%dma_start3A_53 : memref<64xi32, #tpu.memory_space<vmem>>) semaphore(%arg16 : memref<!tpu.dma_semaphore, #tpu.memory_space<semaphore_mem>>)
      %dma_start3A_57 = arith.constant 3 : i32
      %dma_start3A_58 = arith.constant 0 : i32
      %dma_start3A_59 = tpu.memref_slice %arg7[%dma_start3A_57, %dma_start3A_58] : memref<64x64xi32, #tpu.memory_space<vmem>> -> memref<1x64xi32, #tpu.memory_space<vmem>>
      %dma_start3A_60 = tpu.memref_squeeze %dma_start3A_59 : memref<1x64xi32, #tpu.memory_space<vmem>> -> memref<64xi32, #tpu.memory_space<vmem>>
      %dma_start3A_61 = arith.constant 0 : i32
      %dma_start3A_62 = arith.constant 0 : i32
      %dma_start3A_63 = tpu.memref_slice %arg2[%dma_start3A_61, %dma_start3A_62] : memref<10000x128xf32, #tpu.memory_space<hbm>> -> memref<10000x128xf32, #tpu.memory_space<hbm>>
      tpu.enqueue_indirect_dma source(%dma_start3A_63 : memref<10000x128xf32, #tpu.memory_space<hbm>>) target(%arg12 : memref<64x128xf32, #tpu.memory_space<vmem>>) offsets(%dma_start3A_60 : memref<64xi32, #tpu.memory_space<vmem>>) semaphore(%arg17 : memref<!tpu.dma_semaphore, #tpu.memory_space<semaphore_mem>>)
      %scan3A = arith.constant 0 : i32
      %scan3A_64 = arith.constant 0 : i32
      %scan3A_65 = arith.constant 16 : i32
      %scan3A_66 = arith.addi %scan3A_64, %scan3A_65 : i32
      %scan3A_67 = arith.constant 1 : i32
      scf.for %scan3A_69 = %scan3A_64 to %scan3A_66 step %scan3A_67  : i32 {
        %mul3A_70 = arith.constant 4 : i32
        %mul3A_71 = arith.muli %mul3A_70, %scan3A_69 : i32
        %add3A_72 = arith.constant 0 : i32
        %add3A_73 = arith.addi %mul3A_71, %add3A_72 : i32
        %dma_wait3A = arith.constant 0 : i32
        %dma_wait3A_74 = tpu.memref_slice %arg7[%add3A_73, %dma_wait3A] : memref<64x64xi32, #tpu.memory_space<vmem>> -> memref<1x64xi32, #tpu.memory_space<vmem>>
        %dma_wait3A_75 = tpu.memref_squeeze %dma_wait3A_74 : memref<1x64xi32, #tpu.memory_space<vmem>> -> memref<64xi32, #tpu.memory_space<vmem>>
        %dma_wait3A_76 = arith.constant 0 : i32
        %dma_wait3A_77 = arith.constant 0 : i32
        %dma_wait3A_78 = tpu.memref_slice %arg2[%dma_wait3A_76, %dma_wait3A_77] : memref<10000x128xf32, #tpu.memory_space<hbm>> -> memref<10000x128xf32, #tpu.memory_space<hbm>>
        tpu.wait_indirect_dma semaphore(%arg14 : memref<!tpu.dma_semaphore, #tpu.memory_space<semaphore_mem>>) src(%dma_wait3A_78 : memref<10000x128xf32, #tpu.memory_space<hbm>>) dst(%arg9 : memref<64x128xf32, #tpu.memory_space<vmem>>)
        "tpu.region"() ({
          %run_scoped3A = tpu.sem_alloc : memref<!tpu.dma_semaphore, #tpu.memory_space<semaphore_mem>>
          %dma_start3A_130 = arith.constant 0 : i32
          %dma_start3A_131 = tpu.memref_slice %arg8[%add3A_73, %dma_start3A_130] : memref<64x64xi32, #tpu.memory_space<vmem>> -> memref<1x64xi32, #tpu.memory_space<vmem>>
          %dma_start3A_132 = tpu.memref_squeeze %dma_start3A_131 : memref<1x64xi32, #tpu.memory_space<vmem>> -> memref<64xi32, #tpu.memory_space<vmem>>
          %dma_start3A_133 = arith.constant 0 : i32
          %dma_start3A_134 = arith.constant 0 : i32
          %dma_start3A_135 = tpu.memref_slice %arg13[%dma_start3A_133, %dma_start3A_134] : memref<10112x128xf32, #tpu.memory_space<vmem_shared>> -> memref<10112x128xf32, #tpu.memory_space<vmem_shared>>
          tpu.enqueue_indirect_dma source(%arg9 : memref<64x128xf32, #tpu.memory_space<vmem>>) target(%dma_start3A_135 : memref<10112x128xf32, #tpu.memory_space<vmem_shared>>) offsets(%dma_start3A_132 : memref<64xi32, #tpu.memory_space<vmem>>) semaphore(%run_scoped3A : memref<!tpu.dma_semaphore, #tpu.memory_space<semaphore_mem>>) {add = true}
          %dma_wait3A_136 = arith.constant 0 : i32
          %dma_wait3A_137 = tpu.memref_slice %arg8[%add3A_73, %dma_wait3A_136] : memref<64x64xi32, #tpu.memory_space<vmem>> -> memref<1x64xi32, #tpu.memory_space<vmem>>
          %dma_wait3A_138 = tpu.memref_squeeze %dma_wait3A_137 : memref<1x64xi32, #tpu.memory_space<vmem>> -> memref<64xi32, #tpu.memory_space<vmem>>
          %dma_wait3A_139 = arith.constant 0 : i32
          %dma_wait3A_140 = arith.constant 0 : i32
          %dma_wait3A_141 = tpu.memref_slice %arg13[%dma_wait3A_139, %dma_wait3A_140] : memref<10112x128xf32, #tpu.memory_space<vmem_shared>> -> memref<10112x128xf32, #tpu.memory_space<vmem_shared>>
          tpu.wait_indirect_dma semaphore(%run_scoped3A : memref<!tpu.dma_semaphore, #tpu.memory_space<semaphore_mem>>) src(%arg9 : memref<64x128xf32, #tpu.memory_space<vmem>>) dst(%dma_wait3A_141 : memref<10112x128xf32, #tpu.memory_space<vmem_shared>>)
          tpu.yield
        }) : () -> ()
        %add3A_79 = arith.constant 4 : i32
        %add3A_80 = arith.addi %add3A_73, %add3A_79 : i32
        %lt3A = arith.constant 64 : i32
        %lt3A_81 = arith.cmpi slt, %add3A_80, %lt3A : i32
        %convert_element_type3A_82 = arith.extui %lt3A_81 : i1 to i32
        %cond3A_83 = arith.constant 0 : i32
        %cond3A_84 = arith.cmpi ne, %convert_element_type3A_82, %cond3A_83 : i32
        scf.if %cond3A_84 {
          %add3A_130 = arith.constant 4 : i32
          %add3A_131 = arith.addi %add3A_73, %add3A_130 : i32
          %dma_start3A_132 = arith.constant 0 : i32
          %dma_start3A_133 = tpu.memref_slice %arg7[%add3A_131, %dma_start3A_132] : memref<64x64xi32, #tpu.memory_space<vmem>> -> memref<1x64xi32, #tpu.memory_space<vmem>>
          %dma_start3A_134 = tpu.memref_squeeze %dma_start3A_133 : memref<1x64xi32, #tpu.memory_space<vmem>> -> memref<64xi32, #tpu.memory_space<vmem>>
          %dma_start3A_135 = arith.constant 0 : i32
          %dma_start3A_136 = arith.constant 0 : i32
          %dma_start3A_137 = tpu.memref_slice %arg2[%dma_start3A_135, %dma_start3A_136] : memref<10000x128xf32, #tpu.memory_space<hbm>> -> memref<10000x128xf32, #tpu.memory_space<hbm>>
          tpu.enqueue_indirect_dma source(%dma_start3A_137 : memref<10000x128xf32, #tpu.memory_space<hbm>>) target(%arg9 : memref<64x128xf32, #tpu.memory_space<vmem>>) offsets(%dma_start3A_134 : memref<64xi32, #tpu.memory_space<vmem>>) semaphore(%arg14 : memref<!tpu.dma_semaphore, #tpu.memory_space<semaphore_mem>>)
        } else {
        }
        %add3A_85 = arith.constant 1 : i32
        %add3A_86 = arith.addi %mul3A_71, %add3A_85 : i32
        %dma_wait3A_87 = arith.constant 0 : i32
        %dma_wait3A_88 = tpu.memref_slice %arg7[%add3A_86, %dma_wait3A_87] : memref<64x64xi32, #tpu.memory_space<vmem>> -> memref<1x64xi32, #tpu.memory_space<vmem>>
        %dma_wait3A_89 = tpu.memref_squeeze %dma_wait3A_88 : memref<1x64xi32, #tpu.memory_space<vmem>> -> memref<64xi32, #tpu.memory_space<vmem>>
        %dma_wait3A_90 = arith.constant 0 : i32
        %dma_wait3A_91 = arith.constant 0 : i32
        %dma_wait3A_92 = tpu.memref_slice %arg2[%dma_wait3A_90, %dma_wait3A_91] : memref<10000x128xf32, #tpu.memory_space<hbm>> -> memref<10000x128xf32, #tpu.memory_space<hbm>>
        tpu.wait_indirect_dma semaphore(%arg15 : memref<!tpu.dma_semaphore, #tpu.memory_space<semaphore_mem>>) src(%dma_wait3A_92 : memref<10000x128xf32, #tpu.memory_space<hbm>>) dst(%arg10 : memref<64x128xf32, #tpu.memory_space<vmem>>)
        "tpu.region"() ({
          %run_scoped3A = tpu.sem_alloc : memref<!tpu.dma_semaphore, #tpu.memory_space<semaphore_mem>>
          %dma_start3A_130 = arith.constant 0 : i32
          %dma_start3A_131 = tpu.memref_slice %arg8[%add3A_86, %dma_start3A_130] : memref<64x64xi32, #tpu.memory_space<vmem>> -> memref<1x64xi32, #tpu.memory_space<vmem>>
          %dma_start3A_132 = tpu.memref_squeeze %dma_start3A_131 : memref<1x64xi32, #tpu.memory_space<vmem>> -> memref<64xi32, #tpu.memory_space<vmem>>
          %dma_start3A_133 = arith.constant 0 : i32
          %dma_start3A_134 = arith.constant 0 : i32
          %dma_start3A_135 = tpu.memref_slice %arg13[%dma_start3A_133, %dma_start3A_134] : memref<10112x128xf32, #tpu.memory_space<vmem_shared>> -> memref<10112x128xf32, #tpu.memory_space<vmem_shared>>
          tpu.enqueue_indirect_dma source(%arg10 : memref<64x128xf32, #tpu.memory_space<vmem>>) target(%dma_start3A_135 : memref<10112x128xf32, #tpu.memory_space<vmem_shared>>) offsets(%dma_start3A_132 : memref<64xi32, #tpu.memory_space<vmem>>) semaphore(%run_scoped3A : memref<!tpu.dma_semaphore, #tpu.memory_space<semaphore_mem>>) {add = true}
          %dma_wait3A_136 = arith.constant 0 : i32
          %dma_wait3A_137 = tpu.memref_slice %arg8[%add3A_86, %dma_wait3A_136] : memref<64x64xi32, #tpu.memory_space<vmem>> -> memref<1x64xi32, #tpu.memory_space<vmem>>
          %dma_wait3A_138 = tpu.memref_squeeze %dma_wait3A_137 : memref<1x64xi32, #tpu.memory_space<vmem>> -> memref<64xi32, #tpu.memory_space<vmem>>
          %dma_wait3A_139 = arith.constant 0 : i32
          %dma_wait3A_140 = arith.constant 0 : i32
          %dma_wait3A_141 = tpu.memref_slice %arg13[%dma_wait3A_139, %dma_wait3A_140] : memref<10112x128xf32, #tpu.memory_space<vmem_shared>> -> memref<10112x128xf32, #tpu.memory_space<vmem_shared>>
          tpu.wait_indirect_dma semaphore(%run_scoped3A : memref<!tpu.dma_semaphore, #tpu.memory_space<semaphore_mem>>) src(%arg10 : memref<64x128xf32, #tpu.memory_space<vmem>>) dst(%dma_wait3A_141 : memref<10112x128xf32, #tpu.memory_space<vmem_shared>>)
          tpu.yield
        }) : () -> ()
        %add3A_93 = arith.constant 4 : i32
        %add3A_94 = arith.addi %add3A_86, %add3A_93 : i32
        %lt3A_95 = arith.constant 64 : i32
        %lt3A_96 = arith.cmpi slt, %add3A_94, %lt3A_95 : i32
        %convert_element_type3A_97 = arith.extui %lt3A_96 : i1 to i32
        %cond3A_98 = arith.constant 0 : i32
        %cond3A_99 = arith.cmpi ne, %convert_element_type3A_97, %cond3A_98 : i32
        scf.if %cond3A_99 {
          %add3A_130 = arith.constant 4 : i32
          %add3A_131 = arith.addi %add3A_86, %add3A_130 : i32
          %dma_start3A_132 = arith.constant 0 : i32
          %dma_start3A_133 = tpu.memref_slice %arg7[%add3A_131, %dma_start3A_132] : memref<64x64xi32, #tpu.memory_space<vmem>> -> memref<1x64xi32, #tpu.memory_space<vmem>>
          %dma_start3A_134 = tpu.memref_squeeze %dma_start3A_133 : memref<1x64xi32, #tpu.memory_space<vmem>> -> memref<64xi32, #tpu.memory_space<vmem>>
          %dma_start3A_135 = arith.constant 0 : i32
          %dma_start3A_136 = arith.constant 0 : i32
          %dma_start3A_137 = tpu.memref_slice %arg2[%dma_start3A_135, %dma_start3A_136] : memref<10000x128xf32, #tpu.memory_space<hbm>> -> memref<10000x128xf32, #tpu.memory_space<hbm>>
          tpu.enqueue_indirect_dma source(%dma_start3A_137 : memref<10000x128xf32, #tpu.memory_space<hbm>>) target(%arg10 : memref<64x128xf32, #tpu.memory_space<vmem>>) offsets(%dma_start3A_134 : memref<64xi32, #tpu.memory_space<vmem>>) semaphore(%arg15 : memref<!tpu.dma_semaphore, #tpu.memory_space<semaphore_mem>>)
        } else {
        }
        %add3A_100 = arith.constant 2 : i32
        %add3A_101 = arith.addi %mul3A_71, %add3A_100 : i32
        %dma_wait3A_102 = arith.constant 0 : i32
        %dma_wait3A_103 = tpu.memref_slice %arg7[%add3A_101, %dma_wait3A_102] : memref<64x64xi32, #tpu.memory_space<vmem>> -> memref<1x64xi32, #tpu.memory_space<vmem>>
        %dma_wait3A_104 = tpu.memref_squeeze %dma_wait3A_103 : memref<1x64xi32, #tpu.memory_space<vmem>> -> memref<64xi32, #tpu.memory_space<vmem>>
        %dma_wait3A_105 = arith.constant 0 : i32
        %dma_wait3A_106 = arith.constant 0 : i32
        %dma_wait3A_107 = tpu.memref_slice %arg2[%dma_wait3A_105, %dma_wait3A_106] : memref<10000x128xf32, #tpu.memory_space<hbm>> -> memref<10000x128xf32, #tpu.memory_space<hbm>>
        tpu.wait_indirect_dma semaphore(%arg16 : memref<!tpu.dma_semaphore, #tpu.memory_space<semaphore_mem>>) src(%dma_wait3A_107 : memref<10000x128xf32, #tpu.memory_space<hbm>>) dst(%arg11 : memref<64x128xf32, #tpu.memory_space<vmem>>)
        "tpu.region"() ({
          %run_scoped3A = tpu.sem_alloc : memref<!tpu.dma_semaphore, #tpu.memory_space<semaphore_mem>>
          %dma_start3A_130 = arith.constant 0 : i32
          %dma_start3A_131 = tpu.memref_slice %arg8[%add3A_101, %dma_start3A_130] : memref<64x64xi32, #tpu.memory_space<vmem>> -> memref<1x64xi32, #tpu.memory_space<vmem>>
          %dma_start3A_132 = tpu.memref_squeeze %dma_start3A_131 : memref<1x64xi32, #tpu.memory_space<vmem>> -> memref<64xi32, #tpu.memory_space<vmem>>
          %dma_start3A_133 = arith.constant 0 : i32
          %dma_start3A_134 = arith.constant 0 : i32
          %dma_start3A_135 = tpu.memref_slice %arg13[%dma_start3A_133, %dma_start3A_134] : memref<10112x128xf32, #tpu.memory_space<vmem_shared>> -> memref<10112x128xf32, #tpu.memory_space<vmem_shared>>
          tpu.enqueue_indirect_dma source(%arg11 : memref<64x128xf32, #tpu.memory_space<vmem>>) target(%dma_start3A_135 : memref<10112x128xf32, #tpu.memory_space<vmem_shared>>) offsets(%dma_start3A_132 : memref<64xi32, #tpu.memory_space<vmem>>) semaphore(%run_scoped3A : memref<!tpu.dma_semaphore, #tpu.memory_space<semaphore_mem>>) {add = true}
          %dma_wait3A_136 = arith.constant 0 : i32
          %dma_wait3A_137 = tpu.memref_slice %arg8[%add3A_101, %dma_wait3A_136] : memref<64x64xi32, #tpu.memory_space<vmem>> -> memref<1x64xi32, #tpu.memory_space<vmem>>
          %dma_wait3A_138 = tpu.memref_squeeze %dma_wait3A_137 : memref<1x64xi32, #tpu.memory_space<vmem>> -> memref<64xi32, #tpu.memory_space<vmem>>
          %dma_wait3A_139 = arith.constant 0 : i32
          %dma_wait3A_140 = arith.constant 0 : i32
          %dma_wait3A_141 = tpu.memref_slice %arg13[%dma_wait3A_139, %dma_wait3A_140] : memref<10112x128xf32, #tpu.memory_space<vmem_shared>> -> memref<10112x128xf32, #tpu.memory_space<vmem_shared>>
          tpu.wait_indirect_dma semaphore(%run_scoped3A : memref<!tpu.dma_semaphore, #tpu.memory_space<semaphore_mem>>) src(%arg11 : memref<64x128xf32, #tpu.memory_space<vmem>>) dst(%dma_wait3A_141 : memref<10112x128xf32, #tpu.memory_space<vmem_shared>>)
          tpu.yield
        }) : () -> ()
        %add3A_108 = arith.constant 4 : i32
        %add3A_109 = arith.addi %add3A_101, %add3A_108 : i32
        %lt3A_110 = arith.constant 64 : i32
        %lt3A_111 = arith.cmpi slt, %add3A_109, %lt3A_110 : i32
        %convert_element_type3A_112 = arith.extui %lt3A_111 : i1 to i32
        %cond3A_113 = arith.constant 0 : i32
        %cond3A_114 = arith.cmpi ne, %convert_element_type3A_112, %cond3A_113 : i32
        scf.if %cond3A_114 {
          %add3A_130 = arith.constant 4 : i32
          %add3A_131 = arith.addi %add3A_101, %add3A_130 : i32
          %dma_start3A_132 = arith.constant 0 : i32
          %dma_start3A_133 = tpu.memref_slice %arg7[%add3A_131, %dma_start3A_132] : memref<64x64xi32, #tpu.memory_space<vmem>> -> memref<1x64xi32, #tpu.memory_space<vmem>>
          %dma_start3A_134 = tpu.memref_squeeze %dma_start3A_133 : memref<1x64xi32, #tpu.memory_space<vmem>> -> memref<64xi32, #tpu.memory_space<vmem>>
          %dma_start3A_135 = arith.constant 0 : i32
          %dma_start3A_136 = arith.constant 0 : i32
          %dma_start3A_137 = tpu.memref_slice %arg2[%dma_start3A_135, %dma_start3A_136] : memref<10000x128xf32, #tpu.memory_space<hbm>> -> memref<10000x128xf32, #tpu.memory_space<hbm>>
          tpu.enqueue_indirect_dma source(%dma_start3A_137 : memref<10000x128xf32, #tpu.memory_space<hbm>>) target(%arg11 : memref<64x128xf32, #tpu.memory_space<vmem>>) offsets(%dma_start3A_134 : memref<64xi32, #tpu.memory_space<vmem>>) semaphore(%arg16 : memref<!tpu.dma_semaphore, #tpu.memory_space<semaphore_mem>>)
        } else {
        }
        %add3A_115 = arith.constant 3 : i32
        %add3A_116 = arith.addi %mul3A_71, %add3A_115 : i32
        %dma_wait3A_117 = arith.constant 0 : i32
        %dma_wait3A_118 = tpu.memref_slice %arg7[%add3A_116, %dma_wait3A_117] : memref<64x64xi32, #tpu.memory_space<vmem>> -> memref<1x64xi32, #tpu.memory_space<vmem>>
        %dma_wait3A_119 = tpu.memref_squeeze %dma_wait3A_118 : memref<1x64xi32, #tpu.memory_space<vmem>> -> memref<64xi32, #tpu.memory_space<vmem>>
        %dma_wait3A_120 = arith.constant 0 : i32
        %dma_wait3A_121 = arith.constant 0 : i32
        %dma_wait3A_122 = tpu.memref_slice %arg2[%dma_wait3A_120, %dma_wait3A_121] : memref<10000x128xf32, #tpu.memory_space<hbm>> -> memref<10000x128xf32, #tpu.memory_space<hbm>>
        tpu.wait_indirect_dma semaphore(%arg17 : memref<!tpu.dma_semaphore, #tpu.memory_space<semaphore_mem>>) src(%dma_wait3A_122 : memref<10000x128xf32, #tpu.memory_space<hbm>>) dst(%arg12 : memref<64x128xf32, #tpu.memory_space<vmem>>)
        "tpu.region"() ({
          %run_scoped3A = tpu.sem_alloc : memref<!tpu.dma_semaphore, #tpu.memory_space<semaphore_mem>>
          %dma_start3A_130 = arith.constant 0 : i32
          %dma_start3A_131 = tpu.memref_slice %arg8[%add3A_116, %dma_start3A_130] : memref<64x64xi32, #tpu.memory_space<vmem>> -> memref<1x64xi32, #tpu.memory_space<vmem>>
          %dma_start3A_132 = tpu.memref_squeeze %dma_start3A_131 : memref<1x64xi32, #tpu.memory_space<vmem>> -> memref<64xi32, #tpu.memory_space<vmem>>
          %dma_start3A_133 = arith.constant 0 : i32
          %dma_start3A_134 = arith.constant 0 : i32
          %dma_start3A_135 = tpu.memref_slice %arg13[%dma_start3A_133, %dma_start3A_134] : memref<10112x128xf32, #tpu.memory_space<vmem_shared>> -> memref<10112x128xf32, #tpu.memory_space<vmem_shared>>
          tpu.enqueue_indirect_dma source(%arg12 : memref<64x128xf32, #tpu.memory_space<vmem>>) target(%dma_start3A_135 : memref<10112x128xf32, #tpu.memory_space<vmem_shared>>) offsets(%dma_start3A_132 : memref<64xi32, #tpu.memory_space<vmem>>) semaphore(%run_scoped3A : memref<!tpu.dma_semaphore, #tpu.memory_space<semaphore_mem>>) {add = true}
          %dma_wait3A_136 = arith.constant 0 : i32
          %dma_wait3A_137 = tpu.memref_slice %arg8[%add3A_116, %dma_wait3A_136] : memref<64x64xi32, #tpu.memory_space<vmem>> -> memref<1x64xi32, #tpu.memory_space<vmem>>
          %dma_wait3A_138 = tpu.memref_squeeze %dma_wait3A_137 : memref<1x64xi32, #tpu.memory_space<vmem>> -> memref<64xi32, #tpu.memory_space<vmem>>
          %dma_wait3A_139 = arith.constant 0 : i32
          %dma_wait3A_140 = arith.constant 0 : i32
          %dma_wait3A_141 = tpu.memref_slice %arg13[%dma_wait3A_139, %dma_wait3A_140] : memref<10112x128xf32, #tpu.memory_space<vmem_shared>> -> memref<10112x128xf32, #tpu.memory_space<vmem_shared>>
          tpu.wait_indirect_dma semaphore(%run_scoped3A : memref<!tpu.dma_semaphore, #tpu.memory_space<semaphore_mem>>) src(%arg12 : memref<64x128xf32, #tpu.memory_space<vmem>>) dst(%dma_wait3A_141 : memref<10112x128xf32, #tpu.memory_space<vmem_shared>>)
          tpu.yield
        }) : () -> ()
        %add3A_123 = arith.constant 4 : i32
        %add3A_124 = arith.addi %add3A_116, %add3A_123 : i32
        %lt3A_125 = arith.constant 64 : i32
        %lt3A_126 = arith.cmpi slt, %add3A_124, %lt3A_125 : i32
        %convert_element_type3A_127 = arith.extui %lt3A_126 : i1 to i32
        %cond3A_128 = arith.constant 0 : i32
        %cond3A_129 = arith.cmpi ne, %convert_element_type3A_127, %cond3A_128 : i32
        scf.if %cond3A_129 {
          %add3A_130 = arith.constant 4 : i32
          %add3A_131 = arith.addi %add3A_116, %add3A_130 : i32
          %dma_start3A_132 = arith.constant 0 : i32
          %dma_start3A_133 = tpu.memref_slice %arg7[%add3A_131, %dma_start3A_132] : memref<64x64xi32, #tpu.memory_space<vmem>> -> memref<1x64xi32, #tpu.memory_space<vmem>>
          %dma_start3A_134 = tpu.memref_squeeze %dma_start3A_133 : memref<1x64xi32, #tpu.memory_space<vmem>> -> memref<64xi32, #tpu.memory_space<vmem>>
          %dma_start3A_135 = arith.constant 0 : i32
          %dma_start3A_136 = arith.constant 0 : i32
          %dma_start3A_137 = tpu.memref_slice %arg2[%dma_start3A_135, %dma_start3A_136] : memref<10000x128xf32, #tpu.memory_space<hbm>> -> memref<10000x128xf32, #tpu.memory_space<hbm>>
          tpu.enqueue_indirect_dma source(%dma_start3A_137 : memref<10000x128xf32, #tpu.memory_space<hbm>>) target(%arg12 : memref<64x128xf32, #tpu.memory_space<vmem>>) offsets(%dma_start3A_134 : memref<64xi32, #tpu.memory_space<vmem>>) semaphore(%arg17 : memref<!tpu.dma_semaphore, #tpu.memory_space<semaphore_mem>>)
        } else {
        }
      }
      %scan3A_68 = arith.constant 16 : i32
    } else {
    }
    %barrier3A_28 = arith.constant 0 : index
    tpu.barrier barrier_id(%barrier3A_28)
    %mul3A_29 = arith.constant 632 : i32
    %mul3A_30 = arith.muli %arg1, %mul3A_29 : i32
    %mul3A_31 = arith.constant 632 : i32
    %mul3A_32 = arith.muli %arg1, %mul3A_31 : i32
    "tpu.region"() ({
      %run_scoped3A = tpu.sem_alloc : memref<!tpu.dma_semaphore, #tpu.memory_space<semaphore_mem>>
      %dma_start3A = arith.constant 0 : i32
      %dma_start3A_33 = tpu.memref_slice %arg6[%arg0, %mul3A_32, %dma_start3A] : memref<2x10112x128xf32, #tpu.memory_space<hbm>> -> memref<1x632x128xf32, #tpu.memory_space<hbm>>
      %dma_start3A_34 = tpu.memref_squeeze %dma_start3A_33 : memref<1x632x128xf32, #tpu.memory_space<hbm>> -> memref<632x128xf32, #tpu.memory_space<hbm>>
      %dma_start3A_35 = arith.constant 0 : i32
      %dma_start3A_36 = tpu.memref_slice %arg13[%mul3A_30, %dma_start3A_35] : memref<10112x128xf32, #tpu.memory_space<vmem_shared>> -> memref<632x128xf32, #tpu.memory_space<vmem_shared>>
      tpu.enqueue_dma source(%dma_start3A_36 : memref<632x128xf32, #tpu.memory_space<vmem_shared>>) target(%dma_start3A_34 : memref<632x128xf32, #tpu.memory_space<hbm>>) target_semaphore(%run_scoped3A : memref<!tpu.dma_semaphore, #tpu.memory_space<semaphore_mem>>)
      %dma_wait3A = arith.constant 0 : i32
      %dma_wait3A_37 = tpu.memref_slice %arg6[%arg0, %mul3A_32, %dma_wait3A] : memref<2x10112x128xf32, #tpu.memory_space<hbm>> -> memref<1x632x128xf32, #tpu.memory_space<hbm>>
      %dma_wait3A_38 = tpu.memref_squeeze %dma_wait3A_37 : memref<1x632x128xf32, #tpu.memory_space<hbm>> -> memref<632x128xf32, #tpu.memory_space<hbm>>
      %dma_wait3A_39 = arith.constant 0 : i32
      %dma_wait3A_40 = tpu.memref_slice %arg13[%mul3A_30, %dma_wait3A_39] : memref<10112x128xf32, #tpu.memory_space<vmem_shared>> -> memref<632x128xf32, #tpu.memory_space<vmem_shared>>
      tpu.wait_dma2 semaphore(%run_scoped3A : memref<!tpu.dma_semaphore, #tpu.memory_space<semaphore_mem>>) src(%dma_wait3A_40 : memref<632x128xf32, #tpu.memory_space<vmem_shared>>) dst(%dma_wait3A_38 : memref<632x128xf32, #tpu.memory_space<hbm>>)
      tpu.yield
    }) : () -> ()
    return
  }
}

#map = affine_map<(d0, d1) -> (0, 0)>
#map1 = affine_map<(d0, d1) -> (0, 0, 0)>
module attributes {stable_mosaic.version = 14 : i64} {
  func.func @_agg_body(%arg0: i32, %arg1: i32, %arg2: memref<10000x128xf32, #tpu.memory_space<hbm>>, %arg3: memref<5120x64xi32, #tpu.memory_space<hbm>>, %arg4: memref<5120x64xi32, #tpu.memory_space<hbm>>, %arg5: memref<10112x128xf32, #tpu.memory_space<hbm>>, %arg6: memref<2x10112x128xf32, #tpu.memory_space<hbm>>, %arg7: memref<64x64xi32, #tpu.memory_space<vmem>>, %arg8: memref<64x64xi32, #tpu.memory_space<vmem>>, %arg9: memref<64x128xf32, #tpu.memory_space<vmem>>, %arg10: memref<64x128xf32, #tpu.memory_space<vmem>>, %arg11: memref<64x128xf32, #tpu.memory_space<vmem>>, %arg12: memref<64x128xf32, #tpu.memory_space<vmem>>, %arg13: memref<10112x128xf32, #tpu.memory_space<vmem_shared>>, %arg14: memref<!tpu.dma_semaphore, #tpu.memory_space<semaphore_mem>>, %arg15: memref<!tpu.dma_semaphore, #tpu.memory_space<semaphore_mem>>, %arg16: memref<!tpu.dma_semaphore, #tpu.memory_space<semaphore_mem>>, %arg17: memref<!tpu.dma_semaphore, #tpu.memory_space<semaphore_mem>>) attributes {dimension_semantics = [#tpu.dimension_semantics<core_parallel>, #tpu.dimension_semantics<subcore_parallel>], iteration_bounds = array<i64: 2, 16>, scalar_prefetch = 0 : i64, scratch_operands = 11 : i64, tpu.core_type = #tpu.core_type<sc_vector_subcore>, window_params = [{transform_indices = #map}, {transform_indices = #map}, {transform_indices = #map}, {transform_indices = #map}, {transform_indices = #map1}]} {
    %eq3A = arith.constant 0 : i32
    %eq3A_0 = arith.cmpi eq, %arg0, %eq3A : i32
    %jit3A = arith.constant 4 : i32
    %jit3A_1 = arith.constant 1 : i32
    %select_n3A = arith.select %eq3A_0, %jit3A, %jit3A_1 : i32
    %mul3A = arith.constant 256 : i32
    %mul3A_2 = arith.muli %arg1, %mul3A : i32
    %mul3A_3 = arith.constant 64 : i32
    %mul3A_4 = arith.muli %arg1, %mul3A_3 : i32
    %add3A = arith.constant 4096 : i32
    %add3A_5 = arith.addi %add3A, %mul3A_4 : i32
    %select_n3A_6 = arith.select %eq3A_0, %mul3A_2, %add3A_5 : i32
    %mul3A_7 = arith.constant 632 : i32
    %mul3A_8 = arith.muli %arg1, %mul3A_7 : i32
    %mul3A_9 = arith.constant 632 : i32
    %mul3A_10 = arith.muli %arg1, %mul3A_9 : i32
    "tpu.region"() ({
      %run_scoped3A = tpu.sem_alloc : memref<!tpu.dma_semaphore, #tpu.memory_space<semaphore_mem>>
      %dma_start3A = arith.constant 0 : i32
      %dma_start3A_33 = tpu.memref_slice %arg13[%mul3A_10, %dma_start3A] : memref<10112x128xf32, #tpu.memory_space<vmem_shared>> -> memref<632x128xf32, #tpu.memory_space<vmem_shared>>
      %dma_start3A_34 = arith.constant 0 : i32
      %dma_start3A_35 = tpu.memref_slice %arg5[%mul3A_8, %dma_start3A_34] : memref<10112x128xf32, #tpu.memory_space<hbm>> -> memref<632x128xf32, #tpu.memory_space<hbm>>
      tpu.enqueue_dma source(%dma_start3A_35 : memref<632x128xf32, #tpu.memory_space<hbm>>) target(%dma_start3A_33 : memref<632x128xf32, #tpu.memory_space<vmem_shared>>) target_semaphore(%run_scoped3A : memref<!tpu.dma_semaphore, #tpu.memory_space<semaphore_mem>>)
      %dma_wait3A = arith.constant 0 : i32
      %dma_wait3A_36 = tpu.memref_slice %arg13[%mul3A_10, %dma_wait3A] : memref<10112x128xf32, #tpu.memory_space<vmem_shared>> -> memref<632x128xf32, #tpu.memory_space<vmem_shared>>
      %dma_wait3A_37 = arith.constant 0 : i32
      %dma_wait3A_38 = tpu.memref_slice %arg5[%mul3A_8, %dma_wait3A_37] : memref<10112x128xf32, #tpu.memory_space<hbm>> -> memref<632x128xf32, #tpu.memory_space<hbm>>
      tpu.wait_dma2 semaphore(%run_scoped3A : memref<!tpu.dma_semaphore, #tpu.memory_space<semaphore_mem>>) src(%dma_wait3A_38 : memref<632x128xf32, #tpu.memory_space<hbm>>) dst(%dma_wait3A_36 : memref<632x128xf32, #tpu.memory_space<vmem_shared>>)
      tpu.yield
    }) : () -> ()
    %barrier3A = arith.constant 0 : index
    tpu.barrier barrier_id(%barrier3A)
    %gt3A = arith.constant 0 : i32
    %gt3A_11 = arith.cmpi sgt, %select_n3A, %gt3A : i32
    %convert_element_type3A = arith.extui %gt3A_11 : i1 to i32
    %cond3A = arith.constant 0 : i32
    %cond3A_12 = arith.cmpi ne, %convert_element_type3A, %cond3A : i32
    scf.if %cond3A_12 {
      %add3A_33 = arith.constant 0 : i32
      %add3A_34 = arith.addi %select_n3A_6, %add3A_33 : i32
      "tpu.region"() ({
        %run_scoped3A = tpu.sem_alloc : memref<!tpu.dma_semaphore, #tpu.memory_space<semaphore_mem>>
        %dma_start3A_69 = arith.constant 0 : i32
        %dma_start3A_70 = tpu.memref_slice %arg3[%add3A_34, %dma_start3A_69] : memref<5120x64xi32, #tpu.memory_space<hbm>> -> memref<64x64xi32, #tpu.memory_space<hbm>>
        %dma_start3A_71 = arith.constant 0 : i32
        %dma_start3A_72 = tpu.memref_slice %arg3[%add3A_34, %dma_start3A_71] : memref<5120x64xi32, #tpu.memory_space<hbm>> -> memref<64x64xi32, #tpu.memory_space<hbm>>
        tpu.enqueue_dma source(%dma_start3A_72 : memref<64x64xi32, #tpu.memory_space<hbm>>) target(%arg7 : memref<64x64xi32, #tpu.memory_space<vmem>>) target_semaphore(%run_scoped3A : memref<!tpu.dma_semaphore, #tpu.memory_space<semaphore_mem>>)
        %dma_wait3A = arith.constant 0 : i32
        %dma_wait3A_73 = tpu.memref_slice %arg3[%add3A_34, %dma_wait3A] : memref<5120x64xi32, #tpu.memory_space<hbm>> -> memref<64x64xi32, #tpu.memory_space<hbm>>
        %dma_wait3A_74 = arith.constant 0 : i32
        %dma_wait3A_75 = tpu.memref_slice %arg3[%add3A_34, %dma_wait3A_74] : memref<5120x64xi32, #tpu.memory_space<hbm>> -> memref<64x64xi32, #tpu.memory_space<hbm>>
        tpu.wait_dma2 semaphore(%run_scoped3A : memref<!tpu.dma_semaphore, #tpu.memory_space<semaphore_mem>>) src(%dma_wait3A_75 : memref<64x64xi32, #tpu.memory_space<hbm>>) dst(%arg7 : memref<64x64xi32, #tpu.memory_space<vmem>>)
        tpu.yield
      }) : () -> ()
      %add3A_35 = arith.constant 0 : i32
      %add3A_36 = arith.addi %select_n3A_6, %add3A_35 : i32
      "tpu.region"() ({
        %run_scoped3A = tpu.sem_alloc : memref<!tpu.dma_semaphore, #tpu.memory_space<semaphore_mem>>
        %dma_start3A_69 = arith.constant 0 : i32
        %dma_start3A_70 = tpu.memref_slice %arg4[%add3A_36, %dma_start3A_69] : memref<5120x64xi32, #tpu.memory_space<hbm>> -> memref<64x64xi32, #tpu.memory_space<hbm>>
        %dma_start3A_71 = arith.constant 0 : i32
        %dma_start3A_72 = tpu.memref_slice %arg4[%add3A_36, %dma_start3A_71] : memref<5120x64xi32, #tpu.memory_space<hbm>> -> memref<64x64xi32, #tpu.memory_space<hbm>>
        tpu.enqueue_dma source(%dma_start3A_72 : memref<64x64xi32, #tpu.memory_space<hbm>>) target(%arg8 : memref<64x64xi32, #tpu.memory_space<vmem>>) target_semaphore(%run_scoped3A : memref<!tpu.dma_semaphore, #tpu.memory_space<semaphore_mem>>)
        %dma_wait3A = arith.constant 0 : i32
        %dma_wait3A_73 = tpu.memref_slice %arg4[%add3A_36, %dma_wait3A] : memref<5120x64xi32, #tpu.memory_space<hbm>> -> memref<64x64xi32, #tpu.memory_space<hbm>>
        %dma_wait3A_74 = arith.constant 0 : i32
        %dma_wait3A_75 = tpu.memref_slice %arg4[%add3A_36, %dma_wait3A_74] : memref<5120x64xi32, #tpu.memory_space<hbm>> -> memref<64x64xi32, #tpu.memory_space<hbm>>
        tpu.wait_dma2 semaphore(%run_scoped3A : memref<!tpu.dma_semaphore, #tpu.memory_space<semaphore_mem>>) src(%dma_wait3A_75 : memref<64x64xi32, #tpu.memory_space<hbm>>) dst(%arg8 : memref<64x64xi32, #tpu.memory_space<vmem>>)
        tpu.yield
      }) : () -> ()
      %dma_start3A = arith.constant 0 : i32
      %dma_start3A_37 = arith.constant 0 : i32
      %dma_start3A_38 = tpu.memref_slice %arg7[%dma_start3A, %dma_start3A_37] : memref<64x64xi32, #tpu.memory_space<vmem>> -> memref<1x64xi32, #tpu.memory_space<vmem>>
      %dma_start3A_39 = tpu.memref_squeeze %dma_start3A_38 : memref<1x64xi32, #tpu.memory_space<vmem>> -> memref<64xi32, #tpu.memory_space<vmem>>
      %dma_start3A_40 = arith.constant 0 : i32
      %dma_start3A_41 = arith.constant 0 : i32
      %dma_start3A_42 = tpu.memref_slice %arg2[%dma_start3A_40, %dma_start3A_41] : memref<10000x128xf32, #tpu.memory_space<hbm>> -> memref<10000x128xf32, #tpu.memory_space<hbm>>
      tpu.enqueue_indirect_dma source(%dma_start3A_42 : memref<10000x128xf32, #tpu.memory_space<hbm>>) target(%arg9 : memref<64x128xf32, #tpu.memory_space<vmem>>) offsets(%dma_start3A_39 : memref<64xi32, #tpu.memory_space<vmem>>) semaphore(%arg14 : memref<!tpu.dma_semaphore, #tpu.memory_space<semaphore_mem>>)
      %dma_start3A_43 = arith.constant 1 : i32
      %dma_start3A_44 = arith.constant 0 : i32
      %dma_start3A_45 = tpu.memref_slice %arg7[%dma_start3A_43, %dma_start3A_44] : memref<64x64xi32, #tpu.memory_space<vmem>> -> memref<1x64xi32, #tpu.memory_space<vmem>>
      %dma_start3A_46 = tpu.memref_squeeze %dma_start3A_45 : memref<1x64xi32, #tpu.memory_space<vmem>> -> memref<64xi32, #tpu.memory_space<vmem>>
      %dma_start3A_47 = arith.constant 0 : i32
      %dma_start3A_48 = arith.constant 0 : i32
      %dma_start3A_49 = tpu.memref_slice %arg2[%dma_start3A_47, %dma_start3A_48] : memref<10000x128xf32, #tpu.memory_space<hbm>> -> memref<10000x128xf32, #tpu.memory_space<hbm>>
      tpu.enqueue_indirect_dma source(%dma_start3A_49 : memref<10000x128xf32, #tpu.memory_space<hbm>>) target(%arg10 : memref<64x128xf32, #tpu.memory_space<vmem>>) offsets(%dma_start3A_46 : memref<64xi32, #tpu.memory_space<vmem>>) semaphore(%arg15 : memref<!tpu.dma_semaphore, #tpu.memory_space<semaphore_mem>>)
      %dma_start3A_50 = arith.constant 2 : i32
      %dma_start3A_51 = arith.constant 0 : i32
      %dma_start3A_52 = tpu.memref_slice %arg7[%dma_start3A_50, %dma_start3A_51] : memref<64x64xi32, #tpu.memory_space<vmem>> -> memref<1x64xi32, #tpu.memory_space<vmem>>
      %dma_start3A_53 = tpu.memref_squeeze %dma_start3A_52 : memref<1x64xi32, #tpu.memory_space<vmem>> -> memref<64xi32, #tpu.memory_space<vmem>>
      %dma_start3A_54 = arith.constant 0 : i32
      %dma_start3A_55 = arith.constant 0 : i32
      %dma_start3A_56 = tpu.memref_slice %arg2[%dma_start3A_54, %dma_start3A_55] : memref<10000x128xf32, #tpu.memory_space<hbm>> -> memref<10000x128xf32, #tpu.memory_space<hbm>>
      tpu.enqueue_indirect_dma source(%dma_start3A_56 : memref<10000x128xf32, #tpu.memory_space<hbm>>) target(%arg11 : memref<64x128xf32, #tpu.memory_space<vmem>>) offsets(%dma_start3A_53 : memref<64xi32, #tpu.memory_space<vmem>>) semaphore(%arg16 : memref<!tpu.dma_semaphore, #tpu.memory_space<semaphore_mem>>)
      %dma_start3A_57 = arith.constant 3 : i32
      %dma_start3A_58 = arith.constant 0 : i32
      %dma_start3A_59 = tpu.memref_slice %arg7[%dma_start3A_57, %dma_start3A_58] : memref<64x64xi32, #tpu.memory_space<vmem>> -> memref<1x64xi32, #tpu.memory_space<vmem>>
      %dma_start3A_60 = tpu.memref_squeeze %dma_start3A_59 : memref<1x64xi32, #tpu.memory_space<vmem>> -> memref<64xi32, #tpu.memory_space<vmem>>
      %dma_start3A_61 = arith.constant 0 : i32
      %dma_start3A_62 = arith.constant 0 : i32
      %dma_start3A_63 = tpu.memref_slice %arg2[%dma_start3A_61, %dma_start3A_62] : memref<10000x128xf32, #tpu.memory_space<hbm>> -> memref<10000x128xf32, #tpu.memory_space<hbm>>
      tpu.enqueue_indirect_dma source(%dma_start3A_63 : memref<10000x128xf32, #tpu.memory_space<hbm>>) target(%arg12 : memref<64x128xf32, #tpu.memory_space<vmem>>) offsets(%dma_start3A_60 : memref<64xi32, #tpu.memory_space<vmem>>) semaphore(%arg17 : memref<!tpu.dma_semaphore, #tpu.memory_space<semaphore_mem>>)
      %scan3A = arith.constant 0 : i32
      %scan3A_64 = arith.constant 0 : i32
      %scan3A_65 = arith.constant 16 : i32
      %scan3A_66 = arith.addi %scan3A_64, %scan3A_65 : i32
      %scan3A_67 = arith.constant 1 : i32
      scf.for %scan3A_69 = %scan3A_64 to %scan3A_66 step %scan3A_67  : i32 {
        %mul3A_70 = arith.constant 4 : i32
        %mul3A_71 = arith.muli %mul3A_70, %scan3A_69 : i32
        %add3A_72 = arith.constant 0 : i32
        %add3A_73 = arith.addi %mul3A_71, %add3A_72 : i32
        %dma_wait3A = arith.constant 0 : i32
        %dma_wait3A_74 = tpu.memref_slice %arg7[%add3A_73, %dma_wait3A] : memref<64x64xi32, #tpu.memory_space<vmem>> -> memref<1x64xi32, #tpu.memory_space<vmem>>
        %dma_wait3A_75 = tpu.memref_squeeze %dma_wait3A_74 : memref<1x64xi32, #tpu.memory_space<vmem>> -> memref<64xi32, #tpu.memory_space<vmem>>
        %dma_wait3A_76 = arith.constant 0 : i32
        %dma_wait3A_77 = arith.constant 0 : i32
        %dma_wait3A_78 = tpu.memref_slice %arg2[%dma_wait3A_76, %dma_wait3A_77] : memref<10000x128xf32, #tpu.memory_space<hbm>> -> memref<10000x128xf32, #tpu.memory_space<hbm>>
        tpu.wait_indirect_dma semaphore(%arg14 : memref<!tpu.dma_semaphore, #tpu.memory_space<semaphore_mem>>) src(%dma_wait3A_78 : memref<10000x128xf32, #tpu.memory_space<hbm>>) dst(%arg9 : memref<64x128xf32, #tpu.memory_space<vmem>>)
        "tpu.region"() ({
          %run_scoped3A = tpu.sem_alloc : memref<!tpu.dma_semaphore, #tpu.memory_space<semaphore_mem>>
          %dma_start3A_130 = arith.constant 0 : i32
          %dma_start3A_131 = tpu.memref_slice %arg8[%add3A_73, %dma_start3A_130] : memref<64x64xi32, #tpu.memory_space<vmem>> -> memref<1x64xi32, #tpu.memory_space<vmem>>
          %dma_start3A_132 = tpu.memref_squeeze %dma_start3A_131 : memref<1x64xi32, #tpu.memory_space<vmem>> -> memref<64xi32, #tpu.memory_space<vmem>>
          %dma_start3A_133 = arith.constant 0 : i32
          %dma_start3A_134 = arith.constant 0 : i32
          %dma_start3A_135 = tpu.memref_slice %arg13[%dma_start3A_133, %dma_start3A_134] : memref<10112x128xf32, #tpu.memory_space<vmem_shared>> -> memref<10112x128xf32, #tpu.memory_space<vmem_shared>>
          tpu.enqueue_indirect_dma source(%arg9 : memref<64x128xf32, #tpu.memory_space<vmem>>) target(%dma_start3A_135 : memref<10112x128xf32, #tpu.memory_space<vmem_shared>>) offsets(%dma_start3A_132 : memref<64xi32, #tpu.memory_space<vmem>>) semaphore(%run_scoped3A : memref<!tpu.dma_semaphore, #tpu.memory_space<semaphore_mem>>) {add = true}
          %dma_wait3A_136 = arith.constant 0 : i32
          %dma_wait3A_137 = tpu.memref_slice %arg8[%add3A_73, %dma_wait3A_136] : memref<64x64xi32, #tpu.memory_space<vmem>> -> memref<1x64xi32, #tpu.memory_space<vmem>>
          %dma_wait3A_138 = tpu.memref_squeeze %dma_wait3A_137 : memref<1x64xi32, #tpu.memory_space<vmem>> -> memref<64xi32, #tpu.memory_space<vmem>>
          %dma_wait3A_139 = arith.constant 0 : i32
          %dma_wait3A_140 = arith.constant 0 : i32
          %dma_wait3A_141 = tpu.memref_slice %arg13[%dma_wait3A_139, %dma_wait3A_140] : memref<10112x128xf32, #tpu.memory_space<vmem_shared>> -> memref<10112x128xf32, #tpu.memory_space<vmem_shared>>
          tpu.wait_indirect_dma semaphore(%run_scoped3A : memref<!tpu.dma_semaphore, #tpu.memory_space<semaphore_mem>>) src(%arg9 : memref<64x128xf32, #tpu.memory_space<vmem>>) dst(%dma_wait3A_141 : memref<10112x128xf32, #tpu.memory_space<vmem_shared>>)
          tpu.yield
        }) : () -> ()
        %add3A_79 = arith.constant 4 : i32
        %add3A_80 = arith.addi %add3A_73, %add3A_79 : i32
        %lt3A = arith.constant 64 : i32
        %lt3A_81 = arith.cmpi slt, %add3A_80, %lt3A : i32
        %convert_element_type3A_82 = arith.extui %lt3A_81 : i1 to i32
        %cond3A_83 = arith.constant 0 : i32
        %cond3A_84 = arith.cmpi ne, %convert_element_type3A_82, %cond3A_83 : i32
        scf.if %cond3A_84 {
          %add3A_130 = arith.constant 4 : i32
          %add3A_131 = arith.addi %add3A_73, %add3A_130 : i32
          %dma_start3A_132 = arith.constant 0 : i32
          %dma_start3A_133 = tpu.memref_slice %arg7[%add3A_131, %dma_start3A_132] : memref<64x64xi32, #tpu.memory_space<vmem>> -> memref<1x64xi32, #tpu.memory_space<vmem>>
          %dma_start3A_134 = tpu.memref_squeeze %dma_start3A_133 : memref<1x64xi32, #tpu.memory_space<vmem>> -> memref<64xi32, #tpu.memory_space<vmem>>
          %dma_start3A_135 = arith.constant 0 : i32
          %dma_start3A_136 = arith.constant 0 : i32
          %dma_start3A_137 = tpu.memref_slice %arg2[%dma_start3A_135, %dma_start3A_136] : memref<10000x128xf32, #tpu.memory_space<hbm>> -> memref<10000x128xf32, #tpu.memory_space<hbm>>
          tpu.enqueue_indirect_dma source(%dma_start3A_137 : memref<10000x128xf32, #tpu.memory_space<hbm>>) target(%arg9 : memref<64x128xf32, #tpu.memory_space<vmem>>) offsets(%dma_start3A_134 : memref<64xi32, #tpu.memory_space<vmem>>) semaphore(%arg14 : memref<!tpu.dma_semaphore, #tpu.memory_space<semaphore_mem>>)
        } else {
        }
        %add3A_85 = arith.constant 1 : i32
        %add3A_86 = arith.addi %mul3A_71, %add3A_85 : i32
        %dma_wait3A_87 = arith.constant 0 : i32
        %dma_wait3A_88 = tpu.memref_slice %arg7[%add3A_86, %dma_wait3A_87] : memref<64x64xi32, #tpu.memory_space<vmem>> -> memref<1x64xi32, #tpu.memory_space<vmem>>
        %dma_wait3A_89 = tpu.memref_squeeze %dma_wait3A_88 : memref<1x64xi32, #tpu.memory_space<vmem>> -> memref<64xi32, #tpu.memory_space<vmem>>
        %dma_wait3A_90 = arith.constant 0 : i32
        %dma_wait3A_91 = arith.constant 0 : i32
        %dma_wait3A_92 = tpu.memref_slice %arg2[%dma_wait3A_90, %dma_wait3A_91] : memref<10000x128xf32, #tpu.memory_space<hbm>> -> memref<10000x128xf32, #tpu.memory_space<hbm>>
        tpu.wait_indirect_dma semaphore(%arg15 : memref<!tpu.dma_semaphore, #tpu.memory_space<semaphore_mem>>) src(%dma_wait3A_92 : memref<10000x128xf32, #tpu.memory_space<hbm>>) dst(%arg10 : memref<64x128xf32, #tpu.memory_space<vmem>>)
        "tpu.region"() ({
          %run_scoped3A = tpu.sem_alloc : memref<!tpu.dma_semaphore, #tpu.memory_space<semaphore_mem>>
          %dma_start3A_130 = arith.constant 0 : i32
          %dma_start3A_131 = tpu.memref_slice %arg8[%add3A_86, %dma_start3A_130] : memref<64x64xi32, #tpu.memory_space<vmem>> -> memref<1x64xi32, #tpu.memory_space<vmem>>
          %dma_start3A_132 = tpu.memref_squeeze %dma_start3A_131 : memref<1x64xi32, #tpu.memory_space<vmem>> -> memref<64xi32, #tpu.memory_space<vmem>>
          %dma_start3A_133 = arith.constant 0 : i32
          %dma_start3A_134 = arith.constant 0 : i32
          %dma_start3A_135 = tpu.memref_slice %arg13[%dma_start3A_133, %dma_start3A_134] : memref<10112x128xf32, #tpu.memory_space<vmem_shared>> -> memref<10112x128xf32, #tpu.memory_space<vmem_shared>>
          tpu.enqueue_indirect_dma source(%arg10 : memref<64x128xf32, #tpu.memory_space<vmem>>) target(%dma_start3A_135 : memref<10112x128xf32, #tpu.memory_space<vmem_shared>>) offsets(%dma_start3A_132 : memref<64xi32, #tpu.memory_space<vmem>>) semaphore(%run_scoped3A : memref<!tpu.dma_semaphore, #tpu.memory_space<semaphore_mem>>) {add = true}
          %dma_wait3A_136 = arith.constant 0 : i32
          %dma_wait3A_137 = tpu.memref_slice %arg8[%add3A_86, %dma_wait3A_136] : memref<64x64xi32, #tpu.memory_space<vmem>> -> memref<1x64xi32, #tpu.memory_space<vmem>>
          %dma_wait3A_138 = tpu.memref_squeeze %dma_wait3A_137 : memref<1x64xi32, #tpu.memory_space<vmem>> -> memref<64xi32, #tpu.memory_space<vmem>>
          %dma_wait3A_139 = arith.constant 0 : i32
          %dma_wait3A_140 = arith.constant 0 : i32
          %dma_wait3A_141 = tpu.memref_slice %arg13[%dma_wait3A_139, %dma_wait3A_140] : memref<10112x128xf32, #tpu.memory_space<vmem_shared>> -> memref<10112x128xf32, #tpu.memory_space<vmem_shared>>
          tpu.wait_indirect_dma semaphore(%run_scoped3A : memref<!tpu.dma_semaphore, #tpu.memory_space<semaphore_mem>>) src(%arg10 : memref<64x128xf32, #tpu.memory_space<vmem>>) dst(%dma_wait3A_141 : memref<10112x128xf32, #tpu.memory_space<vmem_shared>>)
          tpu.yield
        }) : () -> ()
        %add3A_93 = arith.constant 4 : i32
        %add3A_94 = arith.addi %add3A_86, %add3A_93 : i32
        %lt3A_95 = arith.constant 64 : i32
        %lt3A_96 = arith.cmpi slt, %add3A_94, %lt3A_95 : i32
        %convert_element_type3A_97 = arith.extui %lt3A_96 : i1 to i32
        %cond3A_98 = arith.constant 0 : i32
        %cond3A_99 = arith.cmpi ne, %convert_element_type3A_97, %cond3A_98 : i32
        scf.if %cond3A_99 {
          %add3A_130 = arith.constant 4 : i32
          %add3A_131 = arith.addi %add3A_86, %add3A_130 : i32
          %dma_start3A_132 = arith.constant 0 : i32
          %dma_start3A_133 = tpu.memref_slice %arg7[%add3A_131, %dma_start3A_132] : memref<64x64xi32, #tpu.memory_space<vmem>> -> memref<1x64xi32, #tpu.memory_space<vmem>>
          %dma_start3A_134 = tpu.memref_squeeze %dma_start3A_133 : memref<1x64xi32, #tpu.memory_space<vmem>> -> memref<64xi32, #tpu.memory_space<vmem>>
          %dma_start3A_135 = arith.constant 0 : i32
          %dma_start3A_136 = arith.constant 0 : i32
          %dma_start3A_137 = tpu.memref_slice %arg2[%dma_start3A_135, %dma_start3A_136] : memref<10000x128xf32, #tpu.memory_space<hbm>> -> memref<10000x128xf32, #tpu.memory_space<hbm>>
          tpu.enqueue_indirect_dma source(%dma_start3A_137 : memref<10000x128xf32, #tpu.memory_space<hbm>>) target(%arg10 : memref<64x128xf32, #tpu.memory_space<vmem>>) offsets(%dma_start3A_134 : memref<64xi32, #tpu.memory_space<vmem>>) semaphore(%arg15 : memref<!tpu.dma_semaphore, #tpu.memory_space<semaphore_mem>>)
        } else {
        }
        %add3A_100 = arith.constant 2 : i32
        %add3A_101 = arith.addi %mul3A_71, %add3A_100 : i32
        %dma_wait3A_102 = arith.constant 0 : i32
        %dma_wait3A_103 = tpu.memref_slice %arg7[%add3A_101, %dma_wait3A_102] : memref<64x64xi32, #tpu.memory_space<vmem>> -> memref<1x64xi32, #tpu.memory_space<vmem>>
        %dma_wait3A_104 = tpu.memref_squeeze %dma_wait3A_103 : memref<1x64xi32, #tpu.memory_space<vmem>> -> memref<64xi32, #tpu.memory_space<vmem>>
        %dma_wait3A_105 = arith.constant 0 : i32
        %dma_wait3A_106 = arith.constant 0 : i32
        %dma_wait3A_107 = tpu.memref_slice %arg2[%dma_wait3A_105, %dma_wait3A_106] : memref<10000x128xf32, #tpu.memory_space<hbm>> -> memref<10000x128xf32, #tpu.memory_space<hbm>>
        tpu.wait_indirect_dma semaphore(%arg16 : memref<!tpu.dma_semaphore, #tpu.memory_space<semaphore_mem>>) src(%dma_wait3A_107 : memref<10000x128xf32, #tpu.memory_space<hbm>>) dst(%arg11 : memref<64x128xf32, #tpu.memory_space<vmem>>)
        "tpu.region"() ({
          %run_scoped3A = tpu.sem_alloc : memref<!tpu.dma_semaphore, #tpu.memory_space<semaphore_mem>>
          %dma_start3A_130 = arith.constant 0 : i32
          %dma_start3A_131 = tpu.memref_slice %arg8[%add3A_101, %dma_start3A_130] : memref<64x64xi32, #tpu.memory_space<vmem>> -> memref<1x64xi32, #tpu.memory_space<vmem>>
          %dma_start3A_132 = tpu.memref_squeeze %dma_start3A_131 : memref<1x64xi32, #tpu.memory_space<vmem>> -> memref<64xi32, #tpu.memory_space<vmem>>
          %dma_start3A_133 = arith.constant 0 : i32
          %dma_start3A_134 = arith.constant 0 : i32
          %dma_start3A_135 = tpu.memref_slice %arg13[%dma_start3A_133, %dma_start3A_134] : memref<10112x128xf32, #tpu.memory_space<vmem_shared>> -> memref<10112x128xf32, #tpu.memory_space<vmem_shared>>
          tpu.enqueue_indirect_dma source(%arg11 : memref<64x128xf32, #tpu.memory_space<vmem>>) target(%dma_start3A_135 : memref<10112x128xf32, #tpu.memory_space<vmem_shared>>) offsets(%dma_start3A_132 : memref<64xi32, #tpu.memory_space<vmem>>) semaphore(%run_scoped3A : memref<!tpu.dma_semaphore, #tpu.memory_space<semaphore_mem>>) {add = true}
          %dma_wait3A_136 = arith.constant 0 : i32
          %dma_wait3A_137 = tpu.memref_slice %arg8[%add3A_101, %dma_wait3A_136] : memref<64x64xi32, #tpu.memory_space<vmem>> -> memref<1x64xi32, #tpu.memory_space<vmem>>
          %dma_wait3A_138 = tpu.memref_squeeze %dma_wait3A_137 : memref<1x64xi32, #tpu.memory_space<vmem>> -> memref<64xi32, #tpu.memory_space<vmem>>
          %dma_wait3A_139 = arith.constant 0 : i32
          %dma_wait3A_140 = arith.constant 0 : i32
          %dma_wait3A_141 = tpu.memref_slice %arg13[%dma_wait3A_139, %dma_wait3A_140] : memref<10112x128xf32, #tpu.memory_space<vmem_shared>> -> memref<10112x128xf32, #tpu.memory_space<vmem_shared>>
          tpu.wait_indirect_dma semaphore(%run_scoped3A : memref<!tpu.dma_semaphore, #tpu.memory_space<semaphore_mem>>) src(%arg11 : memref<64x128xf32, #tpu.memory_space<vmem>>) dst(%dma_wait3A_141 : memref<10112x128xf32, #tpu.memory_space<vmem_shared>>)
          tpu.yield
        }) : () -> ()
        %add3A_108 = arith.constant 4 : i32
        %add3A_109 = arith.addi %add3A_101, %add3A_108 : i32
        %lt3A_110 = arith.constant 64 : i32
        %lt3A_111 = arith.cmpi slt, %add3A_109, %lt3A_110 : i32
        %convert_element_type3A_112 = arith.extui %lt3A_111 : i1 to i32
        %cond3A_113 = arith.constant 0 : i32
        %cond3A_114 = arith.cmpi ne, %convert_element_type3A_112, %cond3A_113 : i32
        scf.if %cond3A_114 {
          %add3A_130 = arith.constant 4 : i32
          %add3A_131 = arith.addi %add3A_101, %add3A_130 : i32
          %dma_start3A_132 = arith.constant 0 : i32
          %dma_start3A_133 = tpu.memref_slice %arg7[%add3A_131, %dma_start3A_132] : memref<64x64xi32, #tpu.memory_space<vmem>> -> memref<1x64xi32, #tpu.memory_space<vmem>>
          %dma_start3A_134 = tpu.memref_squeeze %dma_start3A_133 : memref<1x64xi32, #tpu.memory_space<vmem>> -> memref<64xi32, #tpu.memory_space<vmem>>
          %dma_start3A_135 = arith.constant 0 : i32
          %dma_start3A_136 = arith.constant 0 : i32
          %dma_start3A_137 = tpu.memref_slice %arg2[%dma_start3A_135, %dma_start3A_136] : memref<10000x128xf32, #tpu.memory_space<hbm>> -> memref<10000x128xf32, #tpu.memory_space<hbm>>
          tpu.enqueue_indirect_dma source(%dma_start3A_137 : memref<10000x128xf32, #tpu.memory_space<hbm>>) target(%arg11 : memref<64x128xf32, #tpu.memory_space<vmem>>) offsets(%dma_start3A_134 : memref<64xi32, #tpu.memory_space<vmem>>) semaphore(%arg16 : memref<!tpu.dma_semaphore, #tpu.memory_space<semaphore_mem>>)
        } else {
        }
        %add3A_115 = arith.constant 3 : i32
        %add3A_116 = arith.addi %mul3A_71, %add3A_115 : i32
        %dma_wait3A_117 = arith.constant 0 : i32
        %dma_wait3A_118 = tpu.memref_slice %arg7[%add3A_116, %dma_wait3A_117] : memref<64x64xi32, #tpu.memory_space<vmem>> -> memref<1x64xi32, #tpu.memory_space<vmem>>
        %dma_wait3A_119 = tpu.memref_squeeze %dma_wait3A_118 : memref<1x64xi32, #tpu.memory_space<vmem>> -> memref<64xi32, #tpu.memory_space<vmem>>
        %dma_wait3A_120 = arith.constant 0 : i32
        %dma_wait3A_121 = arith.constant 0 : i32
        %dma_wait3A_122 = tpu.memref_slice %arg2[%dma_wait3A_120, %dma_wait3A_121] : memref<10000x128xf32, #tpu.memory_space<hbm>> -> memref<10000x128xf32, #tpu.memory_space<hbm>>
        tpu.wait_indirect_dma semaphore(%arg17 : memref<!tpu.dma_semaphore, #tpu.memory_space<semaphore_mem>>) src(%dma_wait3A_122 : memref<10000x128xf32, #tpu.memory_space<hbm>>) dst(%arg12 : memref<64x128xf32, #tpu.memory_space<vmem>>)
        "tpu.region"() ({
          %run_scoped3A = tpu.sem_alloc : memref<!tpu.dma_semaphore, #tpu.memory_space<semaphore_mem>>
          %dma_start3A_130 = arith.constant 0 : i32
          %dma_start3A_131 = tpu.memref_slice %arg8[%add3A_116, %dma_start3A_130] : memref<64x64xi32, #tpu.memory_space<vmem>> -> memref<1x64xi32, #tpu.memory_space<vmem>>
          %dma_start3A_132 = tpu.memref_squeeze %dma_start3A_131 : memref<1x64xi32, #tpu.memory_space<vmem>> -> memref<64xi32, #tpu.memory_space<vmem>>
          %dma_start3A_133 = arith.constant 0 : i32
          %dma_start3A_134 = arith.constant 0 : i32
          %dma_start3A_135 = tpu.memref_slice %arg13[%dma_start3A_133, %dma_start3A_134] : memref<10112x128xf32, #tpu.memory_space<vmem_shared>> -> memref<10112x128xf32, #tpu.memory_space<vmem_shared>>
          tpu.enqueue_indirect_dma source(%arg12 : memref<64x128xf32, #tpu.memory_space<vmem>>) target(%dma_start3A_135 : memref<10112x128xf32, #tpu.memory_space<vmem_shared>>) offsets(%dma_start3A_132 : memref<64xi32, #tpu.memory_space<vmem>>) semaphore(%run_scoped3A : memref<!tpu.dma_semaphore, #tpu.memory_space<semaphore_mem>>) {add = true}
          %dma_wait3A_136 = arith.constant 0 : i32
          %dma_wait3A_137 = tpu.memref_slice %arg8[%add3A_116, %dma_wait3A_136] : memref<64x64xi32, #tpu.memory_space<vmem>> -> memref<1x64xi32, #tpu.memory_space<vmem>>
          %dma_wait3A_138 = tpu.memref_squeeze %dma_wait3A_137 : memref<1x64xi32, #tpu.memory_space<vmem>> -> memref<64xi32, #tpu.memory_space<vmem>>
          %dma_wait3A_139 = arith.constant 0 : i32
          %dma_wait3A_140 = arith.constant 0 : i32
          %dma_wait3A_141 = tpu.memref_slice %arg13[%dma_wait3A_139, %dma_wait3A_140] : memref<10112x128xf32, #tpu.memory_space<vmem_shared>> -> memref<10112x128xf32, #tpu.memory_space<vmem_shared>>
          tpu.wait_indirect_dma semaphore(%run_scoped3A : memref<!tpu.dma_semaphore, #tpu.memory_space<semaphore_mem>>) src(%arg12 : memref<64x128xf32, #tpu.memory_space<vmem>>) dst(%dma_wait3A_141 : memref<10112x128xf32, #tpu.memory_space<vmem_shared>>)
          tpu.yield
        }) : () -> ()
        %add3A_123 = arith.constant 4 : i32
        %add3A_124 = arith.addi %add3A_116, %add3A_123 : i32
        %lt3A_125 = arith.constant 64 : i32
        %lt3A_126 = arith.cmpi slt, %add3A_124, %lt3A_125 : i32
        %convert_element_type3A_127 = arith.extui %lt3A_126 : i1 to i32
        %cond3A_128 = arith.constant 0 : i32
        %cond3A_129 = arith.cmpi ne, %convert_element_type3A_127, %cond3A_128 : i32
        scf.if %cond3A_129 {
          %add3A_130 = arith.constant 4 : i32
          %add3A_131 = arith.addi %add3A_116, %add3A_130 : i32
          %dma_start3A_132 = arith.constant 0 : i32
          %dma_start3A_133 = tpu.memref_slice %arg7[%add3A_131, %dma_start3A_132] : memref<64x64xi32, #tpu.memory_space<vmem>> -> memref<1x64xi32, #tpu.memory_space<vmem>>
          %dma_start3A_134 = tpu.memref_squeeze %dma_start3A_133 : memref<1x64xi32, #tpu.memory_space<vmem>> -> memref<64xi32, #tpu.memory_space<vmem>>
          %dma_start3A_135 = arith.constant 0 : i32
          %dma_start3A_136 = arith.constant 0 : i32
          %dma_start3A_137 = tpu.memref_slice %arg2[%dma_start3A_135, %dma_start3A_136] : memref<10000x128xf32, #tpu.memory_space<hbm>> -> memref<10000x128xf32, #tpu.memory_space<hbm>>
          tpu.enqueue_indirect_dma source(%dma_start3A_137 : memref<10000x128xf32, #tpu.memory_space<hbm>>) target(%arg12 : memref<64x128xf32, #tpu.memory_space<vmem>>) offsets(%dma_start3A_134 : memref<64xi32, #tpu.memory_space<vmem>>) semaphore(%arg17 : memref<!tpu.dma_semaphore, #tpu.memory_space<semaphore_mem>>)
        } else {
        }
      }
      %scan3A_68 = arith.constant 16 : i32
    } else {
    }
    %gt3A_13 = arith.constant 1 : i32
    %gt3A_14 = arith.cmpi sgt, %select_n3A, %gt3A_13 : i32
    %convert_element_type3A_15 = arith.extui %gt3A_14 : i1 to i32
    %cond3A_16 = arith.constant 0 : i32
    %cond3A_17 = arith.cmpi ne, %convert_element_type3A_15, %cond3A_16 : i32
    scf.if %cond3A_17 {
      %add3A_33 = arith.constant 64 : i32
      %add3A_34 = arith.addi %select_n3A_6, %add3A_33 : i32
      "tpu.region"() ({
        %run_scoped3A = tpu.sem_alloc : memref<!tpu.dma_semaphore, #tpu.memory_space<semaphore_mem>>
        %dma_start3A_69 = arith.constant 0 : i32
        %dma_start3A_70 = tpu.memref_slice %arg3[%add3A_34, %dma_start3A_69] : memref<5120x64xi32, #tpu.memory_space<hbm>> -> memref<64x64xi32, #tpu.memory_space<hbm>>
        %dma_start3A_71 = arith.constant 0 : i32
        %dma_start3A_72 = tpu.memref_slice %arg3[%add3A_34, %dma_start3A_71] : memref<5120x64xi32, #tpu.memory_space<hbm>> -> memref<64x64xi32, #tpu.memory_space<hbm>>
        tpu.enqueue_dma source(%dma_start3A_72 : memref<64x64xi32, #tpu.memory_space<hbm>>) target(%arg7 : memref<64x64xi32, #tpu.memory_space<vmem>>) target_semaphore(%run_scoped3A : memref<!tpu.dma_semaphore, #tpu.memory_space<semaphore_mem>>)
        %dma_wait3A = arith.constant 0 : i32
        %dma_wait3A_73 = tpu.memref_slice %arg3[%add3A_34, %dma_wait3A] : memref<5120x64xi32, #tpu.memory_space<hbm>> -> memref<64x64xi32, #tpu.memory_space<hbm>>
        %dma_wait3A_74 = arith.constant 0 : i32
        %dma_wait3A_75 = tpu.memref_slice %arg3[%add3A_34, %dma_wait3A_74] : memref<5120x64xi32, #tpu.memory_space<hbm>> -> memref<64x64xi32, #tpu.memory_space<hbm>>
        tpu.wait_dma2 semaphore(%run_scoped3A : memref<!tpu.dma_semaphore, #tpu.memory_space<semaphore_mem>>) src(%dma_wait3A_75 : memref<64x64xi32, #tpu.memory_space<hbm>>) dst(%arg7 : memref<64x64xi32, #tpu.memory_space<vmem>>)
        tpu.yield
      }) : () -> ()
      %add3A_35 = arith.constant 64 : i32
      %add3A_36 = arith.addi %select_n3A_6, %add3A_35 : i32
      "tpu.region"() ({
        %run_scoped3A = tpu.sem_alloc : memref<!tpu.dma_semaphore, #tpu.memory_space<semaphore_mem>>
        %dma_start3A_69 = arith.constant 0 : i32
        %dma_start3A_70 = tpu.memref_slice %arg4[%add3A_36, %dma_start3A_69] : memref<5120x64xi32, #tpu.memory_space<hbm>> -> memref<64x64xi32, #tpu.memory_space<hbm>>
        %dma_start3A_71 = arith.constant 0 : i32
        %dma_start3A_72 = tpu.memref_slice %arg4[%add3A_36, %dma_start3A_71] : memref<5120x64xi32, #tpu.memory_space<hbm>> -> memref<64x64xi32, #tpu.memory_space<hbm>>
        tpu.enqueue_dma source(%dma_start3A_72 : memref<64x64xi32, #tpu.memory_space<hbm>>) target(%arg8 : memref<64x64xi32, #tpu.memory_space<vmem>>) target_semaphore(%run_scoped3A : memref<!tpu.dma_semaphore, #tpu.memory_space<semaphore_mem>>)
        %dma_wait3A = arith.constant 0 : i32
        %dma_wait3A_73 = tpu.memref_slice %arg4[%add3A_36, %dma_wait3A] : memref<5120x64xi32, #tpu.memory_space<hbm>> -> memref<64x64xi32, #tpu.memory_space<hbm>>
        %dma_wait3A_74 = arith.constant 0 : i32
        %dma_wait3A_75 = tpu.memref_slice %arg4[%add3A_36, %dma_wait3A_74] : memref<5120x64xi32, #tpu.memory_space<hbm>> -> memref<64x64xi32, #tpu.memory_space<hbm>>
        tpu.wait_dma2 semaphore(%run_scoped3A : memref<!tpu.dma_semaphore, #tpu.memory_space<semaphore_mem>>) src(%dma_wait3A_75 : memref<64x64xi32, #tpu.memory_space<hbm>>) dst(%arg8 : memref<64x64xi32, #tpu.memory_space<vmem>>)
        tpu.yield
      }) : () -> ()
      %dma_start3A = arith.constant 0 : i32
      %dma_start3A_37 = arith.constant 0 : i32
      %dma_start3A_38 = tpu.memref_slice %arg7[%dma_start3A, %dma_start3A_37] : memref<64x64xi32, #tpu.memory_space<vmem>> -> memref<1x64xi32, #tpu.memory_space<vmem>>
      %dma_start3A_39 = tpu.memref_squeeze %dma_start3A_38 : memref<1x64xi32, #tpu.memory_space<vmem>> -> memref<64xi32, #tpu.memory_space<vmem>>
      %dma_start3A_40 = arith.constant 0 : i32
      %dma_start3A_41 = arith.constant 0 : i32
      %dma_start3A_42 = tpu.memref_slice %arg2[%dma_start3A_40, %dma_start3A_41] : memref<10000x128xf32, #tpu.memory_space<hbm>> -> memref<10000x128xf32, #tpu.memory_space<hbm>>
      tpu.enqueue_indirect_dma source(%dma_start3A_42 : memref<10000x128xf32, #tpu.memory_space<hbm>>) target(%arg9 : memref<64x128xf32, #tpu.memory_space<vmem>>) offsets(%dma_start3A_39 : memref<64xi32, #tpu.memory_space<vmem>>) semaphore(%arg14 : memref<!tpu.dma_semaphore, #tpu.memory_space<semaphore_mem>>)
      %dma_start3A_43 = arith.constant 1 : i32
      %dma_start3A_44 = arith.constant 0 : i32
      %dma_start3A_45 = tpu.memref_slice %arg7[%dma_start3A_43, %dma_start3A_44] : memref<64x64xi32, #tpu.memory_space<vmem>> -> memref<1x64xi32, #tpu.memory_space<vmem>>
      %dma_start3A_46 = tpu.memref_squeeze %dma_start3A_45 : memref<1x64xi32, #tpu.memory_space<vmem>> -> memref<64xi32, #tpu.memory_space<vmem>>
      %dma_start3A_47 = arith.constant 0 : i32
      %dma_start3A_48 = arith.constant 0 : i32
      %dma_start3A_49 = tpu.memref_slice %arg2[%dma_start3A_47, %dma_start3A_48] : memref<10000x128xf32, #tpu.memory_space<hbm>> -> memref<10000x128xf32, #tpu.memory_space<hbm>>
      tpu.enqueue_indirect_dma source(%dma_start3A_49 : memref<10000x128xf32, #tpu.memory_space<hbm>>) target(%arg10 : memref<64x128xf32, #tpu.memory_space<vmem>>) offsets(%dma_start3A_46 : memref<64xi32, #tpu.memory_space<vmem>>) semaphore(%arg15 : memref<!tpu.dma_semaphore, #tpu.memory_space<semaphore_mem>>)
      %dma_start3A_50 = arith.constant 2 : i32
      %dma_start3A_51 = arith.constant 0 : i32
      %dma_start3A_52 = tpu.memref_slice %arg7[%dma_start3A_50, %dma_start3A_51] : memref<64x64xi32, #tpu.memory_space<vmem>> -> memref<1x64xi32, #tpu.memory_space<vmem>>
      %dma_start3A_53 = tpu.memref_squeeze %dma_start3A_52 : memref<1x64xi32, #tpu.memory_space<vmem>> -> memref<64xi32, #tpu.memory_space<vmem>>
      %dma_start3A_54 = arith.constant 0 : i32
      %dma_start3A_55 = arith.constant 0 : i32
      %dma_start3A_56 = tpu.memref_slice %arg2[%dma_start3A_54, %dma_start3A_55] : memref<10000x128xf32, #tpu.memory_space<hbm>> -> memref<10000x128xf32, #tpu.memory_space<hbm>>
      tpu.enqueue_indirect_dma source(%dma_start3A_56 : memref<10000x128xf32, #tpu.memory_space<hbm>>) target(%arg11 : memref<64x128xf32, #tpu.memory_space<vmem>>) offsets(%dma_start3A_53 : memref<64xi32, #tpu.memory_space<vmem>>) semaphore(%arg16 : memref<!tpu.dma_semaphore, #tpu.memory_space<semaphore_mem>>)
      %dma_start3A_57 = arith.constant 3 : i32
      %dma_start3A_58 = arith.constant 0 : i32
      %dma_start3A_59 = tpu.memref_slice %arg7[%dma_start3A_57, %dma_start3A_58] : memref<64x64xi32, #tpu.memory_space<vmem>> -> memref<1x64xi32, #tpu.memory_space<vmem>>
      %dma_start3A_60 = tpu.memref_squeeze %dma_start3A_59 : memref<1x64xi32, #tpu.memory_space<vmem>> -> memref<64xi32, #tpu.memory_space<vmem>>
      %dma_start3A_61 = arith.constant 0 : i32
      %dma_start3A_62 = arith.constant 0 : i32
      %dma_start3A_63 = tpu.memref_slice %arg2[%dma_start3A_61, %dma_start3A_62] : memref<10000x128xf32, #tpu.memory_space<hbm>> -> memref<10000x128xf32, #tpu.memory_space<hbm>>
      tpu.enqueue_indirect_dma source(%dma_start3A_63 : memref<10000x128xf32, #tpu.memory_space<hbm>>) target(%arg12 : memref<64x128xf32, #tpu.memory_space<vmem>>) offsets(%dma_start3A_60 : memref<64xi32, #tpu.memory_space<vmem>>) semaphore(%arg17 : memref<!tpu.dma_semaphore, #tpu.memory_space<semaphore_mem>>)
      %scan3A = arith.constant 0 : i32
      %scan3A_64 = arith.constant 0 : i32
      %scan3A_65 = arith.constant 16 : i32
      %scan3A_66 = arith.addi %scan3A_64, %scan3A_65 : i32
      %scan3A_67 = arith.constant 1 : i32
      scf.for %scan3A_69 = %scan3A_64 to %scan3A_66 step %scan3A_67  : i32 {
        %mul3A_70 = arith.constant 4 : i32
        %mul3A_71 = arith.muli %mul3A_70, %scan3A_69 : i32
        %add3A_72 = arith.constant 0 : i32
        %add3A_73 = arith.addi %mul3A_71, %add3A_72 : i32
        %dma_wait3A = arith.constant 0 : i32
        %dma_wait3A_74 = tpu.memref_slice %arg7[%add3A_73, %dma_wait3A] : memref<64x64xi32, #tpu.memory_space<vmem>> -> memref<1x64xi32, #tpu.memory_space<vmem>>
        %dma_wait3A_75 = tpu.memref_squeeze %dma_wait3A_74 : memref<1x64xi32, #tpu.memory_space<vmem>> -> memref<64xi32, #tpu.memory_space<vmem>>
        %dma_wait3A_76 = arith.constant 0 : i32
        %dma_wait3A_77 = arith.constant 0 : i32
        %dma_wait3A_78 = tpu.memref_slice %arg2[%dma_wait3A_76, %dma_wait3A_77] : memref<10000x128xf32, #tpu.memory_space<hbm>> -> memref<10000x128xf32, #tpu.memory_space<hbm>>
        tpu.wait_indirect_dma semaphore(%arg14 : memref<!tpu.dma_semaphore, #tpu.memory_space<semaphore_mem>>) src(%dma_wait3A_78 : memref<10000x128xf32, #tpu.memory_space<hbm>>) dst(%arg9 : memref<64x128xf32, #tpu.memory_space<vmem>>)
        "tpu.region"() ({
          %run_scoped3A = tpu.sem_alloc : memref<!tpu.dma_semaphore, #tpu.memory_space<semaphore_mem>>
          %dma_start3A_130 = arith.constant 0 : i32
          %dma_start3A_131 = tpu.memref_slice %arg8[%add3A_73, %dma_start3A_130] : memref<64x64xi32, #tpu.memory_space<vmem>> -> memref<1x64xi32, #tpu.memory_space<vmem>>
          %dma_start3A_132 = tpu.memref_squeeze %dma_start3A_131 : memref<1x64xi32, #tpu.memory_space<vmem>> -> memref<64xi32, #tpu.memory_space<vmem>>
          %dma_start3A_133 = arith.constant 0 : i32
          %dma_start3A_134 = arith.constant 0 : i32
          %dma_start3A_135 = tpu.memref_slice %arg13[%dma_start3A_133, %dma_start3A_134] : memref<10112x128xf32, #tpu.memory_space<vmem_shared>> -> memref<10112x128xf32, #tpu.memory_space<vmem_shared>>
          tpu.enqueue_indirect_dma source(%arg9 : memref<64x128xf32, #tpu.memory_space<vmem>>) target(%dma_start3A_135 : memref<10112x128xf32, #tpu.memory_space<vmem_shared>>) offsets(%dma_start3A_132 : memref<64xi32, #tpu.memory_space<vmem>>) semaphore(%run_scoped3A : memref<!tpu.dma_semaphore, #tpu.memory_space<semaphore_mem>>) {add = true}
          %dma_wait3A_136 = arith.constant 0 : i32
          %dma_wait3A_137 = tpu.memref_slice %arg8[%add3A_73, %dma_wait3A_136] : memref<64x64xi32, #tpu.memory_space<vmem>> -> memref<1x64xi32, #tpu.memory_space<vmem>>
          %dma_wait3A_138 = tpu.memref_squeeze %dma_wait3A_137 : memref<1x64xi32, #tpu.memory_space<vmem>> -> memref<64xi32, #tpu.memory_space<vmem>>
          %dma_wait3A_139 = arith.constant 0 : i32
          %dma_wait3A_140 = arith.constant 0 : i32
          %dma_wait3A_141 = tpu.memref_slice %arg13[%dma_wait3A_139, %dma_wait3A_140] : memref<10112x128xf32, #tpu.memory_space<vmem_shared>> -> memref<10112x128xf32, #tpu.memory_space<vmem_shared>>
          tpu.wait_indirect_dma semaphore(%run_scoped3A : memref<!tpu.dma_semaphore, #tpu.memory_space<semaphore_mem>>) src(%arg9 : memref<64x128xf32, #tpu.memory_space<vmem>>) dst(%dma_wait3A_141 : memref<10112x128xf32, #tpu.memory_space<vmem_shared>>)
          tpu.yield
        }) : () -> ()
        %add3A_79 = arith.constant 4 : i32
        %add3A_80 = arith.addi %add3A_73, %add3A_79 : i32
        %lt3A = arith.constant 64 : i32
        %lt3A_81 = arith.cmpi slt, %add3A_80, %lt3A : i32
        %convert_element_type3A_82 = arith.extui %lt3A_81 : i1 to i32
        %cond3A_83 = arith.constant 0 : i32
        %cond3A_84 = arith.cmpi ne, %convert_element_type3A_82, %cond3A_83 : i32
        scf.if %cond3A_84 {
          %add3A_130 = arith.constant 4 : i32
          %add3A_131 = arith.addi %add3A_73, %add3A_130 : i32
          %dma_start3A_132 = arith.constant 0 : i32
          %dma_start3A_133 = tpu.memref_slice %arg7[%add3A_131, %dma_start3A_132] : memref<64x64xi32, #tpu.memory_space<vmem>> -> memref<1x64xi32, #tpu.memory_space<vmem>>
          %dma_start3A_134 = tpu.memref_squeeze %dma_start3A_133 : memref<1x64xi32, #tpu.memory_space<vmem>> -> memref<64xi32, #tpu.memory_space<vmem>>
          %dma_start3A_135 = arith.constant 0 : i32
          %dma_start3A_136 = arith.constant 0 : i32
          %dma_start3A_137 = tpu.memref_slice %arg2[%dma_start3A_135, %dma_start3A_136] : memref<10000x128xf32, #tpu.memory_space<hbm>> -> memref<10000x128xf32, #tpu.memory_space<hbm>>
          tpu.enqueue_indirect_dma source(%dma_start3A_137 : memref<10000x128xf32, #tpu.memory_space<hbm>>) target(%arg9 : memref<64x128xf32, #tpu.memory_space<vmem>>) offsets(%dma_start3A_134 : memref<64xi32, #tpu.memory_space<vmem>>) semaphore(%arg14 : memref<!tpu.dma_semaphore, #tpu.memory_space<semaphore_mem>>)
        } else {
        }
        %add3A_85 = arith.constant 1 : i32
        %add3A_86 = arith.addi %mul3A_71, %add3A_85 : i32
        %dma_wait3A_87 = arith.constant 0 : i32
        %dma_wait3A_88 = tpu.memref_slice %arg7[%add3A_86, %dma_wait3A_87] : memref<64x64xi32, #tpu.memory_space<vmem>> -> memref<1x64xi32, #tpu.memory_space<vmem>>
        %dma_wait3A_89 = tpu.memref_squeeze %dma_wait3A_88 : memref<1x64xi32, #tpu.memory_space<vmem>> -> memref<64xi32, #tpu.memory_space<vmem>>
        %dma_wait3A_90 = arith.constant 0 : i32
        %dma_wait3A_91 = arith.constant 0 : i32
        %dma_wait3A_92 = tpu.memref_slice %arg2[%dma_wait3A_90, %dma_wait3A_91] : memref<10000x128xf32, #tpu.memory_space<hbm>> -> memref<10000x128xf32, #tpu.memory_space<hbm>>
        tpu.wait_indirect_dma semaphore(%arg15 : memref<!tpu.dma_semaphore, #tpu.memory_space<semaphore_mem>>) src(%dma_wait3A_92 : memref<10000x128xf32, #tpu.memory_space<hbm>>) dst(%arg10 : memref<64x128xf32, #tpu.memory_space<vmem>>)
        "tpu.region"() ({
          %run_scoped3A = tpu.sem_alloc : memref<!tpu.dma_semaphore, #tpu.memory_space<semaphore_mem>>
          %dma_start3A_130 = arith.constant 0 : i32
          %dma_start3A_131 = tpu.memref_slice %arg8[%add3A_86, %dma_start3A_130] : memref<64x64xi32, #tpu.memory_space<vmem>> -> memref<1x64xi32, #tpu.memory_space<vmem>>
          %dma_start3A_132 = tpu.memref_squeeze %dma_start3A_131 : memref<1x64xi32, #tpu.memory_space<vmem>> -> memref<64xi32, #tpu.memory_space<vmem>>
          %dma_start3A_133 = arith.constant 0 : i32
          %dma_start3A_134 = arith.constant 0 : i32
          %dma_start3A_135 = tpu.memref_slice %arg13[%dma_start3A_133, %dma_start3A_134] : memref<10112x128xf32, #tpu.memory_space<vmem_shared>> -> memref<10112x128xf32, #tpu.memory_space<vmem_shared>>
          tpu.enqueue_indirect_dma source(%arg10 : memref<64x128xf32, #tpu.memory_space<vmem>>) target(%dma_start3A_135 : memref<10112x128xf32, #tpu.memory_space<vmem_shared>>) offsets(%dma_start3A_132 : memref<64xi32, #tpu.memory_space<vmem>>) semaphore(%run_scoped3A : memref<!tpu.dma_semaphore, #tpu.memory_space<semaphore_mem>>) {add = true}
          %dma_wait3A_136 = arith.constant 0 : i32
          %dma_wait3A_137 = tpu.memref_slice %arg8[%add3A_86, %dma_wait3A_136] : memref<64x64xi32, #tpu.memory_space<vmem>> -> memref<1x64xi32, #tpu.memory_space<vmem>>
          %dma_wait3A_138 = tpu.memref_squeeze %dma_wait3A_137 : memref<1x64xi32, #tpu.memory_space<vmem>> -> memref<64xi32, #tpu.memory_space<vmem>>
          %dma_wait3A_139 = arith.constant 0 : i32
          %dma_wait3A_140 = arith.constant 0 : i32
          %dma_wait3A_141 = tpu.memref_slice %arg13[%dma_wait3A_139, %dma_wait3A_140] : memref<10112x128xf32, #tpu.memory_space<vmem_shared>> -> memref<10112x128xf32, #tpu.memory_space<vmem_shared>>
          tpu.wait_indirect_dma semaphore(%run_scoped3A : memref<!tpu.dma_semaphore, #tpu.memory_space<semaphore_mem>>) src(%arg10 : memref<64x128xf32, #tpu.memory_space<vmem>>) dst(%dma_wait3A_141 : memref<10112x128xf32, #tpu.memory_space<vmem_shared>>)
          tpu.yield
        }) : () -> ()
        %add3A_93 = arith.constant 4 : i32
        %add3A_94 = arith.addi %add3A_86, %add3A_93 : i32
        %lt3A_95 = arith.constant 64 : i32
        %lt3A_96 = arith.cmpi slt, %add3A_94, %lt3A_95 : i32
        %convert_element_type3A_97 = arith.extui %lt3A_96 : i1 to i32
        %cond3A_98 = arith.constant 0 : i32
        %cond3A_99 = arith.cmpi ne, %convert_element_type3A_97, %cond3A_98 : i32
        scf.if %cond3A_99 {
          %add3A_130 = arith.constant 4 : i32
          %add3A_131 = arith.addi %add3A_86, %add3A_130 : i32
          %dma_start3A_132 = arith.constant 0 : i32
          %dma_start3A_133 = tpu.memref_slice %arg7[%add3A_131, %dma_start3A_132] : memref<64x64xi32, #tpu.memory_space<vmem>> -> memref<1x64xi32, #tpu.memory_space<vmem>>
          %dma_start3A_134 = tpu.memref_squeeze %dma_start3A_133 : memref<1x64xi32, #tpu.memory_space<vmem>> -> memref<64xi32, #tpu.memory_space<vmem>>
          %dma_start3A_135 = arith.constant 0 : i32
          %dma_start3A_136 = arith.constant 0 : i32
          %dma_start3A_137 = tpu.memref_slice %arg2[%dma_start3A_135, %dma_start3A_136] : memref<10000x128xf32, #tpu.memory_space<hbm>> -> memref<10000x128xf32, #tpu.memory_space<hbm>>
          tpu.enqueue_indirect_dma source(%dma_start3A_137 : memref<10000x128xf32, #tpu.memory_space<hbm>>) target(%arg10 : memref<64x128xf32, #tpu.memory_space<vmem>>) offsets(%dma_start3A_134 : memref<64xi32, #tpu.memory_space<vmem>>) semaphore(%arg15 : memref<!tpu.dma_semaphore, #tpu.memory_space<semaphore_mem>>)
        } else {
        }
        %add3A_100 = arith.constant 2 : i32
        %add3A_101 = arith.addi %mul3A_71, %add3A_100 : i32
        %dma_wait3A_102 = arith.constant 0 : i32
        %dma_wait3A_103 = tpu.memref_slice %arg7[%add3A_101, %dma_wait3A_102] : memref<64x64xi32, #tpu.memory_space<vmem>> -> memref<1x64xi32, #tpu.memory_space<vmem>>
        %dma_wait3A_104 = tpu.memref_squeeze %dma_wait3A_103 : memref<1x64xi32, #tpu.memory_space<vmem>> -> memref<64xi32, #tpu.memory_space<vmem>>
        %dma_wait3A_105 = arith.constant 0 : i32
        %dma_wait3A_106 = arith.constant 0 : i32
        %dma_wait3A_107 = tpu.memref_slice %arg2[%dma_wait3A_105, %dma_wait3A_106] : memref<10000x128xf32, #tpu.memory_space<hbm>> -> memref<10000x128xf32, #tpu.memory_space<hbm>>
        tpu.wait_indirect_dma semaphore(%arg16 : memref<!tpu.dma_semaphore, #tpu.memory_space<semaphore_mem>>) src(%dma_wait3A_107 : memref<10000x128xf32, #tpu.memory_space<hbm>>) dst(%arg11 : memref<64x128xf32, #tpu.memory_space<vmem>>)
        "tpu.region"() ({
          %run_scoped3A = tpu.sem_alloc : memref<!tpu.dma_semaphore, #tpu.memory_space<semaphore_mem>>
          %dma_start3A_130 = arith.constant 0 : i32
          %dma_start3A_131 = tpu.memref_slice %arg8[%add3A_101, %dma_start3A_130] : memref<64x64xi32, #tpu.memory_space<vmem>> -> memref<1x64xi32, #tpu.memory_space<vmem>>
          %dma_start3A_132 = tpu.memref_squeeze %dma_start3A_131 : memref<1x64xi32, #tpu.memory_space<vmem>> -> memref<64xi32, #tpu.memory_space<vmem>>
          %dma_start3A_133 = arith.constant 0 : i32
          %dma_start3A_134 = arith.constant 0 : i32
          %dma_start3A_135 = tpu.memref_slice %arg13[%dma_start3A_133, %dma_start3A_134] : memref<10112x128xf32, #tpu.memory_space<vmem_shared>> -> memref<10112x128xf32, #tpu.memory_space<vmem_shared>>
          tpu.enqueue_indirect_dma source(%arg11 : memref<64x128xf32, #tpu.memory_space<vmem>>) target(%dma_start3A_135 : memref<10112x128xf32, #tpu.memory_space<vmem_shared>>) offsets(%dma_start3A_132 : memref<64xi32, #tpu.memory_space<vmem>>) semaphore(%run_scoped3A : memref<!tpu.dma_semaphore, #tpu.memory_space<semaphore_mem>>) {add = true}
          %dma_wait3A_136 = arith.constant 0 : i32
          %dma_wait3A_137 = tpu.memref_slice %arg8[%add3A_101, %dma_wait3A_136] : memref<64x64xi32, #tpu.memory_space<vmem>> -> memref<1x64xi32, #tpu.memory_space<vmem>>
          %dma_wait3A_138 = tpu.memref_squeeze %dma_wait3A_137 : memref<1x64xi32, #tpu.memory_space<vmem>> -> memref<64xi32, #tpu.memory_space<vmem>>
          %dma_wait3A_139 = arith.constant 0 : i32
          %dma_wait3A_140 = arith.constant 0 : i32
          %dma_wait3A_141 = tpu.memref_slice %arg13[%dma_wait3A_139, %dma_wait3A_140] : memref<10112x128xf32, #tpu.memory_space<vmem_shared>> -> memref<10112x128xf32, #tpu.memory_space<vmem_shared>>
          tpu.wait_indirect_dma semaphore(%run_scoped3A : memref<!tpu.dma_semaphore, #tpu.memory_space<semaphore_mem>>) src(%arg11 : memref<64x128xf32, #tpu.memory_space<vmem>>) dst(%dma_wait3A_141 : memref<10112x128xf32, #tpu.memory_space<vmem_shared>>)
          tpu.yield
        }) : () -> ()
        %add3A_108 = arith.constant 4 : i32
        %add3A_109 = arith.addi %add3A_101, %add3A_108 : i32
        %lt3A_110 = arith.constant 64 : i32
        %lt3A_111 = arith.cmpi slt, %add3A_109, %lt3A_110 : i32
        %convert_element_type3A_112 = arith.extui %lt3A_111 : i1 to i32
        %cond3A_113 = arith.constant 0 : i32
        %cond3A_114 = arith.cmpi ne, %convert_element_type3A_112, %cond3A_113 : i32
        scf.if %cond3A_114 {
          %add3A_130 = arith.constant 4 : i32
          %add3A_131 = arith.addi %add3A_101, %add3A_130 : i32
          %dma_start3A_132 = arith.constant 0 : i32
          %dma_start3A_133 = tpu.memref_slice %arg7[%add3A_131, %dma_start3A_132] : memref<64x64xi32, #tpu.memory_space<vmem>> -> memref<1x64xi32, #tpu.memory_space<vmem>>
          %dma_start3A_134 = tpu.memref_squeeze %dma_start3A_133 : memref<1x64xi32, #tpu.memory_space<vmem>> -> memref<64xi32, #tpu.memory_space<vmem>>
          %dma_start3A_135 = arith.constant 0 : i32
          %dma_start3A_136 = arith.constant 0 : i32
          %dma_start3A_137 = tpu.memref_slice %arg2[%dma_start3A_135, %dma_start3A_136] : memref<10000x128xf32, #tpu.memory_space<hbm>> -> memref<10000x128xf32, #tpu.memory_space<hbm>>
          tpu.enqueue_indirect_dma source(%dma_start3A_137 : memref<10000x128xf32, #tpu.memory_space<hbm>>) target(%arg11 : memref<64x128xf32, #tpu.memory_space<vmem>>) offsets(%dma_start3A_134 : memref<64xi32, #tpu.memory_space<vmem>>) semaphore(%arg16 : memref<!tpu.dma_semaphore, #tpu.memory_space<semaphore_mem>>)
        } else {
        }
        %add3A_115 = arith.constant 3 : i32
        %add3A_116 = arith.addi %mul3A_71, %add3A_115 : i32
        %dma_wait3A_117 = arith.constant 0 : i32
        %dma_wait3A_118 = tpu.memref_slice %arg7[%add3A_116, %dma_wait3A_117] : memref<64x64xi32, #tpu.memory_space<vmem>> -> memref<1x64xi32, #tpu.memory_space<vmem>>
        %dma_wait3A_119 = tpu.memref_squeeze %dma_wait3A_118 : memref<1x64xi32, #tpu.memory_space<vmem>> -> memref<64xi32, #tpu.memory_space<vmem>>
        %dma_wait3A_120 = arith.constant 0 : i32
        %dma_wait3A_121 = arith.constant 0 : i32
        %dma_wait3A_122 = tpu.memref_slice %arg2[%dma_wait3A_120, %dma_wait3A_121] : memref<10000x128xf32, #tpu.memory_space<hbm>> -> memref<10000x128xf32, #tpu.memory_space<hbm>>
        tpu.wait_indirect_dma semaphore(%arg17 : memref<!tpu.dma_semaphore, #tpu.memory_space<semaphore_mem>>) src(%dma_wait3A_122 : memref<10000x128xf32, #tpu.memory_space<hbm>>) dst(%arg12 : memref<64x128xf32, #tpu.memory_space<vmem>>)
        "tpu.region"() ({
          %run_scoped3A = tpu.sem_alloc : memref<!tpu.dma_semaphore, #tpu.memory_space<semaphore_mem>>
          %dma_start3A_130 = arith.constant 0 : i32
          %dma_start3A_131 = tpu.memref_slice %arg8[%add3A_116, %dma_start3A_130] : memref<64x64xi32, #tpu.memory_space<vmem>> -> memref<1x64xi32, #tpu.memory_space<vmem>>
          %dma_start3A_132 = tpu.memref_squeeze %dma_start3A_131 : memref<1x64xi32, #tpu.memory_space<vmem>> -> memref<64xi32, #tpu.memory_space<vmem>>
          %dma_start3A_133 = arith.constant 0 : i32
          %dma_start3A_134 = arith.constant 0 : i32
          %dma_start3A_135 = tpu.memref_slice %arg13[%dma_start3A_133, %dma_start3A_134] : memref<10112x128xf32, #tpu.memory_space<vmem_shared>> -> memref<10112x128xf32, #tpu.memory_space<vmem_shared>>
          tpu.enqueue_indirect_dma source(%arg12 : memref<64x128xf32, #tpu.memory_space<vmem>>) target(%dma_start3A_135 : memref<10112x128xf32, #tpu.memory_space<vmem_shared>>) offsets(%dma_start3A_132 : memref<64xi32, #tpu.memory_space<vmem>>) semaphore(%run_scoped3A : memref<!tpu.dma_semaphore, #tpu.memory_space<semaphore_mem>>) {add = true}
          %dma_wait3A_136 = arith.constant 0 : i32
          %dma_wait3A_137 = tpu.memref_slice %arg8[%add3A_116, %dma_wait3A_136] : memref<64x64xi32, #tpu.memory_space<vmem>> -> memref<1x64xi32, #tpu.memory_space<vmem>>
          %dma_wait3A_138 = tpu.memref_squeeze %dma_wait3A_137 : memref<1x64xi32, #tpu.memory_space<vmem>> -> memref<64xi32, #tpu.memory_space<vmem>>
          %dma_wait3A_139 = arith.constant 0 : i32
          %dma_wait3A_140 = arith.constant 0 : i32
          %dma_wait3A_141 = tpu.memref_slice %arg13[%dma_wait3A_139, %dma_wait3A_140] : memref<10112x128xf32, #tpu.memory_space<vmem_shared>> -> memref<10112x128xf32, #tpu.memory_space<vmem_shared>>
          tpu.wait_indirect_dma semaphore(%run_scoped3A : memref<!tpu.dma_semaphore, #tpu.memory_space<semaphore_mem>>) src(%arg12 : memref<64x128xf32, #tpu.memory_space<vmem>>) dst(%dma_wait3A_141 : memref<10112x128xf32, #tpu.memory_space<vmem_shared>>)
          tpu.yield
        }) : () -> ()
        %add3A_123 = arith.constant 4 : i32
        %add3A_124 = arith.addi %add3A_116, %add3A_123 : i32
        %lt3A_125 = arith.constant 64 : i32
        %lt3A_126 = arith.cmpi slt, %add3A_124, %lt3A_125 : i32
        %convert_element_type3A_127 = arith.extui %lt3A_126 : i1 to i32
        %cond3A_128 = arith.constant 0 : i32
        %cond3A_129 = arith.cmpi ne, %convert_element_type3A_127, %cond3A_128 : i32
        scf.if %cond3A_129 {
          %add3A_130 = arith.constant 4 : i32
          %add3A_131 = arith.addi %add3A_116, %add3A_130 : i32
          %dma_start3A_132 = arith.constant 0 : i32
          %dma_start3A_133 = tpu.memref_slice %arg7[%add3A_131, %dma_start3A_132] : memref<64x64xi32, #tpu.memory_space<vmem>> -> memref<1x64xi32, #tpu.memory_space<vmem>>
          %dma_start3A_134 = tpu.memref_squeeze %dma_start3A_133 : memref<1x64xi32, #tpu.memory_space<vmem>> -> memref<64xi32, #tpu.memory_space<vmem>>
          %dma_start3A_135 = arith.constant 0 : i32
          %dma_start3A_136 = arith.constant 0 : i32
          %dma_start3A_137 = tpu.memref_slice %arg2[%dma_start3A_135, %dma_start3A_136] : memref<10000x128xf32, #tpu.memory_space<hbm>> -> memref<10000x128xf32, #tpu.memory_space<hbm>>
          tpu.enqueue_indirect_dma source(%dma_start3A_137 : memref<10000x128xf32, #tpu.memory_space<hbm>>) target(%arg12 : memref<64x128xf32, #tpu.memory_space<vmem>>) offsets(%dma_start3A_134 : memref<64xi32, #tpu.memory_space<vmem>>) semaphore(%arg17 : memref<!tpu.dma_semaphore, #tpu.memory_space<semaphore_mem>>)
        } else {
        }
      }
      %scan3A_68 = arith.constant 16 : i32
    } else {
    }
    %gt3A_18 = arith.constant 2 : i32
    %gt3A_19 = arith.cmpi sgt, %select_n3A, %gt3A_18 : i32
    %convert_element_type3A_20 = arith.extui %gt3A_19 : i1 to i32
    %cond3A_21 = arith.constant 0 : i32
    %cond3A_22 = arith.cmpi ne, %convert_element_type3A_20, %cond3A_21 : i32
    scf.if %cond3A_22 {
      %add3A_33 = arith.constant 128 : i32
      %add3A_34 = arith.addi %select_n3A_6, %add3A_33 : i32
      "tpu.region"() ({
        %run_scoped3A = tpu.sem_alloc : memref<!tpu.dma_semaphore, #tpu.memory_space<semaphore_mem>>
        %dma_start3A_69 = arith.constant 0 : i32
        %dma_start3A_70 = tpu.memref_slice %arg3[%add3A_34, %dma_start3A_69] : memref<5120x64xi32, #tpu.memory_space<hbm>> -> memref<64x64xi32, #tpu.memory_space<hbm>>
        %dma_start3A_71 = arith.constant 0 : i32
        %dma_start3A_72 = tpu.memref_slice %arg3[%add3A_34, %dma_start3A_71] : memref<5120x64xi32, #tpu.memory_space<hbm>> -> memref<64x64xi32, #tpu.memory_space<hbm>>
        tpu.enqueue_dma source(%dma_start3A_72 : memref<64x64xi32, #tpu.memory_space<hbm>>) target(%arg7 : memref<64x64xi32, #tpu.memory_space<vmem>>) target_semaphore(%run_scoped3A : memref<!tpu.dma_semaphore, #tpu.memory_space<semaphore_mem>>)
        %dma_wait3A = arith.constant 0 : i32
        %dma_wait3A_73 = tpu.memref_slice %arg3[%add3A_34, %dma_wait3A] : memref<5120x64xi32, #tpu.memory_space<hbm>> -> memref<64x64xi32, #tpu.memory_space<hbm>>
        %dma_wait3A_74 = arith.constant 0 : i32
        %dma_wait3A_75 = tpu.memref_slice %arg3[%add3A_34, %dma_wait3A_74] : memref<5120x64xi32, #tpu.memory_space<hbm>> -> memref<64x64xi32, #tpu.memory_space<hbm>>
        tpu.wait_dma2 semaphore(%run_scoped3A : memref<!tpu.dma_semaphore, #tpu.memory_space<semaphore_mem>>) src(%dma_wait3A_75 : memref<64x64xi32, #tpu.memory_space<hbm>>) dst(%arg7 : memref<64x64xi32, #tpu.memory_space<vmem>>)
        tpu.yield
      }) : () -> ()
      %add3A_35 = arith.constant 128 : i32
      %add3A_36 = arith.addi %select_n3A_6, %add3A_35 : i32
      "tpu.region"() ({
        %run_scoped3A = tpu.sem_alloc : memref<!tpu.dma_semaphore, #tpu.memory_space<semaphore_mem>>
        %dma_start3A_69 = arith.constant 0 : i32
        %dma_start3A_70 = tpu.memref_slice %arg4[%add3A_36, %dma_start3A_69] : memref<5120x64xi32, #tpu.memory_space<hbm>> -> memref<64x64xi32, #tpu.memory_space<hbm>>
        %dma_start3A_71 = arith.constant 0 : i32
        %dma_start3A_72 = tpu.memref_slice %arg4[%add3A_36, %dma_start3A_71] : memref<5120x64xi32, #tpu.memory_space<hbm>> -> memref<64x64xi32, #tpu.memory_space<hbm>>
        tpu.enqueue_dma source(%dma_start3A_72 : memref<64x64xi32, #tpu.memory_space<hbm>>) target(%arg8 : memref<64x64xi32, #tpu.memory_space<vmem>>) target_semaphore(%run_scoped3A : memref<!tpu.dma_semaphore, #tpu.memory_space<semaphore_mem>>)
        %dma_wait3A = arith.constant 0 : i32
        %dma_wait3A_73 = tpu.memref_slice %arg4[%add3A_36, %dma_wait3A] : memref<5120x64xi32, #tpu.memory_space<hbm>> -> memref<64x64xi32, #tpu.memory_space<hbm>>
        %dma_wait3A_74 = arith.constant 0 : i32
        %dma_wait3A_75 = tpu.memref_slice %arg4[%add3A_36, %dma_wait3A_74] : memref<5120x64xi32, #tpu.memory_space<hbm>> -> memref<64x64xi32, #tpu.memory_space<hbm>>
        tpu.wait_dma2 semaphore(%run_scoped3A : memref<!tpu.dma_semaphore, #tpu.memory_space<semaphore_mem>>) src(%dma_wait3A_75 : memref<64x64xi32, #tpu.memory_space<hbm>>) dst(%arg8 : memref<64x64xi32, #tpu.memory_space<vmem>>)
        tpu.yield
      }) : () -> ()
      %dma_start3A = arith.constant 0 : i32
      %dma_start3A_37 = arith.constant 0 : i32
      %dma_start3A_38 = tpu.memref_slice %arg7[%dma_start3A, %dma_start3A_37] : memref<64x64xi32, #tpu.memory_space<vmem>> -> memref<1x64xi32, #tpu.memory_space<vmem>>
      %dma_start3A_39 = tpu.memref_squeeze %dma_start3A_38 : memref<1x64xi32, #tpu.memory_space<vmem>> -> memref<64xi32, #tpu.memory_space<vmem>>
      %dma_start3A_40 = arith.constant 0 : i32
      %dma_start3A_41 = arith.constant 0 : i32
      %dma_start3A_42 = tpu.memref_slice %arg2[%dma_start3A_40, %dma_start3A_41] : memref<10000x128xf32, #tpu.memory_space<hbm>> -> memref<10000x128xf32, #tpu.memory_space<hbm>>
      tpu.enqueue_indirect_dma source(%dma_start3A_42 : memref<10000x128xf32, #tpu.memory_space<hbm>>) target(%arg9 : memref<64x128xf32, #tpu.memory_space<vmem>>) offsets(%dma_start3A_39 : memref<64xi32, #tpu.memory_space<vmem>>) semaphore(%arg14 : memref<!tpu.dma_semaphore, #tpu.memory_space<semaphore_mem>>)
      %dma_start3A_43 = arith.constant 1 : i32
      %dma_start3A_44 = arith.constant 0 : i32
      %dma_start3A_45 = tpu.memref_slice %arg7[%dma_start3A_43, %dma_start3A_44] : memref<64x64xi32, #tpu.memory_space<vmem>> -> memref<1x64xi32, #tpu.memory_space<vmem>>
      %dma_start3A_46 = tpu.memref_squeeze %dma_start3A_45 : memref<1x64xi32, #tpu.memory_space<vmem>> -> memref<64xi32, #tpu.memory_space<vmem>>
      %dma_start3A_47 = arith.constant 0 : i32
      %dma_start3A_48 = arith.constant 0 : i32
      %dma_start3A_49 = tpu.memref_slice %arg2[%dma_start3A_47, %dma_start3A_48] : memref<10000x128xf32, #tpu.memory_space<hbm>> -> memref<10000x128xf32, #tpu.memory_space<hbm>>
      tpu.enqueue_indirect_dma source(%dma_start3A_49 : memref<10000x128xf32, #tpu.memory_space<hbm>>) target(%arg10 : memref<64x128xf32, #tpu.memory_space<vmem>>) offsets(%dma_start3A_46 : memref<64xi32, #tpu.memory_space<vmem>>) semaphore(%arg15 : memref<!tpu.dma_semaphore, #tpu.memory_space<semaphore_mem>>)
      %dma_start3A_50 = arith.constant 2 : i32
      %dma_start3A_51 = arith.constant 0 : i32
      %dma_start3A_52 = tpu.memref_slice %arg7[%dma_start3A_50, %dma_start3A_51] : memref<64x64xi32, #tpu.memory_space<vmem>> -> memref<1x64xi32, #tpu.memory_space<vmem>>
      %dma_start3A_53 = tpu.memref_squeeze %dma_start3A_52 : memref<1x64xi32, #tpu.memory_space<vmem>> -> memref<64xi32, #tpu.memory_space<vmem>>
      %dma_start3A_54 = arith.constant 0 : i32
      %dma_start3A_55 = arith.constant 0 : i32
      %dma_start3A_56 = tpu.memref_slice %arg2[%dma_start3A_54, %dma_start3A_55] : memref<10000x128xf32, #tpu.memory_space<hbm>> -> memref<10000x128xf32, #tpu.memory_space<hbm>>
      tpu.enqueue_indirect_dma source(%dma_start3A_56 : memref<10000x128xf32, #tpu.memory_space<hbm>>) target(%arg11 : memref<64x128xf32, #tpu.memory_space<vmem>>) offsets(%dma_start3A_53 : memref<64xi32, #tpu.memory_space<vmem>>) semaphore(%arg16 : memref<!tpu.dma_semaphore, #tpu.memory_space<semaphore_mem>>)
      %dma_start3A_57 = arith.constant 3 : i32
      %dma_start3A_58 = arith.constant 0 : i32
      %dma_start3A_59 = tpu.memref_slice %arg7[%dma_start3A_57, %dma_start3A_58] : memref<64x64xi32, #tpu.memory_space<vmem>> -> memref<1x64xi32, #tpu.memory_space<vmem>>
      %dma_start3A_60 = tpu.memref_squeeze %dma_start3A_59 : memref<1x64xi32, #tpu.memory_space<vmem>> -> memref<64xi32, #tpu.memory_space<vmem>>
      %dma_start3A_61 = arith.constant 0 : i32
      %dma_start3A_62 = arith.constant 0 : i32
      %dma_start3A_63 = tpu.memref_slice %arg2[%dma_start3A_61, %dma_start3A_62] : memref<10000x128xf32, #tpu.memory_space<hbm>> -> memref<10000x128xf32, #tpu.memory_space<hbm>>
      tpu.enqueue_indirect_dma source(%dma_start3A_63 : memref<10000x128xf32, #tpu.memory_space<hbm>>) target(%arg12 : memref<64x128xf32, #tpu.memory_space<vmem>>) offsets(%dma_start3A_60 : memref<64xi32, #tpu.memory_space<vmem>>) semaphore(%arg17 : memref<!tpu.dma_semaphore, #tpu.memory_space<semaphore_mem>>)
      %scan3A = arith.constant 0 : i32
      %scan3A_64 = arith.constant 0 : i32
      %scan3A_65 = arith.constant 16 : i32
      %scan3A_66 = arith.addi %scan3A_64, %scan3A_65 : i32
      %scan3A_67 = arith.constant 1 : i32
      scf.for %scan3A_69 = %scan3A_64 to %scan3A_66 step %scan3A_67  : i32 {
        %mul3A_70 = arith.constant 4 : i32
        %mul3A_71 = arith.muli %mul3A_70, %scan3A_69 : i32
        %add3A_72 = arith.constant 0 : i32
        %add3A_73 = arith.addi %mul3A_71, %add3A_72 : i32
        %dma_wait3A = arith.constant 0 : i32
        %dma_wait3A_74 = tpu.memref_slice %arg7[%add3A_73, %dma_wait3A] : memref<64x64xi32, #tpu.memory_space<vmem>> -> memref<1x64xi32, #tpu.memory_space<vmem>>
        %dma_wait3A_75 = tpu.memref_squeeze %dma_wait3A_74 : memref<1x64xi32, #tpu.memory_space<vmem>> -> memref<64xi32, #tpu.memory_space<vmem>>
        %dma_wait3A_76 = arith.constant 0 : i32
        %dma_wait3A_77 = arith.constant 0 : i32
        %dma_wait3A_78 = tpu.memref_slice %arg2[%dma_wait3A_76, %dma_wait3A_77] : memref<10000x128xf32, #tpu.memory_space<hbm>> -> memref<10000x128xf32, #tpu.memory_space<hbm>>
        tpu.wait_indirect_dma semaphore(%arg14 : memref<!tpu.dma_semaphore, #tpu.memory_space<semaphore_mem>>) src(%dma_wait3A_78 : memref<10000x128xf32, #tpu.memory_space<hbm>>) dst(%arg9 : memref<64x128xf32, #tpu.memory_space<vmem>>)
        "tpu.region"() ({
          %run_scoped3A = tpu.sem_alloc : memref<!tpu.dma_semaphore, #tpu.memory_space<semaphore_mem>>
          %dma_start3A_130 = arith.constant 0 : i32
          %dma_start3A_131 = tpu.memref_slice %arg8[%add3A_73, %dma_start3A_130] : memref<64x64xi32, #tpu.memory_space<vmem>> -> memref<1x64xi32, #tpu.memory_space<vmem>>
          %dma_start3A_132 = tpu.memref_squeeze %dma_start3A_131 : memref<1x64xi32, #tpu.memory_space<vmem>> -> memref<64xi32, #tpu.memory_space<vmem>>
          %dma_start3A_133 = arith.constant 0 : i32
          %dma_start3A_134 = arith.constant 0 : i32
          %dma_start3A_135 = tpu.memref_slice %arg13[%dma_start3A_133, %dma_start3A_134] : memref<10112x128xf32, #tpu.memory_space<vmem_shared>> -> memref<10112x128xf32, #tpu.memory_space<vmem_shared>>
          tpu.enqueue_indirect_dma source(%arg9 : memref<64x128xf32, #tpu.memory_space<vmem>>) target(%dma_start3A_135 : memref<10112x128xf32, #tpu.memory_space<vmem_shared>>) offsets(%dma_start3A_132 : memref<64xi32, #tpu.memory_space<vmem>>) semaphore(%run_scoped3A : memref<!tpu.dma_semaphore, #tpu.memory_space<semaphore_mem>>) {add = true}
          %dma_wait3A_136 = arith.constant 0 : i32
          %dma_wait3A_137 = tpu.memref_slice %arg8[%add3A_73, %dma_wait3A_136] : memref<64x64xi32, #tpu.memory_space<vmem>> -> memref<1x64xi32, #tpu.memory_space<vmem>>
          %dma_wait3A_138 = tpu.memref_squeeze %dma_wait3A_137 : memref<1x64xi32, #tpu.memory_space<vmem>> -> memref<64xi32, #tpu.memory_space<vmem>>
          %dma_wait3A_139 = arith.constant 0 : i32
          %dma_wait3A_140 = arith.constant 0 : i32
          %dma_wait3A_141 = tpu.memref_slice %arg13[%dma_wait3A_139, %dma_wait3A_140] : memref<10112x128xf32, #tpu.memory_space<vmem_shared>> -> memref<10112x128xf32, #tpu.memory_space<vmem_shared>>
          tpu.wait_indirect_dma semaphore(%run_scoped3A : memref<!tpu.dma_semaphore, #tpu.memory_space<semaphore_mem>>) src(%arg9 : memref<64x128xf32, #tpu.memory_space<vmem>>) dst(%dma_wait3A_141 : memref<10112x128xf32, #tpu.memory_space<vmem_shared>>)
          tpu.yield
        }) : () -> ()
        %add3A_79 = arith.constant 4 : i32
        %add3A_80 = arith.addi %add3A_73, %add3A_79 : i32
        %lt3A = arith.constant 64 : i32
        %lt3A_81 = arith.cmpi slt, %add3A_80, %lt3A : i32
        %convert_element_type3A_82 = arith.extui %lt3A_81 : i1 to i32
        %cond3A_83 = arith.constant 0 : i32
        %cond3A_84 = arith.cmpi ne, %convert_element_type3A_82, %cond3A_83 : i32
        scf.if %cond3A_84 {
          %add3A_130 = arith.constant 4 : i32
          %add3A_131 = arith.addi %add3A_73, %add3A_130 : i32
          %dma_start3A_132 = arith.constant 0 : i32
          %dma_start3A_133 = tpu.memref_slice %arg7[%add3A_131, %dma_start3A_132] : memref<64x64xi32, #tpu.memory_space<vmem>> -> memref<1x64xi32, #tpu.memory_space<vmem>>
          %dma_start3A_134 = tpu.memref_squeeze %dma_start3A_133 : memref<1x64xi32, #tpu.memory_space<vmem>> -> memref<64xi32, #tpu.memory_space<vmem>>
          %dma_start3A_135 = arith.constant 0 : i32
          %dma_start3A_136 = arith.constant 0 : i32
          %dma_start3A_137 = tpu.memref_slice %arg2[%dma_start3A_135, %dma_start3A_136] : memref<10000x128xf32, #tpu.memory_space<hbm>> -> memref<10000x128xf32, #tpu.memory_space<hbm>>
          tpu.enqueue_indirect_dma source(%dma_start3A_137 : memref<10000x128xf32, #tpu.memory_space<hbm>>) target(%arg9 : memref<64x128xf32, #tpu.memory_space<vmem>>) offsets(%dma_start3A_134 : memref<64xi32, #tpu.memory_space<vmem>>) semaphore(%arg14 : memref<!tpu.dma_semaphore, #tpu.memory_space<semaphore_mem>>)
        } else {
        }
        %add3A_85 = arith.constant 1 : i32
        %add3A_86 = arith.addi %mul3A_71, %add3A_85 : i32
        %dma_wait3A_87 = arith.constant 0 : i32
        %dma_wait3A_88 = tpu.memref_slice %arg7[%add3A_86, %dma_wait3A_87] : memref<64x64xi32, #tpu.memory_space<vmem>> -> memref<1x64xi32, #tpu.memory_space<vmem>>
        %dma_wait3A_89 = tpu.memref_squeeze %dma_wait3A_88 : memref<1x64xi32, #tpu.memory_space<vmem>> -> memref<64xi32, #tpu.memory_space<vmem>>
        %dma_wait3A_90 = arith.constant 0 : i32
        %dma_wait3A_91 = arith.constant 0 : i32
        %dma_wait3A_92 = tpu.memref_slice %arg2[%dma_wait3A_90, %dma_wait3A_91] : memref<10000x128xf32, #tpu.memory_space<hbm>> -> memref<10000x128xf32, #tpu.memory_space<hbm>>
        tpu.wait_indirect_dma semaphore(%arg15 : memref<!tpu.dma_semaphore, #tpu.memory_space<semaphore_mem>>) src(%dma_wait3A_92 : memref<10000x128xf32, #tpu.memory_space<hbm>>) dst(%arg10 : memref<64x128xf32, #tpu.memory_space<vmem>>)
        "tpu.region"() ({
          %run_scoped3A = tpu.sem_alloc : memref<!tpu.dma_semaphore, #tpu.memory_space<semaphore_mem>>
          %dma_start3A_130 = arith.constant 0 : i32
          %dma_start3A_131 = tpu.memref_slice %arg8[%add3A_86, %dma_start3A_130] : memref<64x64xi32, #tpu.memory_space<vmem>> -> memref<1x64xi32, #tpu.memory_space<vmem>>
          %dma_start3A_132 = tpu.memref_squeeze %dma_start3A_131 : memref<1x64xi32, #tpu.memory_space<vmem>> -> memref<64xi32, #tpu.memory_space<vmem>>
          %dma_start3A_133 = arith.constant 0 : i32
          %dma_start3A_134 = arith.constant 0 : i32
          %dma_start3A_135 = tpu.memref_slice %arg13[%dma_start3A_133, %dma_start3A_134] : memref<10112x128xf32, #tpu.memory_space<vmem_shared>> -> memref<10112x128xf32, #tpu.memory_space<vmem_shared>>
          tpu.enqueue_indirect_dma source(%arg10 : memref<64x128xf32, #tpu.memory_space<vmem>>) target(%dma_start3A_135 : memref<10112x128xf32, #tpu.memory_space<vmem_shared>>) offsets(%dma_start3A_132 : memref<64xi32, #tpu.memory_space<vmem>>) semaphore(%run_scoped3A : memref<!tpu.dma_semaphore, #tpu.memory_space<semaphore_mem>>) {add = true}
          %dma_wait3A_136 = arith.constant 0 : i32
          %dma_wait3A_137 = tpu.memref_slice %arg8[%add3A_86, %dma_wait3A_136] : memref<64x64xi32, #tpu.memory_space<vmem>> -> memref<1x64xi32, #tpu.memory_space<vmem>>
          %dma_wait3A_138 = tpu.memref_squeeze %dma_wait3A_137 : memref<1x64xi32, #tpu.memory_space<vmem>> -> memref<64xi32, #tpu.memory_space<vmem>>
          %dma_wait3A_139 = arith.constant 0 : i32
          %dma_wait3A_140 = arith.constant 0 : i32
          %dma_wait3A_141 = tpu.memref_slice %arg13[%dma_wait3A_139, %dma_wait3A_140] : memref<10112x128xf32, #tpu.memory_space<vmem_shared>> -> memref<10112x128xf32, #tpu.memory_space<vmem_shared>>
          tpu.wait_indirect_dma semaphore(%run_scoped3A : memref<!tpu.dma_semaphore, #tpu.memory_space<semaphore_mem>>) src(%arg10 : memref<64x128xf32, #tpu.memory_space<vmem>>) dst(%dma_wait3A_141 : memref<10112x128xf32, #tpu.memory_space<vmem_shared>>)
          tpu.yield
        }) : () -> ()
        %add3A_93 = arith.constant 4 : i32
        %add3A_94 = arith.addi %add3A_86, %add3A_93 : i32
        %lt3A_95 = arith.constant 64 : i32
        %lt3A_96 = arith.cmpi slt, %add3A_94, %lt3A_95 : i32
        %convert_element_type3A_97 = arith.extui %lt3A_96 : i1 to i32
        %cond3A_98 = arith.constant 0 : i32
        %cond3A_99 = arith.cmpi ne, %convert_element_type3A_97, %cond3A_98 : i32
        scf.if %cond3A_99 {
          %add3A_130 = arith.constant 4 : i32
          %add3A_131 = arith.addi %add3A_86, %add3A_130 : i32
          %dma_start3A_132 = arith.constant 0 : i32
          %dma_start3A_133 = tpu.memref_slice %arg7[%add3A_131, %dma_start3A_132] : memref<64x64xi32, #tpu.memory_space<vmem>> -> memref<1x64xi32, #tpu.memory_space<vmem>>
          %dma_start3A_134 = tpu.memref_squeeze %dma_start3A_133 : memref<1x64xi32, #tpu.memory_space<vmem>> -> memref<64xi32, #tpu.memory_space<vmem>>
          %dma_start3A_135 = arith.constant 0 : i32
          %dma_start3A_136 = arith.constant 0 : i32
          %dma_start3A_137 = tpu.memref_slice %arg2[%dma_start3A_135, %dma_start3A_136] : memref<10000x128xf32, #tpu.memory_space<hbm>> -> memref<10000x128xf32, #tpu.memory_space<hbm>>
          tpu.enqueue_indirect_dma source(%dma_start3A_137 : memref<10000x128xf32, #tpu.memory_space<hbm>>) target(%arg10 : memref<64x128xf32, #tpu.memory_space<vmem>>) offsets(%dma_start3A_134 : memref<64xi32, #tpu.memory_space<vmem>>) semaphore(%arg15 : memref<!tpu.dma_semaphore, #tpu.memory_space<semaphore_mem>>)
        } else {
        }
        %add3A_100 = arith.constant 2 : i32
        %add3A_101 = arith.addi %mul3A_71, %add3A_100 : i32
        %dma_wait3A_102 = arith.constant 0 : i32
        %dma_wait3A_103 = tpu.memref_slice %arg7[%add3A_101, %dma_wait3A_102] : memref<64x64xi32, #tpu.memory_space<vmem>> -> memref<1x64xi32, #tpu.memory_space<vmem>>
        %dma_wait3A_104 = tpu.memref_squeeze %dma_wait3A_103 : memref<1x64xi32, #tpu.memory_space<vmem>> -> memref<64xi32, #tpu.memory_space<vmem>>
        %dma_wait3A_105 = arith.constant 0 : i32
        %dma_wait3A_106 = arith.constant 0 : i32
        %dma_wait3A_107 = tpu.memref_slice %arg2[%dma_wait3A_105, %dma_wait3A_106] : memref<10000x128xf32, #tpu.memory_space<hbm>> -> memref<10000x128xf32, #tpu.memory_space<hbm>>
        tpu.wait_indirect_dma semaphore(%arg16 : memref<!tpu.dma_semaphore, #tpu.memory_space<semaphore_mem>>) src(%dma_wait3A_107 : memref<10000x128xf32, #tpu.memory_space<hbm>>) dst(%arg11 : memref<64x128xf32, #tpu.memory_space<vmem>>)
        "tpu.region"() ({
          %run_scoped3A = tpu.sem_alloc : memref<!tpu.dma_semaphore, #tpu.memory_space<semaphore_mem>>
          %dma_start3A_130 = arith.constant 0 : i32
          %dma_start3A_131 = tpu.memref_slice %arg8[%add3A_101, %dma_start3A_130] : memref<64x64xi32, #tpu.memory_space<vmem>> -> memref<1x64xi32, #tpu.memory_space<vmem>>
          %dma_start3A_132 = tpu.memref_squeeze %dma_start3A_131 : memref<1x64xi32, #tpu.memory_space<vmem>> -> memref<64xi32, #tpu.memory_space<vmem>>
          %dma_start3A_133 = arith.constant 0 : i32
          %dma_start3A_134 = arith.constant 0 : i32
          %dma_start3A_135 = tpu.memref_slice %arg13[%dma_start3A_133, %dma_start3A_134] : memref<10112x128xf32, #tpu.memory_space<vmem_shared>> -> memref<10112x128xf32, #tpu.memory_space<vmem_shared>>
          tpu.enqueue_indirect_dma source(%arg11 : memref<64x128xf32, #tpu.memory_space<vmem>>) target(%dma_start3A_135 : memref<10112x128xf32, #tpu.memory_space<vmem_shared>>) offsets(%dma_start3A_132 : memref<64xi32, #tpu.memory_space<vmem>>) semaphore(%run_scoped3A : memref<!tpu.dma_semaphore, #tpu.memory_space<semaphore_mem>>) {add = true}
          %dma_wait3A_136 = arith.constant 0 : i32
          %dma_wait3A_137 = tpu.memref_slice %arg8[%add3A_101, %dma_wait3A_136] : memref<64x64xi32, #tpu.memory_space<vmem>> -> memref<1x64xi32, #tpu.memory_space<vmem>>
          %dma_wait3A_138 = tpu.memref_squeeze %dma_wait3A_137 : memref<1x64xi32, #tpu.memory_space<vmem>> -> memref<64xi32, #tpu.memory_space<vmem>>
          %dma_wait3A_139 = arith.constant 0 : i32
          %dma_wait3A_140 = arith.constant 0 : i32
          %dma_wait3A_141 = tpu.memref_slice %arg13[%dma_wait3A_139, %dma_wait3A_140] : memref<10112x128xf32, #tpu.memory_space<vmem_shared>> -> memref<10112x128xf32, #tpu.memory_space<vmem_shared>>
          tpu.wait_indirect_dma semaphore(%run_scoped3A : memref<!tpu.dma_semaphore, #tpu.memory_space<semaphore_mem>>) src(%arg11 : memref<64x128xf32, #tpu.memory_space<vmem>>) dst(%dma_wait3A_141 : memref<10112x128xf32, #tpu.memory_space<vmem_shared>>)
          tpu.yield
        }) : () -> ()
        %add3A_108 = arith.constant 4 : i32
        %add3A_109 = arith.addi %add3A_101, %add3A_108 : i32
        %lt3A_110 = arith.constant 64 : i32
        %lt3A_111 = arith.cmpi slt, %add3A_109, %lt3A_110 : i32
        %convert_element_type3A_112 = arith.extui %lt3A_111 : i1 to i32
        %cond3A_113 = arith.constant 0 : i32
        %cond3A_114 = arith.cmpi ne, %convert_element_type3A_112, %cond3A_113 : i32
        scf.if %cond3A_114 {
          %add3A_130 = arith.constant 4 : i32
          %add3A_131 = arith.addi %add3A_101, %add3A_130 : i32
          %dma_start3A_132 = arith.constant 0 : i32
          %dma_start3A_133 = tpu.memref_slice %arg7[%add3A_131, %dma_start3A_132] : memref<64x64xi32, #tpu.memory_space<vmem>> -> memref<1x64xi32, #tpu.memory_space<vmem>>
          %dma_start3A_134 = tpu.memref_squeeze %dma_start3A_133 : memref<1x64xi32, #tpu.memory_space<vmem>> -> memref<64xi32, #tpu.memory_space<vmem>>
          %dma_start3A_135 = arith.constant 0 : i32
          %dma_start3A_136 = arith.constant 0 : i32
          %dma_start3A_137 = tpu.memref_slice %arg2[%dma_start3A_135, %dma_start3A_136] : memref<10000x128xf32, #tpu.memory_space<hbm>> -> memref<10000x128xf32, #tpu.memory_space<hbm>>
          tpu.enqueue_indirect_dma source(%dma_start3A_137 : memref<10000x128xf32, #tpu.memory_space<hbm>>) target(%arg11 : memref<64x128xf32, #tpu.memory_space<vmem>>) offsets(%dma_start3A_134 : memref<64xi32, #tpu.memory_space<vmem>>) semaphore(%arg16 : memref<!tpu.dma_semaphore, #tpu.memory_space<semaphore_mem>>)
        } else {
        }
        %add3A_115 = arith.constant 3 : i32
        %add3A_116 = arith.addi %mul3A_71, %add3A_115 : i32
        %dma_wait3A_117 = arith.constant 0 : i32
        %dma_wait3A_118 = tpu.memref_slice %arg7[%add3A_116, %dma_wait3A_117] : memref<64x64xi32, #tpu.memory_space<vmem>> -> memref<1x64xi32, #tpu.memory_space<vmem>>
        %dma_wait3A_119 = tpu.memref_squeeze %dma_wait3A_118 : memref<1x64xi32, #tpu.memory_space<vmem>> -> memref<64xi32, #tpu.memory_space<vmem>>
        %dma_wait3A_120 = arith.constant 0 : i32
        %dma_wait3A_121 = arith.constant 0 : i32
        %dma_wait3A_122 = tpu.memref_slice %arg2[%dma_wait3A_120, %dma_wait3A_121] : memref<10000x128xf32, #tpu.memory_space<hbm>> -> memref<10000x128xf32, #tpu.memory_space<hbm>>
        tpu.wait_indirect_dma semaphore(%arg17 : memref<!tpu.dma_semaphore, #tpu.memory_space<semaphore_mem>>) src(%dma_wait3A_122 : memref<10000x128xf32, #tpu.memory_space<hbm>>) dst(%arg12 : memref<64x128xf32, #tpu.memory_space<vmem>>)
        "tpu.region"() ({
          %run_scoped3A = tpu.sem_alloc : memref<!tpu.dma_semaphore, #tpu.memory_space<semaphore_mem>>
          %dma_start3A_130 = arith.constant 0 : i32
          %dma_start3A_131 = tpu.memref_slice %arg8[%add3A_116, %dma_start3A_130] : memref<64x64xi32, #tpu.memory_space<vmem>> -> memref<1x64xi32, #tpu.memory_space<vmem>>
          %dma_start3A_132 = tpu.memref_squeeze %dma_start3A_131 : memref<1x64xi32, #tpu.memory_space<vmem>> -> memref<64xi32, #tpu.memory_space<vmem>>
          %dma_start3A_133 = arith.constant 0 : i32
          %dma_start3A_134 = arith.constant 0 : i32
          %dma_start3A_135 = tpu.memref_slice %arg13[%dma_start3A_133, %dma_start3A_134] : memref<10112x128xf32, #tpu.memory_space<vmem_shared>> -> memref<10112x128xf32, #tpu.memory_space<vmem_shared>>
          tpu.enqueue_indirect_dma source(%arg12 : memref<64x128xf32, #tpu.memory_space<vmem>>) target(%dma_start3A_135 : memref<10112x128xf32, #tpu.memory_space<vmem_shared>>) offsets(%dma_start3A_132 : memref<64xi32, #tpu.memory_space<vmem>>) semaphore(%run_scoped3A : memref<!tpu.dma_semaphore, #tpu.memory_space<semaphore_mem>>) {add = true}
          %dma_wait3A_136 = arith.constant 0 : i32
          %dma_wait3A_137 = tpu.memref_slice %arg8[%add3A_116, %dma_wait3A_136] : memref<64x64xi32, #tpu.memory_space<vmem>> -> memref<1x64xi32, #tpu.memory_space<vmem>>
          %dma_wait3A_138 = tpu.memref_squeeze %dma_wait3A_137 : memref<1x64xi32, #tpu.memory_space<vmem>> -> memref<64xi32, #tpu.memory_space<vmem>>
          %dma_wait3A_139 = arith.constant 0 : i32
          %dma_wait3A_140 = arith.constant 0 : i32
          %dma_wait3A_141 = tpu.memref_slice %arg13[%dma_wait3A_139, %dma_wait3A_140] : memref<10112x128xf32, #tpu.memory_space<vmem_shared>> -> memref<10112x128xf32, #tpu.memory_space<vmem_shared>>
          tpu.wait_indirect_dma semaphore(%run_scoped3A : memref<!tpu.dma_semaphore, #tpu.memory_space<semaphore_mem>>) src(%arg12 : memref<64x128xf32, #tpu.memory_space<vmem>>) dst(%dma_wait3A_141 : memref<10112x128xf32, #tpu.memory_space<vmem_shared>>)
          tpu.yield
        }) : () -> ()
        %add3A_123 = arith.constant 4 : i32
        %add3A_124 = arith.addi %add3A_116, %add3A_123 : i32
        %lt3A_125 = arith.constant 64 : i32
        %lt3A_126 = arith.cmpi slt, %add3A_124, %lt3A_125 : i32
        %convert_element_type3A_127 = arith.extui %lt3A_126 : i1 to i32
        %cond3A_128 = arith.constant 0 : i32
        %cond3A_129 = arith.cmpi ne, %convert_element_type3A_127, %cond3A_128 : i32
        scf.if %cond3A_129 {
          %add3A_130 = arith.constant 4 : i32
          %add3A_131 = arith.addi %add3A_116, %add3A_130 : i32
          %dma_start3A_132 = arith.constant 0 : i32
          %dma_start3A_133 = tpu.memref_slice %arg7[%add3A_131, %dma_start3A_132] : memref<64x64xi32, #tpu.memory_space<vmem>> -> memref<1x64xi32, #tpu.memory_space<vmem>>
          %dma_start3A_134 = tpu.memref_squeeze %dma_start3A_133 : memref<1x64xi32, #tpu.memory_space<vmem>> -> memref<64xi32, #tpu.memory_space<vmem>>
          %dma_start3A_135 = arith.constant 0 : i32
          %dma_start3A_136 = arith.constant 0 : i32
          %dma_start3A_137 = tpu.memref_slice %arg2[%dma_start3A_135, %dma_start3A_136] : memref<10000x128xf32, #tpu.memory_space<hbm>> -> memref<10000x128xf32, #tpu.memory_space<hbm>>
          tpu.enqueue_indirect_dma source(%dma_start3A_137 : memref<10000x128xf32, #tpu.memory_space<hbm>>) target(%arg12 : memref<64x128xf32, #tpu.memory_space<vmem>>) offsets(%dma_start3A_134 : memref<64xi32, #tpu.memory_space<vmem>>) semaphore(%arg17 : memref<!tpu.dma_semaphore, #tpu.memory_space<semaphore_mem>>)
        } else {
        }
      }
      %scan3A_68 = arith.constant 16 : i32
    } else {
    }
    %gt3A_23 = arith.constant 3 : i32
    %gt3A_24 = arith.cmpi sgt, %select_n3A, %gt3A_23 : i32
    %convert_element_type3A_25 = arith.extui %gt3A_24 : i1 to i32
    %cond3A_26 = arith.constant 0 : i32
    %cond3A_27 = arith.cmpi ne, %convert_element_type3A_25, %cond3A_26 : i32
    scf.if %cond3A_27 {
      %add3A_33 = arith.constant 192 : i32
      %add3A_34 = arith.addi %select_n3A_6, %add3A_33 : i32
      "tpu.region"() ({
        %run_scoped3A = tpu.sem_alloc : memref<!tpu.dma_semaphore, #tpu.memory_space<semaphore_mem>>
        %dma_start3A_69 = arith.constant 0 : i32
        %dma_start3A_70 = tpu.memref_slice %arg3[%add3A_34, %dma_start3A_69] : memref<5120x64xi32, #tpu.memory_space<hbm>> -> memref<64x64xi32, #tpu.memory_space<hbm>>
        %dma_start3A_71 = arith.constant 0 : i32
        %dma_start3A_72 = tpu.memref_slice %arg3[%add3A_34, %dma_start3A_71] : memref<5120x64xi32, #tpu.memory_space<hbm>> -> memref<64x64xi32, #tpu.memory_space<hbm>>
        tpu.enqueue_dma source(%dma_start3A_72 : memref<64x64xi32, #tpu.memory_space<hbm>>) target(%arg7 : memref<64x64xi32, #tpu.memory_space<vmem>>) target_semaphore(%run_scoped3A : memref<!tpu.dma_semaphore, #tpu.memory_space<semaphore_mem>>)
        %dma_wait3A = arith.constant 0 : i32
        %dma_wait3A_73 = tpu.memref_slice %arg3[%add3A_34, %dma_wait3A] : memref<5120x64xi32, #tpu.memory_space<hbm>> -> memref<64x64xi32, #tpu.memory_space<hbm>>
        %dma_wait3A_74 = arith.constant 0 : i32
        %dma_wait3A_75 = tpu.memref_slice %arg3[%add3A_34, %dma_wait3A_74] : memref<5120x64xi32, #tpu.memory_space<hbm>> -> memref<64x64xi32, #tpu.memory_space<hbm>>
        tpu.wait_dma2 semaphore(%run_scoped3A : memref<!tpu.dma_semaphore, #tpu.memory_space<semaphore_mem>>) src(%dma_wait3A_75 : memref<64x64xi32, #tpu.memory_space<hbm>>) dst(%arg7 : memref<64x64xi32, #tpu.memory_space<vmem>>)
        tpu.yield
      }) : () -> ()
      %add3A_35 = arith.constant 192 : i32
      %add3A_36 = arith.addi %select_n3A_6, %add3A_35 : i32
      "tpu.region"() ({
        %run_scoped3A = tpu.sem_alloc : memref<!tpu.dma_semaphore, #tpu.memory_space<semaphore_mem>>
        %dma_start3A_69 = arith.constant 0 : i32
        %dma_start3A_70 = tpu.memref_slice %arg4[%add3A_36, %dma_start3A_69] : memref<5120x64xi32, #tpu.memory_space<hbm>> -> memref<64x64xi32, #tpu.memory_space<hbm>>
        %dma_start3A_71 = arith.constant 0 : i32
        %dma_start3A_72 = tpu.memref_slice %arg4[%add3A_36, %dma_start3A_71] : memref<5120x64xi32, #tpu.memory_space<hbm>> -> memref<64x64xi32, #tpu.memory_space<hbm>>
        tpu.enqueue_dma source(%dma_start3A_72 : memref<64x64xi32, #tpu.memory_space<hbm>>) target(%arg8 : memref<64x64xi32, #tpu.memory_space<vmem>>) target_semaphore(%run_scoped3A : memref<!tpu.dma_semaphore, #tpu.memory_space<semaphore_mem>>)
        %dma_wait3A = arith.constant 0 : i32
        %dma_wait3A_73 = tpu.memref_slice %arg4[%add3A_36, %dma_wait3A] : memref<5120x64xi32, #tpu.memory_space<hbm>> -> memref<64x64xi32, #tpu.memory_space<hbm>>
        %dma_wait3A_74 = arith.constant 0 : i32
        %dma_wait3A_75 = tpu.memref_slice %arg4[%add3A_36, %dma_wait3A_74] : memref<5120x64xi32, #tpu.memory_space<hbm>> -> memref<64x64xi32, #tpu.memory_space<hbm>>
        tpu.wait_dma2 semaphore(%run_scoped3A : memref<!tpu.dma_semaphore, #tpu.memory_space<semaphore_mem>>) src(%dma_wait3A_75 : memref<64x64xi32, #tpu.memory_space<hbm>>) dst(%arg8 : memref<64x64xi32, #tpu.memory_space<vmem>>)
        tpu.yield
      }) : () -> ()
      %dma_start3A = arith.constant 0 : i32
      %dma_start3A_37 = arith.constant 0 : i32
      %dma_start3A_38 = tpu.memref_slice %arg7[%dma_start3A, %dma_start3A_37] : memref<64x64xi32, #tpu.memory_space<vmem>> -> memref<1x64xi32, #tpu.memory_space<vmem>>
      %dma_start3A_39 = tpu.memref_squeeze %dma_start3A_38 : memref<1x64xi32, #tpu.memory_space<vmem>> -> memref<64xi32, #tpu.memory_space<vmem>>
      %dma_start3A_40 = arith.constant 0 : i32
      %dma_start3A_41 = arith.constant 0 : i32
      %dma_start3A_42 = tpu.memref_slice %arg2[%dma_start3A_40, %dma_start3A_41] : memref<10000x128xf32, #tpu.memory_space<hbm>> -> memref<10000x128xf32, #tpu.memory_space<hbm>>
      tpu.enqueue_indirect_dma source(%dma_start3A_42 : memref<10000x128xf32, #tpu.memory_space<hbm>>) target(%arg9 : memref<64x128xf32, #tpu.memory_space<vmem>>) offsets(%dma_start3A_39 : memref<64xi32, #tpu.memory_space<vmem>>) semaphore(%arg14 : memref<!tpu.dma_semaphore, #tpu.memory_space<semaphore_mem>>)
      %dma_start3A_43 = arith.constant 1 : i32
      %dma_start3A_44 = arith.constant 0 : i32
      %dma_start3A_45 = tpu.memref_slice %arg7[%dma_start3A_43, %dma_start3A_44] : memref<64x64xi32, #tpu.memory_space<vmem>> -> memref<1x64xi32, #tpu.memory_space<vmem>>
      %dma_start3A_46 = tpu.memref_squeeze %dma_start3A_45 : memref<1x64xi32, #tpu.memory_space<vmem>> -> memref<64xi32, #tpu.memory_space<vmem>>
      %dma_start3A_47 = arith.constant 0 : i32
      %dma_start3A_48 = arith.constant 0 : i32
      %dma_start3A_49 = tpu.memref_slice %arg2[%dma_start3A_47, %dma_start3A_48] : memref<10000x128xf32, #tpu.memory_space<hbm>> -> memref<10000x128xf32, #tpu.memory_space<hbm>>
      tpu.enqueue_indirect_dma source(%dma_start3A_49 : memref<10000x128xf32, #tpu.memory_space<hbm>>) target(%arg10 : memref<64x128xf32, #tpu.memory_space<vmem>>) offsets(%dma_start3A_46 : memref<64xi32, #tpu.memory_space<vmem>>) semaphore(%arg15 : memref<!tpu.dma_semaphore, #tpu.memory_space<semaphore_mem>>)
      %dma_start3A_50 = arith.constant 2 : i32
      %dma_start3A_51 = arith.constant 0 : i32
      %dma_start3A_52 = tpu.memref_slice %arg7[%dma_start3A_50, %dma_start3A_51] : memref<64x64xi32, #tpu.memory_space<vmem>> -> memref<1x64xi32, #tpu.memory_space<vmem>>
      %dma_start3A_53 = tpu.memref_squeeze %dma_start3A_52 : memref<1x64xi32, #tpu.memory_space<vmem>> -> memref<64xi32, #tpu.memory_space<vmem>>
      %dma_start3A_54 = arith.constant 0 : i32
      %dma_start3A_55 = arith.constant 0 : i32
      %dma_start3A_56 = tpu.memref_slice %arg2[%dma_start3A_54, %dma_start3A_55] : memref<10000x128xf32, #tpu.memory_space<hbm>> -> memref<10000x128xf32, #tpu.memory_space<hbm>>
      tpu.enqueue_indirect_dma source(%dma_start3A_56 : memref<10000x128xf32, #tpu.memory_space<hbm>>) target(%arg11 : memref<64x128xf32, #tpu.memory_space<vmem>>) offsets(%dma_start3A_53 : memref<64xi32, #tpu.memory_space<vmem>>) semaphore(%arg16 : memref<!tpu.dma_semaphore, #tpu.memory_space<semaphore_mem>>)
      %dma_start3A_57 = arith.constant 3 : i32
      %dma_start3A_58 = arith.constant 0 : i32
      %dma_start3A_59 = tpu.memref_slice %arg7[%dma_start3A_57, %dma_start3A_58] : memref<64x64xi32, #tpu.memory_space<vmem>> -> memref<1x64xi32, #tpu.memory_space<vmem>>
      %dma_start3A_60 = tpu.memref_squeeze %dma_start3A_59 : memref<1x64xi32, #tpu.memory_space<vmem>> -> memref<64xi32, #tpu.memory_space<vmem>>
      %dma_start3A_61 = arith.constant 0 : i32
      %dma_start3A_62 = arith.constant 0 : i32
      %dma_start3A_63 = tpu.memref_slice %arg2[%dma_start3A_61, %dma_start3A_62] : memref<10000x128xf32, #tpu.memory_space<hbm>> -> memref<10000x128xf32, #tpu.memory_space<hbm>>
      tpu.enqueue_indirect_dma source(%dma_start3A_63 : memref<10000x128xf32, #tpu.memory_space<hbm>>) target(%arg12 : memref<64x128xf32, #tpu.memory_space<vmem>>) offsets(%dma_start3A_60 : memref<64xi32, #tpu.memory_space<vmem>>) semaphore(%arg17 : memref<!tpu.dma_semaphore, #tpu.memory_space<semaphore_mem>>)
      %scan3A = arith.constant 0 : i32
      %scan3A_64 = arith.constant 0 : i32
      %scan3A_65 = arith.constant 16 : i32
      %scan3A_66 = arith.addi %scan3A_64, %scan3A_65 : i32
      %scan3A_67 = arith.constant 1 : i32
      scf.for %scan3A_69 = %scan3A_64 to %scan3A_66 step %scan3A_67  : i32 {
        %mul3A_70 = arith.constant 4 : i32
        %mul3A_71 = arith.muli %mul3A_70, %scan3A_69 : i32
        %add3A_72 = arith.constant 0 : i32
        %add3A_73 = arith.addi %mul3A_71, %add3A_72 : i32
        %dma_wait3A = arith.constant 0 : i32
        %dma_wait3A_74 = tpu.memref_slice %arg7[%add3A_73, %dma_wait3A] : memref<64x64xi32, #tpu.memory_space<vmem>> -> memref<1x64xi32, #tpu.memory_space<vmem>>
        %dma_wait3A_75 = tpu.memref_squeeze %dma_wait3A_74 : memref<1x64xi32, #tpu.memory_space<vmem>> -> memref<64xi32, #tpu.memory_space<vmem>>
        %dma_wait3A_76 = arith.constant 0 : i32
        %dma_wait3A_77 = arith.constant 0 : i32
        %dma_wait3A_78 = tpu.memref_slice %arg2[%dma_wait3A_76, %dma_wait3A_77] : memref<10000x128xf32, #tpu.memory_space<hbm>> -> memref<10000x128xf32, #tpu.memory_space<hbm>>
        tpu.wait_indirect_dma semaphore(%arg14 : memref<!tpu.dma_semaphore, #tpu.memory_space<semaphore_mem>>) src(%dma_wait3A_78 : memref<10000x128xf32, #tpu.memory_space<hbm>>) dst(%arg9 : memref<64x128xf32, #tpu.memory_space<vmem>>)
        "tpu.region"() ({
          %run_scoped3A = tpu.sem_alloc : memref<!tpu.dma_semaphore, #tpu.memory_space<semaphore_mem>>
          %dma_start3A_130 = arith.constant 0 : i32
          %dma_start3A_131 = tpu.memref_slice %arg8[%add3A_73, %dma_start3A_130] : memref<64x64xi32, #tpu.memory_space<vmem>> -> memref<1x64xi32, #tpu.memory_space<vmem>>
          %dma_start3A_132 = tpu.memref_squeeze %dma_start3A_131 : memref<1x64xi32, #tpu.memory_space<vmem>> -> memref<64xi32, #tpu.memory_space<vmem>>
          %dma_start3A_133 = arith.constant 0 : i32
          %dma_start3A_134 = arith.constant 0 : i32
          %dma_start3A_135 = tpu.memref_slice %arg13[%dma_start3A_133, %dma_start3A_134] : memref<10112x128xf32, #tpu.memory_space<vmem_shared>> -> memref<10112x128xf32, #tpu.memory_space<vmem_shared>>
          tpu.enqueue_indirect_dma source(%arg9 : memref<64x128xf32, #tpu.memory_space<vmem>>) target(%dma_start3A_135 : memref<10112x128xf32, #tpu.memory_space<vmem_shared>>) offsets(%dma_start3A_132 : memref<64xi32, #tpu.memory_space<vmem>>) semaphore(%run_scoped3A : memref<!tpu.dma_semaphore, #tpu.memory_space<semaphore_mem>>) {add = true}
          %dma_wait3A_136 = arith.constant 0 : i32
          %dma_wait3A_137 = tpu.memref_slice %arg8[%add3A_73, %dma_wait3A_136] : memref<64x64xi32, #tpu.memory_space<vmem>> -> memref<1x64xi32, #tpu.memory_space<vmem>>
          %dma_wait3A_138 = tpu.memref_squeeze %dma_wait3A_137 : memref<1x64xi32, #tpu.memory_space<vmem>> -> memref<64xi32, #tpu.memory_space<vmem>>
          %dma_wait3A_139 = arith.constant 0 : i32
          %dma_wait3A_140 = arith.constant 0 : i32
          %dma_wait3A_141 = tpu.memref_slice %arg13[%dma_wait3A_139, %dma_wait3A_140] : memref<10112x128xf32, #tpu.memory_space<vmem_shared>> -> memref<10112x128xf32, #tpu.memory_space<vmem_shared>>
          tpu.wait_indirect_dma semaphore(%run_scoped3A : memref<!tpu.dma_semaphore, #tpu.memory_space<semaphore_mem>>) src(%arg9 : memref<64x128xf32, #tpu.memory_space<vmem>>) dst(%dma_wait3A_141 : memref<10112x128xf32, #tpu.memory_space<vmem_shared>>)
          tpu.yield
        }) : () -> ()
        %add3A_79 = arith.constant 4 : i32
        %add3A_80 = arith.addi %add3A_73, %add3A_79 : i32
        %lt3A = arith.constant 64 : i32
        %lt3A_81 = arith.cmpi slt, %add3A_80, %lt3A : i32
        %convert_element_type3A_82 = arith.extui %lt3A_81 : i1 to i32
        %cond3A_83 = arith.constant 0 : i32
        %cond3A_84 = arith.cmpi ne, %convert_element_type3A_82, %cond3A_83 : i32
        scf.if %cond3A_84 {
          %add3A_130 = arith.constant 4 : i32
          %add3A_131 = arith.addi %add3A_73, %add3A_130 : i32
          %dma_start3A_132 = arith.constant 0 : i32
          %dma_start3A_133 = tpu.memref_slice %arg7[%add3A_131, %dma_start3A_132] : memref<64x64xi32, #tpu.memory_space<vmem>> -> memref<1x64xi32, #tpu.memory_space<vmem>>
          %dma_start3A_134 = tpu.memref_squeeze %dma_start3A_133 : memref<1x64xi32, #tpu.memory_space<vmem>> -> memref<64xi32, #tpu.memory_space<vmem>>
          %dma_start3A_135 = arith.constant 0 : i32
          %dma_start3A_136 = arith.constant 0 : i32
          %dma_start3A_137 = tpu.memref_slice %arg2[%dma_start3A_135, %dma_start3A_136] : memref<10000x128xf32, #tpu.memory_space<hbm>> -> memref<10000x128xf32, #tpu.memory_space<hbm>>
          tpu.enqueue_indirect_dma source(%dma_start3A_137 : memref<10000x128xf32, #tpu.memory_space<hbm>>) target(%arg9 : memref<64x128xf32, #tpu.memory_space<vmem>>) offsets(%dma_start3A_134 : memref<64xi32, #tpu.memory_space<vmem>>) semaphore(%arg14 : memref<!tpu.dma_semaphore, #tpu.memory_space<semaphore_mem>>)
        } else {
        }
        %add3A_85 = arith.constant 1 : i32
        %add3A_86 = arith.addi %mul3A_71, %add3A_85 : i32
        %dma_wait3A_87 = arith.constant 0 : i32
        %dma_wait3A_88 = tpu.memref_slice %arg7[%add3A_86, %dma_wait3A_87] : memref<64x64xi32, #tpu.memory_space<vmem>> -> memref<1x64xi32, #tpu.memory_space<vmem>>
        %dma_wait3A_89 = tpu.memref_squeeze %dma_wait3A_88 : memref<1x64xi32, #tpu.memory_space<vmem>> -> memref<64xi32, #tpu.memory_space<vmem>>
        %dma_wait3A_90 = arith.constant 0 : i32
        %dma_wait3A_91 = arith.constant 0 : i32
        %dma_wait3A_92 = tpu.memref_slice %arg2[%dma_wait3A_90, %dma_wait3A_91] : memref<10000x128xf32, #tpu.memory_space<hbm>> -> memref<10000x128xf32, #tpu.memory_space<hbm>>
        tpu.wait_indirect_dma semaphore(%arg15 : memref<!tpu.dma_semaphore, #tpu.memory_space<semaphore_mem>>) src(%dma_wait3A_92 : memref<10000x128xf32, #tpu.memory_space<hbm>>) dst(%arg10 : memref<64x128xf32, #tpu.memory_space<vmem>>)
        "tpu.region"() ({
          %run_scoped3A = tpu.sem_alloc : memref<!tpu.dma_semaphore, #tpu.memory_space<semaphore_mem>>
          %dma_start3A_130 = arith.constant 0 : i32
          %dma_start3A_131 = tpu.memref_slice %arg8[%add3A_86, %dma_start3A_130] : memref<64x64xi32, #tpu.memory_space<vmem>> -> memref<1x64xi32, #tpu.memory_space<vmem>>
          %dma_start3A_132 = tpu.memref_squeeze %dma_start3A_131 : memref<1x64xi32, #tpu.memory_space<vmem>> -> memref<64xi32, #tpu.memory_space<vmem>>
          %dma_start3A_133 = arith.constant 0 : i32
          %dma_start3A_134 = arith.constant 0 : i32
          %dma_start3A_135 = tpu.memref_slice %arg13[%dma_start3A_133, %dma_start3A_134] : memref<10112x128xf32, #tpu.memory_space<vmem_shared>> -> memref<10112x128xf32, #tpu.memory_space<vmem_shared>>
          tpu.enqueue_indirect_dma source(%arg10 : memref<64x128xf32, #tpu.memory_space<vmem>>) target(%dma_start3A_135 : memref<10112x128xf32, #tpu.memory_space<vmem_shared>>) offsets(%dma_start3A_132 : memref<64xi32, #tpu.memory_space<vmem>>) semaphore(%run_scoped3A : memref<!tpu.dma_semaphore, #tpu.memory_space<semaphore_mem>>) {add = true}
          %dma_wait3A_136 = arith.constant 0 : i32
          %dma_wait3A_137 = tpu.memref_slice %arg8[%add3A_86, %dma_wait3A_136] : memref<64x64xi32, #tpu.memory_space<vmem>> -> memref<1x64xi32, #tpu.memory_space<vmem>>
          %dma_wait3A_138 = tpu.memref_squeeze %dma_wait3A_137 : memref<1x64xi32, #tpu.memory_space<vmem>> -> memref<64xi32, #tpu.memory_space<vmem>>
          %dma_wait3A_139 = arith.constant 0 : i32
          %dma_wait3A_140 = arith.constant 0 : i32
          %dma_wait3A_141 = tpu.memref_slice %arg13[%dma_wait3A_139, %dma_wait3A_140] : memref<10112x128xf32, #tpu.memory_space<vmem_shared>> -> memref<10112x128xf32, #tpu.memory_space<vmem_shared>>
          tpu.wait_indirect_dma semaphore(%run_scoped3A : memref<!tpu.dma_semaphore, #tpu.memory_space<semaphore_mem>>) src(%arg10 : memref<64x128xf32, #tpu.memory_space<vmem>>) dst(%dma_wait3A_141 : memref<10112x128xf32, #tpu.memory_space<vmem_shared>>)
          tpu.yield
        }) : () -> ()
        %add3A_93 = arith.constant 4 : i32
        %add3A_94 = arith.addi %add3A_86, %add3A_93 : i32
        %lt3A_95 = arith.constant 64 : i32
        %lt3A_96 = arith.cmpi slt, %add3A_94, %lt3A_95 : i32
        %convert_element_type3A_97 = arith.extui %lt3A_96 : i1 to i32
        %cond3A_98 = arith.constant 0 : i32
        %cond3A_99 = arith.cmpi ne, %convert_element_type3A_97, %cond3A_98 : i32
        scf.if %cond3A_99 {
          %add3A_130 = arith.constant 4 : i32
          %add3A_131 = arith.addi %add3A_86, %add3A_130 : i32
          %dma_start3A_132 = arith.constant 0 : i32
          %dma_start3A_133 = tpu.memref_slice %arg7[%add3A_131, %dma_start3A_132] : memref<64x64xi32, #tpu.memory_space<vmem>> -> memref<1x64xi32, #tpu.memory_space<vmem>>
          %dma_start3A_134 = tpu.memref_squeeze %dma_start3A_133 : memref<1x64xi32, #tpu.memory_space<vmem>> -> memref<64xi32, #tpu.memory_space<vmem>>
          %dma_start3A_135 = arith.constant 0 : i32
          %dma_start3A_136 = arith.constant 0 : i32
          %dma_start3A_137 = tpu.memref_slice %arg2[%dma_start3A_135, %dma_start3A_136] : memref<10000x128xf32, #tpu.memory_space<hbm>> -> memref<10000x128xf32, #tpu.memory_space<hbm>>
          tpu.enqueue_indirect_dma source(%dma_start3A_137 : memref<10000x128xf32, #tpu.memory_space<hbm>>) target(%arg10 : memref<64x128xf32, #tpu.memory_space<vmem>>) offsets(%dma_start3A_134 : memref<64xi32, #tpu.memory_space<vmem>>) semaphore(%arg15 : memref<!tpu.dma_semaphore, #tpu.memory_space<semaphore_mem>>)
        } else {
        }
        %add3A_100 = arith.constant 2 : i32
        %add3A_101 = arith.addi %mul3A_71, %add3A_100 : i32
        %dma_wait3A_102 = arith.constant 0 : i32
        %dma_wait3A_103 = tpu.memref_slice %arg7[%add3A_101, %dma_wait3A_102] : memref<64x64xi32, #tpu.memory_space<vmem>> -> memref<1x64xi32, #tpu.memory_space<vmem>>
        %dma_wait3A_104 = tpu.memref_squeeze %dma_wait3A_103 : memref<1x64xi32, #tpu.memory_space<vmem>> -> memref<64xi32, #tpu.memory_space<vmem>>
        %dma_wait3A_105 = arith.constant 0 : i32
        %dma_wait3A_106 = arith.constant 0 : i32
        %dma_wait3A_107 = tpu.memref_slice %arg2[%dma_wait3A_105, %dma_wait3A_106] : memref<10000x128xf32, #tpu.memory_space<hbm>> -> memref<10000x128xf32, #tpu.memory_space<hbm>>
        tpu.wait_indirect_dma semaphore(%arg16 : memref<!tpu.dma_semaphore, #tpu.memory_space<semaphore_mem>>) src(%dma_wait3A_107 : memref<10000x128xf32, #tpu.memory_space<hbm>>) dst(%arg11 : memref<64x128xf32, #tpu.memory_space<vmem>>)
        "tpu.region"() ({
          %run_scoped3A = tpu.sem_alloc : memref<!tpu.dma_semaphore, #tpu.memory_space<semaphore_mem>>
          %dma_start3A_130 = arith.constant 0 : i32
          %dma_start3A_131 = tpu.memref_slice %arg8[%add3A_101, %dma_start3A_130] : memref<64x64xi32, #tpu.memory_space<vmem>> -> memref<1x64xi32, #tpu.memory_space<vmem>>
          %dma_start3A_132 = tpu.memref_squeeze %dma_start3A_131 : memref<1x64xi32, #tpu.memory_space<vmem>> -> memref<64xi32, #tpu.memory_space<vmem>>
          %dma_start3A_133 = arith.constant 0 : i32
          %dma_start3A_134 = arith.constant 0 : i32
          %dma_start3A_135 = tpu.memref_slice %arg13[%dma_start3A_133, %dma_start3A_134] : memref<10112x128xf32, #tpu.memory_space<vmem_shared>> -> memref<10112x128xf32, #tpu.memory_space<vmem_shared>>
          tpu.enqueue_indirect_dma source(%arg11 : memref<64x128xf32, #tpu.memory_space<vmem>>) target(%dma_start3A_135 : memref<10112x128xf32, #tpu.memory_space<vmem_shared>>) offsets(%dma_start3A_132 : memref<64xi32, #tpu.memory_space<vmem>>) semaphore(%run_scoped3A : memref<!tpu.dma_semaphore, #tpu.memory_space<semaphore_mem>>) {add = true}
          %dma_wait3A_136 = arith.constant 0 : i32
          %dma_wait3A_137 = tpu.memref_slice %arg8[%add3A_101, %dma_wait3A_136] : memref<64x64xi32, #tpu.memory_space<vmem>> -> memref<1x64xi32, #tpu.memory_space<vmem>>
          %dma_wait3A_138 = tpu.memref_squeeze %dma_wait3A_137 : memref<1x64xi32, #tpu.memory_space<vmem>> -> memref<64xi32, #tpu.memory_space<vmem>>
          %dma_wait3A_139 = arith.constant 0 : i32
          %dma_wait3A_140 = arith.constant 0 : i32
          %dma_wait3A_141 = tpu.memref_slice %arg13[%dma_wait3A_139, %dma_wait3A_140] : memref<10112x128xf32, #tpu.memory_space<vmem_shared>> -> memref<10112x128xf32, #tpu.memory_space<vmem_shared>>
          tpu.wait_indirect_dma semaphore(%run_scoped3A : memref<!tpu.dma_semaphore, #tpu.memory_space<semaphore_mem>>) src(%arg11 : memref<64x128xf32, #tpu.memory_space<vmem>>) dst(%dma_wait3A_141 : memref<10112x128xf32, #tpu.memory_space<vmem_shared>>)
          tpu.yield
        }) : () -> ()
        %add3A_108 = arith.constant 4 : i32
        %add3A_109 = arith.addi %add3A_101, %add3A_108 : i32
        %lt3A_110 = arith.constant 64 : i32
        %lt3A_111 = arith.cmpi slt, %add3A_109, %lt3A_110 : i32
        %convert_element_type3A_112 = arith.extui %lt3A_111 : i1 to i32
        %cond3A_113 = arith.constant 0 : i32
        %cond3A_114 = arith.cmpi ne, %convert_element_type3A_112, %cond3A_113 : i32
        scf.if %cond3A_114 {
          %add3A_130 = arith.constant 4 : i32
          %add3A_131 = arith.addi %add3A_101, %add3A_130 : i32
          %dma_start3A_132 = arith.constant 0 : i32
          %dma_start3A_133 = tpu.memref_slice %arg7[%add3A_131, %dma_start3A_132] : memref<64x64xi32, #tpu.memory_space<vmem>> -> memref<1x64xi32, #tpu.memory_space<vmem>>
          %dma_start3A_134 = tpu.memref_squeeze %dma_start3A_133 : memref<1x64xi32, #tpu.memory_space<vmem>> -> memref<64xi32, #tpu.memory_space<vmem>>
          %dma_start3A_135 = arith.constant 0 : i32
          %dma_start3A_136 = arith.constant 0 : i32
          %dma_start3A_137 = tpu.memref_slice %arg2[%dma_start3A_135, %dma_start3A_136] : memref<10000x128xf32, #tpu.memory_space<hbm>> -> memref<10000x128xf32, #tpu.memory_space<hbm>>
          tpu.enqueue_indirect_dma source(%dma_start3A_137 : memref<10000x128xf32, #tpu.memory_space<hbm>>) target(%arg11 : memref<64x128xf32, #tpu.memory_space<vmem>>) offsets(%dma_start3A_134 : memref<64xi32, #tpu.memory_space<vmem>>) semaphore(%arg16 : memref<!tpu.dma_semaphore, #tpu.memory_space<semaphore_mem>>)
        } else {
        }
        %add3A_115 = arith.constant 3 : i32
        %add3A_116 = arith.addi %mul3A_71, %add3A_115 : i32
        %dma_wait3A_117 = arith.constant 0 : i32
        %dma_wait3A_118 = tpu.memref_slice %arg7[%add3A_116, %dma_wait3A_117] : memref<64x64xi32, #tpu.memory_space<vmem>> -> memref<1x64xi32, #tpu.memory_space<vmem>>
        %dma_wait3A_119 = tpu.memref_squeeze %dma_wait3A_118 : memref<1x64xi32, #tpu.memory_space<vmem>> -> memref<64xi32, #tpu.memory_space<vmem>>
        %dma_wait3A_120 = arith.constant 0 : i32
        %dma_wait3A_121 = arith.constant 0 : i32
        %dma_wait3A_122 = tpu.memref_slice %arg2[%dma_wait3A_120, %dma_wait3A_121] : memref<10000x128xf32, #tpu.memory_space<hbm>> -> memref<10000x128xf32, #tpu.memory_space<hbm>>
        tpu.wait_indirect_dma semaphore(%arg17 : memref<!tpu.dma_semaphore, #tpu.memory_space<semaphore_mem>>) src(%dma_wait3A_122 : memref<10000x128xf32, #tpu.memory_space<hbm>>) dst(%arg12 : memref<64x128xf32, #tpu.memory_space<vmem>>)
        "tpu.region"() ({
          %run_scoped3A = tpu.sem_alloc : memref<!tpu.dma_semaphore, #tpu.memory_space<semaphore_mem>>
          %dma_start3A_130 = arith.constant 0 : i32
          %dma_start3A_131 = tpu.memref_slice %arg8[%add3A_116, %dma_start3A_130] : memref<64x64xi32, #tpu.memory_space<vmem>> -> memref<1x64xi32, #tpu.memory_space<vmem>>
          %dma_start3A_132 = tpu.memref_squeeze %dma_start3A_131 : memref<1x64xi32, #tpu.memory_space<vmem>> -> memref<64xi32, #tpu.memory_space<vmem>>
          %dma_start3A_133 = arith.constant 0 : i32
          %dma_start3A_134 = arith.constant 0 : i32
          %dma_start3A_135 = tpu.memref_slice %arg13[%dma_start3A_133, %dma_start3A_134] : memref<10112x128xf32, #tpu.memory_space<vmem_shared>> -> memref<10112x128xf32, #tpu.memory_space<vmem_shared>>
          tpu.enqueue_indirect_dma source(%arg12 : memref<64x128xf32, #tpu.memory_space<vmem>>) target(%dma_start3A_135 : memref<10112x128xf32, #tpu.memory_space<vmem_shared>>) offsets(%dma_start3A_132 : memref<64xi32, #tpu.memory_space<vmem>>) semaphore(%run_scoped3A : memref<!tpu.dma_semaphore, #tpu.memory_space<semaphore_mem>>) {add = true}
          %dma_wait3A_136 = arith.constant 0 : i32
          %dma_wait3A_137 = tpu.memref_slice %arg8[%add3A_116, %dma_wait3A_136] : memref<64x64xi32, #tpu.memory_space<vmem>> -> memref<1x64xi32, #tpu.memory_space<vmem>>
          %dma_wait3A_138 = tpu.memref_squeeze %dma_wait3A_137 : memref<1x64xi32, #tpu.memory_space<vmem>> -> memref<64xi32, #tpu.memory_space<vmem>>
          %dma_wait3A_139 = arith.constant 0 : i32
          %dma_wait3A_140 = arith.constant 0 : i32
          %dma_wait3A_141 = tpu.memref_slice %arg13[%dma_wait3A_139, %dma_wait3A_140] : memref<10112x128xf32, #tpu.memory_space<vmem_shared>> -> memref<10112x128xf32, #tpu.memory_space<vmem_shared>>
          tpu.wait_indirect_dma semaphore(%run_scoped3A : memref<!tpu.dma_semaphore, #tpu.memory_space<semaphore_mem>>) src(%arg12 : memref<64x128xf32, #tpu.memory_space<vmem>>) dst(%dma_wait3A_141 : memref<10112x128xf32, #tpu.memory_space<vmem_shared>>)
          tpu.yield
        }) : () -> ()
        %add3A_123 = arith.constant 4 : i32
        %add3A_124 = arith.addi %add3A_116, %add3A_123 : i32
        %lt3A_125 = arith.constant 64 : i32
        %lt3A_126 = arith.cmpi slt, %add3A_124, %lt3A_125 : i32
        %convert_element_type3A_127 = arith.extui %lt3A_126 : i1 to i32
        %cond3A_128 = arith.constant 0 : i32
        %cond3A_129 = arith.cmpi ne, %convert_element_type3A_127, %cond3A_128 : i32
        scf.if %cond3A_129 {
          %add3A_130 = arith.constant 4 : i32
          %add3A_131 = arith.addi %add3A_116, %add3A_130 : i32
          %dma_start3A_132 = arith.constant 0 : i32
          %dma_start3A_133 = tpu.memref_slice %arg7[%add3A_131, %dma_start3A_132] : memref<64x64xi32, #tpu.memory_space<vmem>> -> memref<1x64xi32, #tpu.memory_space<vmem>>
          %dma_start3A_134 = tpu.memref_squeeze %dma_start3A_133 : memref<1x64xi32, #tpu.memory_space<vmem>> -> memref<64xi32, #tpu.memory_space<vmem>>
          %dma_start3A_135 = arith.constant 0 : i32
          %dma_start3A_136 = arith.constant 0 : i32
          %dma_start3A_137 = tpu.memref_slice %arg2[%dma_start3A_135, %dma_start3A_136] : memref<10000x128xf32, #tpu.memory_space<hbm>> -> memref<10000x128xf32, #tpu.memory_space<hbm>>
          tpu.enqueue_indirect_dma source(%dma_start3A_137 : memref<10000x128xf32, #tpu.memory_space<hbm>>) target(%arg12 : memref<64x128xf32, #tpu.memory_space<vmem>>) offsets(%dma_start3A_134 : memref<64xi32, #tpu.memory_space<vmem>>) semaphore(%arg17 : memref<!tpu.dma_semaphore, #tpu.memory_space<semaphore_mem>>)
        } else {
        }
      }
      %scan3A_68 = arith.constant 16 : i32
    } else {
    }
    %barrier3A_28 = arith.constant 0 : index
    tpu.barrier barrier_id(%barrier3A_28)
    %mul3A_29 = arith.constant 632 : i32
    %mul3A_30 = arith.muli %arg1, %mul3A_29 : i32
    %mul3A_31 = arith.constant 632 : i32
    %mul3A_32 = arith.muli %arg1, %mul3A_31 : i32
    "tpu.region"() ({
      %run_scoped3A = tpu.sem_alloc : memref<!tpu.dma_semaphore, #tpu.memory_space<semaphore_mem>>
      %dma_start3A = arith.constant 0 : i32
      %dma_start3A_33 = tpu.memref_slice %arg6[%arg0, %mul3A_32, %dma_start3A] : memref<2x10112x128xf32, #tpu.memory_space<hbm>> -> memref<1x632x128xf32, #tpu.memory_space<hbm>>
      %dma_start3A_34 = tpu.memref_squeeze %dma_start3A_33 : memref<1x632x128xf32, #tpu.memory_space<hbm>> -> memref<632x128xf32, #tpu.memory_space<hbm>>
      %dma_start3A_35 = arith.constant 0 : i32
      %dma_start3A_36 = tpu.memref_slice %arg13[%mul3A_30, %dma_start3A_35] : memref<10112x128xf32, #tpu.memory_space<vmem_shared>> -> memref<632x128xf32, #tpu.memory_space<vmem_shared>>
      tpu.enqueue_dma source(%dma_start3A_36 : memref<632x128xf32, #tpu.memory_space<vmem_shared>>) target(%dma_start3A_34 : memref<632x128xf32, #tpu.memory_space<hbm>>) target_semaphore(%run_scoped3A : memref<!tpu.dma_semaphore, #tpu.memory_space<semaphore_mem>>)
      %dma_wait3A = arith.constant 0 : i32
      %dma_wait3A_37 = tpu.memref_slice %arg6[%arg0, %mul3A_32, %dma_wait3A] : memref<2x10112x128xf32, #tpu.memory_space<hbm>> -> memref<1x632x128xf32, #tpu.memory_space<hbm>>
      %dma_wait3A_38 = tpu.memref_squeeze %dma_wait3A_37 : memref<1x632x128xf32, #tpu.memory_space<hbm>> -> memref<632x128xf32, #tpu.memory_space<hbm>>
      %dma_wait3A_39 = arith.constant 0 : i32
      %dma_wait3A_40 = tpu.memref_slice %arg13[%mul3A_30, %dma_wait3A_39] : memref<10112x128xf32, #tpu.memory_space<vmem_shared>> -> memref<632x128xf32, #tpu.memory_space<vmem_shared>>
      tpu.wait_dma2 semaphore(%run_scoped3A : memref<!tpu.dma_semaphore, #tpu.memory_space<semaphore_mem>>) src(%dma_wait3A_40 : memref<632x128xf32, #tpu.memory_space<vmem_shared>>) dst(%dma_wait3A_38 : memref<632x128xf32, #tpu.memory_space<hbm>>)
      tpu.yield
    }) : () -> ()
    return
  }
}

module attributes {stable_mosaic.version = 14 : i64} {
  func.func @_tcmm_body(%arg0: memref<10000x128xf32, #tpu.memory_space<vmem>>, %arg1: memref<128x128xf32, #tpu.memory_space<vmem>>, %arg2: memref<10000x128xf32, #tpu.memory_space<vmem>>) attributes {dimension_semantics = [], scalar_prefetch = 0 : i64, scratch_operands = 0 : i64, tpu.core_type = #tpu.core_type<tc>} {
    %get3A = arith.constant 0 : index
    %get3A_0 = arith.constant 0 : index
    %get3A_1 = vector.load %arg0[%get3A, %get3A_0] : memref<10000x128xf32, #tpu.memory_space<vmem>>, vector<10000x128xf32>
    %get3A_2 = arith.constant 0 : index
    %get3A_3 = arith.constant 0 : index
    %get3A_4 = vector.load %arg1[%get3A_2, %get3A_3] : memref<128x128xf32, #tpu.memory_space<vmem>>, vector<128x128xf32>
    %dot_general3A = arith.constant dense<0.000000e+00> : vector<10000x128xf32>
    %dot_general3A_5 = tpu.matmul %get3A_1, %get3A_4, %dot_general3A {dimension_numbers = #tpu.dot_dimension_numbers<[1], [0], [0], [1], [0, 0, 1, 1], [], []>, transpose_lhs_hint = false} : vector<10000x128xf32>, vector<128x128xf32>, vector<10000x128xf32> -> vector<10000x128xf32>
    %swap3A = arith.constant 0 : index
    %swap3A_6 = arith.constant 0 : index
    %swap3A_7 = vector.load %arg2[%swap3A, %swap3A_6] : memref<10000x128xf32, #tpu.memory_space<vmem>>, vector<10000x128xf32>
    tpu.vector_store %arg2[%swap3A, %swap3A_6], %dot_general3A_5 {strides = array<i32>} : memref<10000x128xf32, #tpu.memory_space<vmem>>, vector<10000x128xf32>,
    return
  }
}

module attributes {stable_mosaic.version = 14 : i64} {
  func.func @_tcg_body(%arg0: memref<10000x128xf32, #tpu.memory_space<vmem>>, %arg1: memref<2x10112x128xf32, #tpu.memory_space<vmem>>, %arg2: memref<10000x128xf32, #tpu.memory_space<vmem>>) attributes {dimension_semantics = [], scalar_prefetch = 0 : i64, scratch_operands = 0 : i64, tpu.core_type = #tpu.core_type<tc>} {
    %get3A = arith.constant 0 : index
    %get3A_0 = arith.constant 0 : index
    %get3A_1 = vector.load %arg0[%get3A, %get3A_0] : memref<10000x128xf32, #tpu.memory_space<vmem>>, vector<10000x128xf32>
    %get3A_2 = arith.constant 0 : index
    %get3A_3 = arith.constant 0 : index
    %get3A_4 = arith.constant 0 : index
    %get3A_5 = vector.load %arg1[%get3A_2, %get3A_3, %get3A_4] : memref<2x10112x128xf32, #tpu.memory_space<vmem>>, vector<1x10000x1xf32>
    %get3A_6 = vector.shape_cast %get3A_5 : vector<1x10000x1xf32> to vector<10000x1xf32>
    %get3A_7 = arith.constant 1 : index
    %get3A_8 = arith.constant 0 : index
    %get3A_9 = arith.constant 0 : index
    %get3A_10 = vector.load %arg1[%get3A_7, %get3A_8, %get3A_9] : memref<2x10112x128xf32, #tpu.memory_space<vmem>>, vector<1x10000x1xf32>
    %get3A_11 = vector.shape_cast %get3A_10 : vector<1x10000x1xf32> to vector<10000x1xf32>
    %add3A = arith.addf %get3A_6, %get3A_11 : vector<10000x1xf32>
    %add3A_12 = arith.constant 1.000000e+00 : f32
    %add3A_13 = vector.broadcast %add3A_12 : f32 to vector<10000x1xf32>
    %add3A_14 = arith.addf %add3A, %add3A_13 : vector<10000x1xf32>
    %rsqrt3A = math.rsqrt %add3A_14 : vector<10000x1xf32>
    %mul3A = vector.broadcast %rsqrt3A : vector<10000x1xf32> to vector<10000x128xf32>
    %mul3A_15 = arith.mulf %get3A_1, %mul3A : vector<10000x128xf32>
    %swap3A = arith.constant 0 : index
    %swap3A_16 = arith.constant 0 : index
    %swap3A_17 = vector.load %arg2[%swap3A, %swap3A_16] : memref<10000x128xf32, #tpu.memory_space<vmem>>, vector<10000x128xf32>
    tpu.vector_store %arg2[%swap3A, %swap3A_16], %mul3A_15 {strides = array<i32>} : memref<10000x128xf32, #tpu.memory_space<vmem>>, vector<10000x128xf32>,
    return
  }
}

module attributes {stable_mosaic.version = 14 : i64} {
  func.func @_tc2_body(%arg0: memref<2x10112x128xf32, #tpu.memory_space<vmem>>, %arg1: memref<10000x128xf32, #tpu.memory_space<vmem>>, %arg2: memref<2x10112x128xf32, #tpu.memory_space<vmem>>, %arg3: memref<1x128xf32, #tpu.memory_space<vmem>>, %arg4: memref<1x128xf32, #tpu.memory_space<vmem>>, %arg5: memref<1x128xf32, #tpu.memory_space<vmem>>, %arg6: memref<128x128xf32, #tpu.memory_space<vmem>>, %arg7: memref<10000x128xf32, #tpu.memory_space<vmem>>) attributes {dimension_semantics = [], scalar_prefetch = 0 : i64, scratch_operands = 0 : i64, tpu.core_type = #tpu.core_type<tc>} {
    %get3A = arith.constant 0 : index
    %get3A_0 = arith.constant 0 : index
    %get3A_1 = arith.constant 0 : index
    %get3A_2 = vector.load %arg2[%get3A, %get3A_0, %get3A_1] : memref<2x10112x128xf32, #tpu.memory_space<vmem>>, vector<1x10000x1xf32>
    %get3A_3 = vector.shape_cast %get3A_2 : vector<1x10000x1xf32> to vector<10000x1xf32>
    %get3A_4 = arith.constant 1 : index
    %get3A_5 = arith.constant 0 : index
    %get3A_6 = arith.constant 0 : index
    %get3A_7 = vector.load %arg2[%get3A_4, %get3A_5, %get3A_6] : memref<2x10112x128xf32, #tpu.memory_space<vmem>>, vector<1x10000x1xf32>
    %get3A_8 = vector.shape_cast %get3A_7 : vector<1x10000x1xf32> to vector<10000x1xf32>
    %add3A = arith.addf %get3A_3, %get3A_8 : vector<10000x1xf32>
    %add3A_9 = arith.constant 1.000000e+00 : f32
    %add3A_10 = vector.broadcast %add3A_9 : f32 to vector<10000x1xf32>
    %add3A_11 = arith.addf %add3A, %add3A_10 : vector<10000x1xf32>
    %rsqrt3A = math.rsqrt %add3A_11 : vector<10000x1xf32>
    %get3A_12 = arith.constant 0 : index
    %get3A_13 = arith.constant 0 : index
    %get3A_14 = arith.constant 0 : index
    %get3A_15 = vector.load %arg0[%get3A_12, %get3A_13, %get3A_14] : memref<2x10112x128xf32, #tpu.memory_space<vmem>>, vector<1x10000x128xf32>
    %get3A_16 = vector.shape_cast %get3A_15 : vector<1x10000x128xf32> to vector<10000x128xf32>
    %get3A_17 = arith.constant 1 : index
    %get3A_18 = arith.constant 0 : index
    %get3A_19 = arith.constant 0 : index
    %get3A_20 = vector.load %arg0[%get3A_17, %get3A_18, %get3A_19] : memref<2x10112x128xf32, #tpu.memory_space<vmem>>, vector<1x10000x128xf32>
    %get3A_21 = vector.shape_cast %get3A_20 : vector<1x10000x128xf32> to vector<10000x128xf32>
    %add3A_22 = arith.addf %get3A_16, %get3A_21 : vector<10000x128xf32>
    %get3A_23 = arith.constant 0 : index
    %get3A_24 = arith.constant 0 : index
    %get3A_25 = vector.load %arg1[%get3A_23, %get3A_24] : memref<10000x128xf32, #tpu.memory_space<vmem>>, vector<10000x128xf32>
    %add3A_26 = arith.addf %add3A_22, %get3A_25 : vector<10000x128xf32>
    %mul3A = vector.broadcast %rsqrt3A : vector<10000x1xf32> to vector<10000x128xf32>
    %mul3A_27 = arith.mulf %mul3A, %add3A_26 : vector<10000x128xf32>
    %get3A_28 = arith.constant 0 : index
    %get3A_29 = arith.constant 0 : index
    %get3A_30 = vector.load %arg3[%get3A_28, %get3A_29] : memref<1x128xf32, #tpu.memory_space<vmem>>, vector<1x128xf32>
    %add3A_31 = vector.broadcast %get3A_30 : vector<1x128xf32> to vector<10000x128xf32>
    %add3A_32 = arith.addf %mul3A_27, %add3A_31 : vector<10000x128xf32>
    %reduce_sum3A = arith.constant dense<0.000000e+00> : vector<128xf32>
    %reduce_sum3A_33 = vector.multi_reduction <add>, %add3A_32, %reduce_sum3A [0] : vector<10000x128xf32> to vector<128xf32>
    %broadcast_in_dim3A = vector.shape_cast %reduce_sum3A_33 : vector<128xf32> to vector<1x128xf32>
    %div3A = arith.constant 1.000000e+04 : f32
    %div3A_34 = vector.broadcast %div3A : f32 to vector<1x128xf32>
    %div3A_35 = arith.divf %broadcast_in_dim3A, %div3A_34 : vector<1x128xf32>
    %sub3A = vector.broadcast %div3A_35 : vector<1x128xf32> to vector<10000x128xf32>
    %sub3A_36 = arith.subf %add3A_32, %sub3A : vector<10000x128xf32>
    %integer_pow3A = arith.mulf %sub3A_36, %sub3A_36 : vector<10000x128xf32>
    %reduce_sum3A_37 = arith.constant dense<0.000000e+00> : vector<128xf32>
    %reduce_sum3A_38 = vector.multi_reduction <add>, %integer_pow3A, %reduce_sum3A_37 [0] : vector<10000x128xf32> to vector<128xf32>
    %broadcast_in_dim3A_39 = vector.shape_cast %reduce_sum3A_38 : vector<128xf32> to vector<1x128xf32>
    %div3A_40 = arith.constant 1.000000e+04 : f32
    %div3A_41 = vector.broadcast %div3A_40 : f32 to vector<1x128xf32>
    %div3A_42 = arith.divf %broadcast_in_dim3A_39, %div3A_41 : vector<1x128xf32>
    %sub3A_43 = vector.broadcast %div3A_35 : vector<1x128xf32> to vector<10000x128xf32>
    %sub3A_44 = arith.subf %add3A_32, %sub3A_43 : vector<10000x128xf32>
    %add3A_45 = arith.constant 9.99999974E-6 : f32
    %add3A_46 = vector.broadcast %add3A_45 : f32 to vector<1x128xf32>
    %add3A_47 = arith.addf %div3A_42, %add3A_46 : vector<1x128xf32>
    %rsqrt3A_48 = math.rsqrt %add3A_47 : vector<1x128xf32>
    %mul3A_49 = vector.broadcast %rsqrt3A_48 : vector<1x128xf32> to vector<10000x128xf32>
    %mul3A_50 = arith.mulf %sub3A_44, %mul3A_49 : vector<10000x128xf32>
    %get3A_51 = arith.constant 0 : index
    %get3A_52 = arith.constant 0 : index
    %get3A_53 = vector.load %arg4[%get3A_51, %get3A_52] : memref<1x128xf32, #tpu.memory_space<vmem>>, vector<1x128xf32>
    %mul3A_54 = vector.broadcast %get3A_53 : vector<1x128xf32> to vector<10000x128xf32>
    %mul3A_55 = arith.mulf %mul3A_50, %mul3A_54 : vector<10000x128xf32>
    %get3A_56 = arith.constant 0 : index
    %get3A_57 = arith.constant 0 : index
    %get3A_58 = vector.load %arg5[%get3A_56, %get3A_57] : memref<1x128xf32, #tpu.memory_space<vmem>>, vector<1x128xf32>
    %add3A_59 = vector.broadcast %get3A_58 : vector<1x128xf32> to vector<10000x128xf32>
    %add3A_60 = arith.addf %mul3A_55, %add3A_59 : vector<10000x128xf32>
    %max3A = arith.constant 0.000000e+00 : f32
    %max3A_61 = vector.broadcast %max3A : f32 to vector<10000x128xf32>
    %max3A_62 = arith.maximumf %add3A_60, %max3A_61 : vector<10000x128xf32>
    %get3A_63 = arith.constant 0 : index
    %get3A_64 = arith.constant 0 : index
    %get3A_65 = vector.load %arg6[%get3A_63, %get3A_64] : memref<128x128xf32, #tpu.memory_space<vmem>>, vector<128x128xf32>
    %dot_general3A = arith.constant dense<0.000000e+00> : vector<10000x128xf32>
    %dot_general3A_66 = tpu.matmul %max3A_62, %get3A_65, %dot_general3A {dimension_numbers = #tpu.dot_dimension_numbers<[1], [0], [0], [1], [0, 0, 1, 1], [], []>, transpose_lhs_hint = false} : vector<10000x128xf32>, vector<128x128xf32>, vector<10000x128xf32> -> vector<10000x128xf32>
    %mul3A_67 = vector.broadcast %rsqrt3A : vector<10000x1xf32> to vector<10000x128xf32>
    %mul3A_68 = arith.mulf %dot_general3A_66, %mul3A_67 : vector<10000x128xf32>
    %swap3A = arith.constant 0 : index
    %swap3A_69 = arith.constant 0 : index
    %swap3A_70 = vector.load %arg7[%swap3A, %swap3A_69] : memref<10000x128xf32, #tpu.memory_space<vmem>>, vector<10000x128xf32>
    tpu.vector_store %arg7[%swap3A, %swap3A_69], %mul3A_68 {strides = array<i32>} : memref<10000x128xf32, #tpu.memory_space<vmem>>, vector<10000x128xf32>,
    return
  }
}

module attributes {stable_mosaic.version = 14 : i64} {
  func.func @_tc3_body(%arg0: memref<2x10112x128xf32, #tpu.memory_space<vmem>>, %arg1: memref<10000x128xf32, #tpu.memory_space<vmem>>, %arg2: memref<2x10112x128xf32, #tpu.memory_space<vmem>>, %arg3: memref<1x128xf32, #tpu.memory_space<vmem>>, %arg4: memref<10000x128xf32, #tpu.memory_space<vmem>>) attributes {dimension_semantics = [], scalar_prefetch = 0 : i64, scratch_operands = 0 : i64, tpu.core_type = #tpu.core_type<tc>} {
    %get3A = arith.constant 0 : index
    %get3A_0 = arith.constant 0 : index
    %get3A_1 = arith.constant 0 : index
    %get3A_2 = vector.load %arg2[%get3A, %get3A_0, %get3A_1] : memref<2x10112x128xf32, #tpu.memory_space<vmem>>, vector<1x10000x1xf32>
    %get3A_3 = vector.shape_cast %get3A_2 : vector<1x10000x1xf32> to vector<10000x1xf32>
    %get3A_4 = arith.constant 1 : index
    %get3A_5 = arith.constant 0 : index
    %get3A_6 = arith.constant 0 : index
    %get3A_7 = vector.load %arg2[%get3A_4, %get3A_5, %get3A_6] : memref<2x10112x128xf32, #tpu.memory_space<vmem>>, vector<1x10000x1xf32>
    %get3A_8 = vector.shape_cast %get3A_7 : vector<1x10000x1xf32> to vector<10000x1xf32>
    %add3A = arith.addf %get3A_3, %get3A_8 : vector<10000x1xf32>
    %add3A_9 = arith.constant 1.000000e+00 : f32
    %add3A_10 = vector.broadcast %add3A_9 : f32 to vector<10000x1xf32>
    %add3A_11 = arith.addf %add3A, %add3A_10 : vector<10000x1xf32>
    %rsqrt3A = math.rsqrt %add3A_11 : vector<10000x1xf32>
    %get3A_12 = arith.constant 0 : index
    %get3A_13 = arith.constant 0 : index
    %get3A_14 = arith.constant 0 : index
    %get3A_15 = vector.load %arg0[%get3A_12, %get3A_13, %get3A_14] : memref<2x10112x128xf32, #tpu.memory_space<vmem>>, vector<1x10000x128xf32>
    %get3A_16 = vector.shape_cast %get3A_15 : vector<1x10000x128xf32> to vector<10000x128xf32>
    %get3A_17 = arith.constant 1 : index
    %get3A_18 = arith.constant 0 : index
    %get3A_19 = arith.constant 0 : index
    %get3A_20 = vector.load %arg0[%get3A_17, %get3A_18, %get3A_19] : memref<2x10112x128xf32, #tpu.memory_space<vmem>>, vector<1x10000x128xf32>
    %get3A_21 = vector.shape_cast %get3A_20 : vector<1x10000x128xf32> to vector<10000x128xf32>
    %add3A_22 = arith.addf %get3A_16, %get3A_21 : vector<10000x128xf32>
    %get3A_23 = arith.constant 0 : index
    %get3A_24 = arith.constant 0 : index
    %get3A_25 = vector.load %arg1[%get3A_23, %get3A_24] : memref<10000x128xf32, #tpu.memory_space<vmem>>, vector<10000x128xf32>
    %add3A_26 = arith.addf %add3A_22, %get3A_25 : vector<10000x128xf32>
    %mul3A = vector.broadcast %rsqrt3A : vector<10000x1xf32> to vector<10000x128xf32>
    %mul3A_27 = arith.mulf %mul3A, %add3A_26 : vector<10000x128xf32>
    %get3A_28 = arith.constant 0 : index
    %get3A_29 = arith.constant 0 : index
    %get3A_30 = vector.load %arg3[%get3A_28, %get3A_29] : memref<1x128xf32, #tpu.memory_space<vmem>>, vector<1x128xf32>
    %add3A_31 = vector.broadcast %get3A_30 : vector<1x128xf32> to vector<10000x128xf32>
    %add3A_32 = arith.addf %mul3A_27, %add3A_31 : vector<10000x128xf32>
    %swap3A = arith.constant 0 : index
    %swap3A_33 = arith.constant 0 : index
    %swap3A_34 = vector.load %arg4[%swap3A, %swap3A_33] : memref<10000x128xf32, #tpu.memory_space<vmem>>, vector<10000x128xf32>
    tpu.vector_store %arg4[%swap3A, %swap3A_33], %add3A_32 {strides = array<i32>} : memref<10000x128xf32, #tpu.memory_space<vmem>>, vector<10000x128xf32>,
    return
  }
}

</mosaic_0001>

<sc_bundles>
// kernel: kernel.12.cloned.1.call-start
scs
__scs_entry_jumppad:
0x0: {  	(pc) =	sbr.rel $0x88, $3  }
0x1: {  	(tag) =	ssettag $0x0;
	lr =	simm.s32 $0x1  }
0x2: {  	[smem:$0x3F99] =	sst lr;
	_ =	strace $0xD0000000  }
0x3: {  	_ = 	snop  }
0x4: {  	_ = 	snop  }
0x5: {  	_ = 	snop  }
0x6: {  	_ = 	snop  }
0x7: {  	_ = 	snop  }
__scs_overlays_trampoline_lowered:
0x8: {  	[smem:$0x3FA8] =	sst s0  }
0x9: {  	[smem:$0x3FA9] =	sst s1  }
0xa: {  	[smem:$0x3FAA] =	sst s2  }
0xb: {  	[smem:$0x3FAB] =	sst s3  }
0xc: {  	[smem:$0x3FAC] =	sst s4  }
0xd: {  	[smem:$0x3FAD] =	sst s5  }
0xe: {  	[smem:$0x3FAE] =	sst s6  }
0xf: {  	[smem:$0x3FAF] =	sst s7  }
0x10: {  	[smem:$0x3FB0] =	sst s8  }
0x11: {  	[smem:$0x3FB1] =	sst s9;
	s0 =	simm.s32 @!p0 $0x0  }
0x12: {  	s1 =	sld [smem:$0x3F97];
	s0 =	simm.s32 @p0 $0x1  }
0x13: {  	[smem:$0x3FB2] =	sst s0;
	s0 =	simm.s32 @!p1 $0x0  }
0x14: {  	s2 =	sld [smem:$0x3F96];
	s0 =	simm.s32 @p1 $0x1  }
0x15: {  	[smem:$0x3FB3] =	sst s0;
	s0 =	simm.s32 @!p2 $0x0  }
0x16: {  	s3 =	sld [smem:$0x3FDB];
	s0 =	simm.s32 @p2 $0x1  }
0x17: {  	s4 =	simm.s32 $0x1BF5;
	[smem:$0x3FB5] =	sst s0  }
0x18: {  	s0 =	sld [smem:$0x3F98];
	_ =	swait.ge [sflag:s4], $0x0  }
0x19: {  	s7 =	sld [smem:$0x3F99]  }
0x1a: {  	s8 =	sadd.s32 $0xFFFFE003, lr  }
0x1b: {  	s9 =	sadd.s32 $0xFFFFFEF7, lr;
	s5 =	simm.s32 $0xFFFFFFFF;
	p2 =	slt.u32 s8, $0xFFFFF086  }
0x1c: {  	p1 =	slt.u32 s9, $0xF7A;
	s5 =	simm.s32 @!p2 $0x0  }
0x1d: {  	s5 =	simm.s32 @p1 $0x1;
	p0 =	seq.s32 s7, s2  }
0x1e: {  	s7 =	smul.u32 @!p0 $0xF7A, s2;
	p2 =	seq.s32 @!p0 s5, $0x0  }
0x1f: {  	s9 =	smul.u32 $0xF7A, s1;
	s8 =	simm.s32 @!p0 $0x1BF5;
	p2 =	por !p2, p0  }
0x20: {  	[sflag:s8] =	ssyncset.s32 @!p0 $0xFFFFF086;
	s6 =	sadd.s32 @!p0 s3, s7;
	s7 =	simm.s32 @!p0 $0x108  }
0x21: {  	s3 =	sadd.s32 s3, s9;
	s6 =	sadd.s32 @!p0 $0x88, s6;
	s7 =	simm.s32 @p2 $0x1082  }
0x22: {  	[simem:s7], [sflag:s8] =	dma.local @!p0 [hbm:s6], $0xF7A  }
0x23: {  	s9 =	sor.u32 $0xD0000000, s2;
	s6 =	simm.s32 $0x108;
	_ =	swait.ge @!p0 [sflag:s8], $0x0  }
0x24: {  	s3 =	sadd.s32 $0x88, s3;
	s6 =	simm.s32 @!p1 $0x1082;
	[sflag:s4] =	ssyncset.s32 $0xFFFFF086  }
0x25: {  	[simem:s6], [sflag:s4] =	dma.local [hbm:s3], $0xF7A  }
0x26: {  	[smem:$0x3F99] =	sst s1;
	(tag) =	ssettag s2;
	_ =	strace s9  }
0x27: {  	s1 =	sld [smem:$0x3FA9]  }
0x28: {  	s2 =	sld [smem:$0x3FAA]  }
0x29: {  	s4 =	sld [smem:$0x3FAC]  }
0x2a: {  	p0 =	seq.s32 s5, $0x0;
	s5 =	sld [smem:$0x3FAD]  }
0x2b: {  	s6 =	sld [smem:$0x3FAE]  }
0x2c: {  	s7 =	sld [smem:$0x3FAF]  }
0x2d: {  	s3 =	simm.s32 $0x108;
	s8 =	sld [smem:$0x3FB0]  }
0x2e: {  	s3 =	simm.s32 @!p0 $0x1082;
	s9 =	sld [smem:$0x3FB1]  }
0x2f: {  	lr =	sadd.s32 s0, s3;
	s0 =	sld [smem:$0x3FA8]  }
0x30: {  	s3 =	sld [smem:$0x3FAB]  }
0x31: {  	[smem:$0x3FB4] =	sst s10  }
0x32: {  	s10 =	sld [smem:$0x3FB2];
	_ =	sdelay $0x3  }
0x33: {  	p0 =	seq.s32 s10, $0x1;
	s10 =	sld [smem:$0x3FB4];
	_ =	sdelay $0x3  }
0x34: {  	[smem:$0x3FB4] =	sst s10  }
0x35: {  	s10 =	sld [smem:$0x3FB3];
	_ =	sdelay $0x3  }
0x36: {  	p1 =	seq.s32 s10, $0x1;
	s10 =	sld [smem:$0x3FB4];
	_ =	sdelay $0x3  }
0x37: {  	[smem:$0x3FB4] =	sst s10  }
0x38: {  	s10 =	sld [smem:$0x3FB5]  }
0x39: {  	_ = 	snop;
	(pc) =	sbr.ind lr, $3  }
0x3a: {  	_ = 	snop  }
0x3b: {  	_ = 	snop  }
0x3c: {  	p2 =	seq.s32 s10, $0x1;
	s10 =	sld [smem:$0x3FB4]  }
0x3d: {  	_ =	shalt  }
0x3e: {  	_ =	shalt  }
0x3f: {  	_ =	shalt  }
0x40: {  	_ =	shalt  }
0x41: {  	_ =	shalt  }
0x42: {  	_ =	shalt  }
0x43: {  	_ =	shalt  }
0x44: {  	_ =	shalt  }
0x45: {  	_ =	shalt  }
0x46: {  	_ =	shalt  }
0x47: {  	_ =	shalt  }
0x48: {  	_ =	shalt  }
0x49: {  	_ =	shalt  }
0x4a: {  	_ =	shalt  }
0x4b: {  	_ =	shalt  }
0x4c: {  	_ =	shalt  }
0x4d: {  	_ =	shalt  }
0x4e: {  	_ =	shalt  }
0x4f: {  	_ =	shalt  }
0x50: {  	_ =	shalt  }
0x51: {  	_ =	shalt  }
0x52: {  	_ =	shalt  }
0x53: {  	_ =	shalt  }
0x54: {  	_ =	shalt  }
0x55: {  	_ =	shalt  }
0x56: {  	_ =	shalt  }
0x57: {  	_ =	shalt  }
0x58: {  	_ =	shalt  }
0x59: {  	_ =	shalt  }
0x5a: {  	_ =	shalt  }
0x5b: {  	_ =	shalt  }
0x5c: {  	_ =	shalt  }
0x5d: {  	_ =	shalt  }
0x5e: {  	_ =	shalt  }
0x5f: {  	_ =	shalt  }
0x60: {  	_ =	shalt  }
0x61: {  	_ =	shalt  }
0x62: {  	_ =	shalt  }
0x63: {  	_ =	shalt  }
0x64: {  	_ =	shalt  }
0x65: {  	_ =	shalt  }
0x66: {  	_ =	shalt  }
0x67: {  	_ =	shalt  }
0x68: {  	_ =	shalt  }
0x69: {  	_ =	shalt  }
0x6a: {  	_ =	shalt  }
0x6b: {  	_ =	shalt  }
0x6c: {  	_ =	shalt  }
0x6d: {  	_ =	shalt  }
0x6e: {  	_ =	shalt  }
0x6f: {  	_ =	shalt  }
0x70: {  	_ =	shalt  }
0x71: {  	_ =	shalt  }
0x72: {  	_ =	shalt  }
0x73: {  	_ =	shalt  }
0x74: {  	_ =	shalt  }
0x75: {  	_ =	shalt  }
0x76: {  	_ =	shalt  }
0x77: {  	_ =	shalt  }
0x78: {  	_ =	shalt  }
0x79: {  	_ =	shalt  }
0x7a: {  	_ =	shalt  }
0x7b: {  	_ =	shalt  }
0x7c: {  	_ =	shalt  }
0x7d: {  	_ =	shalt  }
0x7e: {  	_ =	shalt  }
0x7f: {  	_ =	shalt  }
0x80: {  	_ =	shalt  }
0x81: {  	_ =	shalt  }
0x82: {  	_ =	shalt  }
0x83: {  	_ =	shalt  }
0x84: {  	_ =	shalt  }
0x85: {  	_ =	shalt  }
0x86: {  	_ =	shalt  }
0x87: {  	_ =	shalt  }
.Lfunc_end0:
.L_simem_size_0:
called_computation.1_lowered:
.L_overlay_start_0:
0x88: {  	s2 =	sld [smem:$0x3FD9]  }
0x89: {  	s3 =	sld [smem:$0x3FFE];
	_ =	sdelay $0x1  }
0x8a: {  	s1 =	srdreg.scid  }
0x8b: {  	s0 =	sand.u32 $0x1, s1  }
0x8c: {  	s17 =	sshll.u32 s0, $0xA;
	s2 =	sadd.s32 s3, s2  }
0x8d: {  	s2 =	sadd.s32 s2, s17  }
0x8e: {  	[smem:$0x3FC0] =	sst s2  }
0x8f: {  	_ = 	snop  }
0x90: {  	s2 =	sld [smem:$0x3FD0];
	(tm) =	ssettm $0x1  }
0x91: {  	s18 =	sld [smem:$0x3FFB];
	_ =	sdelay $0x3  }
0x92: {  	_ =	strace s18  }
0x93: {  	s3 =	sld [smem:$0x3FFC];
	_ =	sdelay $0x3  }
0x94: {  	_ =	strace s3  }
0x95: {  	s3 =	sld [smem:$0x3FFD];
	_ =	sdelay $0x3  }
0x96: {  	_ =	strace s3  }
0x97: {  	_ =	strace $0x8FFFFFFF  }
0x98: {  	s19 =	sld [smem:$0x3FDB];
	_ =	sdelay $0x1  }
0x99: {  	s4 =	simm.s32 $_scs_section_size  }
0x9a: {  	s5 =	simm.s32 $_size__tile_overlayer_lowered;
	s6 =	simm.s32 $_tile_overlayer_lowered  }
0x9b: {  	s22 =	simm.s32 $0x1BFF;
	s21 =	sshll.u32 s6, $0x1;
	s3 =	sadd.s32 s4, s19  }
0x9c: {  	s7 =	simm.s32 $0x0;
	s20 =	sshll.u32 s5, $0x1;
	s5 =	sadd.s32 s21, s3  }
0x9d: {  	[timem:s7], [sflag:s22] =	dma.local [hbm:s5], s20  }
0x9e: {  	_ =	swait.ge [sflag:s22], s20  }
0x9f: {  	s4 =	ssub.s32 $0x0, s20;
	[sflag:s22] =	ssyncset.done $0x0  }
0xa0: {  	[sflag:s22] =	ssyncadd.s32 s4;
	_ =	sdelay $0x1  }
0xa1: {  	s23 =	simm.s32 $0x1B8B  }
0xa2: {  	_ =	swait.ge [sflag:s23], $0x1  }
0xa3: {  	[sflag:s23] =	ssyncset.done $0x0  }
0xa4: {  	s25 =	simm.s32 $0x1B8E;
	s24 =	sld [smem:$0x3FFE];
	[sflag:s23] =	ssyncadd.s32 $0xFFFFFFFF  }
0xa5: {  	s26 =	simm.s32 $execute0_lowered;
	[smem:$0x3FD2] =	sst s25  }
0xa6: {  	s5 =	sshll.u32 s26, $0x1;
	_ =	strace $0x80000049;
	[dreg:$0x1] =	wrdreg $0xFFFFFFFF  }
0xa7: {  	s28 =	simm.s32 $_size_execute0_lowered;
	s3 =	sadd.s32 s3, s5;
	[dreg:$0x0] =	wrdreg $0x0  }
0xa8: {  	s5 =	sshll.u32 s28, $0x1;
	[dreg:$0x2] =	wrdreg s3  }
0xa9: {  	[dreg:$0x3] =	wrdreg s5  }
0xaa: {  	[dreg:$0x4] =	wrdreg $0xC0  }
0xab: {  	_ =	task [dreg:s7], $0x5FFFF  }
0xac: {  	[dreg:$0x1] =	wrdreg $0xFFFFFFFF  }
0xad: {  	[dreg:$0x0] =	wrdreg $0x60  }
0xae: {  	[dreg:$0x2] =	wrdreg s2  }
0xaf: {  	[dreg:$0x3] =	wrdreg s24  }
0xb0: {  	[dreg:$0x4] =	wrdreg $0xC0000  }
0xb1: {  	[dreg:$0x5] =	wrdreg $0x9  }
0xb2: {  	_ =	task.clear_ibuf [dreg:s7], $0x6FFFF;
	_ =	strace $0x90000049  }
0xb3: {  	s29 =	simm.s32 $0x9;
	_ =	strace $0x8000004B  }
0xb4: {  	_ =	swait.ge [sflag:s29], $0x1  }
0xb5: {  	[sflag:s29] =	ssyncadd.s32 $0xFFFFFFFF  }
0xb6: {  	_ =	strace $0x9000004B  }
0xb7: {  	_ =	sfence  }
0xb8: {  	s30 =	sld [smem:$0x0];
	_ =	sdelay $0x2  }
0xb9: {  	s31 =	sshll.u32 s1, $0xD;
	s1 =	sshrl.u32 s1, $0x2  }
0xba: {  	s3 =	sand.u32 $0x4000, s31;
	s1 =	sadd.s32 s1, s30  }
0xbb: {  	s0 =	sor.u32 s3, s0;
	s1 =	sshll.u32 s1, $0x11  }
0xbc: {  	s0 =	sor.u32 s1, s0  }
0xbd: {  	s0 =	sadd.s32 $0x8F2B, s0  }
0xbe: {  	[sflag:s0] =	ssyncadd.remote.s32 $0x1  }
0xbf: {  	_ =	sfence.sel $0xFFFF  }
0xc0: {  	[dreg:$0x0] =	wrdreg $0xFFFFFFFF;
	(pc) =	sbr.abs _section_cstart, $3  }
0xc1: {  	[dreg:$0x1] =	wrdreg $0xFFFFFFFF  }
0xc2: {  	_ =	task.clear_ibuf [dreg:s7], $0x2FFFF;
	_ =	strace $0x9FFFFFFF  }
0xc3: {  	(tm) =	ssettm $0x7FFFFFFF  }
tec
execute0_lowered:
.L_overlay_start_1:
0x0: {  	(tag) =	ssettag $0x1  }
0x1: {  	s2 =	rddreg [dreg:$0x0]  }
0x2: {  	s0 =	rddreg [dreg:$0x1]  }
0x3: {  	s3 =	rddreg [dreg:$0x2]  }
0x4: {  	s15 =	stileid.u32;
	s1 =	srdreg.scid  }
0x5: {  	s4 =	simm.s32 $0x0;
	s28 =	simm.s32 $0xA000;
	s29 =	simm.s32 $0x1  }
0x6: {  	s30 =	simm.s32 $0x2;
	s31 =	simm.s32 $0x3;
	s5 =	smul.u32 $0x13C00, s15  }
0x7: {  	s1 =	sand.u32 $0x1, s1;
	[smem:$0x7FF] =	sst s4;
	s9 =	sadd.s32 $0x8D800, s0  }
0x8: {  	s10 =	sadd.s32 $0x79800, s0;
	s8 =	smul.u32 $0x4F000, s15;
	s14 =	sshll.u32 s15, $0xA  }
0x9: {  	s17 =	sshll.u32 s15, $0x6;
	s6 =	smul.u32 $0x13C000, s1;
	_ =	strace $0x8000004A  }
0xa: {  	s12 =	ssub.s32 $0x2, s1;
	p0 =	seq.s32 s1, $0x0;
	s7 =	sshrl.u32 s5, $0x3  }
0xb: {  	s13 =	sshrl.u32 s12, $0x1;
	s16 =	sshrl.u32 s8, $0x2;
	s5 =	sadd.s32 s5, s6  }
0xc: {  	s26 =	sadd.s32 s7, s0;
	s11 =	ssub.s32 s12, s13;
	s12 =	sshll.u32 s15, $0xC  }
0xd: {  	s13 =	sor.u32 $0x10000, s14;
	s14 =	sadd.s32 s16, s3;
	s6 =	sor.u32 $0x1C05, s17  }
0xe: {  	s5 =	sshrl.u32 s5, $0x3;
	s13 =	smov.u32 @p0 s12;
	s18 =	sadd.s32 $0x3000, s26  }
0xf: {  	s19 =	sor.u32 $0x400, s12;
	s22 =	sor.u32 $0x800, s12;
	s12 =	sor.u32 $0xC00, s12  }
0x10: {  	s16 =	smax.u32 s11, $0x1;
	s17 =	sshrl.u32 s14, $0x3;
	p0 =	sne.s32 s1, $0x0  }
0x11: {  	s1 =	simm.s32 $0x3E00;
	s11 =	simm.s32 $0x3F80;
	s0 =	sadd.s32 s5, s0  }
0x12: {  	[dreg:$0x4] =	wrdreg s18;
	s7 =	sadd.s32 s9, s13;
	s8 =	sadd.s32 s10, s13  }
0x13: {  	s20 =	sadd.s32 s9, s19;
	s21 =	sadd.s32 s10, s19;
	s23 =	sadd.s32 s9, s22  }
0x14: {  	s24 =	sadd.s32 s10, s22;
	s25 =	sadd.s32 s9, s12;
	[dreg:$0x5] =	wrdreg s20  }
0x15: {  	s26 =	sadd.s32 s10, s12;
	s18 =	simm.s32 $0x5;
	[dreg:$0x6] =	wrdreg s21  }
0x16: {  	s19 =	simm.s32 $0x2000;
	s22 =	simm.s32 $0x80;
	[dreg:$0x7] =	wrdreg s23  }
.Ltmp0:
0x17: {  	s9 =	simm.s32 $0x3E80;
	[dreg:$0x8] =	wrdreg s24;
	(pc) =	sbr.rel .LBB2_1-.Ltmp0, $4  }
0x18: {  	s10 =	simm.s32 $0x3F00;
	s12 =	simm.s32 $0x0;
	[dreg:$0x9] =	wrdreg s25  }
0x19: {  	[dreg:$0xa] =	wrdreg s26;
	s15 =	sadd.s32 $0xA1800, s0;
	s20 =	simm.s32 $0x40  }
0x1a: {  	s21 =	simm.s32 $0x4000;
	s23 =	simm.s32 $0x6000;
	s24 =	simm.s32 $0x100  }
0x1b: {  	s25 =	simm.s32 $0x8000;
	s26 =	simm.s32 $0x180;
	s0 =	simm.s32 $0x4  }
.LBB2_10:
0x1c: {  	[tilespmem:s28], [sflag:$0x4] =	stream.indirect.gather [hbm4b:s2+s20], $0x80, s14, s20, $0xb8;
	[tilespmem:$0x1FC00] =	vst v63  }
0x1d: {  	_ =	swait.ge [sflag:s29], $0x2000  }
0x1e: {  	[sflag:s29] =	ssyncset.done $0x0  }
0x1f: {  	[sflag:s29] =	ssyncadd.s32 $0xFFFFE000  }
0x20: {  	[spmem:s3] =	stream.indirect.scatter.add.f32 [tilespmem:s21], [sflag:$0x5], $0x80, s1, s20, $0xb8;
	[tilespmem:$0x1FC00] =	vst v63  }
0x21: {  	_ =	swait.ge [sflag:s18], $0x2000  }
0x22: {  	[sflag:s18] =	ssyncset.done $0x0  }
0x23: {  	[sflag:s18] =	ssyncadd.s32 $0xFFFFE000  }
0x24: {  	_ =	swait.ge [sflag:s30], $0x2000  }
0x25: {  	[sflag:s30] =	ssyncset.done $0x0  }
0x26: {  	[sflag:s30] =	ssyncadd.s32 $0xFFFFE000  }
0x27: {  	[spmem:s3] =	stream.indirect.scatter.add.f32 [tilespmem:s23], [sflag:$0x5], $0x80, s9, s20, $0xb8;
	[tilespmem:$0x1FC00] =	vst v63  }
0x28: {  	_ =	swait.ge [sflag:s18], $0x2000  }
0x29: {  	[sflag:s18] =	ssyncset.done $0x0  }
0x2a: {  	[sflag:s18] =	ssyncadd.s32 $0xFFFFE000  }
0x2b: {  	_ =	swait.ge [sflag:s31], $0x2000  }
0x2c: {  	[sflag:s31] =	ssyncset.done $0x0  }
0x2d: {  	[sflag:s31] =	ssyncadd.s32 $0xFFFFE000  }
0x2e: {  	[spmem:s3] =	stream.indirect.scatter.add.f32 [tilespmem:s25], [sflag:$0x5], $0x80, s10, s20, $0xb8;
	[tilespmem:$0x1FC00] =	vst v63  }
0x2f: {  	_ =	swait.ge [sflag:s18], $0x2000  }
0x30: {  	[sflag:s18] =	ssyncset.done $0x0  }
0x31: {  	[sflag:s18] =	ssyncadd.s32 $0xFFFFE000  }
0x32: {  	_ =	swait.ge [sflag:s0], $0x2000  }
0x33: {  	[sflag:s0] =	ssyncset.done $0x0  }
0x34: {  	[sflag:s0] =	ssyncadd.s32 $0xFFFFE000  }
0x35: {  	[spmem:s3] =	stream.indirect.scatter.add.f32 [tilespmem:s28], [sflag:$0x5], $0x80, s11, s20, $0xb8;
	[tilespmem:$0x1FC00] =	vst v63  }
0x36: {  	_ =	swait.ge [sflag:s18], $0x2000  }
0x37: {  	[sflag:s18] =	ssyncset.done $0x0  }
0x38: {  	[sflag:s18] =	ssyncadd.s32 $0xFFFFE000  }
.LBB2_11:
0x39: {  	s12 =	sadd.s32 $0x1, s12  }
0x3a: {  	p1 =	sne.s32 s12, s16  }
.Ltmp1:
0x3b: {  	[bflag:$0x0] =	sbarrier.arrive $0xFFFF;
	(pc) =	sbr.rel @!p1 .LBB2_12-.Ltmp1, $4  }
0x3c: {  	[hbm:s15], [sflag:s6] =	dma.local [spmem:s17], $0x2780  }
0x3d: {  	_ =	swait.ge [sflag:s18], $0x2780  }
0x3e: {  	[sflag:s18] =	ssyncset.done $0x0  }
0x3f: {  	[sflag:s18] =	ssyncadd.s32 $0xFFFFD880  }
.LBB2_1:
0x40: {  	s5 =	rddreg [dreg:$0x4]  }
0x41: {  	[spmem:s17], [sflag:s6] =	dma.local [hbm:s5], $0x2780  }
0x42: {  	_ =	swait.ge [sflag:s18], $0x2780  }
0x43: {  	[sflag:s18] =	ssyncset.done $0x0  }
0x44: {  	[sflag:s18] =	ssyncadd.s32 $0xFFFFD880  }
0x45: {  	[bflag:$0x0] =	sbarrier.arrive $0xFFFF  }
0x46: {  	[tilespmem:s4], [sflag:$0x5] =	stream.linear.gather [hbm4b:s7+s4], $0x2000, $0x38;
	[tilespmem:$0x1FC00] =	vst v63  }
0x47: {  	_ =	swait.ge [sflag:s18], $0x2000  }
0x48: {  	[sflag:s18] =	ssyncset.done $0x0  }
0x49: {  	[sflag:s18] =	ssyncadd.s32 $0xFFFFE000  }
0x4a: {  	[tilespmem:s19], [sflag:$0x5] =	stream.linear.gather [hbm4b:s8+s4], $0x2000, $0x38;
	[tilespmem:$0x1FC00] =	vst v63  }
0x4b: {  	_ =	swait.ge [sflag:s18], $0x2000  }
0x4c: {  	[sflag:s18] =	ssyncset.done $0x0  }
0x4d: {  	[sflag:s18] =	ssyncadd.s32 $0xFFFFE000  }
0x4e: {  	[tilespmem:s21], [sflag:$0x1] =	stream.indirect.gather [hbm4b:s2+s20], $0x80, s4, s20, $0xb8;
	[tilespmem:$0x1FC00] =	vst v63  }
0x4f: {  	_ = 	snop  }
0x50: {  	[tilespmem:s23], [sflag:$0x2] =	stream.indirect.gather [hbm4b:s2+s20], $0x80, s22, s20, $0xb8;
	[tilespmem:$0x1FC00] =	vst v63  }
0x51: {  	_ = 	snop  }
0x52: {  	[tilespmem:s25], [sflag:$0x3] =	stream.indirect.gather [hbm4b:s2+s20], $0x80, s24, s20, $0xb8;
	[tilespmem:$0x1FC00] =	vst v63  }
0x53: {  	_ = 	snop  }
0x54: {  	[tilespmem:s28], [sflag:$0x4] =	stream.indirect.gather [hbm4b:s2+s20], $0x80, s26, s20, $0xb8;
	[tilespmem:$0x1FC00] =	vst v63  }
0x55: {  	_ =	swait.ge [sflag:s29], $0x2000  }
0x56: {  	[sflag:s29] =	ssyncset.done $0x0  }
0x57: {  	s13 =	simm.s32 $0x2000;
	[sflag:s29] =	ssyncadd.s32 $0xFFFFE000  }
0x58: {  	[spmem:s3] =	stream.indirect.scatter.add.f32 [tilespmem:s21], [sflag:$0x5], $0x80, s13, s20, $0xb8;
	[tilespmem:$0x1FC00] =	vst v63  }
0x59: {  	_ =	swait.ge [sflag:s18], $0x2000  }
0x5a: {  	[sflag:s18] =	ssyncset.done $0x0  }
0x5b: {  	s5 =	simm.s32 $0x200;
	[sflag:s18] =	ssyncadd.s32 $0xFFFFE000  }
0x5c: {  	[tilespmem:s21], [sflag:$0x1] =	stream.indirect.gather [hbm4b:s2+s20], $0x80, s5, s20, $0xb8;
	[tilespmem:$0x1FC00] =	vst v63  }
0x5d: {  	_ =	swait.ge [sflag:s30], $0x2000  }
0x5e: {  	[sflag:s30] =	ssyncset.done $0x0  }
0x5f: {  	s14 =	simm.s32 $0x2080;
	[sflag:s30] =	ssyncadd.s32 $0xFFFFE000  }
0x60: {  	[spmem:s3] =	stream.indirect.scatter.add.f32 [tilespmem:s23], [sflag:$0x5], $0x80, s14, s20, $0xb8;
	[tilespmem:$0x1FC00] =	vst v63  }
0x61: {  	_ =	swait.ge [sflag:s18], $0x2000  }
0x62: {  	[sflag:s18] =	ssyncset.done $0x0  }
0x63: {  	s5 =	simm.s32 $0x280;
	[sflag:s18] =	ssyncadd.s32 $0xFFFFE000  }
0x64: {  	[tilespmem:s23], [sflag:$0x2] =	stream.indirect.gather [hbm4b:s2+s20], $0x80, s5, s20, $0xb8;
	[tilespmem:$0x1FC00] =	vst v63  }
0x65: {  	_ =	swait.ge [sflag:s31], $0x2000  }
0x66: {  	[sflag:s31] =	ssyncset.done $0x0  }
0x67: {  	s14 =	simm.s32 $0x2100;
	[sflag:s31] =	ssyncadd.s32 $0xFFFFE000  }
0x68: {  	[spmem:s3] =	stream.indirect.scatter.add.f32 [tilespmem:s25], [sflag:$0x5], $0x80, s14, s20, $0xb8;
	[tilespmem:$0x1FC00] =	vst v63  }
0x69: {  	_ =	swait.ge [sflag:s18], $0x2000  }
0x6a: {  	[sflag:s18] =	ssyncset.done $0x0  }
0x6b: {  	s5 =	simm.s32 $0x300;
	[sflag:s18] =	ssyncadd.s32 $0xFFFFE000  }
0x6c: {  	[tilespmem:s25], [sflag:$0x3] =	stream.indirect.gather [hbm4b:s2+s20], $0x80, s5, s20, $0xb8;
	[tilespmem:$0x1FC00] =	vst v63  }
0x6d: {  	_ =	swait.ge [sflag:s0], $0x2000  }
0x6e: {  	[sflag:s0] =	ssyncset.done $0x0  }
0x6f: {  	s14 =	simm.s32 $0x2180;
	[sflag:s0] =	ssyncadd.s32 $0xFFFFE000  }
0x70: {  	[spmem:s3] =	stream.indirect.scatter.add.f32 [tilespmem:s28], [sflag:$0x5], $0x80, s14, s20, $0xb8;
	[tilespmem:$0x1FC00] =	vst v63  }
0x71: {  	_ =	swait.ge [sflag:s18], $0x2000  }
0x72: {  	[sflag:s18] =	ssyncset.done $0x0  }
0x73: {  	s13 =	simm.s32 $0x800;
	s14 =	simm.s32 $0x380;
	[sflag:s18] =	ssyncadd.s32 $0xFFFFE000  }
.LBB2_2:
0x74: {  	[tilespmem:s28], [sflag:$0x4] =	stream.indirect.gather [hbm4b:s2+s20], $0x80, s14, s20, $0xb8;
	[tilespmem:$0x1FC00] =	vst v63  }
0x75: {  	s14 =	smov.u32 s13  }
0x76: {  	p1 =	sne.s32 s13, $0x7000;
	s13 =	sadd.s32 $0x800, s13;
	_ =	swait.ge [sflag:s29], $0x2000  }
0x77: {  	s14 =	sshra.s32 s14, $0x2;
	[sflag:s29] =	ssyncset.done $0x0  }
0x78: {  	s5 =	sadd.s32 $0x2000, s14;
	[sflag:s29] =	ssyncadd.s32 $0xFFFFE000  }
0x79: {  	[spmem:s3] =	stream.indirect.scatter.add.f32 [tilespmem:s21], [sflag:$0x5], $0x80, s5, s20, $0xb8;
	[tilespmem:$0x1FC00] =	vst v63  }
0x7a: {  	_ =	swait.ge [sflag:s18], $0x2000  }
0x7b: {  	[sflag:s18] =	ssyncset.done $0x0  }
0x7c: {  	s5 =	sadd.s32 $0x200, s14;
	[sflag:s18] =	ssyncadd.s32 $0xFFFFE000  }
0x7d: {  	[tilespmem:s21], [sflag:$0x1] =	stream.indirect.gather [hbm4b:s2+s20], $0x80, s5, s20, $0xb8;
	[tilespmem:$0x1FC00] =	vst v63  }
0x7e: {  	_ =	swait.ge [sflag:s30], $0x2000  }
0x7f: {  	[sflag:s30] =	ssyncset.done $0x0  }
0x80: {  	s5 =	sadd.s32 $0x2080, s14;
	[sflag:s30] =	ssyncadd.s32 $0xFFFFE000  }
0x81: {  	[spmem:s3] =	stream.indirect.scatter.add.f32 [tilespmem:s23], [sflag:$0x5], $0x80, s5, s20, $0xb8;
	[tilespmem:$0x1FC00] =	vst v63  }
0x82: {  	_ =	swait.ge [sflag:s18], $0x2000  }
0x83: {  	[sflag:s18] =	ssyncset.done $0x0  }
0x84: {  	s5 =	sadd.s32 $0x280, s14;
	[sflag:s18] =	ssyncadd.s32 $0xFFFFE000  }
0x85: {  	[tilespmem:s23], [sflag:$0x2] =	stream.indirect.gather [hbm4b:s2+s20], $0x80, s5, s20, $0xb8;
	[tilespmem:$0x1FC00] =	vst v63  }
0x86: {  	_ =	swait.ge [sflag:s31], $0x2000  }
0x87: {  	[sflag:s31] =	ssyncset.done $0x0  }
0x88: {  	s5 =	sadd.s32 $0x2100, s14;
	[sflag:s31] =	ssyncadd.s32 $0xFFFFE000  }
0x89: {  	[spmem:s3] =	stream.indirect.scatter.add.f32 [tilespmem:s25], [sflag:$0x5], $0x80, s5, s20, $0xb8;
	[tilespmem:$0x1FC00] =	vst v63  }
0x8a: {  	_ =	swait.ge [sflag:s18], $0x2000  }
0x8b: {  	[sflag:s18] =	ssyncset.done $0x0  }
0x8c: {  	s5 =	sadd.s32 $0x300, s14;
	[sflag:s18] =	ssyncadd.s32 $0xFFFFE000  }
0x8d: {  	[tilespmem:s25], [sflag:$0x3] =	stream.indirect.gather [hbm4b:s2+s20], $0x80, s5, s20, $0xb8;
	[tilespmem:$0x1FC00] =	vst v63  }
0x8e: {  	_ =	swait.ge [sflag:s0], $0x2000  }
0x8f: {  	[sflag:s0] =	ssyncset.done $0x0  }
.Ltmp2:
0x90: {  	s5 =	sadd.s32 $0x2180, s14;
	[sflag:s0] =	ssyncadd.s32 $0xFFFFE000;
	(pc) =	sbr.rel @p1 .LBB2_2-.Ltmp2, $4  }
0x91: {  	[spmem:s3] =	stream.indirect.scatter.add.f32 [tilespmem:s28], [sflag:$0x5], $0x80, s5, s20, $0xb8;
	[tilespmem:$0x1FC00] =	vst v63  }
0x92: {  	_ =	swait.ge [sflag:s18], $0x2000  }
0x93: {  	[sflag:s18] =	ssyncset.done $0x0  }
0x94: {  	s14 =	sadd.s32 $0x380, s14;
	[sflag:s18] =	ssyncadd.s32 $0xFFFFE000  }
0x95: {  	[tilespmem:s28], [sflag:$0x4] =	stream.indirect.gather [hbm4b:s2+s20], $0x80, s14, s20, $0xb8;
	[tilespmem:$0x1FC00] =	vst v63  }
0x96: {  	_ =	swait.ge [sflag:s29], $0x2000  }
0x97: {  	[sflag:s29] =	ssyncset.done $0x0  }
0x98: {  	[sflag:s29] =	ssyncadd.s32 $0xFFFFE000  }
0x99: {  	[spmem:s3] =	stream.indirect.scatter.add.f32 [tilespmem:s21], [sflag:$0x5], $0x80, s1, s20, $0xb8;
	[tilespmem:$0x1FC00] =	vst v63  }
0x9a: {  	_ =	swait.ge [sflag:s18], $0x2000  }
0x9b: {  	[sflag:s18] =	ssyncset.done $0x0  }
0x9c: {  	[sflag:s18] =	ssyncadd.s32 $0xFFFFE000  }
0x9d: {  	_ =	swait.ge [sflag:s30], $0x2000  }
0x9e: {  	[sflag:s30] =	ssyncset.done $0x0  }
0x9f: {  	[sflag:s30] =	ssyncadd.s32 $0xFFFFE000  }
0xa0: {  	[spmem:s3] =	stream.indirect.scatter.add.f32 [tilespmem:s23], [sflag:$0x5], $0x80, s9, s20, $0xb8;
	[tilespmem:$0x1FC00] =	vst v63  }
0xa1: {  	_ =	swait.ge [sflag:s18], $0x2000  }
0xa2: {  	[sflag:s18] =	ssyncset.done $0x0  }
0xa3: {  	[sflag:s18] =	ssyncadd.s32 $0xFFFFE000  }
0xa4: {  	_ =	swait.ge [sflag:s31], $0x2000  }
0xa5: {  	[sflag:s31] =	ssyncset.done $0x0  }
0xa6: {  	[sflag:s31] =	ssyncadd.s32 $0xFFFFE000  }
0xa7: {  	[spmem:s3] =	stream.indirect.scatter.add.f32 [tilespmem:s25], [sflag:$0x5], $0x80, s10, s20, $0xb8;
	[tilespmem:$0x1FC00] =	vst v63  }
0xa8: {  	_ =	swait.ge [sflag:s18], $0x2000  }
0xa9: {  	[sflag:s18] =	ssyncset.done $0x0  }
0xaa: {  	[sflag:s18] =	ssyncadd.s32 $0xFFFFE000  }
0xab: {  	_ =	swait.ge [sflag:s0], $0x2000  }
0xac: {  	[sflag:s0] =	ssyncset.done $0x0  }
.Ltmp3:
0xad: {  	[sflag:s0] =	ssyncadd.s32 $0xFFFFE000;
	(pc) =	sbr.rel @p0 .LBB2_11-.Ltmp3, $4  }
0xae: {  	[spmem:s3] =	stream.indirect.scatter.add.f32 [tilespmem:s28], [sflag:$0x5], $0x80, s11, s20, $0xb8;
	[tilespmem:$0x1FC00] =	vst v63  }
0xaf: {  	_ =	swait.ge [sflag:s18], $0x2000  }
0xb0: {  	[sflag:s18] =	ssyncset.done $0x0  }
0xb1: {  	[sflag:s18] =	ssyncadd.s32 $0xFFFFE000  }
0xb2: {  	s5 =	simm.s32 $0x0;
	s13 =	rddreg [dreg:$0x5]  }
0xb3: {  	[tilespmem:s5], [sflag:$0x5] =	stream.linear.gather [hbm4b:s13+s5], $0x2000, $0x38;
	[tilespmem:$0x1FC00] =	vst v63  }
0xb4: {  	_ =	swait.ge [sflag:s18], $0x2000  }
0xb5: {  	[sflag:s18] =	ssyncset.done $0x0  }
0xb6: {  	s14 =	rddreg [dreg:$0x6];
	[sflag:s18] =	ssyncadd.s32 $0xFFFFE000  }
0xb7: {  	[tilespmem:s19], [sflag:$0x5] =	stream.linear.gather [hbm4b:s14+s5], $0x2000, $0x38;
	[tilespmem:$0x1FC00] =	vst v63  }
0xb8: {  	_ =	swait.ge [sflag:s18], $0x2000  }
0xb9: {  	[sflag:s18] =	ssyncset.done $0x0  }
0xba: {  	[sflag:s18] =	ssyncadd.s32 $0xFFFFE000  }
0xbb: {  	[tilespmem:s21], [sflag:$0x1] =	stream.indirect.gather [hbm4b:s2+s20], $0x80, s5, s20, $0xb8;
	[tilespmem:$0x1FC00] =	vst v63  }
0xbc: {  	_ = 	snop  }
0xbd: {  	[tilespmem:s23], [sflag:$0x2] =	stream.indirect.gather [hbm4b:s2+s20], $0x80, s22, s20, $0xb8;
	[tilespmem:$0x1FC00] =	vst v63  }
0xbe: {  	_ = 	snop  }
0xbf: {  	[tilespmem:s25], [sflag:$0x3] =	stream.indirect.gather [hbm4b:s2+s20], $0x80, s24, s20, $0xb8;
	[tilespmem:$0x1FC00] =	vst v63  }
0xc0: {  	_ = 	snop  }
0xc1: {  	[tilespmem:s28], [sflag:$0x4] =	stream.indirect.gather [hbm4b:s2+s20], $0x80, s26, s20, $0xb8;
	[tilespmem:$0x1FC00] =	vst v63  }
0xc2: {  	_ =	swait.ge [sflag:s29], $0x2000  }
0xc3: {  	[sflag:s29] =	ssyncset.done $0x0  }
0xc4: {  	s14 =	simm.s32 $0x2000;
	[sflag:s29] =	ssyncadd.s32 $0xFFFFE000  }
0xc5: {  	[spmem:s3] =	stream.indirect.scatter.add.f32 [tilespmem:s21], [sflag:$0x5], $0x80, s14, s20, $0xb8;
	[tilespmem:$0x1FC00] =	vst v63  }
0xc6: {  	_ =	swait.ge [sflag:s18], $0x2000  }
0xc7: {  	[sflag:s18] =	ssyncset.done $0x0  }
0xc8: {  	s13 =	simm.s32 $0x200;
	[sflag:s18] =	ssyncadd.s32 $0xFFFFE000  }
0xc9: {  	[tilespmem:s21], [sflag:$0x1] =	stream.indirect.gather [hbm4b:s2+s20], $0x80, s13, s20, $0xb8;
	[tilespmem:$0x1FC00] =	vst v63  }
0xca: {  	_ =	swait.ge [sflag:s30], $0x2000  }
0xcb: {  	[sflag:s30] =	ssyncset.done $0x0  }
0xcc: {  	s14 =	simm.s32 $0x2080;
	[sflag:s30] =	ssyncadd.s32 $0xFFFFE000  }
0xcd: {  	[spmem:s3] =	stream.indirect.scatter.add.f32 [tilespmem:s23], [sflag:$0x5], $0x80, s14, s20, $0xb8;
	[tilespmem:$0x1FC00] =	vst v63  }
0xce: {  	_ =	swait.ge [sflag:s18], $0x2000  }
0xcf: {  	[sflag:s18] =	ssyncset.done $0x0  }
0xd0: {  	s13 =	simm.s32 $0x280;
	[sflag:s18] =	ssyncadd.s32 $0xFFFFE000  }
0xd1: {  	[tilespmem:s23], [sflag:$0x2] =	stream.indirect.gather [hbm4b:s2+s20], $0x80, s13, s20, $0xb8;
	[tilespmem:$0x1FC00] =	vst v63  }
0xd2: {  	_ =	swait.ge [sflag:s31], $0x2000  }
0xd3: {  	[sflag:s31] =	ssyncset.done $0x0  }
0xd4: {  	s14 =	simm.s32 $0x2100;
	[sflag:s31] =	ssyncadd.s32 $0xFFFFE000  }
0xd5: {  	[spmem:s3] =	stream.indirect.scatter.add.f32 [tilespmem:s25], [sflag:$0x5], $0x80, s14, s20, $0xb8;
	[tilespmem:$0x1FC00] =	vst v63  }
0xd6: {  	_ =	swait.ge [sflag:s18], $0x2000  }
0xd7: {  	[sflag:s18] =	ssyncset.done $0x0  }
0xd8: {  	s13 =	simm.s32 $0x300;
	[sflag:s18] =	ssyncadd.s32 $0xFFFFE000  }
0xd9: {  	[tilespmem:s25], [sflag:$0x3] =	stream.indirect.gather [hbm4b:s2+s20], $0x80, s13, s20, $0xb8;
	[tilespmem:$0x1FC00] =	vst v63  }
0xda: {  	_ =	swait.ge [sflag:s0], $0x2000  }
0xdb: {  	[sflag:s0] =	ssyncset.done $0x0  }
0xdc: {  	s14 =	simm.s32 $0x2180;
	[sflag:s0] =	ssyncadd.s32 $0xFFFFE000  }
0xdd: {  	[spmem:s3] =	stream.indirect.scatter.add.f32 [tilespmem:s28], [sflag:$0x5], $0x80, s14, s20, $0xb8;
	[tilespmem:$0x1FC00] =	vst v63  }
0xde: {  	_ =	swait.ge [sflag:s18], $0x2000  }
0xdf: {  	[sflag:s18] =	ssyncset.done $0x0  }
0xe0: {  	s13 =	simm.s32 $0x800;
	s14 =	simm.s32 $0x380;
	[sflag:s18] =	ssyncadd.s32 $0xFFFFE000  }
.LBB2_5:
0xe1: {  	[tilespmem:s28], [sflag:$0x4] =	stream.indirect.gather [hbm4b:s2+s20], $0x80, s14, s20, $0xb8;
	[tilespmem:$0x1FC00] =	vst v63  }
0xe2: {  	s5 =	smov.u32 s13  }
0xe3: {  	p1 =	sne.s32 s13, $0x7000;
	s13 =	sadd.s32 $0x800, s13;
	_ =	swait.ge [sflag:s29], $0x2000  }
0xe4: {  	s14 =	sshra.s32 s5, $0x2;
	[sflag:s29] =	ssyncset.done $0x0  }
0xe5: {  	s5 =	sadd.s32 $0x2000, s14;
	[sflag:s29] =	ssyncadd.s32 $0xFFFFE000  }
0xe6: {  	[spmem:s3] =	stream.indirect.scatter.add.f32 [tilespmem:s21], [sflag:$0x5], $0x80, s5, s20, $0xb8;
	[tilespmem:$0x1FC00] =	vst v63  }
0xe7: {  	_ =	swait.ge [sflag:s18], $0x2000  }
0xe8: {  	[sflag:s18] =	ssyncset.done $0x0  }
0xe9: {  	s5 =	sadd.s32 $0x200, s14;
	[sflag:s18] =	ssyncadd.s32 $0xFFFFE000  }
0xea: {  	[tilespmem:s21], [sflag:$0x1] =	stream.indirect.gather [hbm4b:s2+s20], $0x80, s5, s20, $0xb8;
	[tilespmem:$0x1FC00] =	vst v63  }
0xeb: {  	_ =	swait.ge [sflag:s30], $0x2000  }
0xec: {  	[sflag:s30] =	ssyncset.done $0x0  }
0xed: {  	s5 =	sadd.s32 $0x2080, s14;
	[sflag:s30] =	ssyncadd.s32 $0xFFFFE000  }
0xee: {  	[spmem:s3] =	stream.indirect.scatter.add.f32 [tilespmem:s23], [sflag:$0x5], $0x80, s5, s20, $0xb8;
	[tilespmem:$0x1FC00] =	vst v63  }
0xef: {  	_ =	swait.ge [sflag:s18], $0x2000  }
0xf0: {  	[sflag:s18] =	ssyncset.done $0x0  }
0xf1: {  	s5 =	sadd.s32 $0x280, s14;
	[sflag:s18] =	ssyncadd.s32 $0xFFFFE000  }
0xf2: {  	[tilespmem:s23], [sflag:$0x2] =	stream.indirect.gather [hbm4b:s2+s20], $0x80, s5, s20, $0xb8;
	[tilespmem:$0x1FC00] =	vst v63  }
0xf3: {  	_ =	swait.ge [sflag:s31], $0x2000  }
0xf4: {  	[sflag:s31] =	ssyncset.done $0x0  }
0xf5: {  	s5 =	sadd.s32 $0x2100, s14;
	[sflag:s31] =	ssyncadd.s32 $0xFFFFE000  }
0xf6: {  	[spmem:s3] =	stream.indirect.scatter.add.f32 [tilespmem:s25], [sflag:$0x5], $0x80, s5, s20, $0xb8;
	[tilespmem:$0x1FC00] =	vst v63  }
0xf7: {  	_ =	swait.ge [sflag:s18], $0x2000  }
0xf8: {  	[sflag:s18] =	ssyncset.done $0x0  }
0xf9: {  	s5 =	sadd.s32 $0x300, s14;
	[sflag:s18] =	ssyncadd.s32 $0xFFFFE000  }
0xfa: {  	[tilespmem:s25], [sflag:$0x3] =	stream.indirect.gather [hbm4b:s2+s20], $0x80, s5, s20, $0xb8;
	[tilespmem:$0x1FC00] =	vst v63  }
0xfb: {  	_ =	swait.ge [sflag:s0], $0x2000  }
0xfc: {  	[sflag:s0] =	ssyncset.done $0x0  }
.Ltmp4:
0xfd: {  	s5 =	sadd.s32 $0x2180, s14;
	[sflag:s0] =	ssyncadd.s32 $0xFFFFE000;
	(pc) =	sbr.rel @p1 .LBB2_5-.Ltmp4, $4  }
0xfe: {  	[spmem:s3] =	stream.indirect.scatter.add.f32 [tilespmem:s28], [sflag:$0x5], $0x80, s5, s20, $0xb8;
	[tilespmem:$0x1FC00] =	vst v63  }
0xff: {  	_ =	swait.ge [sflag:s18], $0x2000  }
0x100: {  	[sflag:s18] =	ssyncset.done $0x0  }
0x101: {  	s14 =	sadd.s32 $0x380, s14;
	[sflag:s18] =	ssyncadd.s32 $0xFFFFE000  }
0x102: {  	[tilespmem:s28], [sflag:$0x4] =	stream.indirect.gather [hbm4b:s2+s20], $0x80, s14, s20, $0xb8;
	[tilespmem:$0x1FC00] =	vst v63  }
0x103: {  	_ =	swait.ge [sflag:s29], $0x2000  }
0x104: {  	[sflag:s29] =	ssyncset.done $0x0  }
0x105: {  	[sflag:s29] =	ssyncadd.s32 $0xFFFFE000  }
0x106: {  	[spmem:s3] =	stream.indirect.scatter.add.f32 [tilespmem:s21], [sflag:$0x5], $0x80, s1, s20, $0xb8;
	[tilespmem:$0x1FC00] =	vst v63  }
0x107: {  	_ =	swait.ge [sflag:s18], $0x2000  }
0x108: {  	[sflag:s18] =	ssyncset.done $0x0  }
0x109: {  	[sflag:s18] =	ssyncadd.s32 $0xFFFFE000  }
0x10a: {  	_ =	swait.ge [sflag:s30], $0x2000  }
0x10b: {  	[sflag:s30] =	ssyncset.done $0x0  }
0x10c: {  	[sflag:s30] =	ssyncadd.s32 $0xFFFFE000  }
0x10d: {  	[spmem:s3] =	stream.indirect.scatter.add.f32 [tilespmem:s23], [sflag:$0x5], $0x80, s9, s20, $0xb8;
	[tilespmem:$0x1FC00] =	vst v63  }
0x10e: {  	_ =	swait.ge [sflag:s18], $0x2000  }
0x10f: {  	[sflag:s18] =	ssyncset.done $0x0  }
0x110: {  	[sflag:s18] =	ssyncadd.s32 $0xFFFFE000  }
0x111: {  	_ =	swait.ge [sflag:s31], $0x2000  }
0x112: {  	[sflag:s31] =	ssyncset.done $0x0  }
0x113: {  	[sflag:s31] =	ssyncadd.s32 $0xFFFFE000  }
0x114: {  	[spmem:s3] =	stream.indirect.scatter.add.f32 [tilespmem:s25], [sflag:$0x5], $0x80, s10, s20, $0xb8;
	[tilespmem:$0x1FC00] =	vst v63  }
0x115: {  	_ =	swait.ge [sflag:s18], $0x2000  }
0x116: {  	[sflag:s18] =	ssyncset.done $0x0  }
0x117: {  	[sflag:s18] =	ssyncadd.s32 $0xFFFFE000  }
0x118: {  	_ =	swait.ge [sflag:s0], $0x2000  }
0x119: {  	[sflag:s0] =	ssyncset.done $0x0  }
0x11a: {  	[sflag:s0] =	ssyncadd.s32 $0xFFFFE000  }
0x11b: {  	[spmem:s3] =	stream.indirect.scatter.add.f32 [tilespmem:s28], [sflag:$0x5], $0x80, s11, s20, $0xb8;
	[tilespmem:$0x1FC00] =	vst v63  }
0x11c: {  	_ =	swait.ge [sflag:s18], $0x2000  }
0x11d: {  	[sflag:s18] =	ssyncset.done $0x0  }
0x11e: {  	s5 =	simm.s32 $0x0;
	s13 =	rddreg [dreg:$0x7];
	[sflag:s18] =	ssyncadd.s32 $0xFFFFE000  }
0x11f: {  	[tilespmem:s5], [sflag:$0x5] =	stream.linear.gather [hbm4b:s13+s5], $0x2000, $0x38;
	[tilespmem:$0x1FC00] =	vst v63  }
0x120: {  	_ =	swait.ge [sflag:s18], $0x2000  }
0x121: {  	[sflag:s18] =	ssyncset.done $0x0  }
0x122: {  	s14 =	rddreg [dreg:$0x8];
	[sflag:s18] =	ssyncadd.s32 $0xFFFFE000  }
0x123: {  	[tilespmem:s19], [sflag:$0x5] =	stream.linear.gather [hbm4b:s14+s5], $0x2000, $0x38;
	[tilespmem:$0x1FC00] =	vst v63  }
0x124: {  	_ =	swait.ge [sflag:s18], $0x2000  }
0x125: {  	[sflag:s18] =	ssyncset.done $0x0  }
0x126: {  	[sflag:s18] =	ssyncadd.s32 $0xFFFFE000  }
0x127: {  	[tilespmem:s21], [sflag:$0x1] =	stream.indirect.gather [hbm4b:s2+s20], $0x80, s5, s20, $0xb8;
	[tilespmem:$0x1FC00] =	vst v63  }
0x128: {  	_ = 	snop  }
0x129: {  	[tilespmem:s23], [sflag:$0x2] =	stream.indirect.gather [hbm4b:s2+s20], $0x80, s22, s20, $0xb8;
	[tilespmem:$0x1FC00] =	vst v63  }
0x12a: {  	_ = 	snop  }
0x12b: {  	[tilespmem:s25], [sflag:$0x3] =	stream.indirect.gather [hbm4b:s2+s20], $0x80, s24, s20, $0xb8;
	[tilespmem:$0x1FC00] =	vst v63  }
0x12c: {  	_ = 	snop  }
0x12d: {  	[tilespmem:s28], [sflag:$0x4] =	stream.indirect.gather [hbm4b:s2+s20], $0x80, s26, s20, $0xb8;
	[tilespmem:$0x1FC00] =	vst v63  }
0x12e: {  	_ =	swait.ge [sflag:s29], $0x2000  }
0x12f: {  	[sflag:s29] =	ssyncset.done $0x0  }
0x130: {  	s14 =	simm.s32 $0x2000;
	[sflag:s29] =	ssyncadd.s32 $0xFFFFE000  }
0x131: {  	[spmem:s3] =	stream.indirect.scatter.add.f32 [tilespmem:s21], [sflag:$0x5], $0x80, s14, s20, $0xb8;
	[tilespmem:$0x1FC00] =	vst v63  }
0x132: {  	_ =	swait.ge [sflag:s18], $0x2000  }
0x133: {  	[sflag:s18] =	ssyncset.done $0x0  }
0x134: {  	s13 =	simm.s32 $0x200;
	[sflag:s18] =	ssyncadd.s32 $0xFFFFE000  }
0x135: {  	[tilespmem:s21], [sflag:$0x1] =	stream.indirect.gather [hbm4b:s2+s20], $0x80, s13, s20, $0xb8;
	[tilespmem:$0x1FC00] =	vst v63  }
0x136: {  	_ =	swait.ge [sflag:s30], $0x2000  }
0x137: {  	[sflag:s30] =	ssyncset.done $0x0  }
0x138: {  	s14 =	simm.s32 $0x2080;
	[sflag:s30] =	ssyncadd.s32 $0xFFFFE000  }
0x139: {  	[spmem:s3] =	stream.indirect.scatter.add.f32 [tilespmem:s23], [sflag:$0x5], $0x80, s14, s20, $0xb8;
	[tilespmem:$0x1FC00] =	vst v63  }
0x13a: {  	_ =	swait.ge [sflag:s18], $0x2000  }
0x13b: {  	[sflag:s18] =	ssyncset.done $0x0  }
0x13c: {  	s13 =	simm.s32 $0x280;
	[sflag:s18] =	ssyncadd.s32 $0xFFFFE000  }
0x13d: {  	[tilespmem:s23], [sflag:$0x2] =	stream.indirect.gather [hbm4b:s2+s20], $0x80, s13, s20, $0xb8;
	[tilespmem:$0x1FC00] =	vst v63  }
0x13e: {  	_ =	swait.ge [sflag:s31], $0x2000  }
0x13f: {  	[sflag:s31] =	ssyncset.done $0x0  }
0x140: {  	s14 =	simm.s32 $0x2100;
	[sflag:s31] =	ssyncadd.s32 $0xFFFFE000  }
0x141: {  	[spmem:s3] =	stream.indirect.scatter.add.f32 [tilespmem:s25], [sflag:$0x5], $0x80, s14, s20, $0xb8;
	[tilespmem:$0x1FC00] =	vst v63  }
0x142: {  	_ =	swait.ge [sflag:s18], $0x2000  }
0x143: {  	[sflag:s18] =	ssyncset.done $0x0  }
0x144: {  	s13 =	simm.s32 $0x300;
	[sflag:s18] =	ssyncadd.s32 $0xFFFFE000  }
0x145: {  	[tilespmem:s25], [sflag:$0x3] =	stream.indirect.gather [hbm4b:s2+s20], $0x80, s13, s20, $0xb8;
	[tilespmem:$0x1FC00] =	vst v63  }
0x146: {  	_ =	swait.ge [sflag:s0], $0x2000  }
0x147: {  	[sflag:s0] =	ssyncset.done $0x0  }
0x148: {  	s14 =	simm.s32 $0x2180;
	[sflag:s0] =	ssyncadd.s32 $0xFFFFE000  }
0x149: {  	[spmem:s3] =	stream.indirect.scatter.add.f32 [tilespmem:s28], [sflag:$0x5], $0x80, s14, s20, $0xb8;
	[tilespmem:$0x1FC00] =	vst v63  }
0x14a: {  	_ =	swait.ge [sflag:s18], $0x2000  }
0x14b: {  	[sflag:s18] =	ssyncset.done $0x0  }
0x14c: {  	s13 =	simm.s32 $0x800;
	s14 =	simm.s32 $0x380;
	[sflag:s18] =	ssyncadd.s32 $0xFFFFE000  }
.LBB2_7:
0x14d: {  	[tilespmem:s28], [sflag:$0x4] =	stream.indirect.gather [hbm4b:s2+s20], $0x80, s14, s20, $0xb8;
	[tilespmem:$0x1FC00] =	vst v63  }
0x14e: {  	s5 =	smov.u32 s13  }
0x14f: {  	p1 =	sne.s32 s13, $0x7000;
	s13 =	sadd.s32 $0x800, s13;
	_ =	swait.ge [sflag:s29], $0x2000  }
0x150: {  	s14 =	sshra.s32 s5, $0x2;
	[sflag:s29] =	ssyncset.done $0x0  }
0x151: {  	s5 =	sadd.s32 $0x2000, s14;
	[sflag:s29] =	ssyncadd.s32 $0xFFFFE000  }
0x152: {  	[spmem:s3] =	stream.indirect.scatter.add.f32 [tilespmem:s21], [sflag:$0x5], $0x80, s5, s20, $0xb8;
	[tilespmem:$0x1FC00] =	vst v63  }
0x153: {  	_ =	swait.ge [sflag:s18], $0x2000  }
0x154: {  	[sflag:s18] =	ssyncset.done $0x0  }
0x155: {  	s5 =	sadd.s32 $0x200, s14;
	[sflag:s18] =	ssyncadd.s32 $0xFFFFE000  }
0x156: {  	[tilespmem:s21], [sflag:$0x1] =	stream.indirect.gather [hbm4b:s2+s20], $0x80, s5, s20, $0xb8;
	[tilespmem:$0x1FC00] =	vst v63  }
0x157: {  	_ =	swait.ge [sflag:s30], $0x2000  }
0x158: {  	[sflag:s30] =	ssyncset.done $0x0  }
0x159: {  	s5 =	sadd.s32 $0x2080, s14;
	[sflag:s30] =	ssyncadd.s32 $0xFFFFE000  }
0x15a: {  	[spmem:s3] =	stream.indirect.scatter.add.f32 [tilespmem:s23], [sflag:$0x5], $0x80, s5, s20, $0xb8;
	[tilespmem:$0x1FC00] =	vst v63  }
0x15b: {  	_ =	swait.ge [sflag:s18], $0x2000  }
0x15c: {  	[sflag:s18] =	ssyncset.done $0x0  }
0x15d: {  	s5 =	sadd.s32 $0x280, s14;
	[sflag:s18] =	ssyncadd.s32 $0xFFFFE000  }
0x15e: {  	[tilespmem:s23], [sflag:$0x2] =	stream.indirect.gather [hbm4b:s2+s20], $0x80, s5, s20, $0xb8;
	[tilespmem:$0x1FC00] =	vst v63  }
0x15f: {  	_ =	swait.ge [sflag:s31], $0x2000  }
0x160: {  	[sflag:s31] =	ssyncset.done $0x0  }
0x161: {  	s5 =	sadd.s32 $0x2100, s14;
	[sflag:s31] =	ssyncadd.s32 $0xFFFFE000  }
0x162: {  	[spmem:s3] =	stream.indirect.scatter.add.f32 [tilespmem:s25], [sflag:$0x5], $0x80, s5, s20, $0xb8;
	[tilespmem:$0x1FC00] =	vst v63  }
0x163: {  	_ =	swait.ge [sflag:s18], $0x2000  }
0x164: {  	[sflag:s18] =	ssyncset.done $0x0  }
0x165: {  	s5 =	sadd.s32 $0x300, s14;
	[sflag:s18] =	ssyncadd.s32 $0xFFFFE000  }
0x166: {  	[tilespmem:s25], [sflag:$0x3] =	stream.indirect.gather [hbm4b:s2+s20], $0x80, s5, s20, $0xb8;
	[tilespmem:$0x1FC00] =	vst v63  }
0x167: {  	_ =	swait.ge [sflag:s0], $0x2000  }
0x168: {  	[sflag:s0] =	ssyncset.done $0x0  }
.Ltmp5:
0x169: {  	s5 =	sadd.s32 $0x2180, s14;
	[sflag:s0] =	ssyncadd.s32 $0xFFFFE000;
	(pc) =	sbr.rel @p1 .LBB2_7-.Ltmp5, $4  }
0x16a: {  	[spmem:s3] =	stream.indirect.scatter.add.f32 [tilespmem:s28], [sflag:$0x5], $0x80, s5, s20, $0xb8;
	[tilespmem:$0x1FC00] =	vst v63  }
0x16b: {  	_ =	swait.ge [sflag:s18], $0x2000  }
0x16c: {  	[sflag:s18] =	ssyncset.done $0x0  }
0x16d: {  	s14 =	sadd.s32 $0x380, s14;
	[sflag:s18] =	ssyncadd.s32 $0xFFFFE000  }
0x16e: {  	[tilespmem:s28], [sflag:$0x4] =	stream.indirect.gather [hbm4b:s2+s20], $0x80, s14, s20, $0xb8;
	[tilespmem:$0x1FC00] =	vst v63  }
0x16f: {  	_ =	swait.ge [sflag:s29], $0x2000  }
0x170: {  	[sflag:s29] =	ssyncset.done $0x0  }
0x171: {  	[sflag:s29] =	ssyncadd.s32 $0xFFFFE000  }
0x172: {  	[spmem:s3] =	stream.indirect.scatter.add.f32 [tilespmem:s21], [sflag:$0x5], $0x80, s1, s20, $0xb8;
	[tilespmem:$0x1FC00] =	vst v63  }
0x173: {  	_ =	swait.ge [sflag:s18], $0x2000  }
0x174: {  	[sflag:s18] =	ssyncset.done $0x0  }
0x175: {  	[sflag:s18] =	ssyncadd.s32 $0xFFFFE000  }
0x176: {  	_ =	swait.ge [sflag:s30], $0x2000  }
0x177: {  	[sflag:s30] =	ssyncset.done $0x0  }
0x178: {  	[sflag:s30] =	ssyncadd.s32 $0xFFFFE000  }
0x179: {  	[spmem:s3] =	stream.indirect.scatter.add.f32 [tilespmem:s23], [sflag:$0x5], $0x80, s9, s20, $0xb8;
	[tilespmem:$0x1FC00] =	vst v63  }
0x17a: {  	_ =	swait.ge [sflag:s18], $0x2000  }
0x17b: {  	[sflag:s18] =	ssyncset.done $0x0  }
0x17c: {  	[sflag:s18] =	ssyncadd.s32 $0xFFFFE000  }
0x17d: {  	_ =	swait.ge [sflag:s31], $0x2000  }
0x17e: {  	[sflag:s31] =	ssyncset.done $0x0  }
0x17f: {  	[sflag:s31] =	ssyncadd.s32 $0xFFFFE000  }
0x180: {  	[spmem:s3] =	stream.indirect.scatter.add.f32 [tilespmem:s25], [sflag:$0x5], $0x80, s10, s20, $0xb8;
	[tilespmem:$0x1FC00] =	vst v63  }
0x181: {  	_ =	swait.ge [sflag:s18], $0x2000  }
0x182: {  	[sflag:s18] =	ssyncset.done $0x0  }
0x183: {  	[sflag:s18] =	ssyncadd.s32 $0xFFFFE000  }
0x184: {  	_ =	swait.ge [sflag:s0], $0x2000  }
0x185: {  	[sflag:s0] =	ssyncset.done $0x0  }
0x186: {  	[sflag:s0] =	ssyncadd.s32 $0xFFFFE000  }
0x187: {  	[spmem:s3] =	stream.indirect.scatter.add.f32 [tilespmem:s28], [sflag:$0x5], $0x80, s11, s20, $0xb8;
	[tilespmem:$0x1FC00] =	vst v63  }
0x188: {  	_ =	swait.ge [sflag:s18], $0x2000  }
0x189: {  	[sflag:s18] =	ssyncset.done $0x0  }
0x18a: {  	s5 =	simm.s32 $0x0;
	s13 =	rddreg [dreg:$0x9];
	[sflag:s18] =	ssyncadd.s32 $0xFFFFE000  }
0x18b: {  	[tilespmem:s5], [sflag:$0x5] =	stream.linear.gather [hbm4b:s13+s5], $0x2000, $0x38;
	[tilespmem:$0x1FC00] =	vst v63  }
0x18c: {  	_ =	swait.ge [sflag:s18], $0x2000  }
0x18d: {  	[sflag:s18] =	ssyncset.done $0x0  }
0x18e: {  	s14 =	rddreg [dreg:$0xa];
	[sflag:s18] =	ssyncadd.s32 $0xFFFFE000  }
0x18f: {  	[tilespmem:s19], [sflag:$0x5] =	stream.linear.gather [hbm4b:s14+s5], $0x2000, $0x38;
	[tilespmem:$0x1FC00] =	vst v63  }
0x190: {  	_ =	swait.ge [sflag:s18], $0x2000  }
0x191: {  	[sflag:s18] =	ssyncset.done $0x0  }
0x192: {  	[sflag:s18] =	ssyncadd.s32 $0xFFFFE000  }
0x193: {  	[tilespmem:s21], [sflag:$0x1] =	stream.indirect.gather [hbm4b:s2+s20], $0x80, s5, s20, $0xb8;
	[tilespmem:$0x1FC00] =	vst v63  }
0x194: {  	_ = 	snop  }
0x195: {  	[tilespmem:s23], [sflag:$0x2] =	stream.indirect.gather [hbm4b:s2+s20], $0x80, s22, s20, $0xb8;
	[tilespmem:$0x1FC00] =	vst v63  }
0x196: {  	_ = 	snop  }
0x197: {  	[tilespmem:s25], [sflag:$0x3] =	stream.indirect.gather [hbm4b:s2+s20], $0x80, s24, s20, $0xb8;
	[tilespmem:$0x1FC00] =	vst v63  }
0x198: {  	_ = 	snop  }
0x199: {  	[tilespmem:s28], [sflag:$0x4] =	stream.indirect.gather [hbm4b:s2+s20], $0x80, s26, s20, $0xb8;
	[tilespmem:$0x1FC00] =	vst v63  }
0x19a: {  	_ =	swait.ge [sflag:s29], $0x2000  }
0x19b: {  	[sflag:s29] =	ssyncset.done $0x0  }
0x19c: {  	s14 =	simm.s32 $0x2000;
	[sflag:s29] =	ssyncadd.s32 $0xFFFFE000  }
0x19d: {  	[spmem:s3] =	stream.indirect.scatter.add.f32 [tilespmem:s21], [sflag:$0x5], $0x80, s14, s20, $0xb8;
	[tilespmem:$0x1FC00] =	vst v63  }
0x19e: {  	_ =	swait.ge [sflag:s18], $0x2000  }
0x19f: {  	[sflag:s18] =	ssyncset.done $0x0  }
0x1a0: {  	s13 =	simm.s32 $0x200;
	[sflag:s18] =	ssyncadd.s32 $0xFFFFE000  }
0x1a1: {  	[tilespmem:s21], [sflag:$0x1] =	stream.indirect.gather [hbm4b:s2+s20], $0x80, s13, s20, $0xb8;
	[tilespmem:$0x1FC00] =	vst v63  }
0x1a2: {  	_ =	swait.ge [sflag:s30], $0x2000  }
0x1a3: {  	[sflag:s30] =	ssyncset.done $0x0  }
0x1a4: {  	s14 =	simm.s32 $0x2080;
	[sflag:s30] =	ssyncadd.s32 $0xFFFFE000  }
0x1a5: {  	[spmem:s3] =	stream.indirect.scatter.add.f32 [tilespmem:s23], [sflag:$0x5], $0x80, s14, s20, $0xb8;
	[tilespmem:$0x1FC00] =	vst v63  }
0x1a6: {  	_ =	swait.ge [sflag:s18], $0x2000  }
0x1a7: {  	[sflag:s18] =	ssyncset.done $0x0  }
0x1a8: {  	s13 =	simm.s32 $0x280;
	[sflag:s18] =	ssyncadd.s32 $0xFFFFE000  }
0x1a9: {  	[tilespmem:s23], [sflag:$0x2] =	stream.indirect.gather [hbm4b:s2+s20], $0x80, s13, s20, $0xb8;
	[tilespmem:$0x1FC00] =	vst v63  }
0x1aa: {  	_ =	swait.ge [sflag:s31], $0x2000  }
0x1ab: {  	[sflag:s31] =	ssyncset.done $0x0  }
0x1ac: {  	s14 =	simm.s32 $0x2100;
	[sflag:s31] =	ssyncadd.s32 $0xFFFFE000  }
0x1ad: {  	[spmem:s3] =	stream.indirect.scatter.add.f32 [tilespmem:s25], [sflag:$0x5], $0x80, s14, s20, $0xb8;
	[tilespmem:$0x1FC00] =	vst v63  }
0x1ae: {  	_ =	swait.ge [sflag:s18], $0x2000  }
0x1af: {  	[sflag:s18] =	ssyncset.done $0x0  }
0x1b0: {  	s13 =	simm.s32 $0x300;
	[sflag:s18] =	ssyncadd.s32 $0xFFFFE000  }
0x1b1: {  	[tilespmem:s25], [sflag:$0x3] =	stream.indirect.gather [hbm4b:s2+s20], $0x80, s13, s20, $0xb8;
	[tilespmem:$0x1FC00] =	vst v63  }
0x1b2: {  	_ =	swait.ge [sflag:s0], $0x2000  }
0x1b3: {  	[sflag:s0] =	ssyncset.done $0x0  }
0x1b4: {  	s14 =	simm.s32 $0x2180;
	[sflag:s0] =	ssyncadd.s32 $0xFFFFE000  }
0x1b5: {  	[spmem:s3] =	stream.indirect.scatter.add.f32 [tilespmem:s28], [sflag:$0x5], $0x80, s14, s20, $0xb8;
	[tilespmem:$0x1FC00] =	vst v63  }
0x1b6: {  	_ =	swait.ge [sflag:s18], $0x2000  }
0x1b7: {  	[sflag:s18] =	ssyncset.done $0x0  }
0x1b8: {  	s13 =	simm.s32 $0x800;
	s14 =	simm.s32 $0x380;
	[sflag:s18] =	ssyncadd.s32 $0xFFFFE000  }
.LBB2_9:
0x1b9: {  	[tilespmem:s28], [sflag:$0x4] =	stream.indirect.gather [hbm4b:s2+s20], $0x80, s14, s20, $0xb8;
	[tilespmem:$0x1FC00] =	vst v63  }
0x1ba: {  	s5 =	smov.u32 s13  }
0x1bb: {  	p1 =	sne.s32 s13, $0x7000;
	s13 =	sadd.s32 $0x800, s13;
	_ =	swait.ge [sflag:s29], $0x2000  }
0x1bc: {  	s14 =	sshra.s32 s5, $0x2;
	[sflag:s29] =	ssyncset.done $0x0  }
0x1bd: {  	s5 =	sadd.s32 $0x2000, s14;
	[sflag:s29] =	ssyncadd.s32 $0xFFFFE000  }
0x1be: {  	[spmem:s3] =	stream.indirect.scatter.add.f32 [tilespmem:s21], [sflag:$0x5], $0x80, s5, s20, $0xb8;
	[tilespmem:$0x1FC00] =	vst v63  }
0x1bf: {  	_ =	swait.ge [sflag:s18], $0x2000  }
0x1c0: {  	[sflag:s18] =	ssyncset.done $0x0  }
0x1c1: {  	s5 =	sadd.s32 $0x200, s14;
	[sflag:s18] =	ssyncadd.s32 $0xFFFFE000  }
0x1c2: {  	[tilespmem:s21], [sflag:$0x1] =	stream.indirect.gather [hbm4b:s2+s20], $0x80, s5, s20, $0xb8;
	[tilespmem:$0x1FC00] =	vst v63  }
0x1c3: {  	_ =	swait.ge [sflag:s30], $0x2000  }
0x1c4: {  	[sflag:s30] =	ssyncset.done $0x0  }
0x1c5: {  	s5 =	sadd.s32 $0x2080, s14;
	[sflag:s30] =	ssyncadd.s32 $0xFFFFE000  }
0x1c6: {  	[spmem:s3] =	stream.indirect.scatter.add.f32 [tilespmem:s23], [sflag:$0x5], $0x80, s5, s20, $0xb8;
	[tilespmem:$0x1FC00] =	vst v63  }
0x1c7: {  	_ =	swait.ge [sflag:s18], $0x2000  }
0x1c8: {  	[sflag:s18] =	ssyncset.done $0x0  }
0x1c9: {  	s5 =	sadd.s32 $0x280, s14;
	[sflag:s18] =	ssyncadd.s32 $0xFFFFE000  }
0x1ca: {  	[tilespmem:s23], [sflag:$0x2] =	stream.indirect.gather [hbm4b:s2+s20], $0x80, s5, s20, $0xb8;
	[tilespmem:$0x1FC00] =	vst v63  }
0x1cb: {  	_ =	swait.ge [sflag:s31], $0x2000  }
0x1cc: {  	[sflag:s31] =	ssyncset.done $0x0  }
0x1cd: {  	s5 =	sadd.s32 $0x2100, s14;
	[sflag:s31] =	ssyncadd.s32 $0xFFFFE000  }
0x1ce: {  	[spmem:s3] =	stream.indirect.scatter.add.f32 [tilespmem:s25], [sflag:$0x5], $0x80, s5, s20, $0xb8;
	[tilespmem:$0x1FC00] =	vst v63  }
0x1cf: {  	_ =	swait.ge [sflag:s18], $0x2000  }
0x1d0: {  	[sflag:s18] =	ssyncset.done $0x0  }
0x1d1: {  	s5 =	sadd.s32 $0x300, s14;
	[sflag:s18] =	ssyncadd.s32 $0xFFFFE000  }
0x1d2: {  	[tilespmem:s25], [sflag:$0x3] =	stream.indirect.gather [hbm4b:s2+s20], $0x80, s5, s20, $0xb8;
	[tilespmem:$0x1FC00] =	vst v63  }
0x1d3: {  	_ =	swait.ge [sflag:s0], $0x2000  }
0x1d4: {  	[sflag:s0] =	ssyncset.done $0x0  }
.Ltmp6:
0x1d5: {  	s5 =	sadd.s32 $0x2180, s14;
	[sflag:s0] =	ssyncadd.s32 $0xFFFFE000;
	(pc) =	sbr.rel @p1 .LBB2_9-.Ltmp6, $4  }
0x1d6: {  	[spmem:s3] =	stream.indirect.scatter.add.f32 [tilespmem:s28], [sflag:$0x5], $0x80, s5, s20, $0xb8;
	[tilespmem:$0x1FC00] =	vst v63  }
0x1d7: {  	_ =	swait.ge [sflag:s18], $0x2000  }
0x1d8: {  	[sflag:s18] =	ssyncset.done $0x0  }
0x1d9: {  	s14 =	sadd.s32 $0x380, s14;
	[sflag:s18] =	ssyncadd.s32 $0xFFFFE000  }
.Ltmp7:
0x1da: {  	_ = 	snop;
	(pc) =	sbr.rel .LBB2_10-.Ltmp7, $1  }
0x1db: {  	_ =	sdelay $0x3  }
.LBB2_12:
0x1dc: {  	_ =	sfence.sel $0x180000  }
0x1dd: {  	[bflag:$0x0] =	sbarrier.arrive $0xFFFF  }
0x1de: {  	_ =	strace $0x9000004A  }
0x1df: {  	s0 =	stileid.u32;
	[bflag:$0x2] =	sbarrier.arrive $0xFFFF  }
0x1e0: {  	p0 =	sne.s32 s0, $0x0;
	s0 =	rddreg [dreg:$0x3]  }
0x1e1: {  	s0 =	sadd.s32 @!p0 $0x100000, s0  }
0x1e2: {  	[sflag:s0] =	ssyncadd.tile.s32 @!p0 $0x1;
	_ =	shalt  }
.Lfunc_end2:
_tile_overlayer_lowered:
.L_overlay_start_2:
0x1e3: {  	(tag) =	ssettag $0x2  }
0x1e4: {  	s0 =	rddreg [dreg:$0x0];
	s2 =	stileid.u32  }
0x1e5: {  	s1 =	rddreg [dreg:$0x1];
	p0 =	sne.s32 s2, $0x0  }
0x1e6: {  	s3 =	rddreg [dreg:$0x2];
	[bflag:$0x3] =	sbarrier.arrive $0xFFFF;
	s2 =	simm.s32 @!p0 $0x1C05  }
0x1e7: {  	[timem:s3], [sflag:s2] =	dma.local @!p0 [hbm:s0], s1  }
0x1e8: {  	s0 =	simm.s32 @!p0 $0x5  }
0x1e9: {  	_ =	swait.ge @!p0 [sflag:s0], s1  }
0x1ea: {  	s1 =	ssub.s32 @!p0 $0x0, s1;
	[sflag:s0] =	ssyncset.done @!p0 $0x0  }
0x1eb: {  	[sflag:s0] =	ssyncadd.s32 @!p0 s1  }
0x1ec: {  	[bflag:$0x3] =	sbarrier.arrive $0xFFFF  }
0x1ed: {  	_ =	shalt  }

// kernel: kernel.15.cloned.1.call-start
scs
__scs_entry_jumppad:
0x0: {  	(pc) =	sbr.rel $0x88, $3  }
0x1: {  	(tag) =	ssettag $0x0;
	lr =	simm.s32 $0x1  }
0x2: {  	[smem:$0x3F99] =	sst lr;
	_ =	strace $0xD0000000  }
0x3: {  	_ = 	snop  }
0x4: {  	_ = 	snop  }
0x5: {  	_ = 	snop  }
0x6: {  	_ = 	snop  }
0x7: {  	_ = 	snop  }
__scs_overlays_trampoline_lowered:
0x8: {  	[smem:$0x3FA8] =	sst s0  }
0x9: {  	[smem:$0x3FA9] =	sst s1  }
0xa: {  	[smem:$0x3FAA] =	sst s2  }
0xb: {  	[smem:$0x3FAB] =	sst s3  }
0xc: {  	[smem:$0x3FAC] =	sst s4  }
0xd: {  	[smem:$0x3FAD] =	sst s5  }
0xe: {  	[smem:$0x3FAE] =	sst s6  }
0xf: {  	[smem:$0x3FAF] =	sst s7  }
0x10: {  	[smem:$0x3FB0] =	sst s8  }
0x11: {  	[smem:$0x3FB1] =	sst s9;
	s0 =	simm.s32 @!p0 $0x0  }
0x12: {  	s1 =	sld [smem:$0x3F97];
	s0 =	simm.s32 @p0 $0x1  }
0x13: {  	[smem:$0x3FB2] =	sst s0;
	s0 =	simm.s32 @!p1 $0x0  }
0x14: {  	s2 =	sld [smem:$0x3F96];
	s0 =	simm.s32 @p1 $0x1  }
0x15: {  	[smem:$0x3FB3] =	sst s0;
	s0 =	simm.s32 @!p2 $0x0  }
0x16: {  	s3 =	sld [smem:$0x3FDB];
	s0 =	simm.s32 @p2 $0x1  }
0x17: {  	s4 =	simm.s32 $0x1BF5;
	[smem:$0x3FB5] =	sst s0  }
0x18: {  	s0 =	sld [smem:$0x3F98];
	_ =	swait.ge [sflag:s4], $0x0  }
0x19: {  	s7 =	sld [smem:$0x3F99]  }
0x1a: {  	s8 =	sadd.s32 $0xFFFFE003, lr  }
0x1b: {  	s9 =	sadd.s32 $0xFFFFFEF7, lr;
	s5 =	simm.s32 $0xFFFFFFFF;
	p2 =	slt.u32 s8, $0xFFFFF086  }
0x1c: {  	p1 =	slt.u32 s9, $0xF7A;
	s5 =	simm.s32 @!p2 $0x0  }
0x1d: {  	s5 =	simm.s32 @p1 $0x1;
	p0 =	seq.s32 s7, s2  }
0x1e: {  	s7 =	smul.u32 @!p0 $0xF7A, s2;
	p2 =	seq.s32 @!p0 s5, $0x0  }
0x1f: {  	s9 =	smul.u32 $0xF7A, s1;
	s8 =	simm.s32 @!p0 $0x1BF5;
	p2 =	por !p2, p0  }
0x20: {  	[sflag:s8] =	ssyncset.s32 @!p0 $0xFFFFF086;
	s6 =	sadd.s32 @!p0 s3, s7;
	s7 =	simm.s32 @!p0 $0x108  }
0x21: {  	s3 =	sadd.s32 s3, s9;
	s6 =	sadd.s32 @!p0 $0x88, s6;
	s7 =	simm.s32 @p2 $0x1082  }
0x22: {  	[simem:s7], [sflag:s8] =	dma.local @!p0 [hbm:s6], $0xF7A  }
0x23: {  	s9 =	sor.u32 $0xD0000000, s2;
	s6 =	simm.s32 $0x108;
	_ =	swait.ge @!p0 [sflag:s8], $0x0  }
0x24: {  	s3 =	sadd.s32 $0x88, s3;
	s6 =	simm.s32 @!p1 $0x1082;
	[sflag:s4] =	ssyncset.s32 $0xFFFFF086  }
0x25: {  	[simem:s6], [sflag:s4] =	dma.local [hbm:s3], $0xF7A  }
0x26: {  	[smem:$0x3F99] =	sst s1;
	(tag) =	ssettag s2;
	_ =	strace s9  }
0x27: {  	s1 =	sld [smem:$0x3FA9]  }
0x28: {  	s2 =	sld [smem:$0x3FAA]  }
0x29: {  	s4 =	sld [smem:$0x3FAC]  }
0x2a: {  	p0 =	seq.s32 s5, $0x0;
	s5 =	sld [smem:$0x3FAD]  }
0x2b: {  	s6 =	sld [smem:$0x3FAE]  }
0x2c: {  	s7 =	sld [smem:$0x3FAF]  }
0x2d: {  	s3 =	simm.s32 $0x108;
	s8 =	sld [smem:$0x3FB0]  }
0x2e: {  	s3 =	simm.s32 @!p0 $0x1082;
	s9 =	sld [smem:$0x3FB1]  }
0x2f: {  	lr =	sadd.s32 s0, s3;
	s0 =	sld [smem:$0x3FA8]  }
0x30: {  	s3 =	sld [smem:$0x3FAB]  }
0x31: {  	[smem:$0x3FB4] =	sst s10  }
0x32: {  	s10 =	sld [smem:$0x3FB2];
	_ =	sdelay $0x3  }
0x33: {  	p0 =	seq.s32 s10, $0x1;
	s10 =	sld [smem:$0x3FB4];
	_ =	sdelay $0x3  }
0x34: {  	[smem:$0x3FB4] =	sst s10  }
0x35: {  	s10 =	sld [smem:$0x3FB3];
	_ =	sdelay $0x3  }
0x36: {  	p1 =	seq.s32 s10, $0x1;
	s10 =	sld [smem:$0x3FB4];
	_ =	sdelay $0x3  }
0x37: {  	[smem:$0x3FB4] =	sst s10  }
0x38: {  	s10 =	sld [smem:$0x3FB5]  }
0x39: {  	_ = 	snop;
	(pc) =	sbr.ind lr, $3  }
0x3a: {  	_ = 	snop  }
0x3b: {  	_ = 	snop  }
0x3c: {  	p2 =	seq.s32 s10, $0x1;
	s10 =	sld [smem:$0x3FB4]  }
0x3d: {  	_ =	shalt  }
0x3e: {  	_ =	shalt  }
0x3f: {  	_ =	shalt  }
0x40: {  	_ =	shalt  }
0x41: {  	_ =	shalt  }
0x42: {  	_ =	shalt  }
0x43: {  	_ =	shalt  }
0x44: {  	_ =	shalt  }
0x45: {  	_ =	shalt  }
0x46: {  	_ =	shalt  }
0x47: {  	_ =	shalt  }
0x48: {  	_ =	shalt  }
0x49: {  	_ =	shalt  }
0x4a: {  	_ =	shalt  }
0x4b: {  	_ =	shalt  }
0x4c: {  	_ =	shalt  }
0x4d: {  	_ =	shalt  }
0x4e: {  	_ =	shalt  }
0x4f: {  	_ =	shalt  }
0x50: {  	_ =	shalt  }
0x51: {  	_ =	shalt  }
0x52: {  	_ =	shalt  }
0x53: {  	_ =	shalt  }
0x54: {  	_ =	shalt  }
0x55: {  	_ =	shalt  }
0x56: {  	_ =	shalt  }
0x57: {  	_ =	shalt  }
0x58: {  	_ =	shalt  }
0x59: {  	_ =	shalt  }
0x5a: {  	_ =	shalt  }
0x5b: {  	_ =	shalt  }
0x5c: {  	_ =	shalt  }
0x5d: {  	_ =	shalt  }
0x5e: {  	_ =	shalt  }
0x5f: {  	_ =	shalt  }
0x60: {  	_ =	shalt  }
0x61: {  	_ =	shalt  }
0x62: {  	_ =	shalt  }
0x63: {  	_ =	shalt  }
0x64: {  	_ =	shalt  }
0x65: {  	_ =	shalt  }
0x66: {  	_ =	shalt  }
0x67: {  	_ =	shalt  }
0x68: {  	_ =	shalt  }
0x69: {  	_ =	shalt  }
0x6a: {  	_ =	shalt  }
0x6b: {  	_ =	shalt  }
0x6c: {  	_ =	shalt  }
0x6d: {  	_ =	shalt  }
0x6e: {  	_ =	shalt  }
0x6f: {  	_ =	shalt  }
0x70: {  	_ =	shalt  }
0x71: {  	_ =	shalt  }
0x72: {  	_ =	shalt  }
0x73: {  	_ =	shalt  }
0x74: {  	_ =	shalt  }
0x75: {  	_ =	shalt  }
0x76: {  	_ =	shalt  }
0x77: {  	_ =	shalt  }
0x78: {  	_ =	shalt  }
0x79: {  	_ =	shalt  }
0x7a: {  	_ =	shalt  }
0x7b: {  	_ =	shalt  }
0x7c: {  	_ =	shalt  }
0x7d: {  	_ =	shalt  }
0x7e: {  	_ =	shalt  }
0x7f: {  	_ =	shalt  }
0x80: {  	_ =	shalt  }
0x81: {  	_ =	shalt  }
0x82: {  	_ =	shalt  }
0x83: {  	_ =	shalt  }
0x84: {  	_ =	shalt  }
0x85: {  	_ =	shalt  }
0x86: {  	_ =	shalt  }
0x87: {  	_ =	shalt  }
.Lfunc_end0:
.L_simem_size_0:
called_computation.2_lowered:
.L_overlay_start_0:
0x88: {  	s2 =	sld [smem:$0x3FD9]  }
0x89: {  	s3 =	sld [smem:$0x3FFE];
	_ =	sdelay $0x1  }
0x8a: {  	s1 =	srdreg.scid  }
0x8b: {  	s0 =	sand.u32 $0x1, s1  }
0x8c: {  	s17 =	sshll.u32 s0, $0xA;
	s2 =	sadd.s32 s3, s2  }
0x8d: {  	s2 =	sadd.s32 s2, s17  }
0x8e: {  	[smem:$0x3FC0] =	sst s2  }
0x8f: {  	_ = 	snop  }
0x90: {  	s2 =	sld [smem:$0x3FD0];
	(tm) =	ssettm $0x1  }
0x91: {  	s18 =	sld [smem:$0x3FFB];
	_ =	sdelay $0x3  }
0x92: {  	_ =	strace s18  }
0x93: {  	s3 =	sld [smem:$0x3FFC];
	_ =	sdelay $0x3  }
0x94: {  	_ =	strace s3  }
0x95: {  	s3 =	sld [smem:$0x3FFD];
	_ =	sdelay $0x3  }
0x96: {  	_ =	strace s3  }
0x97: {  	_ =	strace $0x8FFFFFFF  }
0x98: {  	s19 =	sld [smem:$0x3FDB];
	_ =	sdelay $0x1  }
0x99: {  	s4 =	simm.s32 $_scs_section_size  }
0x9a: {  	s5 =	simm.s32 $_size__tile_overlayer_lowered;
	s6 =	simm.s32 $_tile_overlayer_lowered  }
0x9b: {  	s22 =	simm.s32 $0x1BFF;
	s21 =	sshll.u32 s6, $0x1;
	s3 =	sadd.s32 s4, s19  }
0x9c: {  	s7 =	simm.s32 $0x0;
	s20 =	sshll.u32 s5, $0x1;
	s5 =	sadd.s32 s21, s3  }
0x9d: {  	[timem:s7], [sflag:s22] =	dma.local [hbm:s5], s20  }
0x9e: {  	_ =	swait.ge [sflag:s22], s20  }
0x9f: {  	s4 =	ssub.s32 $0x0, s20;
	[sflag:s22] =	ssyncset.done $0x0  }
0xa0: {  	[sflag:s22] =	ssyncadd.s32 s4;
	_ =	sdelay $0x1  }
0xa1: {  	s23 =	simm.s32 $0x1B8B  }
0xa2: {  	_ =	swait.ge [sflag:s23], $0x1  }
0xa3: {  	[sflag:s23] =	ssyncset.done $0x0  }
0xa4: {  	s25 =	simm.s32 $0x1B8E;
	s24 =	sld [smem:$0x3FFE];
	[sflag:s23] =	ssyncadd.s32 $0xFFFFFFFF  }
0xa5: {  	s26 =	simm.s32 $execute0_lowered;
	[smem:$0x3FD2] =	sst s25  }
0xa6: {  	s5 =	sshll.u32 s26, $0x1;
	_ =	strace $0x8000004C;
	[dreg:$0x1] =	wrdreg $0xFFFFFFFF  }
0xa7: {  	s28 =	simm.s32 $_size_execute0_lowered;
	s3 =	sadd.s32 s3, s5;
	[dreg:$0x0] =	wrdreg $0x0  }
0xa8: {  	s5 =	sshll.u32 s28, $0x1;
	[dreg:$0x2] =	wrdreg s3  }
0xa9: {  	[dreg:$0x3] =	wrdreg s5  }
0xaa: {  	[dreg:$0x4] =	wrdreg $0xC0  }
0xab: {  	_ =	task [dreg:s7], $0x5FFFF  }
0xac: {  	[dreg:$0x1] =	wrdreg $0xFFFFFFFF  }
0xad: {  	[dreg:$0x0] =	wrdreg $0x60  }
0xae: {  	[dreg:$0x2] =	wrdreg s2  }
0xaf: {  	[dreg:$0x3] =	wrdreg s24  }
0xb0: {  	[dreg:$0x4] =	wrdreg $0xC0000  }
0xb1: {  	[dreg:$0x5] =	wrdreg $0x9  }
0xb2: {  	_ =	task.clear_ibuf [dreg:s7], $0x6FFFF;
	_ =	strace $0x9000004C  }
0xb3: {  	s29 =	simm.s32 $0x9;
	_ =	strace $0x8000004E  }
0xb4: {  	_ =	swait.ge [sflag:s29], $0x1  }
0xb5: {  	[sflag:s29] =	ssyncadd.s32 $0xFFFFFFFF  }
0xb6: {  	_ =	strace $0x9000004E  }
0xb7: {  	_ =	sfence  }
0xb8: {  	s30 =	sld [smem:$0x0];
	_ =	sdelay $0x2  }
0xb9: {  	s31 =	sshll.u32 s1, $0xD;
	s1 =	sshrl.u32 s1, $0x2  }
0xba: {  	s3 =	sand.u32 $0x4000, s31;
	s1 =	sadd.s32 s1, s30  }
0xbb: {  	s0 =	sor.u32 s3, s0;
	s1 =	sshll.u32 s1, $0x11  }
0xbc: {  	s0 =	sor.u32 s1, s0  }
0xbd: {  	s0 =	sadd.s32 $0x8F2B, s0  }
0xbe: {  	[sflag:s0] =	ssyncadd.remote.s32 $0x1  }
0xbf: {  	_ =	sfence.sel $0xFFFF  }
0xc0: {  	[dreg:$0x0] =	wrdreg $0xFFFFFFFF;
	(pc) =	sbr.abs _section_cstart, $3  }
0xc1: {  	[dreg:$0x1] =	wrdreg $0xFFFFFFFF  }
0xc2: {  	_ =	task.clear_ibuf [dreg:s7], $0x2FFFF;
	_ =	strace $0x9FFFFFFF  }
0xc3: {  	(tm) =	ssettm $0x7FFFFFFF  }
tec
execute0_lowered:
.L_overlay_start_1:
0x0: {  	(tag) =	ssettag $0x1  }
0x1: {  	s2 =	rddreg [dreg:$0x0]  }
0x2: {  	s0 =	rddreg [dreg:$0x1]  }
0x3: {  	s3 =	rddreg [dreg:$0x2]  }
0x4: {  	s15 =	stileid.u32;
	s1 =	srdreg.scid  }
0x5: {  	s4 =	simm.s32 $0x0;
	s28 =	simm.s32 $0xA000;
	s29 =	simm.s32 $0x1  }
0x6: {  	s30 =	simm.s32 $0x2;
	s31 =	simm.s32 $0x3;
	s5 =	smul.u32 $0x13C00, s15  }
0x7: {  	s1 =	sand.u32 $0x1, s1;
	[smem:$0x7FF] =	sst s4;
	s9 =	sadd.s32 $0x8D800, s0  }
0x8: {  	s10 =	sadd.s32 $0x79800, s0;
	s8 =	smul.u32 $0x4F000, s15;
	s14 =	sshll.u32 s15, $0xA  }
0x9: {  	s17 =	sshll.u32 s15, $0x6;
	s6 =	smul.u32 $0x13C000, s1;
	_ =	strace $0x8000004D  }
0xa: {  	s12 =	ssub.s32 $0x2, s1;
	p0 =	seq.s32 s1, $0x0;
	s7 =	sshrl.u32 s5, $0x3  }
0xb: {  	s13 =	sshrl.u32 s12, $0x1;
	s16 =	sshrl.u32 s8, $0x2;
	s5 =	sadd.s32 s5, s6  }
0xc: {  	s26 =	sadd.s32 s7, s0;
	s11 =	ssub.s32 s12, s13;
	s12 =	sshll.u32 s15, $0xC  }
0xd: {  	s13 =	sor.u32 $0x10000, s14;
	s14 =	sadd.s32 s16, s3;
	s6 =	sor.u32 $0x1C05, s17  }
0xe: {  	s5 =	sshrl.u32 s5, $0x3;
	s13 =	smov.u32 @p0 s12;
	s18 =	sadd.s32 $0x3000, s26  }
0xf: {  	s19 =	sor.u32 $0x400, s12;
	s22 =	sor.u32 $0x800, s12;
	s12 =	sor.u32 $0xC00, s12  }
0x10: {  	s16 =	smax.u32 s11, $0x1;
	s17 =	sshrl.u32 s14, $0x3;
	p0 =	sne.s32 s1, $0x0  }
0x11: {  	s1 =	simm.s32 $0x3E00;
	s11 =	simm.s32 $0x3F80;
	s0 =	sadd.s32 s5, s0  }
0x12: {  	[dreg:$0x4] =	wrdreg s18;
	s7 =	sadd.s32 s9, s13;
	s8 =	sadd.s32 s10, s13  }
0x13: {  	s20 =	sadd.s32 s9, s19;
	s21 =	sadd.s32 s10, s19;
	s23 =	sadd.s32 s9, s22  }
0x14: {  	s24 =	sadd.s32 s10, s22;
	s25 =	sadd.s32 s9, s12;
	[dreg:$0x5] =	wrdreg s20  }
0x15: {  	s26 =	sadd.s32 s10, s12;
	s18 =	simm.s32 $0x5;
	[dreg:$0x6] =	wrdreg s21  }
0x16: {  	s19 =	simm.s32 $0x2000;
	s22 =	simm.s32 $0x80;
	[dreg:$0x7] =	wrdreg s23  }
.Ltmp0:
0x17: {  	s9 =	simm.s32 $0x3E80;
	[dreg:$0x8] =	wrdreg s24;
	(pc) =	sbr.rel .LBB2_1-.Ltmp0, $4  }
0x18: {  	s10 =	simm.s32 $0x3F00;
	s12 =	simm.s32 $0x0;
	[dreg:$0x9] =	wrdreg s25  }
0x19: {  	[dreg:$0xa] =	wrdreg s26;
	s15 =	sadd.s32 $0xA1800, s0;
	s20 =	simm.s32 $0x40  }
0x1a: {  	s21 =	simm.s32 $0x4000;
	s23 =	simm.s32 $0x6000;
	s24 =	simm.s32 $0x100  }
0x1b: {  	s25 =	simm.s32 $0x8000;
	s26 =	simm.s32 $0x180;
	s0 =	simm.s32 $0x4  }
.LBB2_10:
0x1c: {  	[tilespmem:s28], [sflag:$0x4] =	stream.indirect.gather [hbm4b:s2+s20], $0x80, s14, s20, $0xb8;
	[tilespmem:$0x1FC00] =	vst v63  }
0x1d: {  	_ =	swait.ge [sflag:s29], $0x2000  }
0x1e: {  	[sflag:s29] =	ssyncset.done $0x0  }
0x1f: {  	[sflag:s29] =	ssyncadd.s32 $0xFFFFE000  }
0x20: {  	[spmem:s3] =	stream.indirect.scatter.add.f32 [tilespmem:s21], [sflag:$0x5], $0x80, s1, s20, $0xb8;
	[tilespmem:$0x1FC00] =	vst v63  }
0x21: {  	_ =	swait.ge [sflag:s18], $0x2000  }
0x22: {  	[sflag:s18] =	ssyncset.done $0x0  }
0x23: {  	[sflag:s18] =	ssyncadd.s32 $0xFFFFE000  }
0x24: {  	_ =	swait.ge [sflag:s30], $0x2000  }
0x25: {  	[sflag:s30] =	ssyncset.done $0x0  }
0x26: {  	[sflag:s30] =	ssyncadd.s32 $0xFFFFE000  }
0x27: {  	[spmem:s3] =	stream.indirect.scatter.add.f32 [tilespmem:s23], [sflag:$0x5], $0x80, s9, s20, $0xb8;
	[tilespmem:$0x1FC00] =	vst v63  }
0x28: {  	_ =	swait.ge [sflag:s18], $0x2000  }
0x29: {  	[sflag:s18] =	ssyncset.done $0x0  }
0x2a: {  	[sflag:s18] =	ssyncadd.s32 $0xFFFFE000  }
0x2b: {  	_ =	swait.ge [sflag:s31], $0x2000  }
0x2c: {  	[sflag:s31] =	ssyncset.done $0x0  }
0x2d: {  	[sflag:s31] =	ssyncadd.s32 $0xFFFFE000  }
0x2e: {  	[spmem:s3] =	stream.indirect.scatter.add.f32 [tilespmem:s25], [sflag:$0x5], $0x80, s10, s20, $0xb8;
	[tilespmem:$0x1FC00] =	vst v63  }
0x2f: {  	_ =	swait.ge [sflag:s18], $0x2000  }
0x30: {  	[sflag:s18] =	ssyncset.done $0x0  }
0x31: {  	[sflag:s18] =	ssyncadd.s32 $0xFFFFE000  }
0x32: {  	_ =	swait.ge [sflag:s0], $0x2000  }
0x33: {  	[sflag:s0] =	ssyncset.done $0x0  }
0x34: {  	[sflag:s0] =	ssyncadd.s32 $0xFFFFE000  }
0x35: {  	[spmem:s3] =	stream.indirect.scatter.add.f32 [tilespmem:s28], [sflag:$0x5], $0x80, s11, s20, $0xb8;
	[tilespmem:$0x1FC00] =	vst v63  }
0x36: {  	_ =	swait.ge [sflag:s18], $0x2000  }
0x37: {  	[sflag:s18] =	ssyncset.done $0x0  }
0x38: {  	[sflag:s18] =	ssyncadd.s32 $0xFFFFE000  }
.LBB2_11:
0x39: {  	s12 =	sadd.s32 $0x1, s12  }
0x3a: {  	p1 =	sne.s32 s12, s16  }
.Ltmp1:
0x3b: {  	[bflag:$0x0] =	sbarrier.arrive $0xFFFF;
	(pc) =	sbr.rel @!p1 .LBB2_12-.Ltmp1, $4  }
0x3c: {  	[hbm:s15], [sflag:s6] =	dma.local [spmem:s17], $0x2780  }
0x3d: {  	_ =	swait.ge [sflag:s18], $0x2780  }
0x3e: {  	[sflag:s18] =	ssyncset.done $0x0  }
0x3f: {  	[sflag:s18] =	ssyncadd.s32 $0xFFFFD880  }
.LBB2_1:
0x40: {  	s5 =	rddreg [dreg:$0x4]  }
0x41: {  	[spmem:s17], [sflag:s6] =	dma.local [hbm:s5], $0x2780  }
0x42: {  	_ =	swait.ge [sflag:s18], $0x2780  }
0x43: {  	[sflag:s18] =	ssyncset.done $0x0  }
0x44: {  	[sflag:s18] =	ssyncadd.s32 $0xFFFFD880  }
0x45: {  	[bflag:$0x0] =	sbarrier.arrive $0xFFFF  }
0x46: {  	[tilespmem:s4], [sflag:$0x5] =	stream.linear.gather [hbm4b:s7+s4], $0x2000, $0x38;
	[tilespmem:$0x1FC00] =	vst v63  }
0x47: {  	_ =	swait.ge [sflag:s18], $0x2000  }
0x48: {  	[sflag:s18] =	ssyncset.done $0x0  }
0x49: {  	[sflag:s18] =	ssyncadd.s32 $0xFFFFE000  }
0x4a: {  	[tilespmem:s19], [sflag:$0x5] =	stream.linear.gather [hbm4b:s8+s4], $0x2000, $0x38;
	[tilespmem:$0x1FC00] =	vst v63  }
0x4b: {  	_ =	swait.ge [sflag:s18], $0x2000  }
0x4c: {  	[sflag:s18] =	ssyncset.done $0x0  }
0x4d: {  	[sflag:s18] =	ssyncadd.s32 $0xFFFFE000  }
0x4e: {  	[tilespmem:s21], [sflag:$0x1] =	stream.indirect.gather [hbm4b:s2+s20], $0x80, s4, s20, $0xb8;
	[tilespmem:$0x1FC00] =	vst v63  }
0x4f: {  	_ = 	snop  }
0x50: {  	[tilespmem:s23], [sflag:$0x2] =	stream.indirect.gather [hbm4b:s2+s20], $0x80, s22, s20, $0xb8;
	[tilespmem:$0x1FC00] =	vst v63  }
0x51: {  	_ = 	snop  }
0x52: {  	[tilespmem:s25], [sflag:$0x3] =	stream.indirect.gather [hbm4b:s2+s20], $0x80, s24, s20, $0xb8;
	[tilespmem:$0x1FC00] =	vst v63  }
0x53: {  	_ = 	snop  }
0x54: {  	[tilespmem:s28], [sflag:$0x4] =	stream.indirect.gather [hbm4b:s2+s20], $0x80, s26, s20, $0xb8;
	[tilespmem:$0x1FC00] =	vst v63  }
0x55: {  	_ =	swait.ge [sflag:s29], $0x2000  }
0x56: {  	[sflag:s29] =	ssyncset.done $0x0  }
0x57: {  	s13 =	simm.s32 $0x2000;
	[sflag:s29] =	ssyncadd.s32 $0xFFFFE000  }
0x58: {  	[spmem:s3] =	stream.indirect.scatter.add.f32 [tilespmem:s21], [sflag:$0x5], $0x80, s13, s20, $0xb8;
	[tilespmem:$0x1FC00] =	vst v63  }
0x59: {  	_ =	swait.ge [sflag:s18], $0x2000  }
0x5a: {  	[sflag:s18] =	ssyncset.done $0x0  }
0x5b: {  	s5 =	simm.s32 $0x200;
	[sflag:s18] =	ssyncadd.s32 $0xFFFFE000  }
0x5c: {  	[tilespmem:s21], [sflag:$0x1] =	stream.indirect.gather [hbm4b:s2+s20], $0x80, s5, s20, $0xb8;
	[tilespmem:$0x1FC00] =	vst v63  }
0x5d: {  	_ =	swait.ge [sflag:s30], $0x2000  }
0x5e: {  	[sflag:s30] =	ssyncset.done $0x0  }
0x5f: {  	s14 =	simm.s32 $0x2080;
	[sflag:s30] =	ssyncadd.s32 $0xFFFFE000  }
0x60: {  	[spmem:s3] =	stream.indirect.scatter.add.f32 [tilespmem:s23], [sflag:$0x5], $0x80, s14, s20, $0xb8;
	[tilespmem:$0x1FC00] =	vst v63  }
0x61: {  	_ =	swait.ge [sflag:s18], $0x2000  }
0x62: {  	[sflag:s18] =	ssyncset.done $0x0  }
0x63: {  	s5 =	simm.s32 $0x280;
	[sflag:s18] =	ssyncadd.s32 $0xFFFFE000  }
0x64: {  	[tilespmem:s23], [sflag:$0x2] =	stream.indirect.gather [hbm4b:s2+s20], $0x80, s5, s20, $0xb8;
	[tilespmem:$0x1FC00] =	vst v63  }
0x65: {  	_ =	swait.ge [sflag:s31], $0x2000  }
0x66: {  	[sflag:s31] =	ssyncset.done $0x0  }
0x67: {  	s14 =	simm.s32 $0x2100;
	[sflag:s31] =	ssyncadd.s32 $0xFFFFE000  }
0x68: {  	[spmem:s3] =	stream.indirect.scatter.add.f32 [tilespmem:s25], [sflag:$0x5], $0x80, s14, s20, $0xb8;
	[tilespmem:$0x1FC00] =	vst v63  }
0x69: {  	_ =	swait.ge [sflag:s18], $0x2000  }
0x6a: {  	[sflag:s18] =	ssyncset.done $0x0  }
0x6b: {  	s5 =	simm.s32 $0x300;
	[sflag:s18] =	ssyncadd.s32 $0xFFFFE000  }
0x6c: {  	[tilespmem:s25], [sflag:$0x3] =	stream.indirect.gather [hbm4b:s2+s20], $0x80, s5, s20, $0xb8;
	[tilespmem:$0x1FC00] =	vst v63  }
0x6d: {  	_ =	swait.ge [sflag:s0], $0x2000  }
0x6e: {  	[sflag:s0] =	ssyncset.done $0x0  }
0x6f: {  	s14 =	simm.s32 $0x2180;
	[sflag:s0] =	ssyncadd.s32 $0xFFFFE000  }
0x70: {  	[spmem:s3] =	stream.indirect.scatter.add.f32 [tilespmem:s28], [sflag:$0x5], $0x80, s14, s20, $0xb8;
	[tilespmem:$0x1FC00] =	vst v63  }
0x71: {  	_ =	swait.ge [sflag:s18], $0x2000  }
0x72: {  	[sflag:s18] =	ssyncset.done $0x0  }
0x73: {  	s13 =	simm.s32 $0x800;
	s14 =	simm.s32 $0x380;
	[sflag:s18] =	ssyncadd.s32 $0xFFFFE000  }
.LBB2_2:
0x74: {  	[tilespmem:s28], [sflag:$0x4] =	stream.indirect.gather [hbm4b:s2+s20], $0x80, s14, s20, $0xb8;
	[tilespmem:$0x1FC00] =	vst v63  }
0x75: {  	s14 =	smov.u32 s13  }
0x76: {  	p1 =	sne.s32 s13, $0x7000;
	s13 =	sadd.s32 $0x800, s13;
	_ =	swait.ge [sflag:s29], $0x2000  }
0x77: {  	s14 =	sshra.s32 s14, $0x2;
	[sflag:s29] =	ssyncset.done $0x0  }
0x78: {  	s5 =	sadd.s32 $0x2000, s14;
	[sflag:s29] =	ssyncadd.s32 $0xFFFFE000  }
0x79: {  	[spmem:s3] =	stream.indirect.scatter.add.f32 [tilespmem:s21], [sflag:$0x5], $0x80, s5, s20, $0xb8;
	[tilespmem:$0x1FC00] =	vst v63  }
0x7a: {  	_ =	swait.ge [sflag:s18], $0x2000  }
0x7b: {  	[sflag:s18] =	ssyncset.done $0x0  }
0x7c: {  	s5 =	sadd.s32 $0x200, s14;
	[sflag:s18] =	ssyncadd.s32 $0xFFFFE000  }
0x7d: {  	[tilespmem:s21], [sflag:$0x1] =	stream.indirect.gather [hbm4b:s2+s20], $0x80, s5, s20, $0xb8;
	[tilespmem:$0x1FC00] =	vst v63  }
0x7e: {  	_ =	swait.ge [sflag:s30], $0x2000  }
0x7f: {  	[sflag:s30] =	ssyncset.done $0x0  }
0x80: {  	s5 =	sadd.s32 $0x2080, s14;
	[sflag:s30] =	ssyncadd.s32 $0xFFFFE000  }
0x81: {  	[spmem:s3] =	stream.indirect.scatter.add.f32 [tilespmem:s23], [sflag:$0x5], $0x80, s5, s20, $0xb8;
	[tilespmem:$0x1FC00] =	vst v63  }
0x82: {  	_ =	swait.ge [sflag:s18], $0x2000  }
0x83: {  	[sflag:s18] =	ssyncset.done $0x0  }
0x84: {  	s5 =	sadd.s32 $0x280, s14;
	[sflag:s18] =	ssyncadd.s32 $0xFFFFE000  }
0x85: {  	[tilespmem:s23], [sflag:$0x2] =	stream.indirect.gather [hbm4b:s2+s20], $0x80, s5, s20, $0xb8;
	[tilespmem:$0x1FC00] =	vst v63  }
0x86: {  	_ =	swait.ge [sflag:s31], $0x2000  }
0x87: {  	[sflag:s31] =	ssyncset.done $0x0  }
0x88: {  	s5 =	sadd.s32 $0x2100, s14;
	[sflag:s31] =	ssyncadd.s32 $0xFFFFE000  }
0x89: {  	[spmem:s3] =	stream.indirect.scatter.add.f32 [tilespmem:s25], [sflag:$0x5], $0x80, s5, s20, $0xb8;
	[tilespmem:$0x1FC00] =	vst v63  }
0x8a: {  	_ =	swait.ge [sflag:s18], $0x2000  }
0x8b: {  	[sflag:s18] =	ssyncset.done $0x0  }
0x8c: {  	s5 =	sadd.s32 $0x300, s14;
	[sflag:s18] =	ssyncadd.s32 $0xFFFFE000  }
0x8d: {  	[tilespmem:s25], [sflag:$0x3] =	stream.indirect.gather [hbm4b:s2+s20], $0x80, s5, s20, $0xb8;
	[tilespmem:$0x1FC00] =	vst v63  }
0x8e: {  	_ =	swait.ge [sflag:s0], $0x2000  }
0x8f: {  	[sflag:s0] =	ssyncset.done $0x0  }
.Ltmp2:
0x90: {  	s5 =	sadd.s32 $0x2180, s14;
	[sflag:s0] =	ssyncadd.s32 $0xFFFFE000;
	(pc) =	sbr.rel @p1 .LBB2_2-.Ltmp2, $4  }
0x91: {  	[spmem:s3] =	stream.indirect.scatter.add.f32 [tilespmem:s28], [sflag:$0x5], $0x80, s5, s20, $0xb8;
	[tilespmem:$0x1FC00] =	vst v63  }
0x92: {  	_ =	swait.ge [sflag:s18], $0x2000  }
0x93: {  	[sflag:s18] =	ssyncset.done $0x0  }
0x94: {  	s14 =	sadd.s32 $0x380, s14;
	[sflag:s18] =	ssyncadd.s32 $0xFFFFE000  }
0x95: {  	[tilespmem:s28], [sflag:$0x4] =	stream.indirect.gather [hbm4b:s2+s20], $0x80, s14, s20, $0xb8;
	[tilespmem:$0x1FC00] =	vst v63  }
0x96: {  	_ =	swait.ge [sflag:s29], $0x2000  }
0x97: {  	[sflag:s29] =	ssyncset.done $0x0  }
0x98: {  	[sflag:s29] =	ssyncadd.s32 $0xFFFFE000  }
0x99: {  	[spmem:s3] =	stream.indirect.scatter.add.f32 [tilespmem:s21], [sflag:$0x5], $0x80, s1, s20, $0xb8;
	[tilespmem:$0x1FC00] =	vst v63  }
0x9a: {  	_ =	swait.ge [sflag:s18], $0x2000  }
0x9b: {  	[sflag:s18] =	ssyncset.done $0x0  }
0x9c: {  	[sflag:s18] =	ssyncadd.s32 $0xFFFFE000  }
0x9d: {  	_ =	swait.ge [sflag:s30], $0x2000  }
0x9e: {  	[sflag:s30] =	ssyncset.done $0x0  }
0x9f: {  	[sflag:s30] =	ssyncadd.s32 $0xFFFFE000  }
0xa0: {  	[spmem:s3] =	stream.indirect.scatter.add.f32 [tilespmem:s23], [sflag:$0x5], $0x80, s9, s20, $0xb8;
	[tilespmem:$0x1FC00] =	vst v63  }
0xa1: {  	_ =	swait.ge [sflag:s18], $0x2000  }
0xa2: {  	[sflag:s18] =	ssyncset.done $0x0  }
0xa3: {  	[sflag:s18] =	ssyncadd.s32 $0xFFFFE000  }
0xa4: {  	_ =	swait.ge [sflag:s31], $0x2000  }
0xa5: {  	[sflag:s31] =	ssyncset.done $0x0  }
0xa6: {  	[sflag:s31] =	ssyncadd.s32 $0xFFFFE000  }
0xa7: {  	[spmem:s3] =	stream.indirect.scatter.add.f32 [tilespmem:s25], [sflag:$0x5], $0x80, s10, s20, $0xb8;
	[tilespmem:$0x1FC00] =	vst v63  }
0xa8: {  	_ =	swait.ge [sflag:s18], $0x2000  }
0xa9: {  	[sflag:s18] =	ssyncset.done $0x0  }
0xaa: {  	[sflag:s18] =	ssyncadd.s32 $0xFFFFE000  }
0xab: {  	_ =	swait.ge [sflag:s0], $0x2000  }
0xac: {  	[sflag:s0] =	ssyncset.done $0x0  }
.Ltmp3:
0xad: {  	[sflag:s0] =	ssyncadd.s32 $0xFFFFE000;
	(pc) =	sbr.rel @p0 .LBB2_11-.Ltmp3, $4  }
0xae: {  	[spmem:s3] =	stream.indirect.scatter.add.f32 [tilespmem:s28], [sflag:$0x5], $0x80, s11, s20, $0xb8;
	[tilespmem:$0x1FC00] =	vst v63  }
0xaf: {  	_ =	swait.ge [sflag:s18], $0x2000  }
0xb0: {  	[sflag:s18] =	ssyncset.done $0x0  }
0xb1: {  	[sflag:s18] =	ssyncadd.s32 $0xFFFFE000  }
0xb2: {  	s5 =	simm.s32 $0x0;
	s13 =	rddreg [dreg:$0x5]  }
0xb3: {  	[tilespmem:s5], [sflag:$0x5] =	stream.linear.gather [hbm4b:s13+s5], $0x2000, $0x38;
	[tilespmem:$0x1FC00] =	vst v63  }
0xb4: {  	_ =	swait.ge [sflag:s18], $0x2000  }
0xb5: {  	[sflag:s18] =	ssyncset.done $0x0  }
0xb6: {  	s14 =	rddreg [dreg:$0x6];
	[sflag:s18] =	ssyncadd.s32 $0xFFFFE000  }
0xb7: {  	[tilespmem:s19], [sflag:$0x5] =	stream.linear.gather [hbm4b:s14+s5], $0x2000, $0x38;
	[tilespmem:$0x1FC00] =	vst v63  }
0xb8: {  	_ =	swait.ge [sflag:s18], $0x2000  }
0xb9: {  	[sflag:s18] =	ssyncset.done $0x0  }
0xba: {  	[sflag:s18] =	ssyncadd.s32 $0xFFFFE000  }
0xbb: {  	[tilespmem:s21], [sflag:$0x1] =	stream.indirect.gather [hbm4b:s2+s20], $0x80, s5, s20, $0xb8;
	[tilespmem:$0x1FC00] =	vst v63  }
0xbc: {  	_ = 	snop  }
0xbd: {  	[tilespmem:s23], [sflag:$0x2] =	stream.indirect.gather [hbm4b:s2+s20], $0x80, s22, s20, $0xb8;
	[tilespmem:$0x1FC00] =	vst v63  }
0xbe: {  	_ = 	snop  }
0xbf: {  	[tilespmem:s25], [sflag:$0x3] =	stream.indirect.gather [hbm4b:s2+s20], $0x80, s24, s20, $0xb8;
	[tilespmem:$0x1FC00] =	vst v63  }
0xc0: {  	_ = 	snop  }
0xc1: {  	[tilespmem:s28], [sflag:$0x4] =	stream.indirect.gather [hbm4b:s2+s20], $0x80, s26, s20, $0xb8;
	[tilespmem:$0x1FC00] =	vst v63  }
0xc2: {  	_ =	swait.ge [sflag:s29], $0x2000  }
0xc3: {  	[sflag:s29] =	ssyncset.done $0x0  }
0xc4: {  	s14 =	simm.s32 $0x2000;
	[sflag:s29] =	ssyncadd.s32 $0xFFFFE000  }
0xc5: {  	[spmem:s3] =	stream.indirect.scatter.add.f32 [tilespmem:s21], [sflag:$0x5], $0x80, s14, s20, $0xb8;
	[tilespmem:$0x1FC00] =	vst v63  }
0xc6: {  	_ =	swait.ge [sflag:s18], $0x2000  }
0xc7: {  	[sflag:s18] =	ssyncset.done $0x0  }
0xc8: {  	s13 =	simm.s32 $0x200;
	[sflag:s18] =	ssyncadd.s32 $0xFFFFE000  }
0xc9: {  	[tilespmem:s21], [sflag:$0x1] =	stream.indirect.gather [hbm4b:s2+s20], $0x80, s13, s20, $0xb8;
	[tilespmem:$0x1FC00] =	vst v63  }
0xca: {  	_ =	swait.ge [sflag:s30], $0x2000  }
0xcb: {  	[sflag:s30] =	ssyncset.done $0x0  }
0xcc: {  	s14 =	simm.s32 $0x2080;
	[sflag:s30] =	ssyncadd.s32 $0xFFFFE000  }
0xcd: {  	[spmem:s3] =	stream.indirect.scatter.add.f32 [tilespmem:s23], [sflag:$0x5], $0x80, s14, s20, $0xb8;
	[tilespmem:$0x1FC00] =	vst v63  }
0xce: {  	_ =	swait.ge [sflag:s18], $0x2000  }
0xcf: {  	[sflag:s18] =	ssyncset.done $0x0  }
0xd0: {  	s13 =	simm.s32 $0x280;
	[sflag:s18] =	ssyncadd.s32 $0xFFFFE000  }
0xd1: {  	[tilespmem:s23], [sflag:$0x2] =	stream.indirect.gather [hbm4b:s2+s20], $0x80, s13, s20, $0xb8;
	[tilespmem:$0x1FC00] =	vst v63  }
0xd2: {  	_ =	swait.ge [sflag:s31], $0x2000  }
0xd3: {  	[sflag:s31] =	ssyncset.done $0x0  }
0xd4: {  	s14 =	simm.s32 $0x2100;
	[sflag:s31] =	ssyncadd.s32 $0xFFFFE000  }
0xd5: {  	[spmem:s3] =	stream.indirect.scatter.add.f32 [tilespmem:s25], [sflag:$0x5], $0x80, s14, s20, $0xb8;
	[tilespmem:$0x1FC00] =	vst v63  }
0xd6: {  	_ =	swait.ge [sflag:s18], $0x2000  }
0xd7: {  	[sflag:s18] =	ssyncset.done $0x0  }
0xd8: {  	s13 =	simm.s32 $0x300;
	[sflag:s18] =	ssyncadd.s32 $0xFFFFE000  }
0xd9: {  	[tilespmem:s25], [sflag:$0x3] =	stream.indirect.gather [hbm4b:s2+s20], $0x80, s13, s20, $0xb8;
	[tilespmem:$0x1FC00] =	vst v63  }
0xda: {  	_ =	swait.ge [sflag:s0], $0x2000  }
0xdb: {  	[sflag:s0] =	ssyncset.done $0x0  }
0xdc: {  	s14 =	simm.s32 $0x2180;
	[sflag:s0] =	ssyncadd.s32 $0xFFFFE000  }
0xdd: {  	[spmem:s3] =	stream.indirect.scatter.add.f32 [tilespmem:s28], [sflag:$0x5], $0x80, s14, s20, $0xb8;
	[tilespmem:$0x1FC00] =	vst v63  }
0xde: {  	_ =	swait.ge [sflag:s18], $0x2000  }
0xdf: {  	[sflag:s18] =	ssyncset.done $0x0  }
0xe0: {  	s13 =	simm.s32 $0x800;
	s14 =	simm.s32 $0x380;
	[sflag:s18] =	ssyncadd.s32 $0xFFFFE000  }
.LBB2_5:
0xe1: {  	[tilespmem:s28], [sflag:$0x4] =	stream.indirect.gather [hbm4b:s2+s20], $0x80, s14, s20, $0xb8;
	[tilespmem:$0x1FC00] =	vst v63  }
0xe2: {  	s5 =	smov.u32 s13  }
0xe3: {  	p1 =	sne.s32 s13, $0x7000;
	s13 =	sadd.s32 $0x800, s13;
	_ =	swait.ge [sflag:s29], $0x2000  }
0xe4: {  	s14 =	sshra.s32 s5, $0x2;
	[sflag:s29] =	ssyncset.done $0x0  }
0xe5: {  	s5 =	sadd.s32 $0x2000, s14;
	[sflag:s29] =	ssyncadd.s32 $0xFFFFE000  }
0xe6: {  	[spmem:s3] =	stream.indirect.scatter.add.f32 [tilespmem:s21], [sflag:$0x5], $0x80, s5, s20, $0xb8;
	[tilespmem:$0x1FC00] =	vst v63  }
0xe7: {  	_ =	swait.ge [sflag:s18], $0x2000  }
0xe8: {  	[sflag:s18] =	ssyncset.done $0x0  }
0xe9: {  	s5 =	sadd.s32 $0x200, s14;
	[sflag:s18] =	ssyncadd.s32 $0xFFFFE000  }
0xea: {  	[tilespmem:s21], [sflag:$0x1] =	stream.indirect.gather [hbm4b:s2+s20], $0x80, s5, s20, $0xb8;
	[tilespmem:$0x1FC00] =	vst v63  }
0xeb: {  	_ =	swait.ge [sflag:s30], $0x2000  }
0xec: {  	[sflag:s30] =	ssyncset.done $0x0  }
0xed: {  	s5 =	sadd.s32 $0x2080, s14;
	[sflag:s30] =	ssyncadd.s32 $0xFFFFE000  }
0xee: {  	[spmem:s3] =	stream.indirect.scatter.add.f32 [tilespmem:s23], [sflag:$0x5], $0x80, s5, s20, $0xb8;
	[tilespmem:$0x1FC00] =	vst v63  }
0xef: {  	_ =	swait.ge [sflag:s18], $0x2000  }
0xf0: {  	[sflag:s18] =	ssyncset.done $0x0  }
0xf1: {  	s5 =	sadd.s32 $0x280, s14;
	[sflag:s18] =	ssyncadd.s32 $0xFFFFE000  }
0xf2: {  	[tilespmem:s23], [sflag:$0x2] =	stream.indirect.gather [hbm4b:s2+s20], $0x80, s5, s20, $0xb8;
	[tilespmem:$0x1FC00] =	vst v63  }
0xf3: {  	_ =	swait.ge [sflag:s31], $0x2000  }
0xf4: {  	[sflag:s31] =	ssyncset.done $0x0  }
0xf5: {  	s5 =	sadd.s32 $0x2100, s14;
	[sflag:s31] =	ssyncadd.s32 $0xFFFFE000  }
0xf6: {  	[spmem:s3] =	stream.indirect.scatter.add.f32 [tilespmem:s25], [sflag:$0x5], $0x80, s5, s20, $0xb8;
	[tilespmem:$0x1FC00] =	vst v63  }
0xf7: {  	_ =	swait.ge [sflag:s18], $0x2000  }
0xf8: {  	[sflag:s18] =	ssyncset.done $0x0  }
0xf9: {  	s5 =	sadd.s32 $0x300, s14;
	[sflag:s18] =	ssyncadd.s32 $0xFFFFE000  }
0xfa: {  	[tilespmem:s25], [sflag:$0x3] =	stream.indirect.gather [hbm4b:s2+s20], $0x80, s5, s20, $0xb8;
	[tilespmem:$0x1FC00] =	vst v63  }
0xfb: {  	_ =	swait.ge [sflag:s0], $0x2000  }
0xfc: {  	[sflag:s0] =	ssyncset.done $0x0  }
.Ltmp4:
0xfd: {  	s5 =	sadd.s32 $0x2180, s14;
	[sflag:s0] =	ssyncadd.s32 $0xFFFFE000;
	(pc) =	sbr.rel @p1 .LBB2_5-.Ltmp4, $4  }
0xfe: {  	[spmem:s3] =	stream.indirect.scatter.add.f32 [tilespmem:s28], [sflag:$0x5], $0x80, s5, s20, $0xb8;
	[tilespmem:$0x1FC00] =	vst v63  }
0xff: {  	_ =	swait.ge [sflag:s18], $0x2000  }
0x100: {  	[sflag:s18] =	ssyncset.done $0x0  }
0x101: {  	s14 =	sadd.s32 $0x380, s14;
	[sflag:s18] =	ssyncadd.s32 $0xFFFFE000  }
0x102: {  	[tilespmem:s28], [sflag:$0x4] =	stream.indirect.gather [hbm4b:s2+s20], $0x80, s14, s20, $0xb8;
	[tilespmem:$0x1FC00] =	vst v63  }
0x103: {  	_ =	swait.ge [sflag:s29], $0x2000  }
0x104: {  	[sflag:s29] =	ssyncset.done $0x0  }
0x105: {  	[sflag:s29] =	ssyncadd.s32 $0xFFFFE000  }
0x106: {  	[spmem:s3] =	stream.indirect.scatter.add.f32 [tilespmem:s21], [sflag:$0x5], $0x80, s1, s20, $0xb8;
	[tilespmem:$0x1FC00] =	vst v63  }
0x107: {  	_ =	swait.ge [sflag:s18], $0x2000  }
0x108: {  	[sflag:s18] =	ssyncset.done $0x0  }
0x109: {  	[sflag:s18] =	ssyncadd.s32 $0xFFFFE000  }
0x10a: {  	_ =	swait.ge [sflag:s30], $0x2000  }
0x10b: {  	[sflag:s30] =	ssyncset.done $0x0  }
0x10c: {  	[sflag:s30] =	ssyncadd.s32 $0xFFFFE000  }
0x10d: {  	[spmem:s3] =	stream.indirect.scatter.add.f32 [tilespmem:s23], [sflag:$0x5], $0x80, s9, s20, $0xb8;
	[tilespmem:$0x1FC00] =	vst v63  }
0x10e: {  	_ =	swait.ge [sflag:s18], $0x2000  }
0x10f: {  	[sflag:s18] =	ssyncset.done $0x0  }
0x110: {  	[sflag:s18] =	ssyncadd.s32 $0xFFFFE000  }
0x111: {  	_ =	swait.ge [sflag:s31], $0x2000  }
0x112: {  	[sflag:s31] =	ssyncset.done $0x0  }
0x113: {  	[sflag:s31] =	ssyncadd.s32 $0xFFFFE000  }
0x114: {  	[spmem:s3] =	stream.indirect.scatter.add.f32 [tilespmem:s25], [sflag:$0x5], $0x80, s10, s20, $0xb8;
	[tilespmem:$0x1FC00] =	vst v63  }
0x115: {  	_ =	swait.ge [sflag:s18], $0x2000  }
0x116: {  	[sflag:s18] =	ssyncset.done $0x0  }
0x117: {  	[sflag:s18] =	ssyncadd.s32 $0xFFFFE000  }
0x118: {  	_ =	swait.ge [sflag:s0], $0x2000  }
0x119: {  	[sflag:s0] =	ssyncset.done $0x0  }
0x11a: {  	[sflag:s0] =	ssyncadd.s32 $0xFFFFE000  }
0x11b: {  	[spmem:s3] =	stream.indirect.scatter.add.f32 [tilespmem:s28], [sflag:$0x5], $0x80, s11, s20, $0xb8;
	[tilespmem:$0x1FC00] =	vst v63  }
0x11c: {  	_ =	swait.ge [sflag:s18], $0x2000  }
0x11d: {  	[sflag:s18] =	ssyncset.done $0x0  }
0x11e: {  	s5 =	simm.s32 $0x0;
	s13 =	rddreg [dreg:$0x7];
	[sflag:s18] =	ssyncadd.s32 $0xFFFFE000  }
0x11f: {  	[tilespmem:s5], [sflag:$0x5] =	stream.linear.gather [hbm4b:s13+s5], $0x2000, $0x38;
	[tilespmem:$0x1FC00] =	vst v63  }
0x120: {  	_ =	swait.ge [sflag:s18], $0x2000  }
0x121: {  	[sflag:s18] =	ssyncset.done $0x0  }
0x122: {  	s14 =	rddreg [dreg:$0x8];
	[sflag:s18] =	ssyncadd.s32 $0xFFFFE000  }
0x123: {  	[tilespmem:s19], [sflag:$0x5] =	stream.linear.gather [hbm4b:s14+s5], $0x2000, $0x38;
	[tilespmem:$0x1FC00] =	vst v63  }
0x124: {  	_ =	swait.ge [sflag:s18], $0x2000  }
0x125: {  	[sflag:s18] =	ssyncset.done $0x0  }
0x126: {  	[sflag:s18] =	ssyncadd.s32 $0xFFFFE000  }
0x127: {  	[tilespmem:s21], [sflag:$0x1] =	stream.indirect.gather [hbm4b:s2+s20], $0x80, s5, s20, $0xb8;
	[tilespmem:$0x1FC00] =	vst v63  }
0x128: {  	_ = 	snop  }
0x129: {  	[tilespmem:s23], [sflag:$0x2] =	stream.indirect.gather [hbm4b:s2+s20], $0x80, s22, s20, $0xb8;
	[tilespmem:$0x1FC00] =	vst v63  }
0x12a: {  	_ = 	snop  }
0x12b: {  	[tilespmem:s25], [sflag:$0x3] =	stream.indirect.gather [hbm4b:s2+s20], $0x80, s24, s20, $0xb8;
	[tilespmem:$0x1FC00] =	vst v63  }
0x12c: {  	_ = 	snop  }
0x12d: {  	[tilespmem:s28], [sflag:$0x4] =	stream.indirect.gather [hbm4b:s2+s20], $0x80, s26, s20, $0xb8;
	[tilespmem:$0x1FC00] =	vst v63  }
0x12e: {  	_ =	swait.ge [sflag:s29], $0x2000  }
0x12f: {  	[sflag:s29] =	ssyncset.done $0x0  }
0x130: {  	s14 =	simm.s32 $0x2000;
	[sflag:s29] =	ssyncadd.s32 $0xFFFFE000  }
0x131: {  	[spmem:s3] =	stream.indirect.scatter.add.f32 [tilespmem:s21], [sflag:$0x5], $0x80, s14, s20, $0xb8;
	[tilespmem:$0x1FC00] =	vst v63  }
0x132: {  	_ =	swait.ge [sflag:s18], $0x2000  }
0x133: {  	[sflag:s18] =	ssyncset.done $0x0  }
0x134: {  	s13 =	simm.s32 $0x200;
	[sflag:s18] =	ssyncadd.s32 $0xFFFFE000  }
0x135: {  	[tilespmem:s21], [sflag:$0x1] =	stream.indirect.gather [hbm4b:s2+s20], $0x80, s13, s20, $0xb8;
	[tilespmem:$0x1FC00] =	vst v63  }
0x136: {  	_ =	swait.ge [sflag:s30], $0x2000  }
0x137: {  	[sflag:s30] =	ssyncset.done $0x0  }
0x138: {  	s14 =	simm.s32 $0x2080;
	[sflag:s30] =	ssyncadd.s32 $0xFFFFE000  }
0x139: {  	[spmem:s3] =	stream.indirect.scatter.add.f32 [tilespmem:s23], [sflag:$0x5], $0x80, s14, s20, $0xb8;
	[tilespmem:$0x1FC00] =	vst v63  }
0x13a: {  	_ =	swait.ge [sflag:s18], $0x2000  }
0x13b: {  	[sflag:s18] =	ssyncset.done $0x0  }
0x13c: {  	s13 =	simm.s32 $0x280;
	[sflag:s18] =	ssyncadd.s32 $0xFFFFE000  }
0x13d: {  	[tilespmem:s23], [sflag:$0x2] =	stream.indirect.gather [hbm4b:s2+s20], $0x80, s13, s20, $0xb8;
	[tilespmem:$0x1FC00] =	vst v63  }
0x13e: {  	_ =	swait.ge [sflag:s31], $0x2000  }
0x13f: {  	[sflag:s31] =	ssyncset.done $0x0  }
0x140: {  	s14 =	simm.s32 $0x2100;
	[sflag:s31] =	ssyncadd.s32 $0xFFFFE000  }
0x141: {  	[spmem:s3] =	stream.indirect.scatter.add.f32 [tilespmem:s25], [sflag:$0x5], $0x80, s14, s20, $0xb8;
	[tilespmem:$0x1FC00] =	vst v63  }
0x142: {  	_ =	swait.ge [sflag:s18], $0x2000  }
0x143: {  	[sflag:s18] =	ssyncset.done $0x0  }
0x144: {  	s13 =	simm.s32 $0x300;
	[sflag:s18] =	ssyncadd.s32 $0xFFFFE000  }
0x145: {  	[tilespmem:s25], [sflag:$0x3] =	stream.indirect.gather [hbm4b:s2+s20], $0x80, s13, s20, $0xb8;
	[tilespmem:$0x1FC00] =	vst v63  }
0x146: {  	_ =	swait.ge [sflag:s0], $0x2000  }
0x147: {  	[sflag:s0] =	ssyncset.done $0x0  }
0x148: {  	s14 =	simm.s32 $0x2180;
	[sflag:s0] =	ssyncadd.s32 $0xFFFFE000  }
0x149: {  	[spmem:s3] =	stream.indirect.scatter.add.f32 [tilespmem:s28], [sflag:$0x5], $0x80, s14, s20, $0xb8;
	[tilespmem:$0x1FC00] =	vst v63  }
0x14a: {  	_ =	swait.ge [sflag:s18], $0x2000  }
0x14b: {  	[sflag:s18] =	ssyncset.done $0x0  }
0x14c: {  	s13 =	simm.s32 $0x800;
	s14 =	simm.s32 $0x380;
	[sflag:s18] =	ssyncadd.s32 $0xFFFFE000  }
.LBB2_7:
0x14d: {  	[tilespmem:s28], [sflag:$0x4] =	stream.indirect.gather [hbm4b:s2+s20], $0x80, s14, s20, $0xb8;
	[tilespmem:$0x1FC00] =	vst v63  }
0x14e: {  	s5 =	smov.u32 s13  }
0x14f: {  	p1 =	sne.s32 s13, $0x7000;
	s13 =	sadd.s32 $0x800, s13;
	_ =	swait.ge [sflag:s29], $0x2000  }
0x150: {  	s14 =	sshra.s32 s5, $0x2;
	[sflag:s29] =	ssyncset.done $0x0  }
0x151: {  	s5 =	sadd.s32 $0x2000, s14;
	[sflag:s29] =	ssyncadd.s32 $0xFFFFE000  }
0x152: {  	[spmem:s3] =	stream.indirect.scatter.add.f32 [tilespmem:s21], [sflag:$0x5], $0x80, s5, s20, $0xb8;
	[tilespmem:$0x1FC00] =	vst v63  }
0x153: {  	_ =	swait.ge [sflag:s18], $0x2000  }
0x154: {  	[sflag:s18] =	ssyncset.done $0x0  }
0x155: {  	s5 =	sadd.s32 $0x200, s14;
	[sflag:s18] =	ssyncadd.s32 $0xFFFFE000  }
0x156: {  	[tilespmem:s21], [sflag:$0x1] =	stream.indirect.gather [hbm4b:s2+s20], $0x80, s5, s20, $0xb8;
	[tilespmem:$0x1FC00] =	vst v63  }
0x157: {  	_ =	swait.ge [sflag:s30], $0x2000  }
0x158: {  	[sflag:s30] =	ssyncset.done $0x0  }
0x159: {  	s5 =	sadd.s32 $0x2080, s14;
	[sflag:s30] =	ssyncadd.s32 $0xFFFFE000  }
0x15a: {  	[spmem:s3] =	stream.indirect.scatter.add.f32 [tilespmem:s23], [sflag:$0x5], $0x80, s5, s20, $0xb8;
	[tilespmem:$0x1FC00] =	vst v63  }
0x15b: {  	_ =	swait.ge [sflag:s18], $0x2000  }
0x15c: {  	[sflag:s18] =	ssyncset.done $0x0  }
0x15d: {  	s5 =	sadd.s32 $0x280, s14;
	[sflag:s18] =	ssyncadd.s32 $0xFFFFE000  }
0x15e: {  	[tilespmem:s23], [sflag:$0x2] =	stream.indirect.gather [hbm4b:s2+s20], $0x80, s5, s20, $0xb8;
	[tilespmem:$0x1FC00] =	vst v63  }
0x15f: {  	_ =	swait.ge [sflag:s31], $0x2000  }
0x160: {  	[sflag:s31] =	ssyncset.done $0x0  }
0x161: {  	s5 =	sadd.s32 $0x2100, s14;
	[sflag:s31] =	ssyncadd.s32 $0xFFFFE000  }
0x162: {  	[spmem:s3] =	stream.indirect.scatter.add.f32 [tilespmem:s25], [sflag:$0x5], $0x80, s5, s20, $0xb8;
	[tilespmem:$0x1FC00] =	vst v63  }
0x163: {  	_ =	swait.ge [sflag:s18], $0x2000  }
0x164: {  	[sflag:s18] =	ssyncset.done $0x0  }
0x165: {  	s5 =	sadd.s32 $0x300, s14;
	[sflag:s18] =	ssyncadd.s32 $0xFFFFE000  }
0x166: {  	[tilespmem:s25], [sflag:$0x3] =	stream.indirect.gather [hbm4b:s2+s20], $0x80, s5, s20, $0xb8;
	[tilespmem:$0x1FC00] =	vst v63  }
0x167: {  	_ =	swait.ge [sflag:s0], $0x2000  }
0x168: {  	[sflag:s0] =	ssyncset.done $0x0  }
.Ltmp5:
0x169: {  	s5 =	sadd.s32 $0x2180, s14;
	[sflag:s0] =	ssyncadd.s32 $0xFFFFE000;
	(pc) =	sbr.rel @p1 .LBB2_7-.Ltmp5, $4  }
0x16a: {  	[spmem:s3] =	stream.indirect.scatter.add.f32 [tilespmem:s28], [sflag:$0x5], $0x80, s5, s20, $0xb8;
	[tilespmem:$0x1FC00] =	vst v63  }
0x16b: {  	_ =	swait.ge [sflag:s18], $0x2000  }
0x16c: {  	[sflag:s18] =	ssyncset.done $0x0  }
0x16d: {  	s14 =	sadd.s32 $0x380, s14;
	[sflag:s18] =	ssyncadd.s32 $0xFFFFE000  }
0x16e: {  	[tilespmem:s28], [sflag:$0x4] =	stream.indirect.gather [hbm4b:s2+s20], $0x80, s14, s20, $0xb8;
	[tilespmem:$0x1FC00] =	vst v63  }
0x16f: {  	_ =	swait.ge [sflag:s29], $0x2000  }
0x170: {  	[sflag:s29] =	ssyncset.done $0x0  }
0x171: {  	[sflag:s29] =	ssyncadd.s32 $0xFFFFE000  }
0x172: {  	[spmem:s3] =	stream.indirect.scatter.add.f32 [tilespmem:s21], [sflag:$0x5], $0x80, s1, s20, $0xb8;
	[tilespmem:$0x1FC00] =	vst v63  }
0x173: {  	_ =	swait.ge [sflag:s18], $0x2000  }
0x174: {  	[sflag:s18] =	ssyncset.done $0x0  }
0x175: {  	[sflag:s18] =	ssyncadd.s32 $0xFFFFE000  }
0x176: {  	_ =	swait.ge [sflag:s30], $0x2000  }
0x177: {  	[sflag:s30] =	ssyncset.done $0x0  }
0x178: {  	[sflag:s30] =	ssyncadd.s32 $0xFFFFE000  }
0x179: {  	[spmem:s3] =	stream.indirect.scatter.add.f32 [tilespmem:s23], [sflag:$0x5], $0x80, s9, s20, $0xb8;
	[tilespmem:$0x1FC00] =	vst v63  }
0x17a: {  	_ =	swait.ge [sflag:s18], $0x2000  }
0x17b: {  	[sflag:s18] =	ssyncset.done $0x0  }
0x17c: {  	[sflag:s18] =	ssyncadd.s32 $0xFFFFE000  }
0x17d: {  	_ =	swait.ge [sflag:s31], $0x2000  }
0x17e: {  	[sflag:s31] =	ssyncset.done $0x0  }
0x17f: {  	[sflag:s31] =	ssyncadd.s32 $0xFFFFE000  }
0x180: {  	[spmem:s3] =	stream.indirect.scatter.add.f32 [tilespmem:s25], [sflag:$0x5], $0x80, s10, s20, $0xb8;
	[tilespmem:$0x1FC00] =	vst v63  }
0x181: {  	_ =	swait.ge [sflag:s18], $0x2000  }
0x182: {  	[sflag:s18] =	ssyncset.done $0x0  }
0x183: {  	[sflag:s18] =	ssyncadd.s32 $0xFFFFE000  }
0x184: {  	_ =	swait.ge [sflag:s0], $0x2000  }
0x185: {  	[sflag:s0] =	ssyncset.done $0x0  }
0x186: {  	[sflag:s0] =	ssyncadd.s32 $0xFFFFE000  }
0x187: {  	[spmem:s3] =	stream.indirect.scatter.add.f32 [tilespmem:s28], [sflag:$0x5], $0x80, s11, s20, $0xb8;
	[tilespmem:$0x1FC00] =	vst v63  }
0x188: {  	_ =	swait.ge [sflag:s18], $0x2000  }
0x189: {  	[sflag:s18] =	ssyncset.done $0x0  }
0x18a: {  	s5 =	simm.s32 $0x0;
	s13 =	rddreg [dreg:$0x9];
	[sflag:s18] =	ssyncadd.s32 $0xFFFFE000  }
0x18b: {  	[tilespmem:s5], [sflag:$0x5] =	stream.linear.gather [hbm4b:s13+s5], $0x2000, $0x38;
	[tilespmem:$0x1FC00] =	vst v63  }
0x18c: {  	_ =	swait.ge [sflag:s18], $0x2000  }
0x18d: {  	[sflag:s18] =	ssyncset.done $0x0  }
0x18e: {  	s14 =	rddreg [dreg:$0xa];
	[sflag:s18] =	ssyncadd.s32 $0xFFFFE000  }
0x18f: {  	[tilespmem:s19], [sflag:$0x5] =	stream.linear.gather [hbm4b:s14+s5], $0x2000, $0x38;
	[tilespmem:$0x1FC00] =	vst v63  }
0x190: {  	_ =	swait.ge [sflag:s18], $0x2000  }
0x191: {  	[sflag:s18] =	ssyncset.done $0x0  }
0x192: {  	[sflag:s18] =	ssyncadd.s32 $0xFFFFE000  }
0x193: {  	[tilespmem:s21], [sflag:$0x1] =	stream.indirect.gather [hbm4b:s2+s20], $0x80, s5, s20, $0xb8;
	[tilespmem:$0x1FC00] =	vst v63  }
0x194: {  	_ = 	snop  }
0x195: {  	[tilespmem:s23], [sflag:$0x2] =	stream.indirect.gather [hbm4b:s2+s20], $0x80, s22, s20, $0xb8;
	[tilespmem:$0x1FC00] =	vst v63  }
0x196: {  	_ = 	snop  }
0x197: {  	[tilespmem:s25], [sflag:$0x3] =	stream.indirect.gather [hbm4b:s2+s20], $0x80, s24, s20, $0xb8;
	[tilespmem:$0x1FC00] =	vst v63  }
0x198: {  	_ = 	snop  }
0x199: {  	[tilespmem:s28], [sflag:$0x4] =	stream.indirect.gather [hbm4b:s2+s20], $0x80, s26, s20, $0xb8;
	[tilespmem:$0x1FC00] =	vst v63  }
0x19a: {  	_ =	swait.ge [sflag:s29], $0x2000  }
0x19b: {  	[sflag:s29] =	ssyncset.done $0x0  }
0x19c: {  	s14 =	simm.s32 $0x2000;
	[sflag:s29] =	ssyncadd.s32 $0xFFFFE000  }
0x19d: {  	[spmem:s3] =	stream.indirect.scatter.add.f32 [tilespmem:s21], [sflag:$0x5], $0x80, s14, s20, $0xb8;
	[tilespmem:$0x1FC00] =	vst v63  }
0x19e: {  	_ =	swait.ge [sflag:s18], $0x2000  }
0x19f: {  	[sflag:s18] =	ssyncset.done $0x0  }
0x1a0: {  	s13 =	simm.s32 $0x200;
	[sflag:s18] =	ssyncadd.s32 $0xFFFFE000  }
0x1a1: {  	[tilespmem:s21], [sflag:$0x1] =	stream.indirect.gather [hbm4b:s2+s20], $0x80, s13, s20, $0xb8;
	[tilespmem:$0x1FC00] =	vst v63  }
0x1a2: {  	_ =	swait.ge [sflag:s30], $0x2000  }
0x1a3: {  	[sflag:s30] =	ssyncset.done $0x0  }
0x1a4: {  	s14 =	simm.s32 $0x2080;
	[sflag:s30] =	ssyncadd.s32 $0xFFFFE000  }
0x1a5: {  	[spmem:s3] =	stream.indirect.scatter.add.f32 [tilespmem:s23], [sflag:$0x5], $0x80, s14, s20, $0xb8;
	[tilespmem:$0x1FC00] =	vst v63  }
0x1a6: {  	_ =	swait.ge [sflag:s18], $0x2000  }
0x1a7: {  	[sflag:s18] =	ssyncset.done $0x0  }
0x1a8: {  	s13 =	simm.s32 $0x280;
	[sflag:s18] =	ssyncadd.s32 $0xFFFFE000  }
0x1a9: {  	[tilespmem:s23], [sflag:$0x2] =	stream.indirect.gather [hbm4b:s2+s20], $0x80, s13, s20, $0xb8;
	[tilespmem:$0x1FC00] =	vst v63  }
0x1aa: {  	_ =	swait.ge [sflag:s31], $0x2000  }
0x1ab: {  	[sflag:s31] =	ssyncset.done $0x0  }
0x1ac: {  	s14 =	simm.s32 $0x2100;
	[sflag:s31] =	ssyncadd.s32 $0xFFFFE000  }
0x1ad: {  	[spmem:s3] =	stream.indirect.scatter.add.f32 [tilespmem:s25], [sflag:$0x5], $0x80, s14, s20, $0xb8;
	[tilespmem:$0x1FC00] =	vst v63  }
0x1ae: {  	_ =	swait.ge [sflag:s18], $0x2000  }
0x1af: {  	[sflag:s18] =	ssyncset.done $0x0  }
0x1b0: {  	s13 =	simm.s32 $0x300;
	[sflag:s18] =	ssyncadd.s32 $0xFFFFE000  }
0x1b1: {  	[tilespmem:s25], [sflag:$0x3] =	stream.indirect.gather [hbm4b:s2+s20], $0x80, s13, s20, $0xb8;
	[tilespmem:$0x1FC00] =	vst v63  }
0x1b2: {  	_ =	swait.ge [sflag:s0], $0x2000  }
0x1b3: {  	[sflag:s0] =	ssyncset.done $0x0  }
0x1b4: {  	s14 =	simm.s32 $0x2180;
	[sflag:s0] =	ssyncadd.s32 $0xFFFFE000  }
0x1b5: {  	[spmem:s3] =	stream.indirect.scatter.add.f32 [tilespmem:s28], [sflag:$0x5], $0x80, s14, s20, $0xb8;
	[tilespmem:$0x1FC00] =	vst v63  }
0x1b6: {  	_ =	swait.ge [sflag:s18], $0x2000  }
0x1b7: {  	[sflag:s18] =	ssyncset.done $0x0  }
0x1b8: {  	s13 =	simm.s32 $0x800;
	s14 =	simm.s32 $0x380;
	[sflag:s18] =	ssyncadd.s32 $0xFFFFE000  }
.LBB2_9:
0x1b9: {  	[tilespmem:s28], [sflag:$0x4] =	stream.indirect.gather [hbm4b:s2+s20], $0x80, s14, s20, $0xb8;
	[tilespmem:$0x1FC00] =	vst v63  }
0x1ba: {  	s5 =	smov.u32 s13  }
0x1bb: {  	p1 =	sne.s32 s13, $0x7000;
	s13 =	sadd.s32 $0x800, s13;
	_ =	swait.ge [sflag:s29], $0x2000  }
0x1bc: {  	s14 =	sshra.s32 s5, $0x2;
	[sflag:s29] =	ssyncset.done $0x0  }
0x1bd: {  	s5 =	sadd.s32 $0x2000, s14;
	[sflag:s29] =	ssyncadd.s32 $0xFFFFE000  }
0x1be: {  	[spmem:s3] =	stream.indirect.scatter.add.f32 [tilespmem:s21], [sflag:$0x5], $0x80, s5, s20, $0xb8;
	[tilespmem:$0x1FC00] =	vst v63  }
0x1bf: {  	_ =	swait.ge [sflag:s18], $0x2000  }
0x1c0: {  	[sflag:s18] =	ssyncset.done $0x0  }
0x1c1: {  	s5 =	sadd.s32 $0x200, s14;
	[sflag:s18] =	ssyncadd.s32 $0xFFFFE000  }
0x1c2: {  	[tilespmem:s21], [sflag:$0x1] =	stream.indirect.gather [hbm4b:s2+s20], $0x80, s5, s20, $0xb8;
	[tilespmem:$0x1FC00] =	vst v63  }
0x1c3: {  	_ =	swait.ge [sflag:s30], $0x2000  }
0x1c4: {  	[sflag:s30] =	ssyncset.done $0x0  }
0x1c5: {  	s5 =	sadd.s32 $0x2080, s14;
	[sflag:s30] =	ssyncadd.s32 $0xFFFFE000  }
0x1c6: {  	[spmem:s3] =	stream.indirect.scatter.add.f32 [tilespmem:s23], [sflag:$0x5], $0x80, s5, s20, $0xb8;
	[tilespmem:$0x1FC00] =	vst v63  }
0x1c7: {  	_ =	swait.ge [sflag:s18], $0x2000  }
0x1c8: {  	[sflag:s18] =	ssyncset.done $0x0  }
0x1c9: {  	s5 =	sadd.s32 $0x280, s14;
	[sflag:s18] =	ssyncadd.s32 $0xFFFFE000  }
0x1ca: {  	[tilespmem:s23], [sflag:$0x2] =	stream.indirect.gather [hbm4b:s2+s20], $0x80, s5, s20, $0xb8;
	[tilespmem:$0x1FC00] =	vst v63  }
0x1cb: {  	_ =	swait.ge [sflag:s31], $0x2000  }
0x1cc: {  	[sflag:s31] =	ssyncset.done $0x0  }
0x1cd: {  	s5 =	sadd.s32 $0x2100, s14;
	[sflag:s31] =	ssyncadd.s32 $0xFFFFE000  }
0x1ce: {  	[spmem:s3] =	stream.indirect.scatter.add.f32 [tilespmem:s25], [sflag:$0x5], $0x80, s5, s20, $0xb8;
	[tilespmem:$0x1FC00] =	vst v63  }
0x1cf: {  	_ =	swait.ge [sflag:s18], $0x2000  }
0x1d0: {  	[sflag:s18] =	ssyncset.done $0x0  }
0x1d1: {  	s5 =	sadd.s32 $0x300, s14;
	[sflag:s18] =	ssyncadd.s32 $0xFFFFE000  }
0x1d2: {  	[tilespmem:s25], [sflag:$0x3] =	stream.indirect.gather [hbm4b:s2+s20], $0x80, s5, s20, $0xb8;
	[tilespmem:$0x1FC00] =	vst v63  }
0x1d3: {  	_ =	swait.ge [sflag:s0], $0x2000  }
0x1d4: {  	[sflag:s0] =	ssyncset.done $0x0  }
.Ltmp6:
0x1d5: {  	s5 =	sadd.s32 $0x2180, s14;
	[sflag:s0] =	ssyncadd.s32 $0xFFFFE000;
	(pc) =	sbr.rel @p1 .LBB2_9-.Ltmp6, $4  }
0x1d6: {  	[spmem:s3] =	stream.indirect.scatter.add.f32 [tilespmem:s28], [sflag:$0x5], $0x80, s5, s20, $0xb8;
	[tilespmem:$0x1FC00] =	vst v63  }
0x1d7: {  	_ =	swait.ge [sflag:s18], $0x2000  }
0x1d8: {  	[sflag:s18] =	ssyncset.done $0x0  }
0x1d9: {  	s14 =	sadd.s32 $0x380, s14;
	[sflag:s18] =	ssyncadd.s32 $0xFFFFE000  }
.Ltmp7:
0x1da: {  	_ = 	snop;
	(pc) =	sbr.rel .LBB2_10-.Ltmp7, $1  }
0x1db: {  	_ =	sdelay $0x3  }
.LBB2_12:
0x1dc: {  	_ =	sfence.sel $0x180000  }
0x1dd: {  	[bflag:$0x0] =	sbarrier.arrive $0xFFFF  }
0x1de: {  	_ =	strace $0x9000004D  }
0x1df: {  	s0 =	stileid.u32;
	[bflag:$0x2] =	sbarrier.arrive $0xFFFF  }
0x1e0: {  	p0 =	sne.s32 s0, $0x0;
	s0 =	rddreg [dreg:$0x3]  }
0x1e1: {  	s0 =	sadd.s32 @!p0 $0x100000, s0  }
0x1e2: {  	[sflag:s0] =	ssyncadd.tile.s32 @!p0 $0x1;
	_ =	shalt  }
.Lfunc_end2:
_tile_overlayer_lowered:
.L_overlay_start_2:
0x1e3: {  	(tag) =	ssettag $0x2  }
0x1e4: {  	s0 =	rddreg [dreg:$0x0];
	s2 =	stileid.u32  }
0x1e5: {  	s1 =	rddreg [dreg:$0x1];
	p0 =	sne.s32 s2, $0x0  }
0x1e6: {  	s3 =	rddreg [dreg:$0x2];
	[bflag:$0x3] =	sbarrier.arrive $0xFFFF;
	s2 =	simm.s32 @!p0 $0x1C05  }
0x1e7: {  	[timem:s3], [sflag:s2] =	dma.local @!p0 [hbm:s0], s1  }
0x1e8: {  	s0 =	simm.s32 @!p0 $0x5  }
0x1e9: {  	_ =	swait.ge @!p0 [sflag:s0], s1  }
0x1ea: {  	s1 =	ssub.s32 @!p0 $0x0, s1;
	[sflag:s0] =	ssyncset.done @!p0 $0x0  }
0x1eb: {  	[sflag:s0] =	ssyncadd.s32 @!p0 s1  }
0x1ec: {  	[bflag:$0x3] =	sbarrier.arrive $0xFFFF  }
0x1ed: {  	_ =	shalt  }

// kernel: kernel.9.cloned.1.call-start
scs
__scs_entry_jumppad:
0x0: {  	(pc) =	sbr.rel $0x88, $3  }
0x1: {  	(tag) =	ssettag $0x0;
	lr =	simm.s32 $0x1  }
0x2: {  	[smem:$0x3F99] =	sst lr;
	_ =	strace $0xD0000000  }
0x3: {  	_ = 	snop  }
0x4: {  	_ = 	snop  }
0x5: {  	_ = 	snop  }
0x6: {  	_ = 	snop  }
0x7: {  	_ = 	snop  }
__scs_overlays_trampoline_lowered:
0x8: {  	[smem:$0x3FA8] =	sst s0  }
0x9: {  	[smem:$0x3FA9] =	sst s1  }
0xa: {  	[smem:$0x3FAA] =	sst s2  }
0xb: {  	[smem:$0x3FAB] =	sst s3  }
0xc: {  	[smem:$0x3FAC] =	sst s4  }
0xd: {  	[smem:$0x3FAD] =	sst s5  }
0xe: {  	[smem:$0x3FAE] =	sst s6  }
0xf: {  	[smem:$0x3FAF] =	sst s7  }
0x10: {  	[smem:$0x3FB0] =	sst s8  }
0x11: {  	[smem:$0x3FB1] =	sst s9;
	s0 =	simm.s32 @!p0 $0x0  }
0x12: {  	s1 =	sld [smem:$0x3F97];
	s0 =	simm.s32 @p0 $0x1  }
0x13: {  	[smem:$0x3FB2] =	sst s0;
	s0 =	simm.s32 @!p1 $0x0  }
0x14: {  	s2 =	sld [smem:$0x3F96];
	s0 =	simm.s32 @p1 $0x1  }
0x15: {  	[smem:$0x3FB3] =	sst s0;
	s0 =	simm.s32 @!p2 $0x0  }
0x16: {  	s3 =	sld [smem:$0x3FDB];
	s0 =	simm.s32 @p2 $0x1  }
0x17: {  	s4 =	simm.s32 $0x1BF5;
	[smem:$0x3FB5] =	sst s0  }
0x18: {  	s0 =	sld [smem:$0x3F98];
	_ =	swait.ge [sflag:s4], $0x0  }
0x19: {  	s7 =	sld [smem:$0x3F99]  }
0x1a: {  	s8 =	sadd.s32 $0xFFFFE003, lr  }
0x1b: {  	s9 =	sadd.s32 $0xFFFFFEF7, lr;
	s5 =	simm.s32 $0xFFFFFFFF;
	p2 =	slt.u32 s8, $0xFFFFF086  }
0x1c: {  	p1 =	slt.u32 s9, $0xF7A;
	s5 =	simm.s32 @!p2 $0x0  }
0x1d: {  	s5 =	simm.s32 @p1 $0x1;
	p0 =	seq.s32 s7, s2  }
0x1e: {  	s7 =	smul.u32 @!p0 $0xF7A, s2;
	p2 =	seq.s32 @!p0 s5, $0x0  }
0x1f: {  	s9 =	smul.u32 $0xF7A, s1;
	s8 =	simm.s32 @!p0 $0x1BF5;
	p2 =	por !p2, p0  }
0x20: {  	[sflag:s8] =	ssyncset.s32 @!p0 $0xFFFFF086;
	s6 =	sadd.s32 @!p0 s3, s7;
	s7 =	simm.s32 @!p0 $0x108  }
0x21: {  	s3 =	sadd.s32 s3, s9;
	s6 =	sadd.s32 @!p0 $0x88, s6;
	s7 =	simm.s32 @p2 $0x1082  }
0x22: {  	[simem:s7], [sflag:s8] =	dma.local @!p0 [hbm:s6], $0xF7A  }
0x23: {  	s9 =	sor.u32 $0xD0000000, s2;
	s6 =	simm.s32 $0x108;
	_ =	swait.ge @!p0 [sflag:s8], $0x0  }
0x24: {  	s3 =	sadd.s32 $0x88, s3;
	s6 =	simm.s32 @!p1 $0x1082;
	[sflag:s4] =	ssyncset.s32 $0xFFFFF086  }
0x25: {  	[simem:s6], [sflag:s4] =	dma.local [hbm:s3], $0xF7A  }
0x26: {  	[smem:$0x3F99] =	sst s1;
	(tag) =	ssettag s2;
	_ =	strace s9  }
0x27: {  	s1 =	sld [smem:$0x3FA9]  }
0x28: {  	s2 =	sld [smem:$0x3FAA]  }
0x29: {  	s4 =	sld [smem:$0x3FAC]  }
0x2a: {  	p0 =	seq.s32 s5, $0x0;
	s5 =	sld [smem:$0x3FAD]  }
0x2b: {  	s6 =	sld [smem:$0x3FAE]  }
0x2c: {  	s7 =	sld [smem:$0x3FAF]  }
0x2d: {  	s3 =	simm.s32 $0x108;
	s8 =	sld [smem:$0x3FB0]  }
0x2e: {  	s3 =	simm.s32 @!p0 $0x1082;
	s9 =	sld [smem:$0x3FB1]  }
0x2f: {  	lr =	sadd.s32 s0, s3;
	s0 =	sld [smem:$0x3FA8]  }
0x30: {  	s3 =	sld [smem:$0x3FAB]  }
0x31: {  	[smem:$0x3FB4] =	sst s10  }
0x32: {  	s10 =	sld [smem:$0x3FB2];
	_ =	sdelay $0x3  }
0x33: {  	p0 =	seq.s32 s10, $0x1;
	s10 =	sld [smem:$0x3FB4];
	_ =	sdelay $0x3  }
0x34: {  	[smem:$0x3FB4] =	sst s10  }
0x35: {  	s10 =	sld [smem:$0x3FB3];
	_ =	sdelay $0x3  }
0x36: {  	p1 =	seq.s32 s10, $0x1;
	s10 =	sld [smem:$0x3FB4];
	_ =	sdelay $0x3  }
0x37: {  	[smem:$0x3FB4] =	sst s10  }
0x38: {  	s10 =	sld [smem:$0x3FB5]  }
0x39: {  	_ = 	snop;
	(pc) =	sbr.ind lr, $3  }
0x3a: {  	_ = 	snop  }
0x3b: {  	_ = 	snop  }
0x3c: {  	p2 =	seq.s32 s10, $0x1;
	s10 =	sld [smem:$0x3FB4]  }
0x3d: {  	_ =	shalt  }
0x3e: {  	_ =	shalt  }
0x3f: {  	_ =	shalt  }
0x40: {  	_ =	shalt  }
0x41: {  	_ =	shalt  }
0x42: {  	_ =	shalt  }
0x43: {  	_ =	shalt  }
0x44: {  	_ =	shalt  }
0x45: {  	_ =	shalt  }
0x46: {  	_ =	shalt  }
0x47: {  	_ =	shalt  }
0x48: {  	_ =	shalt  }
0x49: {  	_ =	shalt  }
0x4a: {  	_ =	shalt  }
0x4b: {  	_ =	shalt  }
0x4c: {  	_ =	shalt  }
0x4d: {  	_ =	shalt  }
0x4e: {  	_ =	shalt  }
0x4f: {  	_ =	shalt  }
0x50: {  	_ =	shalt  }
0x51: {  	_ =	shalt  }
0x52: {  	_ =	shalt  }
0x53: {  	_ =	shalt  }
0x54: {  	_ =	shalt  }
0x55: {  	_ =	shalt  }
0x56: {  	_ =	shalt  }
0x57: {  	_ =	shalt  }
0x58: {  	_ =	shalt  }
0x59: {  	_ =	shalt  }
0x5a: {  	_ =	shalt  }
0x5b: {  	_ =	shalt  }
0x5c: {  	_ =	shalt  }
0x5d: {  	_ =	shalt  }
0x5e: {  	_ =	shalt  }
0x5f: {  	_ =	shalt  }
0x60: {  	_ =	shalt  }
0x61: {  	_ =	shalt  }
0x62: {  	_ =	shalt  }
0x63: {  	_ =	shalt  }
0x64: {  	_ =	shalt  }
0x65: {  	_ =	shalt  }
0x66: {  	_ =	shalt  }
0x67: {  	_ =	shalt  }
0x68: {  	_ =	shalt  }
0x69: {  	_ =	shalt  }
0x6a: {  	_ =	shalt  }
0x6b: {  	_ =	shalt  }
0x6c: {  	_ =	shalt  }
0x6d: {  	_ =	shalt  }
0x6e: {  	_ =	shalt  }
0x6f: {  	_ =	shalt  }
0x70: {  	_ =	shalt  }
0x71: {  	_ =	shalt  }
0x72: {  	_ =	shalt  }
0x73: {  	_ =	shalt  }
0x74: {  	_ =	shalt  }
0x75: {  	_ =	shalt  }
0x76: {  	_ =	shalt  }
0x77: {  	_ =	shalt  }
0x78: {  	_ =	shalt  }
0x79: {  	_ =	shalt  }
0x7a: {  	_ =	shalt  }
0x7b: {  	_ =	shalt  }
0x7c: {  	_ =	shalt  }
0x7d: {  	_ =	shalt  }
0x7e: {  	_ =	shalt  }
0x7f: {  	_ =	shalt  }
0x80: {  	_ =	shalt  }
0x81: {  	_ =	shalt  }
0x82: {  	_ =	shalt  }
0x83: {  	_ =	shalt  }
0x84: {  	_ =	shalt  }
0x85: {  	_ =	shalt  }
0x86: {  	_ =	shalt  }
0x87: {  	_ =	shalt  }
.Lfunc_end0:
.L_simem_size_0:
called_computation_lowered:
.L_overlay_start_0:
0x88: {  	s2 =	sld [smem:$0x3FD9]  }
0x89: {  	s3 =	sld [smem:$0x3FFE];
	_ =	sdelay $0x1  }
0x8a: {  	s1 =	srdreg.scid  }
0x8b: {  	s0 =	sand.u32 $0x1, s1  }
0x8c: {  	s17 =	sshll.u32 s0, $0xA;
	s2 =	sadd.s32 s3, s2  }
0x8d: {  	s2 =	sadd.s32 s2, s17  }
0x8e: {  	[smem:$0x3FC0] =	sst s2  }
0x8f: {  	_ = 	snop  }
0x90: {  	s2 =	sld [smem:$0x3FD0];
	(tm) =	ssettm $0x1  }
0x91: {  	s18 =	sld [smem:$0x3FFB];
	_ =	sdelay $0x3  }
0x92: {  	_ =	strace s18  }
0x93: {  	s3 =	sld [smem:$0x3FFC];
	_ =	sdelay $0x3  }
0x94: {  	_ =	strace s3  }
0x95: {  	s3 =	sld [smem:$0x3FFD];
	_ =	sdelay $0x3  }
0x96: {  	_ =	strace s3  }
0x97: {  	_ =	strace $0x8FFFFFFF  }
0x98: {  	s19 =	sld [smem:$0x3FDB];
	_ =	sdelay $0x1  }
0x99: {  	s4 =	simm.s32 $_scs_section_size  }
0x9a: {  	s5 =	simm.s32 $_size__tile_overlayer_lowered;
	s6 =	simm.s32 $_tile_overlayer_lowered  }
0x9b: {  	s22 =	simm.s32 $0x1BFF;
	s21 =	sshll.u32 s6, $0x1;
	s3 =	sadd.s32 s4, s19  }
0x9c: {  	s7 =	simm.s32 $0x0;
	s20 =	sshll.u32 s5, $0x1;
	s5 =	sadd.s32 s21, s3  }
0x9d: {  	[timem:s7], [sflag:s22] =	dma.local [hbm:s5], s20  }
0x9e: {  	_ =	swait.ge [sflag:s22], s20  }
0x9f: {  	s4 =	ssub.s32 $0x0, s20;
	[sflag:s22] =	ssyncset.done $0x0  }
0xa0: {  	[sflag:s22] =	ssyncadd.s32 s4;
	_ =	sdelay $0x1  }
0xa1: {  	s23 =	simm.s32 $0x1B8B  }
0xa2: {  	_ =	swait.ge [sflag:s23], $0x1  }
0xa3: {  	[sflag:s23] =	ssyncset.done $0x0  }
0xa4: {  	s25 =	simm.s32 $0x1B8E;
	s24 =	sld [smem:$0x3FFE];
	[sflag:s23] =	ssyncadd.s32 $0xFFFFFFFF  }
0xa5: {  	s26 =	simm.s32 $execute0_lowered;
	[smem:$0x3FD2] =	sst s25  }
0xa6: {  	s5 =	sshll.u32 s26, $0x1;
	_ =	strace $0x80000046;
	[dreg:$0x1] =	wrdreg $0xFFFFFFFF  }
0xa7: {  	s28 =	simm.s32 $_size_execute0_lowered;
	s3 =	sadd.s32 s3, s5;
	[dreg:$0x0] =	wrdreg $0x0  }
0xa8: {  	s5 =	sshll.u32 s28, $0x1;
	[dreg:$0x2] =	wrdreg s3  }
0xa9: {  	[dreg:$0x3] =	wrdreg s5  }
0xaa: {  	[dreg:$0x4] =	wrdreg $0xC0  }
0xab: {  	_ =	task [dreg:s7], $0x5FFFF  }
0xac: {  	[dreg:$0x1] =	wrdreg $0xFFFFFFFF  }
0xad: {  	[dreg:$0x0] =	wrdreg $0x60  }
0xae: {  	[dreg:$0x2] =	wrdreg s2  }
0xaf: {  	[dreg:$0x3] =	wrdreg s24  }
0xb0: {  	[dreg:$0x4] =	wrdreg $0x68000  }
0xb1: {  	[dreg:$0x5] =	wrdreg $0x9  }
0xb2: {  	_ =	task.clear_ibuf [dreg:s7], $0x6FFFF;
	_ =	strace $0x90000046  }
0xb3: {  	s29 =	simm.s32 $0x9;
	_ =	strace $0x80000048  }
0xb4: {  	_ =	swait.ge [sflag:s29], $0x1  }
0xb5: {  	[sflag:s29] =	ssyncadd.s32 $0xFFFFFFFF  }
0xb6: {  	_ =	strace $0x90000048  }
0xb7: {  	_ =	sfence  }
0xb8: {  	s30 =	sld [smem:$0x0];
	_ =	sdelay $0x2  }
0xb9: {  	s31 =	sshll.u32 s1, $0xD;
	s1 =	sshrl.u32 s1, $0x2  }
0xba: {  	s3 =	sand.u32 $0x4000, s31;
	s1 =	sadd.s32 s1, s30  }
0xbb: {  	s0 =	sor.u32 s3, s0;
	s1 =	sshll.u32 s1, $0x11  }
0xbc: {  	s0 =	sor.u32 s1, s0  }
0xbd: {  	s0 =	sadd.s32 $0x8F2B, s0  }
0xbe: {  	[sflag:s0] =	ssyncadd.remote.s32 $0x1  }
0xbf: {  	_ =	sfence.sel $0xFFFF  }
0xc0: {  	[dreg:$0x0] =	wrdreg $0xFFFFFFFF;
	(pc) =	sbr.abs _section_cstart, $3  }
0xc1: {  	[dreg:$0x1] =	wrdreg $0xFFFFFFFF  }
0xc2: {  	_ =	task.clear_ibuf [dreg:s7], $0x2FFFF;
	_ =	strace $0x9FFFFFFF  }
0xc3: {  	(tm) =	ssettm $0x7FFFFFFF  }
tec
execute0_lowered:
.L_overlay_start_1:
0x0: {  	(tag) =	ssettag $0x1  }
0x1: {  	s5 =	rddreg [dreg:$0x0]  }
0x2: {  	s6 =	rddreg [dreg:$0x1]  }
0x3: {  	s2 =	rddreg [dreg:$0x2]  }
0x4: {  	s0 =	stileid.u32;
	s4 =	srdreg.scid  }
0x5: {  	s1 =	rddreg [dreg:$0x3];
	s3 =	simm.s32 $0x0;
	s13 =	simm.s32 $0x80  }
0x6: {  	s14 =	simm.s32 $0x0;
	s7 =	smul.u32 $0x13C00, s0;
	s8 =	sand.u32 $0x1, s4  }
0x7: {  	[smem:$0x7FF] =	sst s3;
	s4 =	sadd.s32 $0x2800, s6;
	s11 =	smul.u32 $0x4F000, s0  }
0x8: {  	s31 =	sshll.u32 s0, $0x6;
	s9 =	smul.u32 $0x13C000, s8;
	_ =	strace $0x80000047  }
0x9: {  	s28 =	sshll.u32 s8, $0x4;
	s8 =	ssub.s32 $0x2, s8;
	s26 =	sshrl.u32 s7, $0x3  }
0xa: {  	s12 =	sshrl.u32 s8, $0x1;
	s29 =	sshrl.u32 s11, $0x2;
	s11 =	sor.u32 $0x1C01, s31  }
0xb: {  	s10 =	sadd.s32 s26, s6;
	s7 =	sadd.s32 s7, s9;
	s9 =	sor.u32 s0, s28  }
0xc: {  	s8 =	ssub.s32 s8, s12;
	s30 =	sadd.s32 s29, s2;
	s7 =	sshrl.u32 s7, $0x3  }
0xd: {  	s9 =	smul.u32 $0x500, s9;
	s8 =	smax.u32 s8, $0x1;
	s12 =	sshrl.u32 s30, $0x3  }
0xe: {  	s7 =	sadd.s32 s7, s6;
	s6 =	sadd.s32 $0x3000, s10;
	s10 =	simm.s32 $0x2800  }
0xf: {  	s5 =	sadd.s32 s5, s9;
	s7 =	sadd.s32 $0x2A800, s7;
	s9 =	simm.s32 $0x1  }
.LBB2_1:
0x10: {  	[tilespmem:s3], [sflag:$0x1] =	stream.linear.gather [hbm4b:s5+s3], $0x2800, $0x38;
	[tilespmem:$0x1A400] =	vst v63  }
0x11: {  	_ =	swait.ge [sflag:s9], $0x2800  }
0x12: {  	[sflag:s9] =	ssyncset.done $0x0  }
0x13: {  	[sflag:s9] =	ssyncadd.s32 $0xFFFFD800  }
0x14: {  	[tilespmem:s10], [sflag:$0x1] =	stream.linear.gather [hbm4b:s4+s3], $0x4000, $0x38;
	[tilespmem:$0x1A400] =	vst v63  }
0x15: {  	_ =	swait.ge [sflag:s9], $0x4000  }
0x16: {  	[sflag:s9] =	ssyncset.done $0x0  }
0x17: {  	[sflag:s9] =	ssyncadd.s32 $0xFFFFC000  }
0x18: {  	[spmem:s12], [sflag:s11] =	dma.local [hbm:s6], $0x2780  }
0x19: {  	_ =	swait.ge [sflag:s9], $0x2780  }
0x1a: {  	[sflag:s9] =	ssyncset.done $0x0  }
0x1b: {  	[sflag:s9] =	ssyncadd.s32 $0xFFFFD880  }
0x1c: {  	s15 =	simm.s32 $0x0;
	[bflag:$0x0] =	sbarrier.arrive $0xFFFF  }
0x1d: {  	[spmem:s2] =	stream.indirect.scatter.add.f32 [tilespmem:s10], [sflag:$0x1], $0x80, s15, s13, $0xb8;
	[tilespmem:$0x1A400] =	vst v63  }
0x1e: {  	_ =	swait.ge [sflag:s9], $0x4000  }
0x1f: {  	s15 =	simm.s32 $0x200;
	[sflag:s9] =	ssyncset.done $0x0  }
.LBB2_2:
0x20: {  	s16 =	sshra.s32 s15, $0x2;
	[sflag:s9] =	ssyncadd.s32 $0xFFFFC000;
	p0 =	sne.s32 s15, $0x9E00  }
0x21: {  	[spmem:s2] =	stream.indirect.scatter.add.f32 [tilespmem:s10], [sflag:$0x1], $0x80, s16, s13, $0xb8;
	[tilespmem:$0x1A400] =	vst v63  }
.Ltmp0:
0x22: {  	_ = 	snop;
	(pc) =	sbr.rel @p0 .LBB2_2-.Ltmp0, $4  }
0x23: {  	_ = 	snop  }
0x24: {  	s15 =	sadd.s32 $0x200, s15  }
0x25: {  	_ =	swait.ge [sflag:s9], $0x4000  }
0x26: {  	[sflag:s9] =	ssyncset.done $0x0  }
0x27: {  	s14 =	sadd.s32 $0x1, s14  }
0x28: {  	[sflag:s9] =	ssyncadd.s32 $0xFFFFC000;
	p0 =	sne.s32 s14, s8  }
.Ltmp1:
0x29: {  	[bflag:$0x0] =	sbarrier.arrive $0xFFFF;
	(pc) =	sbr.rel @p0 .LBB2_1-.Ltmp1, $4  }
0x2a: {  	[hbm:s7], [sflag:s11] =	dma.local [spmem:s12], $0x2780  }
0x2b: {  	_ =	swait.ge [sflag:s9], $0x2780  }
0x2c: {  	[sflag:s9] =	ssyncset.done $0x0  }
0x2d: {  	[sflag:s9] =	ssyncadd.s32 $0xFFFFD880  }
0x2e: {  	_ =	sfence.sel $0x180000  }
0x2f: {  	[bflag:$0x0] =	sbarrier.arrive $0xFFFF  }
0x30: {  	p0 =	sne.s32 s0, $0x0;
	_ =	strace $0x90000047  }
0x31: {  	s0 =	sadd.s32 @!p0 $0x100000, s1;
	[bflag:$0x2] =	sbarrier.arrive $0xFFFF  }
0x32: {  	[sflag:s0] =	ssyncadd.tile.s32 @!p0 $0x1;
	_ =	shalt  }
.Lfunc_end2:
_tile_overlayer_lowered:
.L_overlay_start_2:
0x33: {  	(tag) =	ssettag $0x2  }
0x34: {  	s0 =	rddreg [dreg:$0x0];
	s2 =	stileid.u32  }
0x35: {  	s1 =	rddreg [dreg:$0x1];
	p0 =	sne.s32 s2, $0x0  }
0x36: {  	s3 =	rddreg [dreg:$0x2];
	[bflag:$0x3] =	sbarrier.arrive $0xFFFF;
	s2 =	simm.s32 @!p0 $0x1C01  }
0x37: {  	[timem:s3], [sflag:s2] =	dma.local @!p0 [hbm:s0], s1  }
0x38: {  	s0 =	simm.s32 @!p0 $0x1  }
0x39: {  	_ =	swait.ge @!p0 [sflag:s0], s1  }
0x3a: {  	s1 =	ssub.s32 @!p0 $0x0, s1;
	[sflag:s0] =	ssyncset.done @!p0 $0x0  }
0x3b: {  	[sflag:s0] =	ssyncadd.s32 @!p0 s1  }
0x3c: {  	[bflag:$0x3] =	sbarrier.arrive $0xFFFF  }
0x3d: {  	_ =	shalt  }

</sc_bundles>
